<compile_context>
chip_gen: v7x
topology: tpu7x:2x2x1
jax: 0.10.2.dev20260603
libtpu: 0.0.44.dev20260713+nightly
codegen_flags: <defaults>
</compile_context>

<pallas_src>
import functools

import jax
import jax.numpy as jnp
from jax import lax
from jax.experimental import pallas as pl
from jax.experimental.pallas import tpu as pltpu
from jax.experimental.pallas import tpu_sc as plsc

K = 512
D = 64
BETA = 0.25
DECAY = 0.99
EPS = 1e-05

N = 2
HW = 224
PLANE = HW * HW
PAD = 256
PLANEP = PLANE + 2 * PAD
LT = 3584
NT = PLANE // LT
ROWS = N * 64 * PLANE // D
RT = 3584
NRT = ROWS // RT
NPLANES = N * 64
PROWS = PLANE // D
PROWSP = PROWS + 8

_EMB_N = float(N * 64 * HW * HW)
_REC_N = float(N * 3 * HW * HW)

_NC = 2
_NS = 16
_NW = _NC * _NS
_WPL = NPLANES // _NW


def _shift_slices(ref, j, lt):
    lanes = lax.broadcasted_iota(jnp.int32, (1, lt), 1)
    w = lanes % HW
    mask_l = (w != 0).astype(jnp.float32)
    mask_r = (w != HW - 1).astype(jnp.float32)
    start = pl.multiple_of(j * lt, 128)
    wide = ref[0, :, pl.ds(start, lt + 2 * PAD)]
    parts = []
    for dy in (-1, 0, 1):
        for dx in (-1, 0, 1):
            s = dy * HW + dx
            sl = lax.slice_in_dim(wide, PAD + s, PAD + s + lt, axis=1)
            if dx == -1:
                sl = sl * mask_l
            elif dx == 1:
                sl = sl * mask_r
            parts.append(sl)
    return parts


def _enc_body(imgp_ref, w_ref, b_ref, x_ref):
    j = pl.program_id(1)
    p = jnp.concatenate(_shift_slices(imgp_ref, j, LT), axis=0)
    y = lax.dot_general(w_ref[...], p, (((1,), (0,)), ((), ())),
                        preferred_element_type=jnp.float32)
    x_ref[0] = y + b_ref[...]


def _vq_body(f_ref, cb_ref, ecs_ref, eis_ref, near_ref, cbn_ref,
             ohs_acc, is_acc):
    i = pl.program_id(0)

    @pl.when(i == 0)
    def _():
        ohs_acc[...] = jnp.zeros_like(ohs_acc)
        is_acc[...] = jnp.zeros_like(is_acc)

    f = f_ref[...]
    cb = cb_ref[...]
    dot2 = lax.dot_general(f * -2.0, cb, (((1,), (0,)), ((), ())),
                           preferred_element_type=jnp.float32)
    dist = jnp.sum(cb * cb, axis=0, keepdims=True) + dot2
    m = jnp.min(dist, axis=1, keepdims=True)
    iota_k = lax.broadcasted_iota(jnp.int32, (RT, K), 1)
    near = jnp.min(jnp.where(dist == m, iota_k, K), axis=1, keepdims=True)
    near_ref[0] = near
    oh = (iota_k == near).astype(jnp.float32)
    ohs_acc[...] += jnp.sum(oh, axis=0, keepdims=True)
    is_acc[...] += lax.dot_general(f, oh, (((0,), (0,)), ((), ())),
                                   preferred_element_type=jnp.float32)

    @pl.when(i == NRT - 1)
    def _():
        ecs_new = ecs_ref[...] * DECAY + (1.0 - DECAY) * ohs_acc[...]
        eis_new = eis_ref[...] * DECAY + (1.0 - DECAY) * is_acc[...]
        n = jnp.sum(ecs_new)
        cs = (ecs_new + EPS) / (n + K * EPS) * n
        cbn_ref[...] = eis_new / cs


_WTOK = _WPL * PROWSP
_WCHT = 1056
_NGRP = _WCHT // 16
_NCHK = _WTOK // _WCHT


def _sc_gather_body(cbt_hbm, idx_hbm, out_hbm, table_v, idx_v, rows_v):
    wid = lax.axis_index("s") * _NC + lax.axis_index("c")
    pltpu.sync_copy(cbt_hbm, table_v)
    pltpu.sync_copy(idx_hbm.at[wid], idx_v)
    iota16 = lax.iota(jnp.int32, 16)
    base = wid * _WTOK * D
    for ch in range(_NCHK):
        @plsc.parallel_loop(0, _NGRP, unroll=4)
        def group(g, _ch=ch):
            near16 = idx_v[pl.ds(_ch * _WCHT + g * 16, 16)]
            src = near16 * D
            dst = g * (16 * D) + iota16 * D
            for d in range(D):
                vals = plsc.load_gather(table_v, [src + d])
                plsc.store_scatter(rows_v, [dst + d], vals)
        pltpu.sync_copy(rows_v,
                        out_hbm.at[pl.ds(base + ch * _WCHT * D, _WCHT * D)])


def _sc_gather(cbt, idx):
    run = functools.partial(
        pl.kernel,
        mesh=plsc.VectorSubcoreMesh(core_axis_name="c", subcore_axis_name="s"),
        compiler_params=pltpu.CompilerParams(needs_layout_passes=False),
        out_type=jax.ShapeDtypeStruct((NPLANES * PROWSP * D,), jnp.float32),
        scratch_types=[
            pltpu.VMEM(((K + 8) * D,), jnp.float32),
            pltpu.VMEM((_WTOK,), jnp.int32),
            pltpu.VMEM((_WCHT * D,), jnp.float32),
        ],
    )(_sc_gather_body)
    return run(cbt.reshape(-1), idx)


def _dec_body(qp_ref, x_ref, img_ref, wd_ref, db_ref, pred_ref, loss_ref,
              acc_ref):
    n = pl.program_id(0)
    j = pl.program_id(1)
    step = n * NT + j

    @pl.when(step == 0)
    def _():
        acc_ref[0] = 0.0
        acc_ref[1] = 0.0

    start = pl.multiple_of(j * LT, 128)
    wide = qp_ref[0, :, pl.ds(start, LT + 2 * PAD)]
    qc = lax.slice_in_dim(wide, PAD, PAD + LT, axis=1)
    acc_ref[0] += jnp.sum((qc - x_ref[0]) ** 2)

    g = lax.dot_general(wd_ref[...], wide, (((1,), (0,)), ((), ())),
                        preferred_element_type=jnp.float32)
    lanes = lax.broadcasted_iota(jnp.int32, (1, LT), 1)
    w = lanes % HW
    mask_l = (w != 0).astype(jnp.float32)
    mask_r = (w != HW - 1).astype(jnp.float32)
    y = db_ref[...] * jnp.ones((8, LT), jnp.float32)
    t = 0
    for dy in (-1, 0, 1):
        for dx in (-1, 0, 1):
            s = dy * HW + dx
            part = lax.slice(g, (8 * t, PAD + s), (8 * t + 8, PAD + s + LT))
            if dx == -1:
                part = part * mask_l
            elif dx == 1:
                part = part * mask_r
            y = y + part
            t += 1
    pred_ref[0] = y
    acc_ref[1] += jnp.sum((y - img_ref[0]) ** 2)

    @pl.when(step == N * NT - 1)
    def _():
        loss = acc_ref[1] / _REC_N + BETA * acc_ref[0] / _EMB_N
        loss_ref[...] = jnp.full((1, 128), loss, dtype=jnp.float32)


def kernel(images, enc_w, enc_b, dec_w, dec_b, codebook,
           ema_cluster_size, ema_input_sum):
    f32 = jnp.float32
    imgs_flat = images.reshape(N, 3, PLANE)
    imgp = jnp.pad(imgs_flat, ((0, 0), (0, 0), (PAD, PAD)))

    w_enc = enc_w.transpose(0, 2, 3, 1).reshape(64, 27)
    w_dec = jnp.zeros((9, 8, 64), f32).at[:, :3].set(
        dec_w.transpose(2, 3, 0, 1).reshape(9, 3, 64)).reshape(72, 64)
    db8 = jnp.zeros((8, 1), f32).at[:3, 0].set(dec_b)

    x = pl.pallas_call(
        _enc_body,
        grid=(N, NT),
        in_specs=[
            pl.BlockSpec((1, 3, PLANEP), lambda n, j: (n, 0, 0)),
            pl.BlockSpec((64, 27), lambda n, j: (0, 0)),
            pl.BlockSpec((64, 1), lambda n, j: (0, 0)),
        ],
        out_specs=pl.BlockSpec((1, 64, LT), lambda n, j: (n, 0, j)),
        out_shape=jax.ShapeDtypeStruct((N, 64, PLANE), f32),
        compiler_params=pltpu.CompilerParams(
            dimension_semantics=("arbitrary", "arbitrary")),
    )(imgp, w_enc, enc_b.reshape(64, 1))

    flat = x.reshape(ROWS, D)
    near, cbn = pl.pallas_call(
        _vq_body,
        grid=(NRT,),
        in_specs=[
            pl.BlockSpec((RT, D), lambda i: (i, 0)),
            pl.BlockSpec((D, K), lambda i: (0, 0)),
            pl.BlockSpec((1, K), lambda i: (0, 0)),
            pl.BlockSpec((D, K), lambda i: (0, 0)),
        ],
        out_specs=[
            pl.BlockSpec((1, RT, 1), lambda i: (i, 0, 0)),
            pl.BlockSpec((D, K), lambda i: (0, 0)),
        ],
        out_shape=[
            jax.ShapeDtypeStruct((NRT, RT, 1), jnp.int32),
            jax.ShapeDtypeStruct((D, K), f32),
        ],
        scratch_shapes=[
            pltpu.VMEM((1, K), f32),
            pltpu.VMEM((D, K), f32),
        ],
        compiler_params=pltpu.CompilerParams(
            dimension_semantics=("arbitrary",)),
    )(flat, codebook, ema_cluster_size.reshape(1, K), ema_input_sum)

    near_pl = jnp.pad(near.reshape(NPLANES, PROWS), ((0, 0), (4, 4)),
                      constant_values=K)
    idx = near_pl.reshape(_NW, _WTOK)

    cbt = jnp.zeros((K + 8, D), f32).at[:K].set(cbn.T)
    qp = _sc_gather(cbt, idx).reshape(N, 64, PLANEP)

    img8 = jnp.zeros((N, 8, PLANE), f32).at[:, :3].set(imgs_flat)
    pred8, loss_v = pl.pallas_call(
        _dec_body,
        grid=(N, NT),
        in_specs=[
            pl.BlockSpec((1, 64, PLANEP), lambda n, j: (n, 0, 0)),
            pl.BlockSpec((1, 64, LT), lambda n, j: (n, 0, j)),
            pl.BlockSpec((1, 8, LT), lambda n, j: (n, 0, j)),
            pl.BlockSpec((72, 64), lambda n, j: (0, 0)),
            pl.BlockSpec((8, 1), lambda n, j: (0, 0)),
        ],
        out_specs=[
            pl.BlockSpec((1, 8, LT), lambda n, j: (n, 0, j)),
            pl.BlockSpec((1, 128), lambda n, j: (0, 0)),
        ],
        out_shape=[
            jax.ShapeDtypeStruct((N, 8, PLANE), f32),
            jax.ShapeDtypeStruct((1, 128), f32),
        ],
        scratch_shapes=[pltpu.SMEM((2,), f32)],
        compiler_params=pltpu.CompilerParams(
            dimension_semantics=("arbitrary", "arbitrary")),
    )(qp, x, img8, w_dec, db8)

    pred_images = pred8[:, :3].reshape(N, 3, HW, HW)
    loss = loss_v[0, 0]
    return pred_images, loss

# --- scband reference (transcript-rebuilt; emitter-appended) ---
"""Pipeline reference for scband-vqvae-78237124264402 (READ-ONLY COPY).

The authoritative reference and input builder live on the scoring server;
editing this copy changes nothing except your own understanding.
"""

import jax, jax.numpy as jnp
import numpy as np

K = 512
D = 64
BETA = 0.25
DECAY = 0.99
EPS = 1e-05


def conv2d(x, w, b):
    y = jax.lax.conv_general_dilated(x, w, window_strides=(1, 1), padding='SAME',
                                     dimension_numbers=('NCHW', 'OIHW', 'NCHW'))
    return y + b[None, :, None, None]


def setup_inputs(seed: int = 0) -> dict:
    key = jax.random.key(seed)
    ks = jax.random.split(key, 6)
    images = jax.random.normal(ks[0], (2, 3, 224, 224), dtype=jnp.float32)
    # encoder input_conv 3->64 (ResLayerBuilder body approximated as identity; see notes)
    enc_w = jax.random.normal(ks[1], (64, 3, 3, 3), dtype=jnp.float32) * 0.1
    enc_b = jnp.zeros((64,), dtype=jnp.float32)
    # decoder output_conv 64->3
    dec_w = jax.random.normal(ks[2], (3, 64, 3, 3), dtype=jnp.float32) * 0.05
    dec_b = jnp.zeros((3,), dtype=jnp.float32)
    # quantizer buffers
    codebook = jax.random.normal(ks[3], (D, K), dtype=jnp.float32)
    ema_cluster_size = jnp.zeros((K,), dtype=jnp.float32)
    ema_input_sum = codebook.copy()
    return {
        'images': images,
        'enc_w': enc_w, 'enc_b': enc_b,
        'dec_w': dec_w, 'dec_b': dec_b,
        'codebook': codebook,
        'ema_cluster_size': ema_cluster_size,
        'ema_input_sum': ema_input_sum,
    }


def quantize(x, codebook, ema_cs, ema_is):
    # inputs.view(-1, embeddings_dim) on a contiguous NCHW tensor
    flatten = x.reshape(-1, D)
    l2_input = jnp.sum(flatten ** 2, axis=1, keepdims=True)
    input_dot_codebook = flatten @ codebook
    l2_codebook = jnp.sum(codebook ** 2, axis=0, keepdims=True)
    distances = l2_input - 2.0 * input_dot_codebook + l2_codebook
    nearest = jnp.argmin(distances, axis=1)
    one_hot = jax.nn.one_hot(nearest, K, dtype=x.dtype)
    # training branch: EMA updates (module calls self.train() in forward)
    oh_sum = jnp.sum(one_hot, axis=0)
    input_sum = flatten.T @ one_hot
    ema_cs_new = ema_cs * DECAY + (1.0 - DECAY) * oh_sum
    ema_is_new = ema_is * DECAY + (1.0 - DECAY) * input_sum
    n = jnp.sum(ema_cs_new)
    norm = (ema_cs_new + EPS) / (n + K * EPS)
    cluster_size = norm * n
    codebook_new = jax.lax.stop_gradient(ema_is_new / cluster_size[None, :])
    quantized = (one_hot @ codebook_new.T).reshape(x.shape)
    embedding_loss = jnp.mean((jax.lax.stop_gradient(quantized) - x) ** 2)
    quantized = x + jax.lax.stop_gradient(quantized - x)
    return quantized, embedding_loss


def reference(images, enc_w, enc_b, dec_w, dec_b, codebook, ema_cluster_size, ema_input_sum):
    # encoder
    x = conv2d(images, enc_w, enc_b)
    # quantizer (EMA training update applied before quantization, as in torch)
    q, embedding_loss = quantize(x, codebook, ema_cluster_size, ema_input_sum)
    # decoder
    pred_images = conv2d(q, dec_w, dec_b)
    reconstruction_loss = jnp.mean((pred_images - images) ** 2)
    loss = reconstruction_loss + BETA * embedding_loss
    return pred_images, loss

if __name__ == "__main__":
    import jax
    _d = setup_inputs()
    print(jax.jit(kernel)(*tuple(_d.values())))

</pallas_src>

<mosaic_0001>
#map = affine_map<(d0, d1) -> (0)>
#map1 = affine_map<(d0, d1) -> (0, 0)>
module attributes {stable_mosaic.version = 14 : i64} {
  func.func @_sc_gather_body(%arg0: i32, %arg1: i32, %arg2: memref<33280xf32, #tpu.memory_space<hbm>>, %arg3: memref<32x3168xi32, #tpu.memory_space<hbm>>, %arg4: memref<6488064xf32, #tpu.memory_space<hbm>>, %arg5: memref<33280xf32, #tpu.memory_space<vmem>>, %arg6: memref<3168xi32, #tpu.memory_space<vmem>>, %arg7: memref<67584xf32, #tpu.memory_space<vmem>>) attributes {dimension_semantics = [#tpu.dimension_semantics<core_parallel>, #tpu.dimension_semantics<subcore_parallel>], iteration_bounds = array<i64: 2, 16>, scalar_prefetch = 0 : i64, scratch_operands = 3 : i64, tpu.core_type = #tpu.core_type<sc_vector_subcore>, window_params = [{transform_indices = #map}, {transform_indices = #map1}, {transform_indices = #map}]} {
    %mul3A = arith.constant 2 : i32
    %mul3A_0 = arith.muli %arg1, %mul3A : i32
    %add3A = arith.addi %mul3A_0, %arg0 : i32
    "tpu.region"() ({
      %run_scoped3A = tpu.sem_alloc : memref<!tpu.dma_semaphore, #tpu.memory_space<semaphore_mem>>
      tpu.enqueue_dma source(%arg2 : memref<33280xf32, #tpu.memory_space<hbm>>) target(%arg5 : memref<33280xf32, #tpu.memory_space<vmem>>) target_semaphore(%run_scoped3A : memref<!tpu.dma_semaphore, #tpu.memory_space<semaphore_mem>>)
      tpu.wait_dma2 semaphore(%run_scoped3A : memref<!tpu.dma_semaphore, #tpu.memory_space<semaphore_mem>>) src(%arg2 : memref<33280xf32, #tpu.memory_space<hbm>>) dst(%arg5 : memref<33280xf32, #tpu.memory_space<vmem>>)
      tpu.yield
    }) : () -> ()
    "tpu.region"() ({
      %run_scoped3A = tpu.sem_alloc : memref<!tpu.dma_semaphore, #tpu.memory_space<semaphore_mem>>
      %dma_start3A = arith.constant 0 : i32
      %dma_start3A_19 = tpu.memref_slice %arg3[%add3A, %dma_start3A] : memref<32x3168xi32, #tpu.memory_space<hbm>> -> memref<1x3168xi32, #tpu.memory_space<hbm>>
      %dma_start3A_20 = tpu.memref_squeeze %dma_start3A_19 : memref<1x3168xi32, #tpu.memory_space<hbm>> -> memref<3168xi32, #tpu.memory_space<hbm>>
      %dma_start3A_21 = arith.constant 0 : i32
      %dma_start3A_22 = tpu.memref_slice %arg3[%add3A, %dma_start3A_21] : memref<32x3168xi32, #tpu.memory_space<hbm>> -> memref<1x3168xi32, #tpu.memory_space<hbm>>
      %dma_start3A_23 = tpu.memref_squeeze %dma_start3A_22 : memref<1x3168xi32, #tpu.memory_space<hbm>> -> memref<3168xi32, #tpu.memory_space<hbm>>
      tpu.enqueue_dma source(%dma_start3A_23 : memref<3168xi32, #tpu.memory_space<hbm>>) target(%arg6 : memref<3168xi32, #tpu.memory_space<vmem>>) target_semaphore(%run_scoped3A : memref<!tpu.dma_semaphore, #tpu.memory_space<semaphore_mem>>)
      %dma_wait3A = arith.constant 0 : i32
      %dma_wait3A_24 = tpu.memref_slice %arg3[%add3A, %dma_wait3A] : memref<32x3168xi32, #tpu.memory_space<hbm>> -> memref<1x3168xi32, #tpu.memory_space<hbm>>
      %dma_wait3A_25 = tpu.memref_squeeze %dma_wait3A_24 : memref<1x3168xi32, #tpu.memory_space<hbm>> -> memref<3168xi32, #tpu.memory_space<hbm>>
      %dma_wait3A_26 = arith.constant 0 : i32
      %dma_wait3A_27 = tpu.memref_slice %arg3[%add3A, %dma_wait3A_26] : memref<32x3168xi32, #tpu.memory_space<hbm>> -> memref<1x3168xi32, #tpu.memory_space<hbm>>
      %dma_wait3A_28 = tpu.memref_squeeze %dma_wait3A_27 : memref<1x3168xi32, #tpu.memory_space<hbm>> -> memref<3168xi32, #tpu.memory_space<hbm>>
      tpu.wait_dma2 semaphore(%run_scoped3A : memref<!tpu.dma_semaphore, #tpu.memory_space<semaphore_mem>>) src(%dma_wait3A_28 : memref<3168xi32, #tpu.memory_space<hbm>>) dst(%arg6 : memref<3168xi32, #tpu.memory_space<vmem>>)
      tpu.yield
    }) : () -> ()
    %iota3A = tpu.iota {dimensions = array<i32: 0>} : vector<16xi32>
    %mul3A_1 = arith.constant 3168 : i32
    %mul3A_2 = arith.muli %add3A, %mul3A_1 : i32
    %mul3A_3 = arith.constant 64 : i32
    %mul3A_4 = arith.muli %mul3A_2, %mul3A_3 : i32
    %parallel_loop3A = arith.constant 0 : i32
    %parallel_loop3A_5 = arith.constant 66 : i32
    %parallel_loop3A_6 = arith.constant 1 : i32
    scf.for %parallel_loop3A_19 = %parallel_loop3A to %parallel_loop3A_5 step %parallel_loop3A_6  : i32 {
      %parallel_loop3A_20 = arith.constant 16 : i32
      %parallel_loop3A_21 = arith.muli %parallel_loop3A_19, %parallel_loop3A_20 : i32
      %parallel_loop3A_22 = arith.constant 0 : i32
      %parallel_loop3A_23 = arith.addi %parallel_loop3A_22, %parallel_loop3A_21 : i32
      %parallel_loop3A_24 = arith.index_cast %parallel_loop3A_23 : i32 to index
      %parallel_loop3A_25 = tpu.vector_load %arg6[%parallel_loop3A_24] {strides = array<i32>} : memref<3168xi32, #tpu.memory_space<vmem>>, vector<16xi32>,
      %parallel_loop3A_26 = arith.constant 64 : i32
      %parallel_loop3A_27 = vector.broadcast %parallel_loop3A_26 : i32 to vector<16xi32>
      %parallel_loop3A_28 = arith.muli %parallel_loop3A_25, %parallel_loop3A_27 : vector<16xi32>
      %parallel_loop3A_29 = arith.constant 1024 : i32
      %parallel_loop3A_30 = arith.muli %parallel_loop3A_19, %parallel_loop3A_29 : i32
      %parallel_loop3A_31 = arith.constant 64 : i32
      %parallel_loop3A_32 = vector.broadcast %parallel_loop3A_31 : i32 to vector<16xi32>
      %parallel_loop3A_33 = arith.muli %iota3A, %parallel_loop3A_32 : vector<16xi32>
      %parallel_loop3A_34 = vector.broadcast %parallel_loop3A_30 : i32 to vector<16xi32>
      %parallel_loop3A_35 = arith.addi %parallel_loop3A_34, %parallel_loop3A_33 : vector<16xi32>
      %parallel_loop3A_36 = arith.constant 0 : i32
      %parallel_loop3A_37 = vector.broadcast %parallel_loop3A_36 : i32 to vector<16xi32>
      %parallel_loop3A_38 = arith.addi %parallel_loop3A_28, %parallel_loop3A_37 : vector<16xi32>
      %parallel_loop3A_39 = tpu.vector_load_idx %arg5[%parallel_loop3A_38] : memref<33280xf32, #tpu.memory_space<vmem>>[vector<16xi32>], vector<16xf32>,
      %parallel_loop3A_40 = arith.constant 0 : i32
      %parallel_loop3A_41 = vector.broadcast %parallel_loop3A_40 : i32 to vector<16xi32>
      %parallel_loop3A_42 = arith.addi %parallel_loop3A_35, %parallel_loop3A_41 : vector<16xi32>
      tpu.vector_store_idx %arg7[%parallel_loop3A_42], %parallel_loop3A_39 : memref<67584xf32, #tpu.memory_space<vmem>>[vector<16xi32>], vector<16xf32>,
      %parallel_loop3A_43 = arith.constant 1 : i32
      %parallel_loop3A_44 = vector.broadcast %parallel_loop3A_43 : i32 to vector<16xi32>
      %parallel_loop3A_45 = arith.addi %parallel_loop3A_28, %parallel_loop3A_44 : vector<16xi32>
      %parallel_loop3A_46 = tpu.vector_load_idx %arg5[%parallel_loop3A_45] : memref<33280xf32, #tpu.memory_space<vmem>>[vector<16xi32>], vector<16xf32>,
      %parallel_loop3A_47 = arith.constant 1 : i32
      %parallel_loop3A_48 = vector.broadcast %parallel_loop3A_47 : i32 to vector<16xi32>
      %parallel_loop3A_49 = arith.addi %parallel_loop3A_35, %parallel_loop3A_48 : vector<16xi32>
      tpu.vector_store_idx %arg7[%parallel_loop3A_49], %parallel_loop3A_46 : memref<67584xf32, #tpu.memory_space<vmem>>[vector<16xi32>], vector<16xf32>,
      %parallel_loop3A_50 = arith.constant 2 : i32
      %parallel_loop3A_51 = vector.broadcast %parallel_loop3A_50 : i32 to vector<16xi32>
      %parallel_loop3A_52 = arith.addi %parallel_loop3A_28, %parallel_loop3A_51 : vector<16xi32>
      %parallel_loop3A_53 = tpu.vector_load_idx %arg5[%parallel_loop3A_52] : memref<33280xf32, #tpu.memory_space<vmem>>[vector<16xi32>], vector<16xf32>,
      %parallel_loop3A_54 = arith.constant 2 : i32
      %parallel_loop3A_55 = vector.broadcast %parallel_loop3A_54 : i32 to vector<16xi32>
      %parallel_loop3A_56 = arith.addi %parallel_loop3A_35, %parallel_loop3A_55 : vector<16xi32>
      tpu.vector_store_idx %arg7[%parallel_loop3A_56], %parallel_loop3A_53 : memref<67584xf32, #tpu.memory_space<vmem>>[vector<16xi32>], vector<16xf32>,
      %parallel_loop3A_57 = arith.constant 3 : i32
      %parallel_loop3A_58 = vector.broadcast %parallel_loop3A_57 : i32 to vector<16xi32>
      %parallel_loop3A_59 = arith.addi %parallel_loop3A_28, %parallel_loop3A_58 : vector<16xi32>
      %parallel_loop3A_60 = tpu.vector_load_idx %arg5[%parallel_loop3A_59] : memref<33280xf32, #tpu.memory_space<vmem>>[vector<16xi32>], vector<16xf32>,
      %parallel_loop3A_61 = arith.constant 3 : i32
      %parallel_loop3A_62 = vector.broadcast %parallel_loop3A_61 : i32 to vector<16xi32>
      %parallel_loop3A_63 = arith.addi %parallel_loop3A_35, %parallel_loop3A_62 : vector<16xi32>
      tpu.vector_store_idx %arg7[%parallel_loop3A_63], %parallel_loop3A_60 : memref<67584xf32, #tpu.memory_space<vmem>>[vector<16xi32>], vector<16xf32>,
      %parallel_loop3A_64 = arith.constant 4 : i32
      %parallel_loop3A_65 = vector.broadcast %parallel_loop3A_64 : i32 to vector<16xi32>
      %parallel_loop3A_66 = arith.addi %parallel_loop3A_28, %parallel_loop3A_65 : vector<16xi32>
      %parallel_loop3A_67 = tpu.vector_load_idx %arg5[%parallel_loop3A_66] : memref<33280xf32, #tpu.memory_space<vmem>>[vector<16xi32>], vector<16xf32>,
      %parallel_loop3A_68 = arith.constant 4 : i32
      %parallel_loop3A_69 = vector.broadcast %parallel_loop3A_68 : i32 to vector<16xi32>
      %parallel_loop3A_70 = arith.addi %parallel_loop3A_35, %parallel_loop3A_69 : vector<16xi32>
      tpu.vector_store_idx %arg7[%parallel_loop3A_70], %parallel_loop3A_67 : memref<67584xf32, #tpu.memory_space<vmem>>[vector<16xi32>], vector<16xf32>,
      %parallel_loop3A_71 = arith.constant 5 : i32
      %parallel_loop3A_72 = vector.broadcast %parallel_loop3A_71 : i32 to vector<16xi32>
      %parallel_loop3A_73 = arith.addi %parallel_loop3A_28, %parallel_loop3A_72 : vector<16xi32>
      %parallel_loop3A_74 = tpu.vector_load_idx %arg5[%parallel_loop3A_73] : memref<33280xf32, #tpu.memory_space<vmem>>[vector<16xi32>], vector<16xf32>,
      %parallel_loop3A_75 = arith.constant 5 : i32
      %parallel_loop3A_76 = vector.broadcast %parallel_loop3A_75 : i32 to vector<16xi32>
      %parallel_loop3A_77 = arith.addi %parallel_loop3A_35, %parallel_loop3A_76 : vector<16xi32>
      tpu.vector_store_idx %arg7[%parallel_loop3A_77], %parallel_loop3A_74 : memref<67584xf32, #tpu.memory_space<vmem>>[vector<16xi32>], vector<16xf32>,
      %parallel_loop3A_78 = arith.constant 6 : i32
      %parallel_loop3A_79 = vector.broadcast %parallel_loop3A_78 : i32 to vector<16xi32>
      %parallel_loop3A_80 = arith.addi %parallel_loop3A_28, %parallel_loop3A_79 : vector<16xi32>
      %parallel_loop3A_81 = tpu.vector_load_idx %arg5[%parallel_loop3A_80] : memref<33280xf32, #tpu.memory_space<vmem>>[vector<16xi32>], vector<16xf32>,
      %parallel_loop3A_82 = arith.constant 6 : i32
      %parallel_loop3A_83 = vector.broadcast %parallel_loop3A_82 : i32 to vector<16xi32>
      %parallel_loop3A_84 = arith.addi %parallel_loop3A_35, %parallel_loop3A_83 : vector<16xi32>
      tpu.vector_store_idx %arg7[%parallel_loop3A_84], %parallel_loop3A_81 : memref<67584xf32, #tpu.memory_space<vmem>>[vector<16xi32>], vector<16xf32>,
      %parallel_loop3A_85 = arith.constant 7 : i32
      %parallel_loop3A_86 = vector.broadcast %parallel_loop3A_85 : i32 to vector<16xi32>
      %parallel_loop3A_87 = arith.addi %parallel_loop3A_28, %parallel_loop3A_86 : vector<16xi32>
      %parallel_loop3A_88 = tpu.vector_load_idx %arg5[%parallel_loop3A_87] : memref<33280xf32, #tpu.memory_space<vmem>>[vector<16xi32>], vector<16xf32>,
      %parallel_loop3A_89 = arith.constant 7 : i32
      %parallel_loop3A_90 = vector.broadcast %parallel_loop3A_89 : i32 to vector<16xi32>
      %parallel_loop3A_91 = arith.addi %parallel_loop3A_35, %parallel_loop3A_90 : vector<16xi32>
      tpu.vector_store_idx %arg7[%parallel_loop3A_91], %parallel_loop3A_88 : memref<67584xf32, #tpu.memory_space<vmem>>[vector<16xi32>], vector<16xf32>,
      %parallel_loop3A_92 = arith.constant 8 : i32
      %parallel_loop3A_93 = vector.broadcast %parallel_loop3A_92 : i32 to vector<16xi32>
      %parallel_loop3A_94 = arith.addi %parallel_loop3A_28, %parallel_loop3A_93 : vector<16xi32>
      %parallel_loop3A_95 = tpu.vector_load_idx %arg5[%parallel_loop3A_94] : memref<33280xf32, #tpu.memory_space<vmem>>[vector<16xi32>], vector<16xf32>,
      %parallel_loop3A_96 = arith.constant 8 : i32
      %parallel_loop3A_97 = vector.broadcast %parallel_loop3A_96 : i32 to vector<16xi32>
      %parallel_loop3A_98 = arith.addi %parallel_loop3A_35, %parallel_loop3A_97 : vector<16xi32>
      tpu.vector_store_idx %arg7[%parallel_loop3A_98], %parallel_loop3A_95 : memref<67584xf32, #tpu.memory_space<vmem>>[vector<16xi32>], vector<16xf32>,
      %parallel_loop3A_99 = arith.constant 9 : i32
      %parallel_loop3A_100 = vector.broadcast %parallel_loop3A_99 : i32 to vector<16xi32>
      %parallel_loop3A_101 = arith.addi %parallel_loop3A_28, %parallel_loop3A_100 : vector<16xi32>
      %parallel_loop3A_102 = tpu.vector_load_idx %arg5[%parallel_loop3A_101] : memref<33280xf32, #tpu.memory_space<vmem>>[vector<16xi32>], vector<16xf32>,
      %parallel_loop3A_103 = arith.constant 9 : i32
      %parallel_loop3A_104 = vector.broadcast %parallel_loop3A_103 : i32 to vector<16xi32>
      %parallel_loop3A_105 = arith.addi %parallel_loop3A_35, %parallel_loop3A_104 : vector<16xi32>
      tpu.vector_store_idx %arg7[%parallel_loop3A_105], %parallel_loop3A_102 : memref<67584xf32, #tpu.memory_space<vmem>>[vector<16xi32>], vector<16xf32>,
      %parallel_loop3A_106 = arith.constant 10 : i32
      %parallel_loop3A_107 = vector.broadcast %parallel_loop3A_106 : i32 to vector<16xi32>
      %parallel_loop3A_108 = arith.addi %parallel_loop3A_28, %parallel_loop3A_107 : vector<16xi32>
      %parallel_loop3A_109 = tpu.vector_load_idx %arg5[%parallel_loop3A_108] : memref<33280xf32, #tpu.memory_space<vmem>>[vector<16xi32>], vector<16xf32>,
      %parallel_loop3A_110 = arith.constant 10 : i32
      %parallel_loop3A_111 = vector.broadcast %parallel_loop3A_110 : i32 to vector<16xi32>
      %parallel_loop3A_112 = arith.addi %parallel_loop3A_35, %parallel_loop3A_111 : vector<16xi32>
      tpu.vector_store_idx %arg7[%parallel_loop3A_112], %parallel_loop3A_109 : memref<67584xf32, #tpu.memory_space<vmem>>[vector<16xi32>], vector<16xf32>,
      %parallel_loop3A_113 = arith.constant 11 : i32
      %parallel_loop3A_114 = vector.broadcast %parallel_loop3A_113 : i32 to vector<16xi32>
      %parallel_loop3A_115 = arith.addi %parallel_loop3A_28, %parallel_loop3A_114 : vector<16xi32>
      %parallel_loop3A_116 = tpu.vector_load_idx %arg5[%parallel_loop3A_115] : memref<33280xf32, #tpu.memory_space<vmem>>[vector<16xi32>], vector<16xf32>,
      %parallel_loop3A_117 = arith.constant 11 : i32
      %parallel_loop3A_118 = vector.broadcast %parallel_loop3A_117 : i32 to vector<16xi32>
      %parallel_loop3A_119 = arith.addi %parallel_loop3A_35, %parallel_loop3A_118 : vector<16xi32>
      tpu.vector_store_idx %arg7[%parallel_loop3A_119], %parallel_loop3A_116 : memref<67584xf32, #tpu.memory_space<vmem>>[vector<16xi32>], vector<16xf32>,
      %parallel_loop3A_120 = arith.constant 12 : i32
      %parallel_loop3A_121 = vector.broadcast %parallel_loop3A_120 : i32 to vector<16xi32>
      %parallel_loop3A_122 = arith.addi %parallel_loop3A_28, %parallel_loop3A_121 : vector<16xi32>
      %parallel_loop3A_123 = tpu.vector_load_idx %arg5[%parallel_loop3A_122] : memref<33280xf32, #tpu.memory_space<vmem>>[vector<16xi32>], vector<16xf32>,
      %parallel_loop3A_124 = arith.constant 12 : i32
      %parallel_loop3A_125 = vector.broadcast %parallel_loop3A_124 : i32 to vector<16xi32>
      %parallel_loop3A_126 = arith.addi %parallel_loop3A_35, %parallel_loop3A_125 : vector<16xi32>
      tpu.vector_store_idx %arg7[%parallel_loop3A_126], %parallel_loop3A_123 : memref<67584xf32, #tpu.memory_space<vmem>>[vector<16xi32>], vector<16xf32>,
      %parallel_loop3A_127 = arith.constant 13 : i32
      %parallel_loop3A_128 = vector.broadcast %parallel_loop3A_127 : i32 to vector<16xi32>
      %parallel_loop3A_129 = arith.addi %parallel_loop3A_28, %parallel_loop3A_128 : vector<16xi32>
      %parallel_loop3A_130 = tpu.vector_load_idx %arg5[%parallel_loop3A_129] : memref<33280xf32, #tpu.memory_space<vmem>>[vector<16xi32>], vector<16xf32>,
      %parallel_loop3A_131 = arith.constant 13 : i32
      %parallel_loop3A_132 = vector.broadcast %parallel_loop3A_131 : i32 to vector<16xi32>
      %parallel_loop3A_133 = arith.addi %parallel_loop3A_35, %parallel_loop3A_132 : vector<16xi32>
      tpu.vector_store_idx %arg7[%parallel_loop3A_133], %parallel_loop3A_130 : memref<67584xf32, #tpu.memory_space<vmem>>[vector<16xi32>], vector<16xf32>,
      %parallel_loop3A_134 = arith.constant 14 : i32
      %parallel_loop3A_135 = vector.broadcast %parallel_loop3A_134 : i32 to vector<16xi32>
      %parallel_loop3A_136 = arith.addi %parallel_loop3A_28, %parallel_loop3A_135 : vector<16xi32>
      %parallel_loop3A_137 = tpu.vector_load_idx %arg5[%parallel_loop3A_136] : memref<33280xf32, #tpu.memory_space<vmem>>[vector<16xi32>], vector<16xf32>,
      %parallel_loop3A_138 = arith.constant 14 : i32
      %parallel_loop3A_139 = vector.broadcast %parallel_loop3A_138 : i32 to vector<16xi32>
      %parallel_loop3A_140 = arith.addi %parallel_loop3A_35, %parallel_loop3A_139 : vector<16xi32>
      tpu.vector_store_idx %arg7[%parallel_loop3A_140], %parallel_loop3A_137 : memref<67584xf32, #tpu.memory_space<vmem>>[vector<16xi32>], vector<16xf32>,
      %parallel_loop3A_141 = arith.constant 15 : i32
      %parallel_loop3A_142 = vector.broadcast %parallel_loop3A_141 : i32 to vector<16xi32>
      %parallel_loop3A_143 = arith.addi %parallel_loop3A_28, %parallel_loop3A_142 : vector<16xi32>
      %parallel_loop3A_144 = tpu.vector_load_idx %arg5[%parallel_loop3A_143] : memref<33280xf32, #tpu.memory_space<vmem>>[vector<16xi32>], vector<16xf32>,
      %parallel_loop3A_145 = arith.constant 15 : i32
      %parallel_loop3A_146 = vector.broadcast %parallel_loop3A_145 : i32 to vector<16xi32>
      %parallel_loop3A_147 = arith.addi %parallel_loop3A_35, %parallel_loop3A_146 : vector<16xi32>
      tpu.vector_store_idx %arg7[%parallel_loop3A_147], %parallel_loop3A_144 : memref<67584xf32, #tpu.memory_space<vmem>>[vector<16xi32>], vector<16xf32>,
      %parallel_loop3A_148 = arith.constant 16 : i32
      %parallel_loop3A_149 = vector.broadcast %parallel_loop3A_148 : i32 to vector<16xi32>
      %parallel_loop3A_150 = arith.addi %parallel_loop3A_28, %parallel_loop3A_149 : vector<16xi32>
      %parallel_loop3A_151 = tpu.vector_load_idx %arg5[%parallel_loop3A_150] : memref<33280xf32, #tpu.memory_space<vmem>>[vector<16xi32>], vector<16xf32>,
      %parallel_loop3A_152 = arith.constant 16 : i32
      %parallel_loop3A_153 = vector.broadcast %parallel_loop3A_152 : i32 to vector<16xi32>
      %parallel_loop3A_154 = arith.addi %parallel_loop3A_35, %parallel_loop3A_153 : vector<16xi32>
      tpu.vector_store_idx %arg7[%parallel_loop3A_154], %parallel_loop3A_151 : memref<67584xf32, #tpu.memory_space<vmem>>[vector<16xi32>], vector<16xf32>,
      %parallel_loop3A_155 = arith.constant 17 : i32
      %parallel_loop3A_156 = vector.broadcast %parallel_loop3A_155 : i32 to vector<16xi32>
      %parallel_loop3A_157 = arith.addi %parallel_loop3A_28, %parallel_loop3A_156 : vector<16xi32>
      %parallel_loop3A_158 = tpu.vector_load_idx %arg5[%parallel_loop3A_157] : memref<33280xf32, #tpu.memory_space<vmem>>[vector<16xi32>], vector<16xf32>,
      %parallel_loop3A_159 = arith.constant 17 : i32
      %parallel_loop3A_160 = vector.broadcast %parallel_loop3A_159 : i32 to vector<16xi32>
      %parallel_loop3A_161 = arith.addi %parallel_loop3A_35, %parallel_loop3A_160 : vector<16xi32>
      tpu.vector_store_idx %arg7[%parallel_loop3A_161], %parallel_loop3A_158 : memref<67584xf32, #tpu.memory_space<vmem>>[vector<16xi32>], vector<16xf32>,
      %parallel_loop3A_162 = arith.constant 18 : i32
      %parallel_loop3A_163 = vector.broadcast %parallel_loop3A_162 : i32 to vector<16xi32>
      %parallel_loop3A_164 = arith.addi %parallel_loop3A_28, %parallel_loop3A_163 : vector<16xi32>
      %parallel_loop3A_165 = tpu.vector_load_idx %arg5[%parallel_loop3A_164] : memref<33280xf32, #tpu.memory_space<vmem>>[vector<16xi32>], vector<16xf32>,
      %parallel_loop3A_166 = arith.constant 18 : i32
      %parallel_loop3A_167 = vector.broadcast %parallel_loop3A_166 : i32 to vector<16xi32>
      %parallel_loop3A_168 = arith.addi %parallel_loop3A_35, %parallel_loop3A_167 : vector<16xi32>
      tpu.vector_store_idx %arg7[%parallel_loop3A_168], %parallel_loop3A_165 : memref<67584xf32, #tpu.memory_space<vmem>>[vector<16xi32>], vector<16xf32>,
      %parallel_loop3A_169 = arith.constant 19 : i32
      %parallel_loop3A_170 = vector.broadcast %parallel_loop3A_169 : i32 to vector<16xi32>
      %parallel_loop3A_171 = arith.addi %parallel_loop3A_28, %parallel_loop3A_170 : vector<16xi32>
      %parallel_loop3A_172 = tpu.vector_load_idx %arg5[%parallel_loop3A_171] : memref<33280xf32, #tpu.memory_space<vmem>>[vector<16xi32>], vector<16xf32>,
      %parallel_loop3A_173 = arith.constant 19 : i32
      %parallel_loop3A_174 = vector.broadcast %parallel_loop3A_173 : i32 to vector<16xi32>
      %parallel_loop3A_175 = arith.addi %parallel_loop3A_35, %parallel_loop3A_174 : vector<16xi32>
      tpu.vector_store_idx %arg7[%parallel_loop3A_175], %parallel_loop3A_172 : memref<67584xf32, #tpu.memory_space<vmem>>[vector<16xi32>], vector<16xf32>,
      %parallel_loop3A_176 = arith.constant 20 : i32
      %parallel_loop3A_177 = vector.broadcast %parallel_loop3A_176 : i32 to vector<16xi32>
      %parallel_loop3A_178 = arith.addi %parallel_loop3A_28, %parallel_loop3A_177 : vector<16xi32>
      %parallel_loop3A_179 = tpu.vector_load_idx %arg5[%parallel_loop3A_178] : memref<33280xf32, #tpu.memory_space<vmem>>[vector<16xi32>], vector<16xf32>,
      %parallel_loop3A_180 = arith.constant 20 : i32
      %parallel_loop3A_181 = vector.broadcast %parallel_loop3A_180 : i32 to vector<16xi32>
      %parallel_loop3A_182 = arith.addi %parallel_loop3A_35, %parallel_loop3A_181 : vector<16xi32>
      tpu.vector_store_idx %arg7[%parallel_loop3A_182], %parallel_loop3A_179 : memref<67584xf32, #tpu.memory_space<vmem>>[vector<16xi32>], vector<16xf32>,
      %parallel_loop3A_183 = arith.constant 21 : i32
      %parallel_loop3A_184 = vector.broadcast %parallel_loop3A_183 : i32 to vector<16xi32>
      %parallel_loop3A_185 = arith.addi %parallel_loop3A_28, %parallel_loop3A_184 : vector<16xi32>
      %parallel_loop3A_186 = tpu.vector_load_idx %arg5[%parallel_loop3A_185] : memref<33280xf32, #tpu.memory_space<vmem>>[vector<16xi32>], vector<16xf32>,
      %parallel_loop3A_187 = arith.constant 21 : i32
      %parallel_loop3A_188 = vector.broadcast %parallel_loop3A_187 : i32 to vector<16xi32>
      %parallel_loop3A_189 = arith.addi %parallel_loop3A_35, %parallel_loop3A_188 : vector<16xi32>
      tpu.vector_store_idx %arg7[%parallel_loop3A_189], %parallel_loop3A_186 : memref<67584xf32, #tpu.memory_space<vmem>>[vector<16xi32>], vector<16xf32>,
      %parallel_loop3A_190 = arith.constant 22 : i32
      %parallel_loop3A_191 = vector.broadcast %parallel_loop3A_190 : i32 to vector<16xi32>
      %parallel_loop3A_192 = arith.addi %parallel_loop3A_28, %parallel_loop3A_191 : vector<16xi32>
      %parallel_loop3A_193 = tpu.vector_load_idx %arg5[%parallel_loop3A_192] : memref<33280xf32, #tpu.memory_space<vmem>>[vector<16xi32>], vector<16xf32>,
      %parallel_loop3A_194 = arith.constant 22 : i32
      %parallel_loop3A_195 = vector.broadcast %parallel_loop3A_194 : i32 to vector<16xi32>
      %parallel_loop3A_196 = arith.addi %parallel_loop3A_35, %parallel_loop3A_195 : vector<16xi32>
      tpu.vector_store_idx %arg7[%parallel_loop3A_196], %parallel_loop3A_193 : memref<67584xf32, #tpu.memory_space<vmem>>[vector<16xi32>], vector<16xf32>,
      %parallel_loop3A_197 = arith.constant 23 : i32
      %parallel_loop3A_198 = vector.broadcast %parallel_loop3A_197 : i32 to vector<16xi32>
      %parallel_loop3A_199 = arith.addi %parallel_loop3A_28, %parallel_loop3A_198 : vector<16xi32>
      %parallel_loop3A_200 = tpu.vector_load_idx %arg5[%parallel_loop3A_199] : memref<33280xf32, #tpu.memory_space<vmem>>[vector<16xi32>], vector<16xf32>,
      %parallel_loop3A_201 = arith.constant 23 : i32
      %parallel_loop3A_202 = vector.broadcast %parallel_loop3A_201 : i32 to vector<16xi32>
      %parallel_loop3A_203 = arith.addi %parallel_loop3A_35, %parallel_loop3A_202 : vector<16xi32>
      tpu.vector_store_idx %arg7[%parallel_loop3A_203], %parallel_loop3A_200 : memref<67584xf32, #tpu.memory_space<vmem>>[vector<16xi32>], vector<16xf32>,
      %parallel_loop3A_204 = arith.constant 24 : i32
      %parallel_loop3A_205 = vector.broadcast %parallel_loop3A_204 : i32 to vector<16xi32>
      %parallel_loop3A_206 = arith.addi %parallel_loop3A_28, %parallel_loop3A_205 : vector<16xi32>
      %parallel_loop3A_207 = tpu.vector_load_idx %arg5[%parallel_loop3A_206] : memref<33280xf32, #tpu.memory_space<vmem>>[vector<16xi32>], vector<16xf32>,
      %parallel_loop3A_208 = arith.constant 24 : i32
      %parallel_loop3A_209 = vector.broadcast %parallel_loop3A_208 : i32 to vector<16xi32>
      %parallel_loop3A_210 = arith.addi %parallel_loop3A_35, %parallel_loop3A_209 : vector<16xi32>
      tpu.vector_store_idx %arg7[%parallel_loop3A_210], %parallel_loop3A_207 : memref<67584xf32, #tpu.memory_space<vmem>>[vector<16xi32>], vector<16xf32>,
      %parallel_loop3A_211 = arith.constant 25 : i32
      %parallel_loop3A_212 = vector.broadcast %parallel_loop3A_211 : i32 to vector<16xi32>
      %parallel_loop3A_213 = arith.addi %parallel_loop3A_28, %parallel_loop3A_212 : vector<16xi32>
      %parallel_loop3A_214 = tpu.vector_load_idx %arg5[%parallel_loop3A_213] : memref<33280xf32, #tpu.memory_space<vmem>>[vector<16xi32>], vector<16xf32>,
      %parallel_loop3A_215 = arith.constant 25 : i32
      %parallel_loop3A_216 = vector.broadcast %parallel_loop3A_215 : i32 to vector<16xi32>
      %parallel_loop3A_217 = arith.addi %parallel_loop3A_35, %parallel_loop3A_216 : vector<16xi32>
      tpu.vector_store_idx %arg7[%parallel_loop3A_217], %parallel_loop3A_214 : memref<67584xf32, #tpu.memory_space<vmem>>[vector<16xi32>], vector<16xf32>,
      %parallel_loop3A_218 = arith.constant 26 : i32
      %parallel_loop3A_219 = vector.broadcast %parallel_loop3A_218 : i32 to vector<16xi32>
      %parallel_loop3A_220 = arith.addi %parallel_loop3A_28, %parallel_loop3A_219 : vector<16xi32>
      %parallel_loop3A_221 = tpu.vector_load_idx %arg5[%parallel_loop3A_220] : memref<33280xf32, #tpu.memory_space<vmem>>[vector<16xi32>], vector<16xf32>,
      %parallel_loop3A_222 = arith.constant 26 : i32
      %parallel_loop3A_223 = vector.broadcast %parallel_loop3A_222 : i32 to vector<16xi32>
      %parallel_loop3A_224 = arith.addi %parallel_loop3A_35, %parallel_loop3A_223 : vector<16xi32>
      tpu.vector_store_idx %arg7[%parallel_loop3A_224], %parallel_loop3A_221 : memref<67584xf32, #tpu.memory_space<vmem>>[vector<16xi32>], vector<16xf32>,
      %parallel_loop3A_225 = arith.constant 27 : i32
      %parallel_loop3A_226 = vector.broadcast %parallel_loop3A_225 : i32 to vector<16xi32>
      %parallel_loop3A_227 = arith.addi %parallel_loop3A_28, %parallel_loop3A_226 : vector<16xi32>
      %parallel_loop3A_228 = tpu.vector_load_idx %arg5[%parallel_loop3A_227] : memref<33280xf32, #tpu.memory_space<vmem>>[vector<16xi32>], vector<16xf32>,
      %parallel_loop3A_229 = arith.constant 27 : i32
      %parallel_loop3A_230 = vector.broadcast %parallel_loop3A_229 : i32 to vector<16xi32>
      %parallel_loop3A_231 = arith.addi %parallel_loop3A_35, %parallel_loop3A_230 : vector<16xi32>
      tpu.vector_store_idx %arg7[%parallel_loop3A_231], %parallel_loop3A_228 : memref<67584xf32, #tpu.memory_space<vmem>>[vector<16xi32>], vector<16xf32>,
      %parallel_loop3A_232 = arith.constant 28 : i32
      %parallel_loop3A_233 = vector.broadcast %parallel_loop3A_232 : i32 to vector<16xi32>
      %parallel_loop3A_234 = arith.addi %parallel_loop3A_28, %parallel_loop3A_233 : vector<16xi32>
      %parallel_loop3A_235 = tpu.vector_load_idx %arg5[%parallel_loop3A_234] : memref<33280xf32, #tpu.memory_space<vmem>>[vector<16xi32>], vector<16xf32>,
      %parallel_loop3A_236 = arith.constant 28 : i32
      %parallel_loop3A_237 = vector.broadcast %parallel_loop3A_236 : i32 to vector<16xi32>
      %parallel_loop3A_238 = arith.addi %parallel_loop3A_35, %parallel_loop3A_237 : vector<16xi32>
      tpu.vector_store_idx %arg7[%parallel_loop3A_238], %parallel_loop3A_235 : memref<67584xf32, #tpu.memory_space<vmem>>[vector<16xi32>], vector<16xf32>,
      %parallel_loop3A_239 = arith.constant 29 : i32
      %parallel_loop3A_240 = vector.broadcast %parallel_loop3A_239 : i32 to vector<16xi32>
      %parallel_loop3A_241 = arith.addi %parallel_loop3A_28, %parallel_loop3A_240 : vector<16xi32>
      %parallel_loop3A_242 = tpu.vector_load_idx %arg5[%parallel_loop3A_241] : memref<33280xf32, #tpu.memory_space<vmem>>[vector<16xi32>], vector<16xf32>,
      %parallel_loop3A_243 = arith.constant 29 : i32
      %parallel_loop3A_244 = vector.broadcast %parallel_loop3A_243 : i32 to vector<16xi32>
      %parallel_loop3A_245 = arith.addi %parallel_loop3A_35, %parallel_loop3A_244 : vector<16xi32>
      tpu.vector_store_idx %arg7[%parallel_loop3A_245], %parallel_loop3A_242 : memref<67584xf32, #tpu.memory_space<vmem>>[vector<16xi32>], vector<16xf32>,
      %parallel_loop3A_246 = arith.constant 30 : i32
      %parallel_loop3A_247 = vector.broadcast %parallel_loop3A_246 : i32 to vector<16xi32>
      %parallel_loop3A_248 = arith.addi %parallel_loop3A_28, %parallel_loop3A_247 : vector<16xi32>
      %parallel_loop3A_249 = tpu.vector_load_idx %arg5[%parallel_loop3A_248] : memref<33280xf32, #tpu.memory_space<vmem>>[vector<16xi32>], vector<16xf32>,
      %parallel_loop3A_250 = arith.constant 30 : i32
      %parallel_loop3A_251 = vector.broadcast %parallel_loop3A_250 : i32 to vector<16xi32>
      %parallel_loop3A_252 = arith.addi %parallel_loop3A_35, %parallel_loop3A_251 : vector<16xi32>
      tpu.vector_store_idx %arg7[%parallel_loop3A_252], %parallel_loop3A_249 : memref<67584xf32, #tpu.memory_space<vmem>>[vector<16xi32>], vector<16xf32>,
      %parallel_loop3A_253 = arith.constant 31 : i32
      %parallel_loop3A_254 = vector.broadcast %parallel_loop3A_253 : i32 to vector<16xi32>
      %parallel_loop3A_255 = arith.addi %parallel_loop3A_28, %parallel_loop3A_254 : vector<16xi32>
      %parallel_loop3A_256 = tpu.vector_load_idx %arg5[%parallel_loop3A_255] : memref<33280xf32, #tpu.memory_space<vmem>>[vector<16xi32>], vector<16xf32>,
      %parallel_loop3A_257 = arith.constant 31 : i32
      %parallel_loop3A_258 = vector.broadcast %parallel_loop3A_257 : i32 to vector<16xi32>
      %parallel_loop3A_259 = arith.addi %parallel_loop3A_35, %parallel_loop3A_258 : vector<16xi32>
      tpu.vector_store_idx %arg7[%parallel_loop3A_259], %parallel_loop3A_256 : memref<67584xf32, #tpu.memory_space<vmem>>[vector<16xi32>], vector<16xf32>,
      %parallel_loop3A_260 = arith.constant 32 : i32
      %parallel_loop3A_261 = vector.broadcast %parallel_loop3A_260 : i32 to vector<16xi32>
      %parallel_loop3A_262 = arith.addi %parallel_loop3A_28, %parallel_loop3A_261 : vector<16xi32>
      %parallel_loop3A_263 = tpu.vector_load_idx %arg5[%parallel_loop3A_262] : memref<33280xf32, #tpu.memory_space<vmem>>[vector<16xi32>], vector<16xf32>,
      %parallel_loop3A_264 = arith.constant 32 : i32
      %parallel_loop3A_265 = vector.broadcast %parallel_loop3A_264 : i32 to vector<16xi32>
      %parallel_loop3A_266 = arith.addi %parallel_loop3A_35, %parallel_loop3A_265 : vector<16xi32>
      tpu.vector_store_idx %arg7[%parallel_loop3A_266], %parallel_loop3A_263 : memref<67584xf32, #tpu.memory_space<vmem>>[vector<16xi32>], vector<16xf32>,
      %parallel_loop3A_267 = arith.constant 33 : i32
      %parallel_loop3A_268 = vector.broadcast %parallel_loop3A_267 : i32 to vector<16xi32>
      %parallel_loop3A_269 = arith.addi %parallel_loop3A_28, %parallel_loop3A_268 : vector<16xi32>
      %parallel_loop3A_270 = tpu.vector_load_idx %arg5[%parallel_loop3A_269] : memref<33280xf32, #tpu.memory_space<vmem>>[vector<16xi32>], vector<16xf32>,
      %parallel_loop3A_271 = arith.constant 33 : i32
      %parallel_loop3A_272 = vector.broadcast %parallel_loop3A_271 : i32 to vector<16xi32>
      %parallel_loop3A_273 = arith.addi %parallel_loop3A_35, %parallel_loop3A_272 : vector<16xi32>
      tpu.vector_store_idx %arg7[%parallel_loop3A_273], %parallel_loop3A_270 : memref<67584xf32, #tpu.memory_space<vmem>>[vector<16xi32>], vector<16xf32>,
      %parallel_loop3A_274 = arith.constant 34 : i32
      %parallel_loop3A_275 = vector.broadcast %parallel_loop3A_274 : i32 to vector<16xi32>
      %parallel_loop3A_276 = arith.addi %parallel_loop3A_28, %parallel_loop3A_275 : vector<16xi32>
      %parallel_loop3A_277 = tpu.vector_load_idx %arg5[%parallel_loop3A_276] : memref<33280xf32, #tpu.memory_space<vmem>>[vector<16xi32>], vector<16xf32>,
      %parallel_loop3A_278 = arith.constant 34 : i32
      %parallel_loop3A_279 = vector.broadcast %parallel_loop3A_278 : i32 to vector<16xi32>
      %parallel_loop3A_280 = arith.addi %parallel_loop3A_35, %parallel_loop3A_279 : vector<16xi32>
      tpu.vector_store_idx %arg7[%parallel_loop3A_280], %parallel_loop3A_277 : memref<67584xf32, #tpu.memory_space<vmem>>[vector<16xi32>], vector<16xf32>,
      %parallel_loop3A_281 = arith.constant 35 : i32
      %parallel_loop3A_282 = vector.broadcast %parallel_loop3A_281 : i32 to vector<16xi32>
      %parallel_loop3A_283 = arith.addi %parallel_loop3A_28, %parallel_loop3A_282 : vector<16xi32>
      %parallel_loop3A_284 = tpu.vector_load_idx %arg5[%parallel_loop3A_283] : memref<33280xf32, #tpu.memory_space<vmem>>[vector<16xi32>], vector<16xf32>,
      %parallel_loop3A_285 = arith.constant 35 : i32
      %parallel_loop3A_286 = vector.broadcast %parallel_loop3A_285 : i32 to vector<16xi32>
      %parallel_loop3A_287 = arith.addi %parallel_loop3A_35, %parallel_loop3A_286 : vector<16xi32>
      tpu.vector_store_idx %arg7[%parallel_loop3A_287], %parallel_loop3A_284 : memref<67584xf32, #tpu.memory_space<vmem>>[vector<16xi32>], vector<16xf32>,
      %parallel_loop3A_288 = arith.constant 36 : i32
      %parallel_loop3A_289 = vector.broadcast %parallel_loop3A_288 : i32 to vector<16xi32>
      %parallel_loop3A_290 = arith.addi %parallel_loop3A_28, %parallel_loop3A_289 : vector<16xi32>
      %parallel_loop3A_291 = tpu.vector_load_idx %arg5[%parallel_loop3A_290] : memref<33280xf32, #tpu.memory_space<vmem>>[vector<16xi32>], vector<16xf32>,
      %parallel_loop3A_292 = arith.constant 36 : i32
      %parallel_loop3A_293 = vector.broadcast %parallel_loop3A_292 : i32 to vector<16xi32>
      %parallel_loop3A_294 = arith.addi %parallel_loop3A_35, %parallel_loop3A_293 : vector<16xi32>
      tpu.vector_store_idx %arg7[%parallel_loop3A_294], %parallel_loop3A_291 : memref<67584xf32, #tpu.memory_space<vmem>>[vector<16xi32>], vector<16xf32>,
      %parallel_loop3A_295 = arith.constant 37 : i32
      %parallel_loop3A_296 = vector.broadcast %parallel_loop3A_295 : i32 to vector<16xi32>
      %parallel_loop3A_297 = arith.addi %parallel_loop3A_28, %parallel_loop3A_296 : vector<16xi32>
      %parallel_loop3A_298 = tpu.vector_load_idx %arg5[%parallel_loop3A_297] : memref<33280xf32, #tpu.memory_space<vmem>>[vector<16xi32>], vector<16xf32>,
      %parallel_loop3A_299 = arith.constant 37 : i32
      %parallel_loop3A_300 = vector.broadcast %parallel_loop3A_299 : i32 to vector<16xi32>
      %parallel_loop3A_301 = arith.addi %parallel_loop3A_35, %parallel_loop3A_300 : vector<16xi32>
      tpu.vector_store_idx %arg7[%parallel_loop3A_301], %parallel_loop3A_298 : memref<67584xf32, #tpu.memory_space<vmem>>[vector<16xi32>], vector<16xf32>,
      %parallel_loop3A_302 = arith.constant 38 : i32
      %parallel_loop3A_303 = vector.broadcast %parallel_loop3A_302 : i32 to vector<16xi32>
      %parallel_loop3A_304 = arith.addi %parallel_loop3A_28, %parallel_loop3A_303 : vector<16xi32>
      %parallel_loop3A_305 = tpu.vector_load_idx %arg5[%parallel_loop3A_304] : memref<33280xf32, #tpu.memory_space<vmem>>[vector<16xi32>], vector<16xf32>,
      %parallel_loop3A_306 = arith.constant 38 : i32
      %parallel_loop3A_307 = vector.broadcast %parallel_loop3A_306 : i32 to vector<16xi32>
      %parallel_loop3A_308 = arith.addi %parallel_loop3A_35, %parallel_loop3A_307 : vector<16xi32>
      tpu.vector_store_idx %arg7[%parallel_loop3A_308], %parallel_loop3A_305 : memref<67584xf32, #tpu.memory_space<vmem>>[vector<16xi32>], vector<16xf32>,
      %parallel_loop3A_309 = arith.constant 39 : i32
      %parallel_loop3A_310 = vector.broadcast %parallel_loop3A_309 : i32 to vector<16xi32>
      %parallel_loop3A_311 = arith.addi %parallel_loop3A_28, %parallel_loop3A_310 : vector<16xi32>
      %parallel_loop3A_312 = tpu.vector_load_idx %arg5[%parallel_loop3A_311] : memref<33280xf32, #tpu.memory_space<vmem>>[vector<16xi32>], vector<16xf32>,
      %parallel_loop3A_313 = arith.constant 39 : i32
      %parallel_loop3A_314 = vector.broadcast %parallel_loop3A_313 : i32 to vector<16xi32>
      %parallel_loop3A_315 = arith.addi %parallel_loop3A_35, %parallel_loop3A_314 : vector<16xi32>
      tpu.vector_store_idx %arg7[%parallel_loop3A_315], %parallel_loop3A_312 : memref<67584xf32, #tpu.memory_space<vmem>>[vector<16xi32>], vector<16xf32>,
      %parallel_loop3A_316 = arith.constant 40 : i32
      %parallel_loop3A_317 = vector.broadcast %parallel_loop3A_316 : i32 to vector<16xi32>
      %parallel_loop3A_318 = arith.addi %parallel_loop3A_28, %parallel_loop3A_317 : vector<16xi32>
      %parallel_loop3A_319 = tpu.vector_load_idx %arg5[%parallel_loop3A_318] : memref<33280xf32, #tpu.memory_space<vmem>>[vector<16xi32>], vector<16xf32>,
      %parallel_loop3A_320 = arith.constant 40 : i32
      %parallel_loop3A_321 = vector.broadcast %parallel_loop3A_320 : i32 to vector<16xi32>
      %parallel_loop3A_322 = arith.addi %parallel_loop3A_35, %parallel_loop3A_321 : vector<16xi32>
      tpu.vector_store_idx %arg7[%parallel_loop3A_322], %parallel_loop3A_319 : memref<67584xf32, #tpu.memory_space<vmem>>[vector<16xi32>], vector<16xf32>,
      %parallel_loop3A_323 = arith.constant 41 : i32
      %parallel_loop3A_324 = vector.broadcast %parallel_loop3A_323 : i32 to vector<16xi32>
      %parallel_loop3A_325 = arith.addi %parallel_loop3A_28, %parallel_loop3A_324 : vector<16xi32>
      %parallel_loop3A_326 = tpu.vector_load_idx %arg5[%parallel_loop3A_325] : memref<33280xf32, #tpu.memory_space<vmem>>[vector<16xi32>], vector<16xf32>,
      %parallel_loop3A_327 = arith.constant 41 : i32
      %parallel_loop3A_328 = vector.broadcast %parallel_loop3A_327 : i32 to vector<16xi32>
      %parallel_loop3A_329 = arith.addi %parallel_loop3A_35, %parallel_loop3A_328 : vector<16xi32>
      tpu.vector_store_idx %arg7[%parallel_loop3A_329], %parallel_loop3A_326 : memref<67584xf32, #tpu.memory_space<vmem>>[vector<16xi32>], vector<16xf32>,
      %parallel_loop3A_330 = arith.constant 42 : i32
      %parallel_loop3A_331 = vector.broadcast %parallel_loop3A_330 : i32 to vector<16xi32>
      %parallel_loop3A_332 = arith.addi %parallel_loop3A_28, %parallel_loop3A_331 : vector<16xi32>
      %parallel_loop3A_333 = tpu.vector_load_idx %arg5[%parallel_loop3A_332] : memref<33280xf32, #tpu.memory_space<vmem>>[vector<16xi32>], vector<16xf32>,
      %parallel_loop3A_334 = arith.constant 42 : i32
      %parallel_loop3A_335 = vector.broadcast %parallel_loop3A_334 : i32 to vector<16xi32>
      %parallel_loop3A_336 = arith.addi %parallel_loop3A_35, %parallel_loop3A_335 : vector<16xi32>
      tpu.vector_store_idx %arg7[%parallel_loop3A_336], %parallel_loop3A_333 : memref<67584xf32, #tpu.memory_space<vmem>>[vector<16xi32>], vector<16xf32>,
      %parallel_loop3A_337 = arith.constant 43 : i32
      %parallel_loop3A_338 = vector.broadcast %parallel_loop3A_337 : i32 to vector<16xi32>
      %parallel_loop3A_339 = arith.addi %parallel_loop3A_28, %parallel_loop3A_338 : vector<16xi32>
      %parallel_loop3A_340 = tpu.vector_load_idx %arg5[%parallel_loop3A_339] : memref<33280xf32, #tpu.memory_space<vmem>>[vector<16xi32>], vector<16xf32>,
      %parallel_loop3A_341 = arith.constant 43 : i32
      %parallel_loop3A_342 = vector.broadcast %parallel_loop3A_341 : i32 to vector<16xi32>
      %parallel_loop3A_343 = arith.addi %parallel_loop3A_35, %parallel_loop3A_342 : vector<16xi32>
      tpu.vector_store_idx %arg7[%parallel_loop3A_343], %parallel_loop3A_340 : memref<67584xf32, #tpu.memory_space<vmem>>[vector<16xi32>], vector<16xf32>,
      %parallel_loop3A_344 = arith.constant 44 : i32
      %parallel_loop3A_345 = vector.broadcast %parallel_loop3A_344 : i32 to vector<16xi32>
      %parallel_loop3A_346 = arith.addi %parallel_loop3A_28, %parallel_loop3A_345 : vector<16xi32>
      %parallel_loop3A_347 = tpu.vector_load_idx %arg5[%parallel_loop3A_346] : memref<33280xf32, #tpu.memory_space<vmem>>[vector<16xi32>], vector<16xf32>,
      %parallel_loop3A_348 = arith.constant 44 : i32
      %parallel_loop3A_349 = vector.broadcast %parallel_loop3A_348 : i32 to vector<16xi32>
      %parallel_loop3A_350 = arith.addi %parallel_loop3A_35, %parallel_loop3A_349 : vector<16xi32>
      tpu.vector_store_idx %arg7[%parallel_loop3A_350], %parallel_loop3A_347 : memref<67584xf32, #tpu.memory_space<vmem>>[vector<16xi32>], vector<16xf32>,
      %parallel_loop3A_351 = arith.constant 45 : i32
      %parallel_loop3A_352 = vector.broadcast %parallel_loop3A_351 : i32 to vector<16xi32>
      %parallel_loop3A_353 = arith.addi %parallel_loop3A_28, %parallel_loop3A_352 : vector<16xi32>
      %parallel_loop3A_354 = tpu.vector_load_idx %arg5[%parallel_loop3A_353] : memref<33280xf32, #tpu.memory_space<vmem>>[vector<16xi32>], vector<16xf32>,
      %parallel_loop3A_355 = arith.constant 45 : i32
      %parallel_loop3A_356 = vector.broadcast %parallel_loop3A_355 : i32 to vector<16xi32>
      %parallel_loop3A_357 = arith.addi %parallel_loop3A_35, %parallel_loop3A_356 : vector<16xi32>
      tpu.vector_store_idx %arg7[%parallel_loop3A_357], %parallel_loop3A_354 : memref<67584xf32, #tpu.memory_space<vmem>>[vector<16xi32>], vector<16xf32>,
      %parallel_loop3A_358 = arith.constant 46 : i32
      %parallel_loop3A_359 = vector.broadcast %parallel_loop3A_358 : i32 to vector<16xi32>
      %parallel_loop3A_360 = arith.addi %parallel_loop3A_28, %parallel_loop3A_359 : vector<16xi32>
      %parallel_loop3A_361 = tpu.vector_load_idx %arg5[%parallel_loop3A_360] : memref<33280xf32, #tpu.memory_space<vmem>>[vector<16xi32>], vector<16xf32>,
      %parallel_loop3A_362 = arith.constant 46 : i32
      %parallel_loop3A_363 = vector.broadcast %parallel_loop3A_362 : i32 to vector<16xi32>
      %parallel_loop3A_364 = arith.addi %parallel_loop3A_35, %parallel_loop3A_363 : vector<16xi32>
      tpu.vector_store_idx %arg7[%parallel_loop3A_364], %parallel_loop3A_361 : memref<67584xf32, #tpu.memory_space<vmem>>[vector<16xi32>], vector<16xf32>,
      %parallel_loop3A_365 = arith.constant 47 : i32
      %parallel_loop3A_366 = vector.broadcast %parallel_loop3A_365 : i32 to vector<16xi32>
      %parallel_loop3A_367 = arith.addi %parallel_loop3A_28, %parallel_loop3A_366 : vector<16xi32>
      %parallel_loop3A_368 = tpu.vector_load_idx %arg5[%parallel_loop3A_367] : memref<33280xf32, #tpu.memory_space<vmem>>[vector<16xi32>], vector<16xf32>,
      %parallel_loop3A_369 = arith.constant 47 : i32
      %parallel_loop3A_370 = vector.broadcast %parallel_loop3A_369 : i32 to vector<16xi32>
      %parallel_loop3A_371 = arith.addi %parallel_loop3A_35, %parallel_loop3A_370 : vector<16xi32>
      tpu.vector_store_idx %arg7[%parallel_loop3A_371], %parallel_loop3A_368 : memref<67584xf32, #tpu.memory_space<vmem>>[vector<16xi32>], vector<16xf32>,
      %parallel_loop3A_372 = arith.constant 48 : i32
      %parallel_loop3A_373 = vector.broadcast %parallel_loop3A_372 : i32 to vector<16xi32>
      %parallel_loop3A_374 = arith.addi %parallel_loop3A_28, %parallel_loop3A_373 : vector<16xi32>
      %parallel_loop3A_375 = tpu.vector_load_idx %arg5[%parallel_loop3A_374] : memref<33280xf32, #tpu.memory_space<vmem>>[vector<16xi32>], vector<16xf32>,
      %parallel_loop3A_376 = arith.constant 48 : i32
      %parallel_loop3A_377 = vector.broadcast %parallel_loop3A_376 : i32 to vector<16xi32>
      %parallel_loop3A_378 = arith.addi %parallel_loop3A_35, %parallel_loop3A_377 : vector<16xi32>
      tpu.vector_store_idx %arg7[%parallel_loop3A_378], %parallel_loop3A_375 : memref<67584xf32, #tpu.memory_space<vmem>>[vector<16xi32>], vector<16xf32>,
      %parallel_loop3A_379 = arith.constant 49 : i32
      %parallel_loop3A_380 = vector.broadcast %parallel_loop3A_379 : i32 to vector<16xi32>
      %parallel_loop3A_381 = arith.addi %parallel_loop3A_28, %parallel_loop3A_380 : vector<16xi32>
      %parallel_loop3A_382 = tpu.vector_load_idx %arg5[%parallel_loop3A_381] : memref<33280xf32, #tpu.memory_space<vmem>>[vector<16xi32>], vector<16xf32>,
      %parallel_loop3A_383 = arith.constant 49 : i32
      %parallel_loop3A_384 = vector.broadcast %parallel_loop3A_383 : i32 to vector<16xi32>
      %parallel_loop3A_385 = arith.addi %parallel_loop3A_35, %parallel_loop3A_384 : vector<16xi32>
      tpu.vector_store_idx %arg7[%parallel_loop3A_385], %parallel_loop3A_382 : memref<67584xf32, #tpu.memory_space<vmem>>[vector<16xi32>], vector<16xf32>,
      %parallel_loop3A_386 = arith.constant 50 : i32
      %parallel_loop3A_387 = vector.broadcast %parallel_loop3A_386 : i32 to vector<16xi32>
      %parallel_loop3A_388 = arith.addi %parallel_loop3A_28, %parallel_loop3A_387 : vector<16xi32>
      %parallel_loop3A_389 = tpu.vector_load_idx %arg5[%parallel_loop3A_388] : memref<33280xf32, #tpu.memory_space<vmem>>[vector<16xi32>], vector<16xf32>,
      %parallel_loop3A_390 = arith.constant 50 : i32
      %parallel_loop3A_391 = vector.broadcast %parallel_loop3A_390 : i32 to vector<16xi32>
      %parallel_loop3A_392 = arith.addi %parallel_loop3A_35, %parallel_loop3A_391 : vector<16xi32>
      tpu.vector_store_idx %arg7[%parallel_loop3A_392], %parallel_loop3A_389 : memref<67584xf32, #tpu.memory_space<vmem>>[vector<16xi32>], vector<16xf32>,
      %parallel_loop3A_393 = arith.constant 51 : i32
      %parallel_loop3A_394 = vector.broadcast %parallel_loop3A_393 : i32 to vector<16xi32>
      %parallel_loop3A_395 = arith.addi %parallel_loop3A_28, %parallel_loop3A_394 : vector<16xi32>
      %parallel_loop3A_396 = tpu.vector_load_idx %arg5[%parallel_loop3A_395] : memref<33280xf32, #tpu.memory_space<vmem>>[vector<16xi32>], vector<16xf32>,
      %parallel_loop3A_397 = arith.constant 51 : i32
      %parallel_loop3A_398 = vector.broadcast %parallel_loop3A_397 : i32 to vector<16xi32>
      %parallel_loop3A_399 = arith.addi %parallel_loop3A_35, %parallel_loop3A_398 : vector<16xi32>
      tpu.vector_store_idx %arg7[%parallel_loop3A_399], %parallel_loop3A_396 : memref<67584xf32, #tpu.memory_space<vmem>>[vector<16xi32>], vector<16xf32>,
      %parallel_loop3A_400 = arith.constant 52 : i32
      %parallel_loop3A_401 = vector.broadcast %parallel_loop3A_400 : i32 to vector<16xi32>
      %parallel_loop3A_402 = arith.addi %parallel_loop3A_28, %parallel_loop3A_401 : vector<16xi32>
      %parallel_loop3A_403 = tpu.vector_load_idx %arg5[%parallel_loop3A_402] : memref<33280xf32, #tpu.memory_space<vmem>>[vector<16xi32>], vector<16xf32>,
      %parallel_loop3A_404 = arith.constant 52 : i32
      %parallel_loop3A_405 = vector.broadcast %parallel_loop3A_404 : i32 to vector<16xi32>
      %parallel_loop3A_406 = arith.addi %parallel_loop3A_35, %parallel_loop3A_405 : vector<16xi32>
      tpu.vector_store_idx %arg7[%parallel_loop3A_406], %parallel_loop3A_403 : memref<67584xf32, #tpu.memory_space<vmem>>[vector<16xi32>], vector<16xf32>,
      %parallel_loop3A_407 = arith.constant 53 : i32
      %parallel_loop3A_408 = vector.broadcast %parallel_loop3A_407 : i32 to vector<16xi32>
      %parallel_loop3A_409 = arith.addi %parallel_loop3A_28, %parallel_loop3A_408 : vector<16xi32>
      %parallel_loop3A_410 = tpu.vector_load_idx %arg5[%parallel_loop3A_409] : memref<33280xf32, #tpu.memory_space<vmem>>[vector<16xi32>], vector<16xf32>,
      %parallel_loop3A_411 = arith.constant 53 : i32
      %parallel_loop3A_412 = vector.broadcast %parallel_loop3A_411 : i32 to vector<16xi32>
      %parallel_loop3A_413 = arith.addi %parallel_loop3A_35, %parallel_loop3A_412 : vector<16xi32>
      tpu.vector_store_idx %arg7[%parallel_loop3A_413], %parallel_loop3A_410 : memref<67584xf32, #tpu.memory_space<vmem>>[vector<16xi32>], vector<16xf32>,
      %parallel_loop3A_414 = arith.constant 54 : i32
      %parallel_loop3A_415 = vector.broadcast %parallel_loop3A_414 : i32 to vector<16xi32>
      %parallel_loop3A_416 = arith.addi %parallel_loop3A_28, %parallel_loop3A_415 : vector<16xi32>
      %parallel_loop3A_417 = tpu.vector_load_idx %arg5[%parallel_loop3A_416] : memref<33280xf32, #tpu.memory_space<vmem>>[vector<16xi32>], vector<16xf32>,
      %parallel_loop3A_418 = arith.constant 54 : i32
      %parallel_loop3A_419 = vector.broadcast %parallel_loop3A_418 : i32 to vector<16xi32>
      %parallel_loop3A_420 = arith.addi %parallel_loop3A_35, %parallel_loop3A_419 : vector<16xi32>
      tpu.vector_store_idx %arg7[%parallel_loop3A_420], %parallel_loop3A_417 : memref<67584xf32, #tpu.memory_space<vmem>>[vector<16xi32>], vector<16xf32>,
      %parallel_loop3A_421 = arith.constant 55 : i32
      %parallel_loop3A_422 = vector.broadcast %parallel_loop3A_421 : i32 to vector<16xi32>
      %parallel_loop3A_423 = arith.addi %parallel_loop3A_28, %parallel_loop3A_422 : vector<16xi32>
      %parallel_loop3A_424 = tpu.vector_load_idx %arg5[%parallel_loop3A_423] : memref<33280xf32, #tpu.memory_space<vmem>>[vector<16xi32>], vector<16xf32>,
      %parallel_loop3A_425 = arith.constant 55 : i32
      %parallel_loop3A_426 = vector.broadcast %parallel_loop3A_425 : i32 to vector<16xi32>
      %parallel_loop3A_427 = arith.addi %parallel_loop3A_35, %parallel_loop3A_426 : vector<16xi32>
      tpu.vector_store_idx %arg7[%parallel_loop3A_427], %parallel_loop3A_424 : memref<67584xf32, #tpu.memory_space<vmem>>[vector<16xi32>], vector<16xf32>,
      %parallel_loop3A_428 = arith.constant 56 : i32
      %parallel_loop3A_429 = vector.broadcast %parallel_loop3A_428 : i32 to vector<16xi32>
      %parallel_loop3A_430 = arith.addi %parallel_loop3A_28, %parallel_loop3A_429 : vector<16xi32>
      %parallel_loop3A_431 = tpu.vector_load_idx %arg5[%parallel_loop3A_430] : memref<33280xf32, #tpu.memory_space<vmem>>[vector<16xi32>], vector<16xf32>,
      %parallel_loop3A_432 = arith.constant 56 : i32
      %parallel_loop3A_433 = vector.broadcast %parallel_loop3A_432 : i32 to vector<16xi32>
      %parallel_loop3A_434 = arith.addi %parallel_loop3A_35, %parallel_loop3A_433 : vector<16xi32>
      tpu.vector_store_idx %arg7[%parallel_loop3A_434], %parallel_loop3A_431 : memref<67584xf32, #tpu.memory_space<vmem>>[vector<16xi32>], vector<16xf32>,
      %parallel_loop3A_435 = arith.constant 57 : i32
      %parallel_loop3A_436 = vector.broadcast %parallel_loop3A_435 : i32 to vector<16xi32>
      %parallel_loop3A_437 = arith.addi %parallel_loop3A_28, %parallel_loop3A_436 : vector<16xi32>
      %parallel_loop3A_438 = tpu.vector_load_idx %arg5[%parallel_loop3A_437] : memref<33280xf32, #tpu.memory_space<vmem>>[vector<16xi32>], vector<16xf32>,
      %parallel_loop3A_439 = arith.constant 57 : i32
      %parallel_loop3A_440 = vector.broadcast %parallel_loop3A_439 : i32 to vector<16xi32>
      %parallel_loop3A_441 = arith.addi %parallel_loop3A_35, %parallel_loop3A_440 : vector<16xi32>
      tpu.vector_store_idx %arg7[%parallel_loop3A_441], %parallel_loop3A_438 : memref<67584xf32, #tpu.memory_space<vmem>>[vector<16xi32>], vector<16xf32>,
      %parallel_loop3A_442 = arith.constant 58 : i32
      %parallel_loop3A_443 = vector.broadcast %parallel_loop3A_442 : i32 to vector<16xi32>
      %parallel_loop3A_444 = arith.addi %parallel_loop3A_28, %parallel_loop3A_443 : vector<16xi32>
      %parallel_loop3A_445 = tpu.vector_load_idx %arg5[%parallel_loop3A_444] : memref<33280xf32, #tpu.memory_space<vmem>>[vector<16xi32>], vector<16xf32>,
      %parallel_loop3A_446 = arith.constant 58 : i32
      %parallel_loop3A_447 = vector.broadcast %parallel_loop3A_446 : i32 to vector<16xi32>
      %parallel_loop3A_448 = arith.addi %parallel_loop3A_35, %parallel_loop3A_447 : vector<16xi32>
      tpu.vector_store_idx %arg7[%parallel_loop3A_448], %parallel_loop3A_445 : memref<67584xf32, #tpu.memory_space<vmem>>[vector<16xi32>], vector<16xf32>,
      %parallel_loop3A_449 = arith.constant 59 : i32
      %parallel_loop3A_450 = vector.broadcast %parallel_loop3A_449 : i32 to vector<16xi32>
      %parallel_loop3A_451 = arith.addi %parallel_loop3A_28, %parallel_loop3A_450 : vector<16xi32>
      %parallel_loop3A_452 = tpu.vector_load_idx %arg5[%parallel_loop3A_451] : memref<33280xf32, #tpu.memory_space<vmem>>[vector<16xi32>], vector<16xf32>,
      %parallel_loop3A_453 = arith.constant 59 : i32
      %parallel_loop3A_454 = vector.broadcast %parallel_loop3A_453 : i32 to vector<16xi32>
      %parallel_loop3A_455 = arith.addi %parallel_loop3A_35, %parallel_loop3A_454 : vector<16xi32>
      tpu.vector_store_idx %arg7[%parallel_loop3A_455], %parallel_loop3A_452 : memref<67584xf32, #tpu.memory_space<vmem>>[vector<16xi32>], vector<16xf32>,
      %parallel_loop3A_456 = arith.constant 60 : i32
      %parallel_loop3A_457 = vector.broadcast %parallel_loop3A_456 : i32 to vector<16xi32>
      %parallel_loop3A_458 = arith.addi %parallel_loop3A_28, %parallel_loop3A_457 : vector<16xi32>
      %parallel_loop3A_459 = tpu.vector_load_idx %arg5[%parallel_loop3A_458] : memref<33280xf32, #tpu.memory_space<vmem>>[vector<16xi32>], vector<16xf32>,
      %parallel_loop3A_460 = arith.constant 60 : i32
      %parallel_loop3A_461 = vector.broadcast %parallel_loop3A_460 : i32 to vector<16xi32>
      %parallel_loop3A_462 = arith.addi %parallel_loop3A_35, %parallel_loop3A_461 : vector<16xi32>
      tpu.vector_store_idx %arg7[%parallel_loop3A_462], %parallel_loop3A_459 : memref<67584xf32, #tpu.memory_space<vmem>>[vector<16xi32>], vector<16xf32>,
      %parallel_loop3A_463 = arith.constant 61 : i32
      %parallel_loop3A_464 = vector.broadcast %parallel_loop3A_463 : i32 to vector<16xi32>
      %parallel_loop3A_465 = arith.addi %parallel_loop3A_28, %parallel_loop3A_464 : vector<16xi32>
      %parallel_loop3A_466 = tpu.vector_load_idx %arg5[%parallel_loop3A_465] : memref<33280xf32, #tpu.memory_space<vmem>>[vector<16xi32>], vector<16xf32>,
      %parallel_loop3A_467 = arith.constant 61 : i32
      %parallel_loop3A_468 = vector.broadcast %parallel_loop3A_467 : i32 to vector<16xi32>
      %parallel_loop3A_469 = arith.addi %parallel_loop3A_35, %parallel_loop3A_468 : vector<16xi32>
      tpu.vector_store_idx %arg7[%parallel_loop3A_469], %parallel_loop3A_466 : memref<67584xf32, #tpu.memory_space<vmem>>[vector<16xi32>], vector<16xf32>,
      %parallel_loop3A_470 = arith.constant 62 : i32
      %parallel_loop3A_471 = vector.broadcast %parallel_loop3A_470 : i32 to vector<16xi32>
      %parallel_loop3A_472 = arith.addi %parallel_loop3A_28, %parallel_loop3A_471 : vector<16xi32>
      %parallel_loop3A_473 = tpu.vector_load_idx %arg5[%parallel_loop3A_472] : memref<33280xf32, #tpu.memory_space<vmem>>[vector<16xi32>], vector<16xf32>,
      %parallel_loop3A_474 = arith.constant 62 : i32
      %parallel_loop3A_475 = vector.broadcast %parallel_loop3A_474 : i32 to vector<16xi32>
      %parallel_loop3A_476 = arith.addi %parallel_loop3A_35, %parallel_loop3A_475 : vector<16xi32>
      tpu.vector_store_idx %arg7[%parallel_loop3A_476], %parallel_loop3A_473 : memref<67584xf32, #tpu.memory_space<vmem>>[vector<16xi32>], vector<16xf32>,
      %parallel_loop3A_477 = arith.constant 63 : i32
      %parallel_loop3A_478 = vector.broadcast %parallel_loop3A_477 : i32 to vector<16xi32>
      %parallel_loop3A_479 = arith.addi %parallel_loop3A_28, %parallel_loop3A_478 : vector<16xi32>
      %parallel_loop3A_480 = tpu.vector_load_idx %arg5[%parallel_loop3A_479] : memref<33280xf32, #tpu.memory_space<vmem>>[vector<16xi32>], vector<16xf32>,
      %parallel_loop3A_481 = arith.constant 63 : i32
      %parallel_loop3A_482 = vector.broadcast %parallel_loop3A_481 : i32 to vector<16xi32>
      %parallel_loop3A_483 = arith.addi %parallel_loop3A_35, %parallel_loop3A_482 : vector<16xi32>
      tpu.vector_store_idx %arg7[%parallel_loop3A_483], %parallel_loop3A_480 : memref<67584xf32, #tpu.memory_space<vmem>>[vector<16xi32>], vector<16xf32>,
    } {sc.loop_unroll_factor = 4 : i64, sc.parallel_access}
    %add3A_7 = arith.constant 0 : i32
    %add3A_8 = arith.addi %mul3A_4, %add3A_7 : i32
    "tpu.region"() ({
      %run_scoped3A = tpu.sem_alloc : memref<!tpu.dma_semaphore, #tpu.memory_space<semaphore_mem>>
      %dma_start3A = tpu.memref_slice %arg4[%add3A_8] : memref<6488064xf32, #tpu.memory_space<hbm>> -> memref<67584xf32, #tpu.memory_space<hbm>>
      %dma_start3A_19 = tpu.memref_slice %arg4[%add3A_8] : memref<6488064xf32, #tpu.memory_space<hbm>> -> memref<67584xf32, #tpu.memory_space<hbm>>
      tpu.enqueue_dma source(%arg7 : memref<67584xf32, #tpu.memory_space<vmem>>) target(%dma_start3A_19 : memref<67584xf32, #tpu.memory_space<hbm>>) target_semaphore(%run_scoped3A : memref<!tpu.dma_semaphore, #tpu.memory_space<semaphore_mem>>)
      %dma_wait3A = tpu.memref_slice %arg4[%add3A_8] : memref<6488064xf32, #tpu.memory_space<hbm>> -> memref<67584xf32, #tpu.memory_space<hbm>>
      %dma_wait3A_20 = tpu.memref_slice %arg4[%add3A_8] : memref<6488064xf32, #tpu.memory_space<hbm>> -> memref<67584xf32, #tpu.memory_space<hbm>>
      tpu.wait_dma2 semaphore(%run_scoped3A : memref<!tpu.dma_semaphore, #tpu.memory_space<semaphore_mem>>) src(%arg7 : memref<67584xf32, #tpu.memory_space<vmem>>) dst(%dma_wait3A_20 : memref<67584xf32, #tpu.memory_space<hbm>>)
      tpu.yield
    }) : () -> ()
    %parallel_loop3A_9 = arith.constant 0 : i32
    %parallel_loop3A_10 = arith.constant 66 : i32
    %parallel_loop3A_11 = arith.constant 1 : i32
    scf.for %parallel_loop3A_19 = %parallel_loop3A_9 to %parallel_loop3A_10 step %parallel_loop3A_11  : i32 {
      %parallel_loop3A_20 = arith.constant 16 : i32
      %parallel_loop3A_21 = arith.muli %parallel_loop3A_19, %parallel_loop3A_20 : i32
      %parallel_loop3A_22 = arith.constant 1056 : i32
      %parallel_loop3A_23 = arith.addi %parallel_loop3A_22, %parallel_loop3A_21 : i32
      %parallel_loop3A_24 = arith.index_cast %parallel_loop3A_23 : i32 to index
      %parallel_loop3A_25 = tpu.vector_load %arg6[%parallel_loop3A_24] {strides = array<i32>} : memref<3168xi32, #tpu.memory_space<vmem>>, vector<16xi32>,
      %parallel_loop3A_26 = arith.constant 64 : i32
      %parallel_loop3A_27 = vector.broadcast %parallel_loop3A_26 : i32 to vector<16xi32>
      %parallel_loop3A_28 = arith.muli %parallel_loop3A_25, %parallel_loop3A_27 : vector<16xi32>
      %parallel_loop3A_29 = arith.constant 1024 : i32
      %parallel_loop3A_30 = arith.muli %parallel_loop3A_19, %parallel_loop3A_29 : i32
      %parallel_loop3A_31 = arith.constant 64 : i32
      %parallel_loop3A_32 = vector.broadcast %parallel_loop3A_31 : i32 to vector<16xi32>
      %parallel_loop3A_33 = arith.muli %iota3A, %parallel_loop3A_32 : vector<16xi32>
      %parallel_loop3A_34 = vector.broadcast %parallel_loop3A_30 : i32 to vector<16xi32>
      %parallel_loop3A_35 = arith.addi %parallel_loop3A_34, %parallel_loop3A_33 : vector<16xi32>
      %parallel_loop3A_36 = arith.constant 0 : i32
      %parallel_loop3A_37 = vector.broadcast %parallel_loop3A_36 : i32 to vector<16xi32>
      %parallel_loop3A_38 = arith.addi %parallel_loop3A_28, %parallel_loop3A_37 : vector<16xi32>
      %parallel_loop3A_39 = tpu.vector_load_idx %arg5[%parallel_loop3A_38] : memref<33280xf32, #tpu.memory_space<vmem>>[vector<16xi32>], vector<16xf32>,
      %parallel_loop3A_40 = arith.constant 0 : i32
      %parallel_loop3A_41 = vector.broadcast %parallel_loop3A_40 : i32 to vector<16xi32>
      %parallel_loop3A_42 = arith.addi %parallel_loop3A_35, %parallel_loop3A_41 : vector<16xi32>
      tpu.vector_store_idx %arg7[%parallel_loop3A_42], %parallel_loop3A_39 : memref<67584xf32, #tpu.memory_space<vmem>>[vector<16xi32>], vector<16xf32>,
      %parallel_loop3A_43 = arith.constant 1 : i32
      %parallel_loop3A_44 = vector.broadcast %parallel_loop3A_43 : i32 to vector<16xi32>
      %parallel_loop3A_45 = arith.addi %parallel_loop3A_28, %parallel_loop3A_44 : vector<16xi32>
      %parallel_loop3A_46 = tpu.vector_load_idx %arg5[%parallel_loop3A_45] : memref<33280xf32, #tpu.memory_space<vmem>>[vector<16xi32>], vector<16xf32>,
      %parallel_loop3A_47 = arith.constant 1 : i32
      %parallel_loop3A_48 = vector.broadcast %parallel_loop3A_47 : i32 to vector<16xi32>
      %parallel_loop3A_49 = arith.addi %parallel_loop3A_35, %parallel_loop3A_48 : vector<16xi32>
      tpu.vector_store_idx %arg7[%parallel_loop3A_49], %parallel_loop3A_46 : memref<67584xf32, #tpu.memory_space<vmem>>[vector<16xi32>], vector<16xf32>,
      %parallel_loop3A_50 = arith.constant 2 : i32
      %parallel_loop3A_51 = vector.broadcast %parallel_loop3A_50 : i32 to vector<16xi32>
      %parallel_loop3A_52 = arith.addi %parallel_loop3A_28, %parallel_loop3A_51 : vector<16xi32>
      %parallel_loop3A_53 = tpu.vector_load_idx %arg5[%parallel_loop3A_52] : memref<33280xf32, #tpu.memory_space<vmem>>[vector<16xi32>], vector<16xf32>,
      %parallel_loop3A_54 = arith.constant 2 : i32
      %parallel_loop3A_55 = vector.broadcast %parallel_loop3A_54 : i32 to vector<16xi32>
      %parallel_loop3A_56 = arith.addi %parallel_loop3A_35, %parallel_loop3A_55 : vector<16xi32>
      tpu.vector_store_idx %arg7[%parallel_loop3A_56], %parallel_loop3A_53 : memref<67584xf32, #tpu.memory_space<vmem>>[vector<16xi32>], vector<16xf32>,
      %parallel_loop3A_57 = arith.constant 3 : i32
      %parallel_loop3A_58 = vector.broadcast %parallel_loop3A_57 : i32 to vector<16xi32>
      %parallel_loop3A_59 = arith.addi %parallel_loop3A_28, %parallel_loop3A_58 : vector<16xi32>
      %parallel_loop3A_60 = tpu.vector_load_idx %arg5[%parallel_loop3A_59] : memref<33280xf32, #tpu.memory_space<vmem>>[vector<16xi32>], vector<16xf32>,
      %parallel_loop3A_61 = arith.constant 3 : i32
      %parallel_loop3A_62 = vector.broadcast %parallel_loop3A_61 : i32 to vector<16xi32>
      %parallel_loop3A_63 = arith.addi %parallel_loop3A_35, %parallel_loop3A_62 : vector<16xi32>
      tpu.vector_store_idx %arg7[%parallel_loop3A_63], %parallel_loop3A_60 : memref<67584xf32, #tpu.memory_space<vmem>>[vector<16xi32>], vector<16xf32>,
      %parallel_loop3A_64 = arith.constant 4 : i32
      %parallel_loop3A_65 = vector.broadcast %parallel_loop3A_64 : i32 to vector<16xi32>
      %parallel_loop3A_66 = arith.addi %parallel_loop3A_28, %parallel_loop3A_65 : vector<16xi32>
      %parallel_loop3A_67 = tpu.vector_load_idx %arg5[%parallel_loop3A_66] : memref<33280xf32, #tpu.memory_space<vmem>>[vector<16xi32>], vector<16xf32>,
      %parallel_loop3A_68 = arith.constant 4 : i32
      %parallel_loop3A_69 = vector.broadcast %parallel_loop3A_68 : i32 to vector<16xi32>
      %parallel_loop3A_70 = arith.addi %parallel_loop3A_35, %parallel_loop3A_69 : vector<16xi32>
      tpu.vector_store_idx %arg7[%parallel_loop3A_70], %parallel_loop3A_67 : memref<67584xf32, #tpu.memory_space<vmem>>[vector<16xi32>], vector<16xf32>,
      %parallel_loop3A_71 = arith.constant 5 : i32
      %parallel_loop3A_72 = vector.broadcast %parallel_loop3A_71 : i32 to vector<16xi32>
      %parallel_loop3A_73 = arith.addi %parallel_loop3A_28, %parallel_loop3A_72 : vector<16xi32>
      %parallel_loop3A_74 = tpu.vector_load_idx %arg5[%parallel_loop3A_73] : memref<33280xf32, #tpu.memory_space<vmem>>[vector<16xi32>], vector<16xf32>,
      %parallel_loop3A_75 = arith.constant 5 : i32
      %parallel_loop3A_76 = vector.broadcast %parallel_loop3A_75 : i32 to vector<16xi32>
      %parallel_loop3A_77 = arith.addi %parallel_loop3A_35, %parallel_loop3A_76 : vector<16xi32>
      tpu.vector_store_idx %arg7[%parallel_loop3A_77], %parallel_loop3A_74 : memref<67584xf32, #tpu.memory_space<vmem>>[vector<16xi32>], vector<16xf32>,
      %parallel_loop3A_78 = arith.constant 6 : i32
      %parallel_loop3A_79 = vector.broadcast %parallel_loop3A_78 : i32 to vector<16xi32>
      %parallel_loop3A_80 = arith.addi %parallel_loop3A_28, %parallel_loop3A_79 : vector<16xi32>
      %parallel_loop3A_81 = tpu.vector_load_idx %arg5[%parallel_loop3A_80] : memref<33280xf32, #tpu.memory_space<vmem>>[vector<16xi32>], vector<16xf32>,
      %parallel_loop3A_82 = arith.constant 6 : i32
      %parallel_loop3A_83 = vector.broadcast %parallel_loop3A_82 : i32 to vector<16xi32>
      %parallel_loop3A_84 = arith.addi %parallel_loop3A_35, %parallel_loop3A_83 : vector<16xi32>
      tpu.vector_store_idx %arg7[%parallel_loop3A_84], %parallel_loop3A_81 : memref<67584xf32, #tpu.memory_space<vmem>>[vector<16xi32>], vector<16xf32>,
      %parallel_loop3A_85 = arith.constant 7 : i32
      %parallel_loop3A_86 = vector.broadcast %parallel_loop3A_85 : i32 to vector<16xi32>
      %parallel_loop3A_87 = arith.addi %parallel_loop3A_28, %parallel_loop3A_86 : vector<16xi32>
      %parallel_loop3A_88 = tpu.vector_load_idx %arg5[%parallel_loop3A_87] : memref<33280xf32, #tpu.memory_space<vmem>>[vector<16xi32>], vector<16xf32>,
      %parallel_loop3A_89 = arith.constant 7 : i32
      %parallel_loop3A_90 = vector.broadcast %parallel_loop3A_89 : i32 to vector<16xi32>
      %parallel_loop3A_91 = arith.addi %parallel_loop3A_35, %parallel_loop3A_90 : vector<16xi32>
      tpu.vector_store_idx %arg7[%parallel_loop3A_91], %parallel_loop3A_88 : memref<67584xf32, #tpu.memory_space<vmem>>[vector<16xi32>], vector<16xf32>,
      %parallel_loop3A_92 = arith.constant 8 : i32
      %parallel_loop3A_93 = vector.broadcast %parallel_loop3A_92 : i32 to vector<16xi32>
      %parallel_loop3A_94 = arith.addi %parallel_loop3A_28, %parallel_loop3A_93 : vector<16xi32>
      %parallel_loop3A_95 = tpu.vector_load_idx %arg5[%parallel_loop3A_94] : memref<33280xf32, #tpu.memory_space<vmem>>[vector<16xi32>], vector<16xf32>,
      %parallel_loop3A_96 = arith.constant 8 : i32
      %parallel_loop3A_97 = vector.broadcast %parallel_loop3A_96 : i32 to vector<16xi32>
      %parallel_loop3A_98 = arith.addi %parallel_loop3A_35, %parallel_loop3A_97 : vector<16xi32>
      tpu.vector_store_idx %arg7[%parallel_loop3A_98], %parallel_loop3A_95 : memref<67584xf32, #tpu.memory_space<vmem>>[vector<16xi32>], vector<16xf32>,
      %parallel_loop3A_99 = arith.constant 9 : i32
      %parallel_loop3A_100 = vector.broadcast %parallel_loop3A_99 : i32 to vector<16xi32>
      %parallel_loop3A_101 = arith.addi %parallel_loop3A_28, %parallel_loop3A_100 : vector<16xi32>
      %parallel_loop3A_102 = tpu.vector_load_idx %arg5[%parallel_loop3A_101] : memref<33280xf32, #tpu.memory_space<vmem>>[vector<16xi32>], vector<16xf32>,
      %parallel_loop3A_103 = arith.constant 9 : i32
      %parallel_loop3A_104 = vector.broadcast %parallel_loop3A_103 : i32 to vector<16xi32>
      %parallel_loop3A_105 = arith.addi %parallel_loop3A_35, %parallel_loop3A_104 : vector<16xi32>
      tpu.vector_store_idx %arg7[%parallel_loop3A_105], %parallel_loop3A_102 : memref<67584xf32, #tpu.memory_space<vmem>>[vector<16xi32>], vector<16xf32>,
      %parallel_loop3A_106 = arith.constant 10 : i32
      %parallel_loop3A_107 = vector.broadcast %parallel_loop3A_106 : i32 to vector<16xi32>
      %parallel_loop3A_108 = arith.addi %parallel_loop3A_28, %parallel_loop3A_107 : vector<16xi32>
      %parallel_loop3A_109 = tpu.vector_load_idx %arg5[%parallel_loop3A_108] : memref<33280xf32, #tpu.memory_space<vmem>>[vector<16xi32>], vector<16xf32>,
      %parallel_loop3A_110 = arith.constant 10 : i32
      %parallel_loop3A_111 = vector.broadcast %parallel_loop3A_110 : i32 to vector<16xi32>
      %parallel_loop3A_112 = arith.addi %parallel_loop3A_35, %parallel_loop3A_111 : vector<16xi32>
      tpu.vector_store_idx %arg7[%parallel_loop3A_112], %parallel_loop3A_109 : memref<67584xf32, #tpu.memory_space<vmem>>[vector<16xi32>], vector<16xf32>,
      %parallel_loop3A_113 = arith.constant 11 : i32
      %parallel_loop3A_114 = vector.broadcast %parallel_loop3A_113 : i32 to vector<16xi32>
      %parallel_loop3A_115 = arith.addi %parallel_loop3A_28, %parallel_loop3A_114 : vector<16xi32>
      %parallel_loop3A_116 = tpu.vector_load_idx %arg5[%parallel_loop3A_115] : memref<33280xf32, #tpu.memory_space<vmem>>[vector<16xi32>], vector<16xf32>,
      %parallel_loop3A_117 = arith.constant 11 : i32
      %parallel_loop3A_118 = vector.broadcast %parallel_loop3A_117 : i32 to vector<16xi32>
      %parallel_loop3A_119 = arith.addi %parallel_loop3A_35, %parallel_loop3A_118 : vector<16xi32>
      tpu.vector_store_idx %arg7[%parallel_loop3A_119], %parallel_loop3A_116 : memref<67584xf32, #tpu.memory_space<vmem>>[vector<16xi32>], vector<16xf32>,
      %parallel_loop3A_120 = arith.constant 12 : i32
      %parallel_loop3A_121 = vector.broadcast %parallel_loop3A_120 : i32 to vector<16xi32>
      %parallel_loop3A_122 = arith.addi %parallel_loop3A_28, %parallel_loop3A_121 : vector<16xi32>
      %parallel_loop3A_123 = tpu.vector_load_idx %arg5[%parallel_loop3A_122] : memref<33280xf32, #tpu.memory_space<vmem>>[vector<16xi32>], vector<16xf32>,
      %parallel_loop3A_124 = arith.constant 12 : i32
      %parallel_loop3A_125 = vector.broadcast %parallel_loop3A_124 : i32 to vector<16xi32>
      %parallel_loop3A_126 = arith.addi %parallel_loop3A_35, %parallel_loop3A_125 : vector<16xi32>
      tpu.vector_store_idx %arg7[%parallel_loop3A_126], %parallel_loop3A_123 : memref<67584xf32, #tpu.memory_space<vmem>>[vector<16xi32>], vector<16xf32>,
      %parallel_loop3A_127 = arith.constant 13 : i32
      %parallel_loop3A_128 = vector.broadcast %parallel_loop3A_127 : i32 to vector<16xi32>
      %parallel_loop3A_129 = arith.addi %parallel_loop3A_28, %parallel_loop3A_128 : vector<16xi32>
      %parallel_loop3A_130 = tpu.vector_load_idx %arg5[%parallel_loop3A_129] : memref<33280xf32, #tpu.memory_space<vmem>>[vector<16xi32>], vector<16xf32>,
      %parallel_loop3A_131 = arith.constant 13 : i32
      %parallel_loop3A_132 = vector.broadcast %parallel_loop3A_131 : i32 to vector<16xi32>
      %parallel_loop3A_133 = arith.addi %parallel_loop3A_35, %parallel_loop3A_132 : vector<16xi32>
      tpu.vector_store_idx %arg7[%parallel_loop3A_133], %parallel_loop3A_130 : memref<67584xf32, #tpu.memory_space<vmem>>[vector<16xi32>], vector<16xf32>,
      %parallel_loop3A_134 = arith.constant 14 : i32
      %parallel_loop3A_135 = vector.broadcast %parallel_loop3A_134 : i32 to vector<16xi32>
      %parallel_loop3A_136 = arith.addi %parallel_loop3A_28, %parallel_loop3A_135 : vector<16xi32>
      %parallel_loop3A_137 = tpu.vector_load_idx %arg5[%parallel_loop3A_136] : memref<33280xf32, #tpu.memory_space<vmem>>[vector<16xi32>], vector<16xf32>,
      %parallel_loop3A_138 = arith.constant 14 : i32
      %parallel_loop3A_139 = vector.broadcast %parallel_loop3A_138 : i32 to vector<16xi32>
      %parallel_loop3A_140 = arith.addi %parallel_loop3A_35, %parallel_loop3A_139 : vector<16xi32>
      tpu.vector_store_idx %arg7[%parallel_loop3A_140], %parallel_loop3A_137 : memref<67584xf32, #tpu.memory_space<vmem>>[vector<16xi32>], vector<16xf32>,
      %parallel_loop3A_141 = arith.constant 15 : i32
      %parallel_loop3A_142 = vector.broadcast %parallel_loop3A_141 : i32 to vector<16xi32>
      %parallel_loop3A_143 = arith.addi %parallel_loop3A_28, %parallel_loop3A_142 : vector<16xi32>
      %parallel_loop3A_144 = tpu.vector_load_idx %arg5[%parallel_loop3A_143] : memref<33280xf32, #tpu.memory_space<vmem>>[vector<16xi32>], vector<16xf32>,
      %parallel_loop3A_145 = arith.constant 15 : i32
      %parallel_loop3A_146 = vector.broadcast %parallel_loop3A_145 : i32 to vector<16xi32>
      %parallel_loop3A_147 = arith.addi %parallel_loop3A_35, %parallel_loop3A_146 : vector<16xi32>
      tpu.vector_store_idx %arg7[%parallel_loop3A_147], %parallel_loop3A_144 : memref<67584xf32, #tpu.memory_space<vmem>>[vector<16xi32>], vector<16xf32>,
      %parallel_loop3A_148 = arith.constant 16 : i32
      %parallel_loop3A_149 = vector.broadcast %parallel_loop3A_148 : i32 to vector<16xi32>
      %parallel_loop3A_150 = arith.addi %parallel_loop3A_28, %parallel_loop3A_149 : vector<16xi32>
      %parallel_loop3A_151 = tpu.vector_load_idx %arg5[%parallel_loop3A_150] : memref<33280xf32, #tpu.memory_space<vmem>>[vector<16xi32>], vector<16xf32>,
      %parallel_loop3A_152 = arith.constant 16 : i32
      %parallel_loop3A_153 = vector.broadcast %parallel_loop3A_152 : i32 to vector<16xi32>
      %parallel_loop3A_154 = arith.addi %parallel_loop3A_35, %parallel_loop3A_153 : vector<16xi32>
      tpu.vector_store_idx %arg7[%parallel_loop3A_154], %parallel_loop3A_151 : memref<67584xf32, #tpu.memory_space<vmem>>[vector<16xi32>], vector<16xf32>,
      %parallel_loop3A_155 = arith.constant 17 : i32
      %parallel_loop3A_156 = vector.broadcast %parallel_loop3A_155 : i32 to vector<16xi32>
      %parallel_loop3A_157 = arith.addi %parallel_loop3A_28, %parallel_loop3A_156 : vector<16xi32>
      %parallel_loop3A_158 = tpu.vector_load_idx %arg5[%parallel_loop3A_157] : memref<33280xf32, #tpu.memory_space<vmem>>[vector<16xi32>], vector<16xf32>,
      %parallel_loop3A_159 = arith.constant 17 : i32
      %parallel_loop3A_160 = vector.broadcast %parallel_loop3A_159 : i32 to vector<16xi32>
      %parallel_loop3A_161 = arith.addi %parallel_loop3A_35, %parallel_loop3A_160 : vector<16xi32>
      tpu.vector_store_idx %arg7[%parallel_loop3A_161], %parallel_loop3A_158 : memref<67584xf32, #tpu.memory_space<vmem>>[vector<16xi32>], vector<16xf32>,
      %parallel_loop3A_162 = arith.constant 18 : i32
      %parallel_loop3A_163 = vector.broadcast %parallel_loop3A_162 : i32 to vector<16xi32>
      %parallel_loop3A_164 = arith.addi %parallel_loop3A_28, %parallel_loop3A_163 : vector<16xi32>
      %parallel_loop3A_165 = tpu.vector_load_idx %arg5[%parallel_loop3A_164] : memref<33280xf32, #tpu.memory_space<vmem>>[vector<16xi32>], vector<16xf32>,
      %parallel_loop3A_166 = arith.constant 18 : i32
      %parallel_loop3A_167 = vector.broadcast %parallel_loop3A_166 : i32 to vector<16xi32>
      %parallel_loop3A_168 = arith.addi %parallel_loop3A_35, %parallel_loop3A_167 : vector<16xi32>
      tpu.vector_store_idx %arg7[%parallel_loop3A_168], %parallel_loop3A_165 : memref<67584xf32, #tpu.memory_space<vmem>>[vector<16xi32>], vector<16xf32>,
      %parallel_loop3A_169 = arith.constant 19 : i32
      %parallel_loop3A_170 = vector.broadcast %parallel_loop3A_169 : i32 to vector<16xi32>
      %parallel_loop3A_171 = arith.addi %parallel_loop3A_28, %parallel_loop3A_170 : vector<16xi32>
      %parallel_loop3A_172 = tpu.vector_load_idx %arg5[%parallel_loop3A_171] : memref<33280xf32, #tpu.memory_space<vmem>>[vector<16xi32>], vector<16xf32>,
      %parallel_loop3A_173 = arith.constant 19 : i32
      %parallel_loop3A_174 = vector.broadcast %parallel_loop3A_173 : i32 to vector<16xi32>
      %parallel_loop3A_175 = arith.addi %parallel_loop3A_35, %parallel_loop3A_174 : vector<16xi32>
      tpu.vector_store_idx %arg7[%parallel_loop3A_175], %parallel_loop3A_172 : memref<67584xf32, #tpu.memory_space<vmem>>[vector<16xi32>], vector<16xf32>,
      %parallel_loop3A_176 = arith.constant 20 : i32
      %parallel_loop3A_177 = vector.broadcast %parallel_loop3A_176 : i32 to vector<16xi32>
      %parallel_loop3A_178 = arith.addi %parallel_loop3A_28, %parallel_loop3A_177 : vector<16xi32>
      %parallel_loop3A_179 = tpu.vector_load_idx %arg5[%parallel_loop3A_178] : memref<33280xf32, #tpu.memory_space<vmem>>[vector<16xi32>], vector<16xf32>,
      %parallel_loop3A_180 = arith.constant 20 : i32
      %parallel_loop3A_181 = vector.broadcast %parallel_loop3A_180 : i32 to vector<16xi32>
      %parallel_loop3A_182 = arith.addi %parallel_loop3A_35, %parallel_loop3A_181 : vector<16xi32>
      tpu.vector_store_idx %arg7[%parallel_loop3A_182], %parallel_loop3A_179 : memref<67584xf32, #tpu.memory_space<vmem>>[vector<16xi32>], vector<16xf32>,
      %parallel_loop3A_183 = arith.constant 21 : i32
      %parallel_loop3A_184 = vector.broadcast %parallel_loop3A_183 : i32 to vector<16xi32>
      %parallel_loop3A_185 = arith.addi %parallel_loop3A_28, %parallel_loop3A_184 : vector<16xi32>
      %parallel_loop3A_186 = tpu.vector_load_idx %arg5[%parallel_loop3A_185] : memref<33280xf32, #tpu.memory_space<vmem>>[vector<16xi32>], vector<16xf32>,
      %parallel_loop3A_187 = arith.constant 21 : i32
      %parallel_loop3A_188 = vector.broadcast %parallel_loop3A_187 : i32 to vector<16xi32>
      %parallel_loop3A_189 = arith.addi %parallel_loop3A_35, %parallel_loop3A_188 : vector<16xi32>
      tpu.vector_store_idx %arg7[%parallel_loop3A_189], %parallel_loop3A_186 : memref<67584xf32, #tpu.memory_space<vmem>>[vector<16xi32>], vector<16xf32>,
      %parallel_loop3A_190 = arith.constant 22 : i32
      %parallel_loop3A_191 = vector.broadcast %parallel_loop3A_190 : i32 to vector<16xi32>
      %parallel_loop3A_192 = arith.addi %parallel_loop3A_28, %parallel_loop3A_191 : vector<16xi32>
      %parallel_loop3A_193 = tpu.vector_load_idx %arg5[%parallel_loop3A_192] : memref<33280xf32, #tpu.memory_space<vmem>>[vector<16xi32>], vector<16xf32>,
      %parallel_loop3A_194 = arith.constant 22 : i32
      %parallel_loop3A_195 = vector.broadcast %parallel_loop3A_194 : i32 to vector<16xi32>
      %parallel_loop3A_196 = arith.addi %parallel_loop3A_35, %parallel_loop3A_195 : vector<16xi32>
      tpu.vector_store_idx %arg7[%parallel_loop3A_196], %parallel_loop3A_193 : memref<67584xf32, #tpu.memory_space<vmem>>[vector<16xi32>], vector<16xf32>,
      %parallel_loop3A_197 = arith.constant 23 : i32
      %parallel_loop3A_198 = vector.broadcast %parallel_loop3A_197 : i32 to vector<16xi32>
      %parallel_loop3A_199 = arith.addi %parallel_loop3A_28, %parallel_loop3A_198 : vector<16xi32>
      %parallel_loop3A_200 = tpu.vector_load_idx %arg5[%parallel_loop3A_199] : memref<33280xf32, #tpu.memory_space<vmem>>[vector<16xi32>], vector<16xf32>,
      %parallel_loop3A_201 = arith.constant 23 : i32
      %parallel_loop3A_202 = vector.broadcast %parallel_loop3A_201 : i32 to vector<16xi32>
      %parallel_loop3A_203 = arith.addi %parallel_loop3A_35, %parallel_loop3A_202 : vector<16xi32>
      tpu.vector_store_idx %arg7[%parallel_loop3A_203], %parallel_loop3A_200 : memref<67584xf32, #tpu.memory_space<vmem>>[vector<16xi32>], vector<16xf32>,
      %parallel_loop3A_204 = arith.constant 24 : i32
      %parallel_loop3A_205 = vector.broadcast %parallel_loop3A_204 : i32 to vector<16xi32>
      %parallel_loop3A_206 = arith.addi %parallel_loop3A_28, %parallel_loop3A_205 : vector<16xi32>
      %parallel_loop3A_207 = tpu.vector_load_idx %arg5[%parallel_loop3A_206] : memref<33280xf32, #tpu.memory_space<vmem>>[vector<16xi32>], vector<16xf32>,
      %parallel_loop3A_208 = arith.constant 24 : i32
      %parallel_loop3A_209 = vector.broadcast %parallel_loop3A_208 : i32 to vector<16xi32>
      %parallel_loop3A_210 = arith.addi %parallel_loop3A_35, %parallel_loop3A_209 : vector<16xi32>
      tpu.vector_store_idx %arg7[%parallel_loop3A_210], %parallel_loop3A_207 : memref<67584xf32, #tpu.memory_space<vmem>>[vector<16xi32>], vector<16xf32>,
      %parallel_loop3A_211 = arith.constant 25 : i32
      %parallel_loop3A_212 = vector.broadcast %parallel_loop3A_211 : i32 to vector<16xi32>
      %parallel_loop3A_213 = arith.addi %parallel_loop3A_28, %parallel_loop3A_212 : vector<16xi32>
      %parallel_loop3A_214 = tpu.vector_load_idx %arg5[%parallel_loop3A_213] : memref<33280xf32, #tpu.memory_space<vmem>>[vector<16xi32>], vector<16xf32>,
      %parallel_loop3A_215 = arith.constant 25 : i32
      %parallel_loop3A_216 = vector.broadcast %parallel_loop3A_215 : i32 to vector<16xi32>
      %parallel_loop3A_217 = arith.addi %parallel_loop3A_35, %parallel_loop3A_216 : vector<16xi32>
      tpu.vector_store_idx %arg7[%parallel_loop3A_217], %parallel_loop3A_214 : memref<67584xf32, #tpu.memory_space<vmem>>[vector<16xi32>], vector<16xf32>,
      %parallel_loop3A_218 = arith.constant 26 : i32
      %parallel_loop3A_219 = vector.broadcast %parallel_loop3A_218 : i32 to vector<16xi32>
      %parallel_loop3A_220 = arith.addi %parallel_loop3A_28, %parallel_loop3A_219 : vector<16xi32>
      %parallel_loop3A_221 = tpu.vector_load_idx %arg5[%parallel_loop3A_220] : memref<33280xf32, #tpu.memory_space<vmem>>[vector<16xi32>], vector<16xf32>,
      %parallel_loop3A_222 = arith.constant 26 : i32
      %parallel_loop3A_223 = vector.broadcast %parallel_loop3A_222 : i32 to vector<16xi32>
      %parallel_loop3A_224 = arith.addi %parallel_loop3A_35, %parallel_loop3A_223 : vector<16xi32>
      tpu.vector_store_idx %arg7[%parallel_loop3A_224], %parallel_loop3A_221 : memref<67584xf32, #tpu.memory_space<vmem>>[vector<16xi32>], vector<16xf32>,
      %parallel_loop3A_225 = arith.constant 27 : i32
      %parallel_loop3A_226 = vector.broadcast %parallel_loop3A_225 : i32 to vector<16xi32>
      %parallel_loop3A_227 = arith.addi %parallel_loop3A_28, %parallel_loop3A_226 : vector<16xi32>
      %parallel_loop3A_228 = tpu.vector_load_idx %arg5[%parallel_loop3A_227] : memref<33280xf32, #tpu.memory_space<vmem>>[vector<16xi32>], vector<16xf32>,
      %parallel_loop3A_229 = arith.constant 27 : i32
      %parallel_loop3A_230 = vector.broadcast %parallel_loop3A_229 : i32 to vector<16xi32>
      %parallel_loop3A_231 = arith.addi %parallel_loop3A_35, %parallel_loop3A_230 : vector<16xi32>
      tpu.vector_store_idx %arg7[%parallel_loop3A_231], %parallel_loop3A_228 : memref<67584xf32, #tpu.memory_space<vmem>>[vector<16xi32>], vector<16xf32>,
      %parallel_loop3A_232 = arith.constant 28 : i32
      %parallel_loop3A_233 = vector.broadcast %parallel_loop3A_232 : i32 to vector<16xi32>
      %parallel_loop3A_234 = arith.addi %parallel_loop3A_28, %parallel_loop3A_233 : vector<16xi32>
      %parallel_loop3A_235 = tpu.vector_load_idx %arg5[%parallel_loop3A_234] : memref<33280xf32, #tpu.memory_space<vmem>>[vector<16xi32>], vector<16xf32>,
      %parallel_loop3A_236 = arith.constant 28 : i32
      %parallel_loop3A_237 = vector.broadcast %parallel_loop3A_236 : i32 to vector<16xi32>
      %parallel_loop3A_238 = arith.addi %parallel_loop3A_35, %parallel_loop3A_237 : vector<16xi32>
      tpu.vector_store_idx %arg7[%parallel_loop3A_238], %parallel_loop3A_235 : memref<67584xf32, #tpu.memory_space<vmem>>[vector<16xi32>], vector<16xf32>,
      %parallel_loop3A_239 = arith.constant 29 : i32
      %parallel_loop3A_240 = vector.broadcast %parallel_loop3A_239 : i32 to vector<16xi32>
      %parallel_loop3A_241 = arith.addi %parallel_loop3A_28, %parallel_loop3A_240 : vector<16xi32>
      %parallel_loop3A_242 = tpu.vector_load_idx %arg5[%parallel_loop3A_241] : memref<33280xf32, #tpu.memory_space<vmem>>[vector<16xi32>], vector<16xf32>,
      %parallel_loop3A_243 = arith.constant 29 : i32
      %parallel_loop3A_244 = vector.broadcast %parallel_loop3A_243 : i32 to vector<16xi32>
      %parallel_loop3A_245 = arith.addi %parallel_loop3A_35, %parallel_loop3A_244 : vector<16xi32>
      tpu.vector_store_idx %arg7[%parallel_loop3A_245], %parallel_loop3A_242 : memref<67584xf32, #tpu.memory_space<vmem>>[vector<16xi32>], vector<16xf32>,
      %parallel_loop3A_246 = arith.constant 30 : i32
      %parallel_loop3A_247 = vector.broadcast %parallel_loop3A_246 : i32 to vector<16xi32>
      %parallel_loop3A_248 = arith.addi %parallel_loop3A_28, %parallel_loop3A_247 : vector<16xi32>
      %parallel_loop3A_249 = tpu.vector_load_idx %arg5[%parallel_loop3A_248] : memref<33280xf32, #tpu.memory_space<vmem>>[vector<16xi32>], vector<16xf32>,
      %parallel_loop3A_250 = arith.constant 30 : i32
      %parallel_loop3A_251 = vector.broadcast %parallel_loop3A_250 : i32 to vector<16xi32>
      %parallel_loop3A_252 = arith.addi %parallel_loop3A_35, %parallel_loop3A_251 : vector<16xi32>
      tpu.vector_store_idx %arg7[%parallel_loop3A_252], %parallel_loop3A_249 : memref<67584xf32, #tpu.memory_space<vmem>>[vector<16xi32>], vector<16xf32>,
      %parallel_loop3A_253 = arith.constant 31 : i32
      %parallel_loop3A_254 = vector.broadcast %parallel_loop3A_253 : i32 to vector<16xi32>
      %parallel_loop3A_255 = arith.addi %parallel_loop3A_28, %parallel_loop3A_254 : vector<16xi32>
      %parallel_loop3A_256 = tpu.vector_load_idx %arg5[%parallel_loop3A_255] : memref<33280xf32, #tpu.memory_space<vmem>>[vector<16xi32>], vector<16xf32>,
      %parallel_loop3A_257 = arith.constant 31 : i32
      %parallel_loop3A_258 = vector.broadcast %parallel_loop3A_257 : i32 to vector<16xi32>
      %parallel_loop3A_259 = arith.addi %parallel_loop3A_35, %parallel_loop3A_258 : vector<16xi32>
      tpu.vector_store_idx %arg7[%parallel_loop3A_259], %parallel_loop3A_256 : memref<67584xf32, #tpu.memory_space<vmem>>[vector<16xi32>], vector<16xf32>,
      %parallel_loop3A_260 = arith.constant 32 : i32
      %parallel_loop3A_261 = vector.broadcast %parallel_loop3A_260 : i32 to vector<16xi32>
      %parallel_loop3A_262 = arith.addi %parallel_loop3A_28, %parallel_loop3A_261 : vector<16xi32>
      %parallel_loop3A_263 = tpu.vector_load_idx %arg5[%parallel_loop3A_262] : memref<33280xf32, #tpu.memory_space<vmem>>[vector<16xi32>], vector<16xf32>,
      %parallel_loop3A_264 = arith.constant 32 : i32
      %parallel_loop3A_265 = vector.broadcast %parallel_loop3A_264 : i32 to vector<16xi32>
      %parallel_loop3A_266 = arith.addi %parallel_loop3A_35, %parallel_loop3A_265 : vector<16xi32>
      tpu.vector_store_idx %arg7[%parallel_loop3A_266], %parallel_loop3A_263 : memref<67584xf32, #tpu.memory_space<vmem>>[vector<16xi32>], vector<16xf32>,
      %parallel_loop3A_267 = arith.constant 33 : i32
      %parallel_loop3A_268 = vector.broadcast %parallel_loop3A_267 : i32 to vector<16xi32>
      %parallel_loop3A_269 = arith.addi %parallel_loop3A_28, %parallel_loop3A_268 : vector<16xi32>
      %parallel_loop3A_270 = tpu.vector_load_idx %arg5[%parallel_loop3A_269] : memref<33280xf32, #tpu.memory_space<vmem>>[vector<16xi32>], vector<16xf32>,
      %parallel_loop3A_271 = arith.constant 33 : i32
      %parallel_loop3A_272 = vector.broadcast %parallel_loop3A_271 : i32 to vector<16xi32>
      %parallel_loop3A_273 = arith.addi %parallel_loop3A_35, %parallel_loop3A_272 : vector<16xi32>
      tpu.vector_store_idx %arg7[%parallel_loop3A_273], %parallel_loop3A_270 : memref<67584xf32, #tpu.memory_space<vmem>>[vector<16xi32>], vector<16xf32>,
      %parallel_loop3A_274 = arith.constant 34 : i32
      %parallel_loop3A_275 = vector.broadcast %parallel_loop3A_274 : i32 to vector<16xi32>
      %parallel_loop3A_276 = arith.addi %parallel_loop3A_28, %parallel_loop3A_275 : vector<16xi32>
      %parallel_loop3A_277 = tpu.vector_load_idx %arg5[%parallel_loop3A_276] : memref<33280xf32, #tpu.memory_space<vmem>>[vector<16xi32>], vector<16xf32>,
      %parallel_loop3A_278 = arith.constant 34 : i32
      %parallel_loop3A_279 = vector.broadcast %parallel_loop3A_278 : i32 to vector<16xi32>
      %parallel_loop3A_280 = arith.addi %parallel_loop3A_35, %parallel_loop3A_279 : vector<16xi32>
      tpu.vector_store_idx %arg7[%parallel_loop3A_280], %parallel_loop3A_277 : memref<67584xf32, #tpu.memory_space<vmem>>[vector<16xi32>], vector<16xf32>,
      %parallel_loop3A_281 = arith.constant 35 : i32
      %parallel_loop3A_282 = vector.broadcast %parallel_loop3A_281 : i32 to vector<16xi32>
      %parallel_loop3A_283 = arith.addi %parallel_loop3A_28, %parallel_loop3A_282 : vector<16xi32>
      %parallel_loop3A_284 = tpu.vector_load_idx %arg5[%parallel_loop3A_283] : memref<33280xf32, #tpu.memory_space<vmem>>[vector<16xi32>], vector<16xf32>,
      %parallel_loop3A_285 = arith.constant 35 : i32
      %parallel_loop3A_286 = vector.broadcast %parallel_loop3A_285 : i32 to vector<16xi32>
      %parallel_loop3A_287 = arith.addi %parallel_loop3A_35, %parallel_loop3A_286 : vector<16xi32>
      tpu.vector_store_idx %arg7[%parallel_loop3A_287], %parallel_loop3A_284 : memref<67584xf32, #tpu.memory_space<vmem>>[vector<16xi32>], vector<16xf32>,
      %parallel_loop3A_288 = arith.constant 36 : i32
      %parallel_loop3A_289 = vector.broadcast %parallel_loop3A_288 : i32 to vector<16xi32>
      %parallel_loop3A_290 = arith.addi %parallel_loop3A_28, %parallel_loop3A_289 : vector<16xi32>
      %parallel_loop3A_291 = tpu.vector_load_idx %arg5[%parallel_loop3A_290] : memref<33280xf32, #tpu.memory_space<vmem>>[vector<16xi32>], vector<16xf32>,
      %parallel_loop3A_292 = arith.constant 36 : i32
      %parallel_loop3A_293 = vector.broadcast %parallel_loop3A_292 : i32 to vector<16xi32>
      %parallel_loop3A_294 = arith.addi %parallel_loop3A_35, %parallel_loop3A_293 : vector<16xi32>
      tpu.vector_store_idx %arg7[%parallel_loop3A_294], %parallel_loop3A_291 : memref<67584xf32, #tpu.memory_space<vmem>>[vector<16xi32>], vector<16xf32>,
      %parallel_loop3A_295 = arith.constant 37 : i32
      %parallel_loop3A_296 = vector.broadcast %parallel_loop3A_295 : i32 to vector<16xi32>
      %parallel_loop3A_297 = arith.addi %parallel_loop3A_28, %parallel_loop3A_296 : vector<16xi32>
      %parallel_loop3A_298 = tpu.vector_load_idx %arg5[%parallel_loop3A_297] : memref<33280xf32, #tpu.memory_space<vmem>>[vector<16xi32>], vector<16xf32>,
      %parallel_loop3A_299 = arith.constant 37 : i32
      %parallel_loop3A_300 = vector.broadcast %parallel_loop3A_299 : i32 to vector<16xi32>
      %parallel_loop3A_301 = arith.addi %parallel_loop3A_35, %parallel_loop3A_300 : vector<16xi32>
      tpu.vector_store_idx %arg7[%parallel_loop3A_301], %parallel_loop3A_298 : memref<67584xf32, #tpu.memory_space<vmem>>[vector<16xi32>], vector<16xf32>,
      %parallel_loop3A_302 = arith.constant 38 : i32
      %parallel_loop3A_303 = vector.broadcast %parallel_loop3A_302 : i32 to vector<16xi32>
      %parallel_loop3A_304 = arith.addi %parallel_loop3A_28, %parallel_loop3A_303 : vector<16xi32>
      %parallel_loop3A_305 = tpu.vector_load_idx %arg5[%parallel_loop3A_304] : memref<33280xf32, #tpu.memory_space<vmem>>[vector<16xi32>], vector<16xf32>,
      %parallel_loop3A_306 = arith.constant 38 : i32
      %parallel_loop3A_307 = vector.broadcast %parallel_loop3A_306 : i32 to vector<16xi32>
      %parallel_loop3A_308 = arith.addi %parallel_loop3A_35, %parallel_loop3A_307 : vector<16xi32>
      tpu.vector_store_idx %arg7[%parallel_loop3A_308], %parallel_loop3A_305 : memref<67584xf32, #tpu.memory_space<vmem>>[vector<16xi32>], vector<16xf32>,
      %parallel_loop3A_309 = arith.constant 39 : i32
      %parallel_loop3A_310 = vector.broadcast %parallel_loop3A_309 : i32 to vector<16xi32>
      %parallel_loop3A_311 = arith.addi %parallel_loop3A_28, %parallel_loop3A_310 : vector<16xi32>
      %parallel_loop3A_312 = tpu.vector_load_idx %arg5[%parallel_loop3A_311] : memref<33280xf32, #tpu.memory_space<vmem>>[vector<16xi32>], vector<16xf32>,
      %parallel_loop3A_313 = arith.constant 39 : i32
      %parallel_loop3A_314 = vector.broadcast %parallel_loop3A_313 : i32 to vector<16xi32>
      %parallel_loop3A_315 = arith.addi %parallel_loop3A_35, %parallel_loop3A_314 : vector<16xi32>
      tpu.vector_store_idx %arg7[%parallel_loop3A_315], %parallel_loop3A_312 : memref<67584xf32, #tpu.memory_space<vmem>>[vector<16xi32>], vector<16xf32>,
      %parallel_loop3A_316 = arith.constant 40 : i32
      %parallel_loop3A_317 = vector.broadcast %parallel_loop3A_316 : i32 to vector<16xi32>
      %parallel_loop3A_318 = arith.addi %parallel_loop3A_28, %parallel_loop3A_317 : vector<16xi32>
      %parallel_loop3A_319 = tpu.vector_load_idx %arg5[%parallel_loop3A_318] : memref<33280xf32, #tpu.memory_space<vmem>>[vector<16xi32>], vector<16xf32>,
      %parallel_loop3A_320 = arith.constant 40 : i32
      %parallel_loop3A_321 = vector.broadcast %parallel_loop3A_320 : i32 to vector<16xi32>
      %parallel_loop3A_322 = arith.addi %parallel_loop3A_35, %parallel_loop3A_321 : vector<16xi32>
      tpu.vector_store_idx %arg7[%parallel_loop3A_322], %parallel_loop3A_319 : memref<67584xf32, #tpu.memory_space<vmem>>[vector<16xi32>], vector<16xf32>,
      %parallel_loop3A_323 = arith.constant 41 : i32
      %parallel_loop3A_324 = vector.broadcast %parallel_loop3A_323 : i32 to vector<16xi32>
      %parallel_loop3A_325 = arith.addi %parallel_loop3A_28, %parallel_loop3A_324 : vector<16xi32>
      %parallel_loop3A_326 = tpu.vector_load_idx %arg5[%parallel_loop3A_325] : memref<33280xf32, #tpu.memory_space<vmem>>[vector<16xi32>], vector<16xf32>,
      %parallel_loop3A_327 = arith.constant 41 : i32
      %parallel_loop3A_328 = vector.broadcast %parallel_loop3A_327 : i32 to vector<16xi32>
      %parallel_loop3A_329 = arith.addi %parallel_loop3A_35, %parallel_loop3A_328 : vector<16xi32>
      tpu.vector_store_idx %arg7[%parallel_loop3A_329], %parallel_loop3A_326 : memref<67584xf32, #tpu.memory_space<vmem>>[vector<16xi32>], vector<16xf32>,
      %parallel_loop3A_330 = arith.constant 42 : i32
      %parallel_loop3A_331 = vector.broadcast %parallel_loop3A_330 : i32 to vector<16xi32>
      %parallel_loop3A_332 = arith.addi %parallel_loop3A_28, %parallel_loop3A_331 : vector<16xi32>
      %parallel_loop3A_333 = tpu.vector_load_idx %arg5[%parallel_loop3A_332] : memref<33280xf32, #tpu.memory_space<vmem>>[vector<16xi32>], vector<16xf32>,
      %parallel_loop3A_334 = arith.constant 42 : i32
      %parallel_loop3A_335 = vector.broadcast %parallel_loop3A_334 : i32 to vector<16xi32>
      %parallel_loop3A_336 = arith.addi %parallel_loop3A_35, %parallel_loop3A_335 : vector<16xi32>
      tpu.vector_store_idx %arg7[%parallel_loop3A_336], %parallel_loop3A_333 : memref<67584xf32, #tpu.memory_space<vmem>>[vector<16xi32>], vector<16xf32>,
      %parallel_loop3A_337 = arith.constant 43 : i32
      %parallel_loop3A_338 = vector.broadcast %parallel_loop3A_337 : i32 to vector<16xi32>
      %parallel_loop3A_339 = arith.addi %parallel_loop3A_28, %parallel_loop3A_338 : vector<16xi32>
      %parallel_loop3A_340 = tpu.vector_load_idx %arg5[%parallel_loop3A_339] : memref<33280xf32, #tpu.memory_space<vmem>>[vector<16xi32>], vector<16xf32>,
      %parallel_loop3A_341 = arith.constant 43 : i32
      %parallel_loop3A_342 = vector.broadcast %parallel_loop3A_341 : i32 to vector<16xi32>
      %parallel_loop3A_343 = arith.addi %parallel_loop3A_35, %parallel_loop3A_342 : vector<16xi32>
      tpu.vector_store_idx %arg7[%parallel_loop3A_343], %parallel_loop3A_340 : memref<67584xf32, #tpu.memory_space<vmem>>[vector<16xi32>], vector<16xf32>,
      %parallel_loop3A_344 = arith.constant 44 : i32
      %parallel_loop3A_345 = vector.broadcast %parallel_loop3A_344 : i32 to vector<16xi32>
      %parallel_loop3A_346 = arith.addi %parallel_loop3A_28, %parallel_loop3A_345 : vector<16xi32>
      %parallel_loop3A_347 = tpu.vector_load_idx %arg5[%parallel_loop3A_346] : memref<33280xf32, #tpu.memory_space<vmem>>[vector<16xi32>], vector<16xf32>,
      %parallel_loop3A_348 = arith.constant 44 : i32
      %parallel_loop3A_349 = vector.broadcast %parallel_loop3A_348 : i32 to vector<16xi32>
      %parallel_loop3A_350 = arith.addi %parallel_loop3A_35, %parallel_loop3A_349 : vector<16xi32>
      tpu.vector_store_idx %arg7[%parallel_loop3A_350], %parallel_loop3A_347 : memref<67584xf32, #tpu.memory_space<vmem>>[vector<16xi32>], vector<16xf32>,
      %parallel_loop3A_351 = arith.constant 45 : i32
      %parallel_loop3A_352 = vector.broadcast %parallel_loop3A_351 : i32 to vector<16xi32>
      %parallel_loop3A_353 = arith.addi %parallel_loop3A_28, %parallel_loop3A_352 : vector<16xi32>
      %parallel_loop3A_354 = tpu.vector_load_idx %arg5[%parallel_loop3A_353] : memref<33280xf32, #tpu.memory_space<vmem>>[vector<16xi32>], vector<16xf32>,
      %parallel_loop3A_355 = arith.constant 45 : i32
      %parallel_loop3A_356 = vector.broadcast %parallel_loop3A_355 : i32 to vector<16xi32>
      %parallel_loop3A_357 = arith.addi %parallel_loop3A_35, %parallel_loop3A_356 : vector<16xi32>
      tpu.vector_store_idx %arg7[%parallel_loop3A_357], %parallel_loop3A_354 : memref<67584xf32, #tpu.memory_space<vmem>>[vector<16xi32>], vector<16xf32>,
      %parallel_loop3A_358 = arith.constant 46 : i32
      %parallel_loop3A_359 = vector.broadcast %parallel_loop3A_358 : i32 to vector<16xi32>
      %parallel_loop3A_360 = arith.addi %parallel_loop3A_28, %parallel_loop3A_359 : vector<16xi32>
      %parallel_loop3A_361 = tpu.vector_load_idx %arg5[%parallel_loop3A_360] : memref<33280xf32, #tpu.memory_space<vmem>>[vector<16xi32>], vector<16xf32>,
      %parallel_loop3A_362 = arith.constant 46 : i32
      %parallel_loop3A_363 = vector.broadcast %parallel_loop3A_362 : i32 to vector<16xi32>
      %parallel_loop3A_364 = arith.addi %parallel_loop3A_35, %parallel_loop3A_363 : vector<16xi32>
      tpu.vector_store_idx %arg7[%parallel_loop3A_364], %parallel_loop3A_361 : memref<67584xf32, #tpu.memory_space<vmem>>[vector<16xi32>], vector<16xf32>,
      %parallel_loop3A_365 = arith.constant 47 : i32
      %parallel_loop3A_366 = vector.broadcast %parallel_loop3A_365 : i32 to vector<16xi32>
      %parallel_loop3A_367 = arith.addi %parallel_loop3A_28, %parallel_loop3A_366 : vector<16xi32>
      %parallel_loop3A_368 = tpu.vector_load_idx %arg5[%parallel_loop3A_367] : memref<33280xf32, #tpu.memory_space<vmem>>[vector<16xi32>], vector<16xf32>,
      %parallel_loop3A_369 = arith.constant 47 : i32
      %parallel_loop3A_370 = vector.broadcast %parallel_loop3A_369 : i32 to vector<16xi32>
      %parallel_loop3A_371 = arith.addi %parallel_loop3A_35, %parallel_loop3A_370 : vector<16xi32>
      tpu.vector_store_idx %arg7[%parallel_loop3A_371], %parallel_loop3A_368 : memref<67584xf32, #tpu.memory_space<vmem>>[vector<16xi32>], vector<16xf32>,
      %parallel_loop3A_372 = arith.constant 48 : i32
      %parallel_loop3A_373 = vector.broadcast %parallel_loop3A_372 : i32 to vector<16xi32>
      %parallel_loop3A_374 = arith.addi %parallel_loop3A_28, %parallel_loop3A_373 : vector<16xi32>
      %parallel_loop3A_375 = tpu.vector_load_idx %arg5[%parallel_loop3A_374] : memref<33280xf32, #tpu.memory_space<vmem>>[vector<16xi32>], vector<16xf32>,
      %parallel_loop3A_376 = arith.constant 48 : i32
      %parallel_loop3A_377 = vector.broadcast %parallel_loop3A_376 : i32 to vector<16xi32>
      %parallel_loop3A_378 = arith.addi %parallel_loop3A_35, %parallel_loop3A_377 : vector<16xi32>
      tpu.vector_store_idx %arg7[%parallel_loop3A_378], %parallel_loop3A_375 : memref<67584xf32, #tpu.memory_space<vmem>>[vector<16xi32>], vector<16xf32>,
      %parallel_loop3A_379 = arith.constant 49 : i32
      %parallel_loop3A_380 = vector.broadcast %parallel_loop3A_379 : i32 to vector<16xi32>
      %parallel_loop3A_381 = arith.addi %parallel_loop3A_28, %parallel_loop3A_380 : vector<16xi32>
      %parallel_loop3A_382 = tpu.vector_load_idx %arg5[%parallel_loop3A_381] : memref<33280xf32, #tpu.memory_space<vmem>>[vector<16xi32>], vector<16xf32>,
      %parallel_loop3A_383 = arith.constant 49 : i32
      %parallel_loop3A_384 = vector.broadcast %parallel_loop3A_383 : i32 to vector<16xi32>
      %parallel_loop3A_385 = arith.addi %parallel_loop3A_35, %parallel_loop3A_384 : vector<16xi32>
      tpu.vector_store_idx %arg7[%parallel_loop3A_385], %parallel_loop3A_382 : memref<67584xf32, #tpu.memory_space<vmem>>[vector<16xi32>], vector<16xf32>,
      %parallel_loop3A_386 = arith.constant 50 : i32
      %parallel_loop3A_387 = vector.broadcast %parallel_loop3A_386 : i32 to vector<16xi32>
      %parallel_loop3A_388 = arith.addi %parallel_loop3A_28, %parallel_loop3A_387 : vector<16xi32>
      %parallel_loop3A_389 = tpu.vector_load_idx %arg5[%parallel_loop3A_388] : memref<33280xf32, #tpu.memory_space<vmem>>[vector<16xi32>], vector<16xf32>,
      %parallel_loop3A_390 = arith.constant 50 : i32
      %parallel_loop3A_391 = vector.broadcast %parallel_loop3A_390 : i32 to vector<16xi32>
      %parallel_loop3A_392 = arith.addi %parallel_loop3A_35, %parallel_loop3A_391 : vector<16xi32>
      tpu.vector_store_idx %arg7[%parallel_loop3A_392], %parallel_loop3A_389 : memref<67584xf32, #tpu.memory_space<vmem>>[vector<16xi32>], vector<16xf32>,
      %parallel_loop3A_393 = arith.constant 51 : i32
      %parallel_loop3A_394 = vector.broadcast %parallel_loop3A_393 : i32 to vector<16xi32>
      %parallel_loop3A_395 = arith.addi %parallel_loop3A_28, %parallel_loop3A_394 : vector<16xi32>
      %parallel_loop3A_396 = tpu.vector_load_idx %arg5[%parallel_loop3A_395] : memref<33280xf32, #tpu.memory_space<vmem>>[vector<16xi32>], vector<16xf32>,
      %parallel_loop3A_397 = arith.constant 51 : i32
      %parallel_loop3A_398 = vector.broadcast %parallel_loop3A_397 : i32 to vector<16xi32>
      %parallel_loop3A_399 = arith.addi %parallel_loop3A_35, %parallel_loop3A_398 : vector<16xi32>
      tpu.vector_store_idx %arg7[%parallel_loop3A_399], %parallel_loop3A_396 : memref<67584xf32, #tpu.memory_space<vmem>>[vector<16xi32>], vector<16xf32>,
      %parallel_loop3A_400 = arith.constant 52 : i32
      %parallel_loop3A_401 = vector.broadcast %parallel_loop3A_400 : i32 to vector<16xi32>
      %parallel_loop3A_402 = arith.addi %parallel_loop3A_28, %parallel_loop3A_401 : vector<16xi32>
      %parallel_loop3A_403 = tpu.vector_load_idx %arg5[%parallel_loop3A_402] : memref<33280xf32, #tpu.memory_space<vmem>>[vector<16xi32>], vector<16xf32>,
      %parallel_loop3A_404 = arith.constant 52 : i32
      %parallel_loop3A_405 = vector.broadcast %parallel_loop3A_404 : i32 to vector<16xi32>
      %parallel_loop3A_406 = arith.addi %parallel_loop3A_35, %parallel_loop3A_405 : vector<16xi32>
      tpu.vector_store_idx %arg7[%parallel_loop3A_406], %parallel_loop3A_403 : memref<67584xf32, #tpu.memory_space<vmem>>[vector<16xi32>], vector<16xf32>,
      %parallel_loop3A_407 = arith.constant 53 : i32
      %parallel_loop3A_408 = vector.broadcast %parallel_loop3A_407 : i32 to vector<16xi32>
      %parallel_loop3A_409 = arith.addi %parallel_loop3A_28, %parallel_loop3A_408 : vector<16xi32>
      %parallel_loop3A_410 = tpu.vector_load_idx %arg5[%parallel_loop3A_409] : memref<33280xf32, #tpu.memory_space<vmem>>[vector<16xi32>], vector<16xf32>,
      %parallel_loop3A_411 = arith.constant 53 : i32
      %parallel_loop3A_412 = vector.broadcast %parallel_loop3A_411 : i32 to vector<16xi32>
      %parallel_loop3A_413 = arith.addi %parallel_loop3A_35, %parallel_loop3A_412 : vector<16xi32>
      tpu.vector_store_idx %arg7[%parallel_loop3A_413], %parallel_loop3A_410 : memref<67584xf32, #tpu.memory_space<vmem>>[vector<16xi32>], vector<16xf32>,
      %parallel_loop3A_414 = arith.constant 54 : i32
      %parallel_loop3A_415 = vector.broadcast %parallel_loop3A_414 : i32 to vector<16xi32>
      %parallel_loop3A_416 = arith.addi %parallel_loop3A_28, %parallel_loop3A_415 : vector<16xi32>
      %parallel_loop3A_417 = tpu.vector_load_idx %arg5[%parallel_loop3A_416] : memref<33280xf32, #tpu.memory_space<vmem>>[vector<16xi32>], vector<16xf32>,
      %parallel_loop3A_418 = arith.constant 54 : i32
      %parallel_loop3A_419 = vector.broadcast %parallel_loop3A_418 : i32 to vector<16xi32>
      %parallel_loop3A_420 = arith.addi %parallel_loop3A_35, %parallel_loop3A_419 : vector<16xi32>
      tpu.vector_store_idx %arg7[%parallel_loop3A_420], %parallel_loop3A_417 : memref<67584xf32, #tpu.memory_space<vmem>>[vector<16xi32>], vector<16xf32>,
      %parallel_loop3A_421 = arith.constant 55 : i32
      %parallel_loop3A_422 = vector.broadcast %parallel_loop3A_421 : i32 to vector<16xi32>
      %parallel_loop3A_423 = arith.addi %parallel_loop3A_28, %parallel_loop3A_422 : vector<16xi32>
      %parallel_loop3A_424 = tpu.vector_load_idx %arg5[%parallel_loop3A_423] : memref<33280xf32, #tpu.memory_space<vmem>>[vector<16xi32>], vector<16xf32>,
      %parallel_loop3A_425 = arith.constant 55 : i32
      %parallel_loop3A_426 = vector.broadcast %parallel_loop3A_425 : i32 to vector<16xi32>
      %parallel_loop3A_427 = arith.addi %parallel_loop3A_35, %parallel_loop3A_426 : vector<16xi32>
      tpu.vector_store_idx %arg7[%parallel_loop3A_427], %parallel_loop3A_424 : memref<67584xf32, #tpu.memory_space<vmem>>[vector<16xi32>], vector<16xf32>,
      %parallel_loop3A_428 = arith.constant 56 : i32
      %parallel_loop3A_429 = vector.broadcast %parallel_loop3A_428 : i32 to vector<16xi32>
      %parallel_loop3A_430 = arith.addi %parallel_loop3A_28, %parallel_loop3A_429 : vector<16xi32>
      %parallel_loop3A_431 = tpu.vector_load_idx %arg5[%parallel_loop3A_430] : memref<33280xf32, #tpu.memory_space<vmem>>[vector<16xi32>], vector<16xf32>,
      %parallel_loop3A_432 = arith.constant 56 : i32
      %parallel_loop3A_433 = vector.broadcast %parallel_loop3A_432 : i32 to vector<16xi32>
      %parallel_loop3A_434 = arith.addi %parallel_loop3A_35, %parallel_loop3A_433 : vector<16xi32>
      tpu.vector_store_idx %arg7[%parallel_loop3A_434], %parallel_loop3A_431 : memref<67584xf32, #tpu.memory_space<vmem>>[vector<16xi32>], vector<16xf32>,
      %parallel_loop3A_435 = arith.constant 57 : i32
      %parallel_loop3A_436 = vector.broadcast %parallel_loop3A_435 : i32 to vector<16xi32>
      %parallel_loop3A_437 = arith.addi %parallel_loop3A_28, %parallel_loop3A_436 : vector<16xi32>
      %parallel_loop3A_438 = tpu.vector_load_idx %arg5[%parallel_loop3A_437] : memref<33280xf32, #tpu.memory_space<vmem>>[vector<16xi32>], vector<16xf32>,
      %parallel_loop3A_439 = arith.constant 57 : i32
      %parallel_loop3A_440 = vector.broadcast %parallel_loop3A_439 : i32 to vector<16xi32>
      %parallel_loop3A_441 = arith.addi %parallel_loop3A_35, %parallel_loop3A_440 : vector<16xi32>
      tpu.vector_store_idx %arg7[%parallel_loop3A_441], %parallel_loop3A_438 : memref<67584xf32, #tpu.memory_space<vmem>>[vector<16xi32>], vector<16xf32>,
      %parallel_loop3A_442 = arith.constant 58 : i32
      %parallel_loop3A_443 = vector.broadcast %parallel_loop3A_442 : i32 to vector<16xi32>
      %parallel_loop3A_444 = arith.addi %parallel_loop3A_28, %parallel_loop3A_443 : vector<16xi32>
      %parallel_loop3A_445 = tpu.vector_load_idx %arg5[%parallel_loop3A_444] : memref<33280xf32, #tpu.memory_space<vmem>>[vector<16xi32>], vector<16xf32>,
      %parallel_loop3A_446 = arith.constant 58 : i32
      %parallel_loop3A_447 = vector.broadcast %parallel_loop3A_446 : i32 to vector<16xi32>
      %parallel_loop3A_448 = arith.addi %parallel_loop3A_35, %parallel_loop3A_447 : vector<16xi32>
      tpu.vector_store_idx %arg7[%parallel_loop3A_448], %parallel_loop3A_445 : memref<67584xf32, #tpu.memory_space<vmem>>[vector<16xi32>], vector<16xf32>,
      %parallel_loop3A_449 = arith.constant 59 : i32
      %parallel_loop3A_450 = vector.broadcast %parallel_loop3A_449 : i32 to vector<16xi32>
      %parallel_loop3A_451 = arith.addi %parallel_loop3A_28, %parallel_loop3A_450 : vector<16xi32>
      %parallel_loop3A_452 = tpu.vector_load_idx %arg5[%parallel_loop3A_451] : memref<33280xf32, #tpu.memory_space<vmem>>[vector<16xi32>], vector<16xf32>,
      %parallel_loop3A_453 = arith.constant 59 : i32
      %parallel_loop3A_454 = vector.broadcast %parallel_loop3A_453 : i32 to vector<16xi32>
      %parallel_loop3A_455 = arith.addi %parallel_loop3A_35, %parallel_loop3A_454 : vector<16xi32>
      tpu.vector_store_idx %arg7[%parallel_loop3A_455], %parallel_loop3A_452 : memref<67584xf32, #tpu.memory_space<vmem>>[vector<16xi32>], vector<16xf32>,
      %parallel_loop3A_456 = arith.constant 60 : i32
      %parallel_loop3A_457 = vector.broadcast %parallel_loop3A_456 : i32 to vector<16xi32>
      %parallel_loop3A_458 = arith.addi %parallel_loop3A_28, %parallel_loop3A_457 : vector<16xi32>
      %parallel_loop3A_459 = tpu.vector_load_idx %arg5[%parallel_loop3A_458] : memref<33280xf32, #tpu.memory_space<vmem>>[vector<16xi32>], vector<16xf32>,
      %parallel_loop3A_460 = arith.constant 60 : i32
      %parallel_loop3A_461 = vector.broadcast %parallel_loop3A_460 : i32 to vector<16xi32>
      %parallel_loop3A_462 = arith.addi %parallel_loop3A_35, %parallel_loop3A_461 : vector<16xi32>
      tpu.vector_store_idx %arg7[%parallel_loop3A_462], %parallel_loop3A_459 : memref<67584xf32, #tpu.memory_space<vmem>>[vector<16xi32>], vector<16xf32>,
      %parallel_loop3A_463 = arith.constant 61 : i32
      %parallel_loop3A_464 = vector.broadcast %parallel_loop3A_463 : i32 to vector<16xi32>
      %parallel_loop3A_465 = arith.addi %parallel_loop3A_28, %parallel_loop3A_464 : vector<16xi32>
      %parallel_loop3A_466 = tpu.vector_load_idx %arg5[%parallel_loop3A_465] : memref<33280xf32, #tpu.memory_space<vmem>>[vector<16xi32>], vector<16xf32>,
      %parallel_loop3A_467 = arith.constant 61 : i32
      %parallel_loop3A_468 = vector.broadcast %parallel_loop3A_467 : i32 to vector<16xi32>
      %parallel_loop3A_469 = arith.addi %parallel_loop3A_35, %parallel_loop3A_468 : vector<16xi32>
      tpu.vector_store_idx %arg7[%parallel_loop3A_469], %parallel_loop3A_466 : memref<67584xf32, #tpu.memory_space<vmem>>[vector<16xi32>], vector<16xf32>,
      %parallel_loop3A_470 = arith.constant 62 : i32
      %parallel_loop3A_471 = vector.broadcast %parallel_loop3A_470 : i32 to vector<16xi32>
      %parallel_loop3A_472 = arith.addi %parallel_loop3A_28, %parallel_loop3A_471 : vector<16xi32>
      %parallel_loop3A_473 = tpu.vector_load_idx %arg5[%parallel_loop3A_472] : memref<33280xf32, #tpu.memory_space<vmem>>[vector<16xi32>], vector<16xf32>,
      %parallel_loop3A_474 = arith.constant 62 : i32
      %parallel_loop3A_475 = vector.broadcast %parallel_loop3A_474 : i32 to vector<16xi32>
      %parallel_loop3A_476 = arith.addi %parallel_loop3A_35, %parallel_loop3A_475 : vector<16xi32>
      tpu.vector_store_idx %arg7[%parallel_loop3A_476], %parallel_loop3A_473 : memref<67584xf32, #tpu.memory_space<vmem>>[vector<16xi32>], vector<16xf32>,
      %parallel_loop3A_477 = arith.constant 63 : i32
      %parallel_loop3A_478 = vector.broadcast %parallel_loop3A_477 : i32 to vector<16xi32>
      %parallel_loop3A_479 = arith.addi %parallel_loop3A_28, %parallel_loop3A_478 : vector<16xi32>
      %parallel_loop3A_480 = tpu.vector_load_idx %arg5[%parallel_loop3A_479] : memref<33280xf32, #tpu.memory_space<vmem>>[vector<16xi32>], vector<16xf32>,
      %parallel_loop3A_481 = arith.constant 63 : i32
      %parallel_loop3A_482 = vector.broadcast %parallel_loop3A_481 : i32 to vector<16xi32>
      %parallel_loop3A_483 = arith.addi %parallel_loop3A_35, %parallel_loop3A_482 : vector<16xi32>
      tpu.vector_store_idx %arg7[%parallel_loop3A_483], %parallel_loop3A_480 : memref<67584xf32, #tpu.memory_space<vmem>>[vector<16xi32>], vector<16xf32>,
    } {sc.loop_unroll_factor = 4 : i64, sc.parallel_access}
    %add3A_12 = arith.constant 67584 : i32
    %add3A_13 = arith.addi %mul3A_4, %add3A_12 : i32
    "tpu.region"() ({
      %run_scoped3A = tpu.sem_alloc : memref<!tpu.dma_semaphore, #tpu.memory_space<semaphore_mem>>
      %dma_start3A = tpu.memref_slice %arg4[%add3A_13] : memref<6488064xf32, #tpu.memory_space<hbm>> -> memref<67584xf32, #tpu.memory_space<hbm>>
      %dma_start3A_19 = tpu.memref_slice %arg4[%add3A_13] : memref<6488064xf32, #tpu.memory_space<hbm>> -> memref<67584xf32, #tpu.memory_space<hbm>>
      tpu.enqueue_dma source(%arg7 : memref<67584xf32, #tpu.memory_space<vmem>>) target(%dma_start3A_19 : memref<67584xf32, #tpu.memory_space<hbm>>) target_semaphore(%run_scoped3A : memref<!tpu.dma_semaphore, #tpu.memory_space<semaphore_mem>>)
      %dma_wait3A = tpu.memref_slice %arg4[%add3A_13] : memref<6488064xf32, #tpu.memory_space<hbm>> -> memref<67584xf32, #tpu.memory_space<hbm>>
      %dma_wait3A_20 = tpu.memref_slice %arg4[%add3A_13] : memref<6488064xf32, #tpu.memory_space<hbm>> -> memref<67584xf32, #tpu.memory_space<hbm>>
      tpu.wait_dma2 semaphore(%run_scoped3A : memref<!tpu.dma_semaphore, #tpu.memory_space<semaphore_mem>>) src(%arg7 : memref<67584xf32, #tpu.memory_space<vmem>>) dst(%dma_wait3A_20 : memref<67584xf32, #tpu.memory_space<hbm>>)
      tpu.yield
    }) : () -> ()
    %parallel_loop3A_14 = arith.constant 0 : i32
    %parallel_loop3A_15 = arith.constant 66 : i32
    %parallel_loop3A_16 = arith.constant 1 : i32
    scf.for %parallel_loop3A_19 = %parallel_loop3A_14 to %parallel_loop3A_15 step %parallel_loop3A_16  : i32 {
      %parallel_loop3A_20 = arith.constant 16 : i32
      %parallel_loop3A_21 = arith.muli %parallel_loop3A_19, %parallel_loop3A_20 : i32
      %parallel_loop3A_22 = arith.constant 2112 : i32
      %parallel_loop3A_23 = arith.addi %parallel_loop3A_22, %parallel_loop3A_21 : i32
      %parallel_loop3A_24 = arith.index_cast %parallel_loop3A_23 : i32 to index
      %parallel_loop3A_25 = tpu.vector_load %arg6[%parallel_loop3A_24] {strides = array<i32>} : memref<3168xi32, #tpu.memory_space<vmem>>, vector<16xi32>,
      %parallel_loop3A_26 = arith.constant 64 : i32
      %parallel_loop3A_27 = vector.broadcast %parallel_loop3A_26 : i32 to vector<16xi32>
      %parallel_loop3A_28 = arith.muli %parallel_loop3A_25, %parallel_loop3A_27 : vector<16xi32>
      %parallel_loop3A_29 = arith.constant 1024 : i32
      %parallel_loop3A_30 = arith.muli %parallel_loop3A_19, %parallel_loop3A_29 : i32
      %parallel_loop3A_31 = arith.constant 64 : i32
      %parallel_loop3A_32 = vector.broadcast %parallel_loop3A_31 : i32 to vector<16xi32>
      %parallel_loop3A_33 = arith.muli %iota3A, %parallel_loop3A_32 : vector<16xi32>
      %parallel_loop3A_34 = vector.broadcast %parallel_loop3A_30 : i32 to vector<16xi32>
      %parallel_loop3A_35 = arith.addi %parallel_loop3A_34, %parallel_loop3A_33 : vector<16xi32>
      %parallel_loop3A_36 = arith.constant 0 : i32
      %parallel_loop3A_37 = vector.broadcast %parallel_loop3A_36 : i32 to vector<16xi32>
      %parallel_loop3A_38 = arith.addi %parallel_loop3A_28, %parallel_loop3A_37 : vector<16xi32>
      %parallel_loop3A_39 = tpu.vector_load_idx %arg5[%parallel_loop3A_38] : memref<33280xf32, #tpu.memory_space<vmem>>[vector<16xi32>], vector<16xf32>,
      %parallel_loop3A_40 = arith.constant 0 : i32
      %parallel_loop3A_41 = vector.broadcast %parallel_loop3A_40 : i32 to vector<16xi32>
      %parallel_loop3A_42 = arith.addi %parallel_loop3A_35, %parallel_loop3A_41 : vector<16xi32>
      tpu.vector_store_idx %arg7[%parallel_loop3A_42], %parallel_loop3A_39 : memref<67584xf32, #tpu.memory_space<vmem>>[vector<16xi32>], vector<16xf32>,
      %parallel_loop3A_43 = arith.constant 1 : i32
      %parallel_loop3A_44 = vector.broadcast %parallel_loop3A_43 : i32 to vector<16xi32>
      %parallel_loop3A_45 = arith.addi %parallel_loop3A_28, %parallel_loop3A_44 : vector<16xi32>
      %parallel_loop3A_46 = tpu.vector_load_idx %arg5[%parallel_loop3A_45] : memref<33280xf32, #tpu.memory_space<vmem>>[vector<16xi32>], vector<16xf32>,
      %parallel_loop3A_47 = arith.constant 1 : i32
      %parallel_loop3A_48 = vector.broadcast %parallel_loop3A_47 : i32 to vector<16xi32>
      %parallel_loop3A_49 = arith.addi %parallel_loop3A_35, %parallel_loop3A_48 : vector<16xi32>
      tpu.vector_store_idx %arg7[%parallel_loop3A_49], %parallel_loop3A_46 : memref<67584xf32, #tpu.memory_space<vmem>>[vector<16xi32>], vector<16xf32>,
      %parallel_loop3A_50 = arith.constant 2 : i32
      %parallel_loop3A_51 = vector.broadcast %parallel_loop3A_50 : i32 to vector<16xi32>
      %parallel_loop3A_52 = arith.addi %parallel_loop3A_28, %parallel_loop3A_51 : vector<16xi32>
      %parallel_loop3A_53 = tpu.vector_load_idx %arg5[%parallel_loop3A_52] : memref<33280xf32, #tpu.memory_space<vmem>>[vector<16xi32>], vector<16xf32>,
      %parallel_loop3A_54 = arith.constant 2 : i32
      %parallel_loop3A_55 = vector.broadcast %parallel_loop3A_54 : i32 to vector<16xi32>
      %parallel_loop3A_56 = arith.addi %parallel_loop3A_35, %parallel_loop3A_55 : vector<16xi32>
      tpu.vector_store_idx %arg7[%parallel_loop3A_56], %parallel_loop3A_53 : memref<67584xf32, #tpu.memory_space<vmem>>[vector<16xi32>], vector<16xf32>,
      %parallel_loop3A_57 = arith.constant 3 : i32
      %parallel_loop3A_58 = vector.broadcast %parallel_loop3A_57 : i32 to vector<16xi32>
      %parallel_loop3A_59 = arith.addi %parallel_loop3A_28, %parallel_loop3A_58 : vector<16xi32>
      %parallel_loop3A_60 = tpu.vector_load_idx %arg5[%parallel_loop3A_59] : memref<33280xf32, #tpu.memory_space<vmem>>[vector<16xi32>], vector<16xf32>,
      %parallel_loop3A_61 = arith.constant 3 : i32
      %parallel_loop3A_62 = vector.broadcast %parallel_loop3A_61 : i32 to vector<16xi32>
      %parallel_loop3A_63 = arith.addi %parallel_loop3A_35, %parallel_loop3A_62 : vector<16xi32>
      tpu.vector_store_idx %arg7[%parallel_loop3A_63], %parallel_loop3A_60 : memref<67584xf32, #tpu.memory_space<vmem>>[vector<16xi32>], vector<16xf32>,
      %parallel_loop3A_64 = arith.constant 4 : i32
      %parallel_loop3A_65 = vector.broadcast %parallel_loop3A_64 : i32 to vector<16xi32>
      %parallel_loop3A_66 = arith.addi %parallel_loop3A_28, %parallel_loop3A_65 : vector<16xi32>
      %parallel_loop3A_67 = tpu.vector_load_idx %arg5[%parallel_loop3A_66] : memref<33280xf32, #tpu.memory_space<vmem>>[vector<16xi32>], vector<16xf32>,
      %parallel_loop3A_68 = arith.constant 4 : i32
      %parallel_loop3A_69 = vector.broadcast %parallel_loop3A_68 : i32 to vector<16xi32>
      %parallel_loop3A_70 = arith.addi %parallel_loop3A_35, %parallel_loop3A_69 : vector<16xi32>
      tpu.vector_store_idx %arg7[%parallel_loop3A_70], %parallel_loop3A_67 : memref<67584xf32, #tpu.memory_space<vmem>>[vector<16xi32>], vector<16xf32>,
      %parallel_loop3A_71 = arith.constant 5 : i32
      %parallel_loop3A_72 = vector.broadcast %parallel_loop3A_71 : i32 to vector<16xi32>
      %parallel_loop3A_73 = arith.addi %parallel_loop3A_28, %parallel_loop3A_72 : vector<16xi32>
      %parallel_loop3A_74 = tpu.vector_load_idx %arg5[%parallel_loop3A_73] : memref<33280xf32, #tpu.memory_space<vmem>>[vector<16xi32>], vector<16xf32>,
      %parallel_loop3A_75 = arith.constant 5 : i32
      %parallel_loop3A_76 = vector.broadcast %parallel_loop3A_75 : i32 to vector<16xi32>
      %parallel_loop3A_77 = arith.addi %parallel_loop3A_35, %parallel_loop3A_76 : vector<16xi32>
      tpu.vector_store_idx %arg7[%parallel_loop3A_77], %parallel_loop3A_74 : memref<67584xf32, #tpu.memory_space<vmem>>[vector<16xi32>], vector<16xf32>,
      %parallel_loop3A_78 = arith.constant 6 : i32
      %parallel_loop3A_79 = vector.broadcast %parallel_loop3A_78 : i32 to vector<16xi32>
      %parallel_loop3A_80 = arith.addi %parallel_loop3A_28, %parallel_loop3A_79 : vector<16xi32>
      %parallel_loop3A_81 = tpu.vector_load_idx %arg5[%parallel_loop3A_80] : memref<33280xf32, #tpu.memory_space<vmem>>[vector<16xi32>], vector<16xf32>,
      %parallel_loop3A_82 = arith.constant 6 : i32
      %parallel_loop3A_83 = vector.broadcast %parallel_loop3A_82 : i32 to vector<16xi32>
      %parallel_loop3A_84 = arith.addi %parallel_loop3A_35, %parallel_loop3A_83 : vector<16xi32>
      tpu.vector_store_idx %arg7[%parallel_loop3A_84], %parallel_loop3A_81 : memref<67584xf32, #tpu.memory_space<vmem>>[vector<16xi32>], vector<16xf32>,
      %parallel_loop3A_85 = arith.constant 7 : i32
      %parallel_loop3A_86 = vector.broadcast %parallel_loop3A_85 : i32 to vector<16xi32>
      %parallel_loop3A_87 = arith.addi %parallel_loop3A_28, %parallel_loop3A_86 : vector<16xi32>
      %parallel_loop3A_88 = tpu.vector_load_idx %arg5[%parallel_loop3A_87] : memref<33280xf32, #tpu.memory_space<vmem>>[vector<16xi32>], vector<16xf32>,
      %parallel_loop3A_89 = arith.constant 7 : i32
      %parallel_loop3A_90 = vector.broadcast %parallel_loop3A_89 : i32 to vector<16xi32>
      %parallel_loop3A_91 = arith.addi %parallel_loop3A_35, %parallel_loop3A_90 : vector<16xi32>
      tpu.vector_store_idx %arg7[%parallel_loop3A_91], %parallel_loop3A_88 : memref<67584xf32, #tpu.memory_space<vmem>>[vector<16xi32>], vector<16xf32>,
      %parallel_loop3A_92 = arith.constant 8 : i32
      %parallel_loop3A_93 = vector.broadcast %parallel_loop3A_92 : i32 to vector<16xi32>
      %parallel_loop3A_94 = arith.addi %parallel_loop3A_28, %parallel_loop3A_93 : vector<16xi32>
      %parallel_loop3A_95 = tpu.vector_load_idx %arg5[%parallel_loop3A_94] : memref<33280xf32, #tpu.memory_space<vmem>>[vector<16xi32>], vector<16xf32>,
      %parallel_loop3A_96 = arith.constant 8 : i32
      %parallel_loop3A_97 = vector.broadcast %parallel_loop3A_96 : i32 to vector<16xi32>
      %parallel_loop3A_98 = arith.addi %parallel_loop3A_35, %parallel_loop3A_97 : vector<16xi32>
      tpu.vector_store_idx %arg7[%parallel_loop3A_98], %parallel_loop3A_95 : memref<67584xf32, #tpu.memory_space<vmem>>[vector<16xi32>], vector<16xf32>,
      %parallel_loop3A_99 = arith.constant 9 : i32
      %parallel_loop3A_100 = vector.broadcast %parallel_loop3A_99 : i32 to vector<16xi32>
      %parallel_loop3A_101 = arith.addi %parallel_loop3A_28, %parallel_loop3A_100 : vector<16xi32>
      %parallel_loop3A_102 = tpu.vector_load_idx %arg5[%parallel_loop3A_101] : memref<33280xf32, #tpu.memory_space<vmem>>[vector<16xi32>], vector<16xf32>,
      %parallel_loop3A_103 = arith.constant 9 : i32
      %parallel_loop3A_104 = vector.broadcast %parallel_loop3A_103 : i32 to vector<16xi32>
      %parallel_loop3A_105 = arith.addi %parallel_loop3A_35, %parallel_loop3A_104 : vector<16xi32>
      tpu.vector_store_idx %arg7[%parallel_loop3A_105], %parallel_loop3A_102 : memref<67584xf32, #tpu.memory_space<vmem>>[vector<16xi32>], vector<16xf32>,
      %parallel_loop3A_106 = arith.constant 10 : i32
      %parallel_loop3A_107 = vector.broadcast %parallel_loop3A_106 : i32 to vector<16xi32>
      %parallel_loop3A_108 = arith.addi %parallel_loop3A_28, %parallel_loop3A_107 : vector<16xi32>
      %parallel_loop3A_109 = tpu.vector_load_idx %arg5[%parallel_loop3A_108] : memref<33280xf32, #tpu.memory_space<vmem>>[vector<16xi32>], vector<16xf32>,
      %parallel_loop3A_110 = arith.constant 10 : i32
      %parallel_loop3A_111 = vector.broadcast %parallel_loop3A_110 : i32 to vector<16xi32>
      %parallel_loop3A_112 = arith.addi %parallel_loop3A_35, %parallel_loop3A_111 : vector<16xi32>
      tpu.vector_store_idx %arg7[%parallel_loop3A_112], %parallel_loop3A_109 : memref<67584xf32, #tpu.memory_space<vmem>>[vector<16xi32>], vector<16xf32>,
      %parallel_loop3A_113 = arith.constant 11 : i32
      %parallel_loop3A_114 = vector.broadcast %parallel_loop3A_113 : i32 to vector<16xi32>
      %parallel_loop3A_115 = arith.addi %parallel_loop3A_28, %parallel_loop3A_114 : vector<16xi32>
      %parallel_loop3A_116 = tpu.vector_load_idx %arg5[%parallel_loop3A_115] : memref<33280xf32, #tpu.memory_space<vmem>>[vector<16xi32>], vector<16xf32>,
      %parallel_loop3A_117 = arith.constant 11 : i32
      %parallel_loop3A_118 = vector.broadcast %parallel_loop3A_117 : i32 to vector<16xi32>
      %parallel_loop3A_119 = arith.addi %parallel_loop3A_35, %parallel_loop3A_118 : vector<16xi32>
      tpu.vector_store_idx %arg7[%parallel_loop3A_119], %parallel_loop3A_116 : memref<67584xf32, #tpu.memory_space<vmem>>[vector<16xi32>], vector<16xf32>,
      %parallel_loop3A_120 = arith.constant 12 : i32
      %parallel_loop3A_121 = vector.broadcast %parallel_loop3A_120 : i32 to vector<16xi32>
      %parallel_loop3A_122 = arith.addi %parallel_loop3A_28, %parallel_loop3A_121 : vector<16xi32>
      %parallel_loop3A_123 = tpu.vector_load_idx %arg5[%parallel_loop3A_122] : memref<33280xf32, #tpu.memory_space<vmem>>[vector<16xi32>], vector<16xf32>,
      %parallel_loop3A_124 = arith.constant 12 : i32
      %parallel_loop3A_125 = vector.broadcast %parallel_loop3A_124 : i32 to vector<16xi32>
      %parallel_loop3A_126 = arith.addi %parallel_loop3A_35, %parallel_loop3A_125 : vector<16xi32>
      tpu.vector_store_idx %arg7[%parallel_loop3A_126], %parallel_loop3A_123 : memref<67584xf32, #tpu.memory_space<vmem>>[vector<16xi32>], vector<16xf32>,
      %parallel_loop3A_127 = arith.constant 13 : i32
      %parallel_loop3A_128 = vector.broadcast %parallel_loop3A_127 : i32 to vector<16xi32>
      %parallel_loop3A_129 = arith.addi %parallel_loop3A_28, %parallel_loop3A_128 : vector<16xi32>
      %parallel_loop3A_130 = tpu.vector_load_idx %arg5[%parallel_loop3A_129] : memref<33280xf32, #tpu.memory_space<vmem>>[vector<16xi32>], vector<16xf32>,
      %parallel_loop3A_131 = arith.constant 13 : i32
      %parallel_loop3A_132 = vector.broadcast %parallel_loop3A_131 : i32 to vector<16xi32>
      %parallel_loop3A_133 = arith.addi %parallel_loop3A_35, %parallel_loop3A_132 : vector<16xi32>
      tpu.vector_store_idx %arg7[%parallel_loop3A_133], %parallel_loop3A_130 : memref<67584xf32, #tpu.memory_space<vmem>>[vector<16xi32>], vector<16xf32>,
      %parallel_loop3A_134 = arith.constant 14 : i32
      %parallel_loop3A_135 = vector.broadcast %parallel_loop3A_134 : i32 to vector<16xi32>
      %parallel_loop3A_136 = arith.addi %parallel_loop3A_28, %parallel_loop3A_135 : vector<16xi32>
      %parallel_loop3A_137 = tpu.vector_load_idx %arg5[%parallel_loop3A_136] : memref<33280xf32, #tpu.memory_space<vmem>>[vector<16xi32>], vector<16xf32>,
      %parallel_loop3A_138 = arith.constant 14 : i32
      %parallel_loop3A_139 = vector.broadcast %parallel_loop3A_138 : i32 to vector<16xi32>
      %parallel_loop3A_140 = arith.addi %parallel_loop3A_35, %parallel_loop3A_139 : vector<16xi32>
      tpu.vector_store_idx %arg7[%parallel_loop3A_140], %parallel_loop3A_137 : memref<67584xf32, #tpu.memory_space<vmem>>[vector<16xi32>], vector<16xf32>,
      %parallel_loop3A_141 = arith.constant 15 : i32
      %parallel_loop3A_142 = vector.broadcast %parallel_loop3A_141 : i32 to vector<16xi32>
      %parallel_loop3A_143 = arith.addi %parallel_loop3A_28, %parallel_loop3A_142 : vector<16xi32>
      %parallel_loop3A_144 = tpu.vector_load_idx %arg5[%parallel_loop3A_143] : memref<33280xf32, #tpu.memory_space<vmem>>[vector<16xi32>], vector<16xf32>,
      %parallel_loop3A_145 = arith.constant 15 : i32
      %parallel_loop3A_146 = vector.broadcast %parallel_loop3A_145 : i32 to vector<16xi32>
      %parallel_loop3A_147 = arith.addi %parallel_loop3A_35, %parallel_loop3A_146 : vector<16xi32>
      tpu.vector_store_idx %arg7[%parallel_loop3A_147], %parallel_loop3A_144 : memref<67584xf32, #tpu.memory_space<vmem>>[vector<16xi32>], vector<16xf32>,
      %parallel_loop3A_148 = arith.constant 16 : i32
      %parallel_loop3A_149 = vector.broadcast %parallel_loop3A_148 : i32 to vector<16xi32>
      %parallel_loop3A_150 = arith.addi %parallel_loop3A_28, %parallel_loop3A_149 : vector<16xi32>
      %parallel_loop3A_151 = tpu.vector_load_idx %arg5[%parallel_loop3A_150] : memref<33280xf32, #tpu.memory_space<vmem>>[vector<16xi32>], vector<16xf32>,
      %parallel_loop3A_152 = arith.constant 16 : i32
      %parallel_loop3A_153 = vector.broadcast %parallel_loop3A_152 : i32 to vector<16xi32>
      %parallel_loop3A_154 = arith.addi %parallel_loop3A_35, %parallel_loop3A_153 : vector<16xi32>
      tpu.vector_store_idx %arg7[%parallel_loop3A_154], %parallel_loop3A_151 : memref<67584xf32, #tpu.memory_space<vmem>>[vector<16xi32>], vector<16xf32>,
      %parallel_loop3A_155 = arith.constant 17 : i32
      %parallel_loop3A_156 = vector.broadcast %parallel_loop3A_155 : i32 to vector<16xi32>
      %parallel_loop3A_157 = arith.addi %parallel_loop3A_28, %parallel_loop3A_156 : vector<16xi32>
      %parallel_loop3A_158 = tpu.vector_load_idx %arg5[%parallel_loop3A_157] : memref<33280xf32, #tpu.memory_space<vmem>>[vector<16xi32>], vector<16xf32>,
      %parallel_loop3A_159 = arith.constant 17 : i32
      %parallel_loop3A_160 = vector.broadcast %parallel_loop3A_159 : i32 to vector<16xi32>
      %parallel_loop3A_161 = arith.addi %parallel_loop3A_35, %parallel_loop3A_160 : vector<16xi32>
      tpu.vector_store_idx %arg7[%parallel_loop3A_161], %parallel_loop3A_158 : memref<67584xf32, #tpu.memory_space<vmem>>[vector<16xi32>], vector<16xf32>,
      %parallel_loop3A_162 = arith.constant 18 : i32
      %parallel_loop3A_163 = vector.broadcast %parallel_loop3A_162 : i32 to vector<16xi32>
      %parallel_loop3A_164 = arith.addi %parallel_loop3A_28, %parallel_loop3A_163 : vector<16xi32>
      %parallel_loop3A_165 = tpu.vector_load_idx %arg5[%parallel_loop3A_164] : memref<33280xf32, #tpu.memory_space<vmem>>[vector<16xi32>], vector<16xf32>,
      %parallel_loop3A_166 = arith.constant 18 : i32
      %parallel_loop3A_167 = vector.broadcast %parallel_loop3A_166 : i32 to vector<16xi32>
      %parallel_loop3A_168 = arith.addi %parallel_loop3A_35, %parallel_loop3A_167 : vector<16xi32>
      tpu.vector_store_idx %arg7[%parallel_loop3A_168], %parallel_loop3A_165 : memref<67584xf32, #tpu.memory_space<vmem>>[vector<16xi32>], vector<16xf32>,
      %parallel_loop3A_169 = arith.constant 19 : i32
      %parallel_loop3A_170 = vector.broadcast %parallel_loop3A_169 : i32 to vector<16xi32>
      %parallel_loop3A_171 = arith.addi %parallel_loop3A_28, %parallel_loop3A_170 : vector<16xi32>
      %parallel_loop3A_172 = tpu.vector_load_idx %arg5[%parallel_loop3A_171] : memref<33280xf32, #tpu.memory_space<vmem>>[vector<16xi32>], vector<16xf32>,
      %parallel_loop3A_173 = arith.constant 19 : i32
      %parallel_loop3A_174 = vector.broadcast %parallel_loop3A_173 : i32 to vector<16xi32>
      %parallel_loop3A_175 = arith.addi %parallel_loop3A_35, %parallel_loop3A_174 : vector<16xi32>
      tpu.vector_store_idx %arg7[%parallel_loop3A_175], %parallel_loop3A_172 : memref<67584xf32, #tpu.memory_space<vmem>>[vector<16xi32>], vector<16xf32>,
      %parallel_loop3A_176 = arith.constant 20 : i32
      %parallel_loop3A_177 = vector.broadcast %parallel_loop3A_176 : i32 to vector<16xi32>
      %parallel_loop3A_178 = arith.addi %parallel_loop3A_28, %parallel_loop3A_177 : vector<16xi32>
      %parallel_loop3A_179 = tpu.vector_load_idx %arg5[%parallel_loop3A_178] : memref<33280xf32, #tpu.memory_space<vmem>>[vector<16xi32>], vector<16xf32>,
      %parallel_loop3A_180 = arith.constant 20 : i32
      %parallel_loop3A_181 = vector.broadcast %parallel_loop3A_180 : i32 to vector<16xi32>
      %parallel_loop3A_182 = arith.addi %parallel_loop3A_35, %parallel_loop3A_181 : vector<16xi32>
      tpu.vector_store_idx %arg7[%parallel_loop3A_182], %parallel_loop3A_179 : memref<67584xf32, #tpu.memory_space<vmem>>[vector<16xi32>], vector<16xf32>,
      %parallel_loop3A_183 = arith.constant 21 : i32
      %parallel_loop3A_184 = vector.broadcast %parallel_loop3A_183 : i32 to vector<16xi32>
      %parallel_loop3A_185 = arith.addi %parallel_loop3A_28, %parallel_loop3A_184 : vector<16xi32>
      %parallel_loop3A_186 = tpu.vector_load_idx %arg5[%parallel_loop3A_185] : memref<33280xf32, #tpu.memory_space<vmem>>[vector<16xi32>], vector<16xf32>,
      %parallel_loop3A_187 = arith.constant 21 : i32
      %parallel_loop3A_188 = vector.broadcast %parallel_loop3A_187 : i32 to vector<16xi32>
      %parallel_loop3A_189 = arith.addi %parallel_loop3A_35, %parallel_loop3A_188 : vector<16xi32>
      tpu.vector_store_idx %arg7[%parallel_loop3A_189], %parallel_loop3A_186 : memref<67584xf32, #tpu.memory_space<vmem>>[vector<16xi32>], vector<16xf32>,
      %parallel_loop3A_190 = arith.constant 22 : i32
      %parallel_loop3A_191 = vector.broadcast %parallel_loop3A_190 : i32 to vector<16xi32>
      %parallel_loop3A_192 = arith.addi %parallel_loop3A_28, %parallel_loop3A_191 : vector<16xi32>
      %parallel_loop3A_193 = tpu.vector_load_idx %arg5[%parallel_loop3A_192] : memref<33280xf32, #tpu.memory_space<vmem>>[vector<16xi32>], vector<16xf32>,
      %parallel_loop3A_194 = arith.constant 22 : i32
      %parallel_loop3A_195 = vector.broadcast %parallel_loop3A_194 : i32 to vector<16xi32>
      %parallel_loop3A_196 = arith.addi %parallel_loop3A_35, %parallel_loop3A_195 : vector<16xi32>
      tpu.vector_store_idx %arg7[%parallel_loop3A_196], %parallel_loop3A_193 : memref<67584xf32, #tpu.memory_space<vmem>>[vector<16xi32>], vector<16xf32>,
      %parallel_loop3A_197 = arith.constant 23 : i32
      %parallel_loop3A_198 = vector.broadcast %parallel_loop3A_197 : i32 to vector<16xi32>
      %parallel_loop3A_199 = arith.addi %parallel_loop3A_28, %parallel_loop3A_198 : vector<16xi32>
      %parallel_loop3A_200 = tpu.vector_load_idx %arg5[%parallel_loop3A_199] : memref<33280xf32, #tpu.memory_space<vmem>>[vector<16xi32>], vector<16xf32>,
      %parallel_loop3A_201 = arith.constant 23 : i32
      %parallel_loop3A_202 = vector.broadcast %parallel_loop3A_201 : i32 to vector<16xi32>
      %parallel_loop3A_203 = arith.addi %parallel_loop3A_35, %parallel_loop3A_202 : vector<16xi32>
      tpu.vector_store_idx %arg7[%parallel_loop3A_203], %parallel_loop3A_200 : memref<67584xf32, #tpu.memory_space<vmem>>[vector<16xi32>], vector<16xf32>,
      %parallel_loop3A_204 = arith.constant 24 : i32
      %parallel_loop3A_205 = vector.broadcast %parallel_loop3A_204 : i32 to vector<16xi32>
      %parallel_loop3A_206 = arith.addi %parallel_loop3A_28, %parallel_loop3A_205 : vector<16xi32>
      %parallel_loop3A_207 = tpu.vector_load_idx %arg5[%parallel_loop3A_206] : memref<33280xf32, #tpu.memory_space<vmem>>[vector<16xi32>], vector<16xf32>,
      %parallel_loop3A_208 = arith.constant 24 : i32
      %parallel_loop3A_209 = vector.broadcast %parallel_loop3A_208 : i32 to vector<16xi32>
      %parallel_loop3A_210 = arith.addi %parallel_loop3A_35, %parallel_loop3A_209 : vector<16xi32>
      tpu.vector_store_idx %arg7[%parallel_loop3A_210], %parallel_loop3A_207 : memref<67584xf32, #tpu.memory_space<vmem>>[vector<16xi32>], vector<16xf32>,
      %parallel_loop3A_211 = arith.constant 25 : i32
      %parallel_loop3A_212 = vector.broadcast %parallel_loop3A_211 : i32 to vector<16xi32>
      %parallel_loop3A_213 = arith.addi %parallel_loop3A_28, %parallel_loop3A_212 : vector<16xi32>
      %parallel_loop3A_214 = tpu.vector_load_idx %arg5[%parallel_loop3A_213] : memref<33280xf32, #tpu.memory_space<vmem>>[vector<16xi32>], vector<16xf32>,
      %parallel_loop3A_215 = arith.constant 25 : i32
      %parallel_loop3A_216 = vector.broadcast %parallel_loop3A_215 : i32 to vector<16xi32>
      %parallel_loop3A_217 = arith.addi %parallel_loop3A_35, %parallel_loop3A_216 : vector<16xi32>
      tpu.vector_store_idx %arg7[%parallel_loop3A_217], %parallel_loop3A_214 : memref<67584xf32, #tpu.memory_space<vmem>>[vector<16xi32>], vector<16xf32>,
      %parallel_loop3A_218 = arith.constant 26 : i32
      %parallel_loop3A_219 = vector.broadcast %parallel_loop3A_218 : i32 to vector<16xi32>
      %parallel_loop3A_220 = arith.addi %parallel_loop3A_28, %parallel_loop3A_219 : vector<16xi32>
      %parallel_loop3A_221 = tpu.vector_load_idx %arg5[%parallel_loop3A_220] : memref<33280xf32, #tpu.memory_space<vmem>>[vector<16xi32>], vector<16xf32>,
      %parallel_loop3A_222 = arith.constant 26 : i32
      %parallel_loop3A_223 = vector.broadcast %parallel_loop3A_222 : i32 to vector<16xi32>
      %parallel_loop3A_224 = arith.addi %parallel_loop3A_35, %parallel_loop3A_223 : vector<16xi32>
      tpu.vector_store_idx %arg7[%parallel_loop3A_224], %parallel_loop3A_221 : memref<67584xf32, #tpu.memory_space<vmem>>[vector<16xi32>], vector<16xf32>,
      %parallel_loop3A_225 = arith.constant 27 : i32
      %parallel_loop3A_226 = vector.broadcast %parallel_loop3A_225 : i32 to vector<16xi32>
      %parallel_loop3A_227 = arith.addi %parallel_loop3A_28, %parallel_loop3A_226 : vector<16xi32>
      %parallel_loop3A_228 = tpu.vector_load_idx %arg5[%parallel_loop3A_227] : memref<33280xf32, #tpu.memory_space<vmem>>[vector<16xi32>], vector<16xf32>,
      %parallel_loop3A_229 = arith.constant 27 : i32
      %parallel_loop3A_230 = vector.broadcast %parallel_loop3A_229 : i32 to vector<16xi32>
      %parallel_loop3A_231 = arith.addi %parallel_loop3A_35, %parallel_loop3A_230 : vector<16xi32>
      tpu.vector_store_idx %arg7[%parallel_loop3A_231], %parallel_loop3A_228 : memref<67584xf32, #tpu.memory_space<vmem>>[vector<16xi32>], vector<16xf32>,
      %parallel_loop3A_232 = arith.constant 28 : i32
      %parallel_loop3A_233 = vector.broadcast %parallel_loop3A_232 : i32 to vector<16xi32>
      %parallel_loop3A_234 = arith.addi %parallel_loop3A_28, %parallel_loop3A_233 : vector<16xi32>
      %parallel_loop3A_235 = tpu.vector_load_idx %arg5[%parallel_loop3A_234] : memref<33280xf32, #tpu.memory_space<vmem>>[vector<16xi32>], vector<16xf32>,
      %parallel_loop3A_236 = arith.constant 28 : i32
      %parallel_loop3A_237 = vector.broadcast %parallel_loop3A_236 : i32 to vector<16xi32>
      %parallel_loop3A_238 = arith.addi %parallel_loop3A_35, %parallel_loop3A_237 : vector<16xi32>
      tpu.vector_store_idx %arg7[%parallel_loop3A_238], %parallel_loop3A_235 : memref<67584xf32, #tpu.memory_space<vmem>>[vector<16xi32>], vector<16xf32>,
      %parallel_loop3A_239 = arith.constant 29 : i32
      %parallel_loop3A_240 = vector.broadcast %parallel_loop3A_239 : i32 to vector<16xi32>
      %parallel_loop3A_241 = arith.addi %parallel_loop3A_28, %parallel_loop3A_240 : vector<16xi32>
      %parallel_loop3A_242 = tpu.vector_load_idx %arg5[%parallel_loop3A_241] : memref<33280xf32, #tpu.memory_space<vmem>>[vector<16xi32>], vector<16xf32>,
      %parallel_loop3A_243 = arith.constant 29 : i32
      %parallel_loop3A_244 = vector.broadcast %parallel_loop3A_243 : i32 to vector<16xi32>
      %parallel_loop3A_245 = arith.addi %parallel_loop3A_35, %parallel_loop3A_244 : vector<16xi32>
      tpu.vector_store_idx %arg7[%parallel_loop3A_245], %parallel_loop3A_242 : memref<67584xf32, #tpu.memory_space<vmem>>[vector<16xi32>], vector<16xf32>,
      %parallel_loop3A_246 = arith.constant 30 : i32
      %parallel_loop3A_247 = vector.broadcast %parallel_loop3A_246 : i32 to vector<16xi32>
      %parallel_loop3A_248 = arith.addi %parallel_loop3A_28, %parallel_loop3A_247 : vector<16xi32>
      %parallel_loop3A_249 = tpu.vector_load_idx %arg5[%parallel_loop3A_248] : memref<33280xf32, #tpu.memory_space<vmem>>[vector<16xi32>], vector<16xf32>,
      %parallel_loop3A_250 = arith.constant 30 : i32
      %parallel_loop3A_251 = vector.broadcast %parallel_loop3A_250 : i32 to vector<16xi32>
      %parallel_loop3A_252 = arith.addi %parallel_loop3A_35, %parallel_loop3A_251 : vector<16xi32>
      tpu.vector_store_idx %arg7[%parallel_loop3A_252], %parallel_loop3A_249 : memref<67584xf32, #tpu.memory_space<vmem>>[vector<16xi32>], vector<16xf32>,
      %parallel_loop3A_253 = arith.constant 31 : i32
      %parallel_loop3A_254 = vector.broadcast %parallel_loop3A_253 : i32 to vector<16xi32>
      %parallel_loop3A_255 = arith.addi %parallel_loop3A_28, %parallel_loop3A_254 : vector<16xi32>
      %parallel_loop3A_256 = tpu.vector_load_idx %arg5[%parallel_loop3A_255] : memref<33280xf32, #tpu.memory_space<vmem>>[vector<16xi32>], vector<16xf32>,
      %parallel_loop3A_257 = arith.constant 31 : i32
      %parallel_loop3A_258 = vector.broadcast %parallel_loop3A_257 : i32 to vector<16xi32>
      %parallel_loop3A_259 = arith.addi %parallel_loop3A_35, %parallel_loop3A_258 : vector<16xi32>
      tpu.vector_store_idx %arg7[%parallel_loop3A_259], %parallel_loop3A_256 : memref<67584xf32, #tpu.memory_space<vmem>>[vector<16xi32>], vector<16xf32>,
      %parallel_loop3A_260 = arith.constant 32 : i32
      %parallel_loop3A_261 = vector.broadcast %parallel_loop3A_260 : i32 to vector<16xi32>
      %parallel_loop3A_262 = arith.addi %parallel_loop3A_28, %parallel_loop3A_261 : vector<16xi32>
      %parallel_loop3A_263 = tpu.vector_load_idx %arg5[%parallel_loop3A_262] : memref<33280xf32, #tpu.memory_space<vmem>>[vector<16xi32>], vector<16xf32>,
      %parallel_loop3A_264 = arith.constant 32 : i32
      %parallel_loop3A_265 = vector.broadcast %parallel_loop3A_264 : i32 to vector<16xi32>
      %parallel_loop3A_266 = arith.addi %parallel_loop3A_35, %parallel_loop3A_265 : vector<16xi32>
      tpu.vector_store_idx %arg7[%parallel_loop3A_266], %parallel_loop3A_263 : memref<67584xf32, #tpu.memory_space<vmem>>[vector<16xi32>], vector<16xf32>,
      %parallel_loop3A_267 = arith.constant 33 : i32
      %parallel_loop3A_268 = vector.broadcast %parallel_loop3A_267 : i32 to vector<16xi32>
      %parallel_loop3A_269 = arith.addi %parallel_loop3A_28, %parallel_loop3A_268 : vector<16xi32>
      %parallel_loop3A_270 = tpu.vector_load_idx %arg5[%parallel_loop3A_269] : memref<33280xf32, #tpu.memory_space<vmem>>[vector<16xi32>], vector<16xf32>,
      %parallel_loop3A_271 = arith.constant 33 : i32
      %parallel_loop3A_272 = vector.broadcast %parallel_loop3A_271 : i32 to vector<16xi32>
      %parallel_loop3A_273 = arith.addi %parallel_loop3A_35, %parallel_loop3A_272 : vector<16xi32>
      tpu.vector_store_idx %arg7[%parallel_loop3A_273], %parallel_loop3A_270 : memref<67584xf32, #tpu.memory_space<vmem>>[vector<16xi32>], vector<16xf32>,
      %parallel_loop3A_274 = arith.constant 34 : i32
      %parallel_loop3A_275 = vector.broadcast %parallel_loop3A_274 : i32 to vector<16xi32>
      %parallel_loop3A_276 = arith.addi %parallel_loop3A_28, %parallel_loop3A_275 : vector<16xi32>
      %parallel_loop3A_277 = tpu.vector_load_idx %arg5[%parallel_loop3A_276] : memref<33280xf32, #tpu.memory_space<vmem>>[vector<16xi32>], vector<16xf32>,
      %parallel_loop3A_278 = arith.constant 34 : i32
      %parallel_loop3A_279 = vector.broadcast %parallel_loop3A_278 : i32 to vector<16xi32>
      %parallel_loop3A_280 = arith.addi %parallel_loop3A_35, %parallel_loop3A_279 : vector<16xi32>
      tpu.vector_store_idx %arg7[%parallel_loop3A_280], %parallel_loop3A_277 : memref<67584xf32, #tpu.memory_space<vmem>>[vector<16xi32>], vector<16xf32>,
      %parallel_loop3A_281 = arith.constant 35 : i32
      %parallel_loop3A_282 = vector.broadcast %parallel_loop3A_281 : i32 to vector<16xi32>
      %parallel_loop3A_283 = arith.addi %parallel_loop3A_28, %parallel_loop3A_282 : vector<16xi32>
      %parallel_loop3A_284 = tpu.vector_load_idx %arg5[%parallel_loop3A_283] : memref<33280xf32, #tpu.memory_space<vmem>>[vector<16xi32>], vector<16xf32>,
      %parallel_loop3A_285 = arith.constant 35 : i32
      %parallel_loop3A_286 = vector.broadcast %parallel_loop3A_285 : i32 to vector<16xi32>
      %parallel_loop3A_287 = arith.addi %parallel_loop3A_35, %parallel_loop3A_286 : vector<16xi32>
      tpu.vector_store_idx %arg7[%parallel_loop3A_287], %parallel_loop3A_284 : memref<67584xf32, #tpu.memory_space<vmem>>[vector<16xi32>], vector<16xf32>,
      %parallel_loop3A_288 = arith.constant 36 : i32
      %parallel_loop3A_289 = vector.broadcast %parallel_loop3A_288 : i32 to vector<16xi32>
      %parallel_loop3A_290 = arith.addi %parallel_loop3A_28, %parallel_loop3A_289 : vector<16xi32>
      %parallel_loop3A_291 = tpu.vector_load_idx %arg5[%parallel_loop3A_290] : memref<33280xf32, #tpu.memory_space<vmem>>[vector<16xi32>], vector<16xf32>,
      %parallel_loop3A_292 = arith.constant 36 : i32
      %parallel_loop3A_293 = vector.broadcast %parallel_loop3A_292 : i32 to vector<16xi32>
      %parallel_loop3A_294 = arith.addi %parallel_loop3A_35, %parallel_loop3A_293 : vector<16xi32>
      tpu.vector_store_idx %arg7[%parallel_loop3A_294], %parallel_loop3A_291 : memref<67584xf32, #tpu.memory_space<vmem>>[vector<16xi32>], vector<16xf32>,
      %parallel_loop3A_295 = arith.constant 37 : i32
      %parallel_loop3A_296 = vector.broadcast %parallel_loop3A_295 : i32 to vector<16xi32>
      %parallel_loop3A_297 = arith.addi %parallel_loop3A_28, %parallel_loop3A_296 : vector<16xi32>
      %parallel_loop3A_298 = tpu.vector_load_idx %arg5[%parallel_loop3A_297] : memref<33280xf32, #tpu.memory_space<vmem>>[vector<16xi32>], vector<16xf32>,
      %parallel_loop3A_299 = arith.constant 37 : i32
      %parallel_loop3A_300 = vector.broadcast %parallel_loop3A_299 : i32 to vector<16xi32>
      %parallel_loop3A_301 = arith.addi %parallel_loop3A_35, %parallel_loop3A_300 : vector<16xi32>
      tpu.vector_store_idx %arg7[%parallel_loop3A_301], %parallel_loop3A_298 : memref<67584xf32, #tpu.memory_space<vmem>>[vector<16xi32>], vector<16xf32>,
      %parallel_loop3A_302 = arith.constant 38 : i32
      %parallel_loop3A_303 = vector.broadcast %parallel_loop3A_302 : i32 to vector<16xi32>
      %parallel_loop3A_304 = arith.addi %parallel_loop3A_28, %parallel_loop3A_303 : vector<16xi32>
      %parallel_loop3A_305 = tpu.vector_load_idx %arg5[%parallel_loop3A_304] : memref<33280xf32, #tpu.memory_space<vmem>>[vector<16xi32>], vector<16xf32>,
      %parallel_loop3A_306 = arith.constant 38 : i32
      %parallel_loop3A_307 = vector.broadcast %parallel_loop3A_306 : i32 to vector<16xi32>
      %parallel_loop3A_308 = arith.addi %parallel_loop3A_35, %parallel_loop3A_307 : vector<16xi32>
      tpu.vector_store_idx %arg7[%parallel_loop3A_308], %parallel_loop3A_305 : memref<67584xf32, #tpu.memory_space<vmem>>[vector<16xi32>], vector<16xf32>,
      %parallel_loop3A_309 = arith.constant 39 : i32
      %parallel_loop3A_310 = vector.broadcast %parallel_loop3A_309 : i32 to vector<16xi32>
      %parallel_loop3A_311 = arith.addi %parallel_loop3A_28, %parallel_loop3A_310 : vector<16xi32>
      %parallel_loop3A_312 = tpu.vector_load_idx %arg5[%parallel_loop3A_311] : memref<33280xf32, #tpu.memory_space<vmem>>[vector<16xi32>], vector<16xf32>,
      %parallel_loop3A_313 = arith.constant 39 : i32
      %parallel_loop3A_314 = vector.broadcast %parallel_loop3A_313 : i32 to vector<16xi32>
      %parallel_loop3A_315 = arith.addi %parallel_loop3A_35, %parallel_loop3A_314 : vector<16xi32>
      tpu.vector_store_idx %arg7[%parallel_loop3A_315], %parallel_loop3A_312 : memref<67584xf32, #tpu.memory_space<vmem>>[vector<16xi32>], vector<16xf32>,
      %parallel_loop3A_316 = arith.constant 40 : i32
      %parallel_loop3A_317 = vector.broadcast %parallel_loop3A_316 : i32 to vector<16xi32>
      %parallel_loop3A_318 = arith.addi %parallel_loop3A_28, %parallel_loop3A_317 : vector<16xi32>
      %parallel_loop3A_319 = tpu.vector_load_idx %arg5[%parallel_loop3A_318] : memref<33280xf32, #tpu.memory_space<vmem>>[vector<16xi32>], vector<16xf32>,
      %parallel_loop3A_320 = arith.constant 40 : i32
      %parallel_loop3A_321 = vector.broadcast %parallel_loop3A_320 : i32 to vector<16xi32>
      %parallel_loop3A_322 = arith.addi %parallel_loop3A_35, %parallel_loop3A_321 : vector<16xi32>
      tpu.vector_store_idx %arg7[%parallel_loop3A_322], %parallel_loop3A_319 : memref<67584xf32, #tpu.memory_space<vmem>>[vector<16xi32>], vector<16xf32>,
      %parallel_loop3A_323 = arith.constant 41 : i32
      %parallel_loop3A_324 = vector.broadcast %parallel_loop3A_323 : i32 to vector<16xi32>
      %parallel_loop3A_325 = arith.addi %parallel_loop3A_28, %parallel_loop3A_324 : vector<16xi32>
      %parallel_loop3A_326 = tpu.vector_load_idx %arg5[%parallel_loop3A_325] : memref<33280xf32, #tpu.memory_space<vmem>>[vector<16xi32>], vector<16xf32>,
      %parallel_loop3A_327 = arith.constant 41 : i32
      %parallel_loop3A_328 = vector.broadcast %parallel_loop3A_327 : i32 to vector<16xi32>
      %parallel_loop3A_329 = arith.addi %parallel_loop3A_35, %parallel_loop3A_328 : vector<16xi32>
      tpu.vector_store_idx %arg7[%parallel_loop3A_329], %parallel_loop3A_326 : memref<67584xf32, #tpu.memory_space<vmem>>[vector<16xi32>], vector<16xf32>,
      %parallel_loop3A_330 = arith.constant 42 : i32
      %parallel_loop3A_331 = vector.broadcast %parallel_loop3A_330 : i32 to vector<16xi32>
      %parallel_loop3A_332 = arith.addi %parallel_loop3A_28, %parallel_loop3A_331 : vector<16xi32>
      %parallel_loop3A_333 = tpu.vector_load_idx %arg5[%parallel_loop3A_332] : memref<33280xf32, #tpu.memory_space<vmem>>[vector<16xi32>], vector<16xf32>,
      %parallel_loop3A_334 = arith.constant 42 : i32
      %parallel_loop3A_335 = vector.broadcast %parallel_loop3A_334 : i32 to vector<16xi32>
      %parallel_loop3A_336 = arith.addi %parallel_loop3A_35, %parallel_loop3A_335 : vector<16xi32>
      tpu.vector_store_idx %arg7[%parallel_loop3A_336], %parallel_loop3A_333 : memref<67584xf32, #tpu.memory_space<vmem>>[vector<16xi32>], vector<16xf32>,
      %parallel_loop3A_337 = arith.constant 43 : i32
      %parallel_loop3A_338 = vector.broadcast %parallel_loop3A_337 : i32 to vector<16xi32>
      %parallel_loop3A_339 = arith.addi %parallel_loop3A_28, %parallel_loop3A_338 : vector<16xi32>
      %parallel_loop3A_340 = tpu.vector_load_idx %arg5[%parallel_loop3A_339] : memref<33280xf32, #tpu.memory_space<vmem>>[vector<16xi32>], vector<16xf32>,
      %parallel_loop3A_341 = arith.constant 43 : i32
      %parallel_loop3A_342 = vector.broadcast %parallel_loop3A_341 : i32 to vector<16xi32>
      %parallel_loop3A_343 = arith.addi %parallel_loop3A_35, %parallel_loop3A_342 : vector<16xi32>
      tpu.vector_store_idx %arg7[%parallel_loop3A_343], %parallel_loop3A_340 : memref<67584xf32, #tpu.memory_space<vmem>>[vector<16xi32>], vector<16xf32>,
      %parallel_loop3A_344 = arith.constant 44 : i32
      %parallel_loop3A_345 = vector.broadcast %parallel_loop3A_344 : i32 to vector<16xi32>
      %parallel_loop3A_346 = arith.addi %parallel_loop3A_28, %parallel_loop3A_345 : vector<16xi32>
      %parallel_loop3A_347 = tpu.vector_load_idx %arg5[%parallel_loop3A_346] : memref<33280xf32, #tpu.memory_space<vmem>>[vector<16xi32>], vector<16xf32>,
      %parallel_loop3A_348 = arith.constant 44 : i32
      %parallel_loop3A_349 = vector.broadcast %parallel_loop3A_348 : i32 to vector<16xi32>
      %parallel_loop3A_350 = arith.addi %parallel_loop3A_35, %parallel_loop3A_349 : vector<16xi32>
      tpu.vector_store_idx %arg7[%parallel_loop3A_350], %parallel_loop3A_347 : memref<67584xf32, #tpu.memory_space<vmem>>[vector<16xi32>], vector<16xf32>,
      %parallel_loop3A_351 = arith.constant 45 : i32
      %parallel_loop3A_352 = vector.broadcast %parallel_loop3A_351 : i32 to vector<16xi32>
      %parallel_loop3A_353 = arith.addi %parallel_loop3A_28, %parallel_loop3A_352 : vector<16xi32>
      %parallel_loop3A_354 = tpu.vector_load_idx %arg5[%parallel_loop3A_353] : memref<33280xf32, #tpu.memory_space<vmem>>[vector<16xi32>], vector<16xf32>,
      %parallel_loop3A_355 = arith.constant 45 : i32
      %parallel_loop3A_356 = vector.broadcast %parallel_loop3A_355 : i32 to vector<16xi32>
      %parallel_loop3A_357 = arith.addi %parallel_loop3A_35, %parallel_loop3A_356 : vector<16xi32>
      tpu.vector_store_idx %arg7[%parallel_loop3A_357], %parallel_loop3A_354 : memref<67584xf32, #tpu.memory_space<vmem>>[vector<16xi32>], vector<16xf32>,
      %parallel_loop3A_358 = arith.constant 46 : i32
      %parallel_loop3A_359 = vector.broadcast %parallel_loop3A_358 : i32 to vector<16xi32>
      %parallel_loop3A_360 = arith.addi %parallel_loop3A_28, %parallel_loop3A_359 : vector<16xi32>
      %parallel_loop3A_361 = tpu.vector_load_idx %arg5[%parallel_loop3A_360] : memref<33280xf32, #tpu.memory_space<vmem>>[vector<16xi32>], vector<16xf32>,
      %parallel_loop3A_362 = arith.constant 46 : i32
      %parallel_loop3A_363 = vector.broadcast %parallel_loop3A_362 : i32 to vector<16xi32>
      %parallel_loop3A_364 = arith.addi %parallel_loop3A_35, %parallel_loop3A_363 : vector<16xi32>
      tpu.vector_store_idx %arg7[%parallel_loop3A_364], %parallel_loop3A_361 : memref<67584xf32, #tpu.memory_space<vmem>>[vector<16xi32>], vector<16xf32>,
      %parallel_loop3A_365 = arith.constant 47 : i32
      %parallel_loop3A_366 = vector.broadcast %parallel_loop3A_365 : i32 to vector<16xi32>
      %parallel_loop3A_367 = arith.addi %parallel_loop3A_28, %parallel_loop3A_366 : vector<16xi32>
      %parallel_loop3A_368 = tpu.vector_load_idx %arg5[%parallel_loop3A_367] : memref<33280xf32, #tpu.memory_space<vmem>>[vector<16xi32>], vector<16xf32>,
      %parallel_loop3A_369 = arith.constant 47 : i32
      %parallel_loop3A_370 = vector.broadcast %parallel_loop3A_369 : i32 to vector<16xi32>
      %parallel_loop3A_371 = arith.addi %parallel_loop3A_35, %parallel_loop3A_370 : vector<16xi32>
      tpu.vector_store_idx %arg7[%parallel_loop3A_371], %parallel_loop3A_368 : memref<67584xf32, #tpu.memory_space<vmem>>[vector<16xi32>], vector<16xf32>,
      %parallel_loop3A_372 = arith.constant 48 : i32
      %parallel_loop3A_373 = vector.broadcast %parallel_loop3A_372 : i32 to vector<16xi32>
      %parallel_loop3A_374 = arith.addi %parallel_loop3A_28, %parallel_loop3A_373 : vector<16xi32>
      %parallel_loop3A_375 = tpu.vector_load_idx %arg5[%parallel_loop3A_374] : memref<33280xf32, #tpu.memory_space<vmem>>[vector<16xi32>], vector<16xf32>,
      %parallel_loop3A_376 = arith.constant 48 : i32
      %parallel_loop3A_377 = vector.broadcast %parallel_loop3A_376 : i32 to vector<16xi32>
      %parallel_loop3A_378 = arith.addi %parallel_loop3A_35, %parallel_loop3A_377 : vector<16xi32>
      tpu.vector_store_idx %arg7[%parallel_loop3A_378], %parallel_loop3A_375 : memref<67584xf32, #tpu.memory_space<vmem>>[vector<16xi32>], vector<16xf32>,
      %parallel_loop3A_379 = arith.constant 49 : i32
      %parallel_loop3A_380 = vector.broadcast %parallel_loop3A_379 : i32 to vector<16xi32>
      %parallel_loop3A_381 = arith.addi %parallel_loop3A_28, %parallel_loop3A_380 : vector<16xi32>
      %parallel_loop3A_382 = tpu.vector_load_idx %arg5[%parallel_loop3A_381] : memref<33280xf32, #tpu.memory_space<vmem>>[vector<16xi32>], vector<16xf32>,
      %parallel_loop3A_383 = arith.constant 49 : i32
      %parallel_loop3A_384 = vector.broadcast %parallel_loop3A_383 : i32 to vector<16xi32>
      %parallel_loop3A_385 = arith.addi %parallel_loop3A_35, %parallel_loop3A_384 : vector<16xi32>
      tpu.vector_store_idx %arg7[%parallel_loop3A_385], %parallel_loop3A_382 : memref<67584xf32, #tpu.memory_space<vmem>>[vector<16xi32>], vector<16xf32>,
      %parallel_loop3A_386 = arith.constant 50 : i32
      %parallel_loop3A_387 = vector.broadcast %parallel_loop3A_386 : i32 to vector<16xi32>
      %parallel_loop3A_388 = arith.addi %parallel_loop3A_28, %parallel_loop3A_387 : vector<16xi32>
      %parallel_loop3A_389 = tpu.vector_load_idx %arg5[%parallel_loop3A_388] : memref<33280xf32, #tpu.memory_space<vmem>>[vector<16xi32>], vector<16xf32>,
      %parallel_loop3A_390 = arith.constant 50 : i32
      %parallel_loop3A_391 = vector.broadcast %parallel_loop3A_390 : i32 to vector<16xi32>
      %parallel_loop3A_392 = arith.addi %parallel_loop3A_35, %parallel_loop3A_391 : vector<16xi32>
      tpu.vector_store_idx %arg7[%parallel_loop3A_392], %parallel_loop3A_389 : memref<67584xf32, #tpu.memory_space<vmem>>[vector<16xi32>], vector<16xf32>,
      %parallel_loop3A_393 = arith.constant 51 : i32
      %parallel_loop3A_394 = vector.broadcast %parallel_loop3A_393 : i32 to vector<16xi32>
      %parallel_loop3A_395 = arith.addi %parallel_loop3A_28, %parallel_loop3A_394 : vector<16xi32>
      %parallel_loop3A_396 = tpu.vector_load_idx %arg5[%parallel_loop3A_395] : memref<33280xf32, #tpu.memory_space<vmem>>[vector<16xi32>], vector<16xf32>,
      %parallel_loop3A_397 = arith.constant 51 : i32
      %parallel_loop3A_398 = vector.broadcast %parallel_loop3A_397 : i32 to vector<16xi32>
      %parallel_loop3A_399 = arith.addi %parallel_loop3A_35, %parallel_loop3A_398 : vector<16xi32>
      tpu.vector_store_idx %arg7[%parallel_loop3A_399], %parallel_loop3A_396 : memref<67584xf32, #tpu.memory_space<vmem>>[vector<16xi32>], vector<16xf32>,
      %parallel_loop3A_400 = arith.constant 52 : i32
      %parallel_loop3A_401 = vector.broadcast %parallel_loop3A_400 : i32 to vector<16xi32>
      %parallel_loop3A_402 = arith.addi %parallel_loop3A_28, %parallel_loop3A_401 : vector<16xi32>
      %parallel_loop3A_403 = tpu.vector_load_idx %arg5[%parallel_loop3A_402] : memref<33280xf32, #tpu.memory_space<vmem>>[vector<16xi32>], vector<16xf32>,
      %parallel_loop3A_404 = arith.constant 52 : i32
      %parallel_loop3A_405 = vector.broadcast %parallel_loop3A_404 : i32 to vector<16xi32>
      %parallel_loop3A_406 = arith.addi %parallel_loop3A_35, %parallel_loop3A_405 : vector<16xi32>
      tpu.vector_store_idx %arg7[%parallel_loop3A_406], %parallel_loop3A_403 : memref<67584xf32, #tpu.memory_space<vmem>>[vector<16xi32>], vector<16xf32>,
      %parallel_loop3A_407 = arith.constant 53 : i32
      %parallel_loop3A_408 = vector.broadcast %parallel_loop3A_407 : i32 to vector<16xi32>
      %parallel_loop3A_409 = arith.addi %parallel_loop3A_28, %parallel_loop3A_408 : vector<16xi32>
      %parallel_loop3A_410 = tpu.vector_load_idx %arg5[%parallel_loop3A_409] : memref<33280xf32, #tpu.memory_space<vmem>>[vector<16xi32>], vector<16xf32>,
      %parallel_loop3A_411 = arith.constant 53 : i32
      %parallel_loop3A_412 = vector.broadcast %parallel_loop3A_411 : i32 to vector<16xi32>
      %parallel_loop3A_413 = arith.addi %parallel_loop3A_35, %parallel_loop3A_412 : vector<16xi32>
      tpu.vector_store_idx %arg7[%parallel_loop3A_413], %parallel_loop3A_410 : memref<67584xf32, #tpu.memory_space<vmem>>[vector<16xi32>], vector<16xf32>,
      %parallel_loop3A_414 = arith.constant 54 : i32
      %parallel_loop3A_415 = vector.broadcast %parallel_loop3A_414 : i32 to vector<16xi32>
      %parallel_loop3A_416 = arith.addi %parallel_loop3A_28, %parallel_loop3A_415 : vector<16xi32>
      %parallel_loop3A_417 = tpu.vector_load_idx %arg5[%parallel_loop3A_416] : memref<33280xf32, #tpu.memory_space<vmem>>[vector<16xi32>], vector<16xf32>,
      %parallel_loop3A_418 = arith.constant 54 : i32
      %parallel_loop3A_419 = vector.broadcast %parallel_loop3A_418 : i32 to vector<16xi32>
      %parallel_loop3A_420 = arith.addi %parallel_loop3A_35, %parallel_loop3A_419 : vector<16xi32>
      tpu.vector_store_idx %arg7[%parallel_loop3A_420], %parallel_loop3A_417 : memref<67584xf32, #tpu.memory_space<vmem>>[vector<16xi32>], vector<16xf32>,
      %parallel_loop3A_421 = arith.constant 55 : i32
      %parallel_loop3A_422 = vector.broadcast %parallel_loop3A_421 : i32 to vector<16xi32>
      %parallel_loop3A_423 = arith.addi %parallel_loop3A_28, %parallel_loop3A_422 : vector<16xi32>
      %parallel_loop3A_424 = tpu.vector_load_idx %arg5[%parallel_loop3A_423] : memref<33280xf32, #tpu.memory_space<vmem>>[vector<16xi32>], vector<16xf32>,
      %parallel_loop3A_425 = arith.constant 55 : i32
      %parallel_loop3A_426 = vector.broadcast %parallel_loop3A_425 : i32 to vector<16xi32>
      %parallel_loop3A_427 = arith.addi %parallel_loop3A_35, %parallel_loop3A_426 : vector<16xi32>
      tpu.vector_store_idx %arg7[%parallel_loop3A_427], %parallel_loop3A_424 : memref<67584xf32, #tpu.memory_space<vmem>>[vector<16xi32>], vector<16xf32>,
      %parallel_loop3A_428 = arith.constant 56 : i32
      %parallel_loop3A_429 = vector.broadcast %parallel_loop3A_428 : i32 to vector<16xi32>
      %parallel_loop3A_430 = arith.addi %parallel_loop3A_28, %parallel_loop3A_429 : vector<16xi32>
      %parallel_loop3A_431 = tpu.vector_load_idx %arg5[%parallel_loop3A_430] : memref<33280xf32, #tpu.memory_space<vmem>>[vector<16xi32>], vector<16xf32>,
      %parallel_loop3A_432 = arith.constant 56 : i32
      %parallel_loop3A_433 = vector.broadcast %parallel_loop3A_432 : i32 to vector<16xi32>
      %parallel_loop3A_434 = arith.addi %parallel_loop3A_35, %parallel_loop3A_433 : vector<16xi32>
      tpu.vector_store_idx %arg7[%parallel_loop3A_434], %parallel_loop3A_431 : memref<67584xf32, #tpu.memory_space<vmem>>[vector<16xi32>], vector<16xf32>,
      %parallel_loop3A_435 = arith.constant 57 : i32
      %parallel_loop3A_436 = vector.broadcast %parallel_loop3A_435 : i32 to vector<16xi32>
      %parallel_loop3A_437 = arith.addi %parallel_loop3A_28, %parallel_loop3A_436 : vector<16xi32>
      %parallel_loop3A_438 = tpu.vector_load_idx %arg5[%parallel_loop3A_437] : memref<33280xf32, #tpu.memory_space<vmem>>[vector<16xi32>], vector<16xf32>,
      %parallel_loop3A_439 = arith.constant 57 : i32
      %parallel_loop3A_440 = vector.broadcast %parallel_loop3A_439 : i32 to vector<16xi32>
      %parallel_loop3A_441 = arith.addi %parallel_loop3A_35, %parallel_loop3A_440 : vector<16xi32>
      tpu.vector_store_idx %arg7[%parallel_loop3A_441], %parallel_loop3A_438 : memref<67584xf32, #tpu.memory_space<vmem>>[vector<16xi32>], vector<16xf32>,
      %parallel_loop3A_442 = arith.constant 58 : i32
      %parallel_loop3A_443 = vector.broadcast %parallel_loop3A_442 : i32 to vector<16xi32>
      %parallel_loop3A_444 = arith.addi %parallel_loop3A_28, %parallel_loop3A_443 : vector<16xi32>
      %parallel_loop3A_445 = tpu.vector_load_idx %arg5[%parallel_loop3A_444] : memref<33280xf32, #tpu.memory_space<vmem>>[vector<16xi32>], vector<16xf32>,
      %parallel_loop3A_446 = arith.constant 58 : i32
      %parallel_loop3A_447 = vector.broadcast %parallel_loop3A_446 : i32 to vector<16xi32>
      %parallel_loop3A_448 = arith.addi %parallel_loop3A_35, %parallel_loop3A_447 : vector<16xi32>
      tpu.vector_store_idx %arg7[%parallel_loop3A_448], %parallel_loop3A_445 : memref<67584xf32, #tpu.memory_space<vmem>>[vector<16xi32>], vector<16xf32>,
      %parallel_loop3A_449 = arith.constant 59 : i32
      %parallel_loop3A_450 = vector.broadcast %parallel_loop3A_449 : i32 to vector<16xi32>
      %parallel_loop3A_451 = arith.addi %parallel_loop3A_28, %parallel_loop3A_450 : vector<16xi32>
      %parallel_loop3A_452 = tpu.vector_load_idx %arg5[%parallel_loop3A_451] : memref<33280xf32, #tpu.memory_space<vmem>>[vector<16xi32>], vector<16xf32>,
      %parallel_loop3A_453 = arith.constant 59 : i32
      %parallel_loop3A_454 = vector.broadcast %parallel_loop3A_453 : i32 to vector<16xi32>
      %parallel_loop3A_455 = arith.addi %parallel_loop3A_35, %parallel_loop3A_454 : vector<16xi32>
      tpu.vector_store_idx %arg7[%parallel_loop3A_455], %parallel_loop3A_452 : memref<67584xf32, #tpu.memory_space<vmem>>[vector<16xi32>], vector<16xf32>,
      %parallel_loop3A_456 = arith.constant 60 : i32
      %parallel_loop3A_457 = vector.broadcast %parallel_loop3A_456 : i32 to vector<16xi32>
      %parallel_loop3A_458 = arith.addi %parallel_loop3A_28, %parallel_loop3A_457 : vector<16xi32>
      %parallel_loop3A_459 = tpu.vector_load_idx %arg5[%parallel_loop3A_458] : memref<33280xf32, #tpu.memory_space<vmem>>[vector<16xi32>], vector<16xf32>,
      %parallel_loop3A_460 = arith.constant 60 : i32
      %parallel_loop3A_461 = vector.broadcast %parallel_loop3A_460 : i32 to vector<16xi32>
      %parallel_loop3A_462 = arith.addi %parallel_loop3A_35, %parallel_loop3A_461 : vector<16xi32>
      tpu.vector_store_idx %arg7[%parallel_loop3A_462], %parallel_loop3A_459 : memref<67584xf32, #tpu.memory_space<vmem>>[vector<16xi32>], vector<16xf32>,
      %parallel_loop3A_463 = arith.constant 61 : i32
      %parallel_loop3A_464 = vector.broadcast %parallel_loop3A_463 : i32 to vector<16xi32>
      %parallel_loop3A_465 = arith.addi %parallel_loop3A_28, %parallel_loop3A_464 : vector<16xi32>
      %parallel_loop3A_466 = tpu.vector_load_idx %arg5[%parallel_loop3A_465] : memref<33280xf32, #tpu.memory_space<vmem>>[vector<16xi32>], vector<16xf32>,
      %parallel_loop3A_467 = arith.constant 61 : i32
      %parallel_loop3A_468 = vector.broadcast %parallel_loop3A_467 : i32 to vector<16xi32>
      %parallel_loop3A_469 = arith.addi %parallel_loop3A_35, %parallel_loop3A_468 : vector<16xi32>
      tpu.vector_store_idx %arg7[%parallel_loop3A_469], %parallel_loop3A_466 : memref<67584xf32, #tpu.memory_space<vmem>>[vector<16xi32>], vector<16xf32>,
      %parallel_loop3A_470 = arith.constant 62 : i32
      %parallel_loop3A_471 = vector.broadcast %parallel_loop3A_470 : i32 to vector<16xi32>
      %parallel_loop3A_472 = arith.addi %parallel_loop3A_28, %parallel_loop3A_471 : vector<16xi32>
      %parallel_loop3A_473 = tpu.vector_load_idx %arg5[%parallel_loop3A_472] : memref<33280xf32, #tpu.memory_space<vmem>>[vector<16xi32>], vector<16xf32>,
      %parallel_loop3A_474 = arith.constant 62 : i32
      %parallel_loop3A_475 = vector.broadcast %parallel_loop3A_474 : i32 to vector<16xi32>
      %parallel_loop3A_476 = arith.addi %parallel_loop3A_35, %parallel_loop3A_475 : vector<16xi32>
      tpu.vector_store_idx %arg7[%parallel_loop3A_476], %parallel_loop3A_473 : memref<67584xf32, #tpu.memory_space<vmem>>[vector<16xi32>], vector<16xf32>,
      %parallel_loop3A_477 = arith.constant 63 : i32
      %parallel_loop3A_478 = vector.broadcast %parallel_loop3A_477 : i32 to vector<16xi32>
      %parallel_loop3A_479 = arith.addi %parallel_loop3A_28, %parallel_loop3A_478 : vector<16xi32>
      %parallel_loop3A_480 = tpu.vector_load_idx %arg5[%parallel_loop3A_479] : memref<33280xf32, #tpu.memory_space<vmem>>[vector<16xi32>], vector<16xf32>,
      %parallel_loop3A_481 = arith.constant 63 : i32
      %parallel_loop3A_482 = vector.broadcast %parallel_loop3A_481 : i32 to vector<16xi32>
      %parallel_loop3A_483 = arith.addi %parallel_loop3A_35, %parallel_loop3A_482 : vector<16xi32>
      tpu.vector_store_idx %arg7[%parallel_loop3A_483], %parallel_loop3A_480 : memref<67584xf32, #tpu.memory_space<vmem>>[vector<16xi32>], vector<16xf32>,
    } {sc.loop_unroll_factor = 4 : i64, sc.parallel_access}
    %add3A_17 = arith.constant 135168 : i32
    %add3A_18 = arith.addi %mul3A_4, %add3A_17 : i32
    "tpu.region"() ({
      %run_scoped3A = tpu.sem_alloc : memref<!tpu.dma_semaphore, #tpu.memory_space<semaphore_mem>>
      %dma_start3A = tpu.memref_slice %arg4[%add3A_18] : memref<6488064xf32, #tpu.memory_space<hbm>> -> memref<67584xf32, #tpu.memory_space<hbm>>
      %dma_start3A_19 = tpu.memref_slice %arg4[%add3A_18] : memref<6488064xf32, #tpu.memory_space<hbm>> -> memref<67584xf32, #tpu.memory_space<hbm>>
      tpu.enqueue_dma source(%arg7 : memref<67584xf32, #tpu.memory_space<vmem>>) target(%dma_start3A_19 : memref<67584xf32, #tpu.memory_space<hbm>>) target_semaphore(%run_scoped3A : memref<!tpu.dma_semaphore, #tpu.memory_space<semaphore_mem>>)
      %dma_wait3A = tpu.memref_slice %arg4[%add3A_18] : memref<6488064xf32, #tpu.memory_space<hbm>> -> memref<67584xf32, #tpu.memory_space<hbm>>
      %dma_wait3A_20 = tpu.memref_slice %arg4[%add3A_18] : memref<6488064xf32, #tpu.memory_space<hbm>> -> memref<67584xf32, #tpu.memory_space<hbm>>
      tpu.wait_dma2 semaphore(%run_scoped3A : memref<!tpu.dma_semaphore, #tpu.memory_space<semaphore_mem>>) src(%arg7 : memref<67584xf32, #tpu.memory_space<vmem>>) dst(%dma_wait3A_20 : memref<67584xf32, #tpu.memory_space<hbm>>)
      tpu.yield
    }) : () -> ()
    return
  }
}

module attributes {stable_mosaic.version = 14 : i64} {
  func.func @_enc_body(%arg0: i32, %arg1: i32, %arg2: memref<1x3x50688xf32, #tpu.memory_space<vmem>>, %arg3: memref<64x27xf32, #tpu.memory_space<vmem>>, %arg4: memref<64x1xf32, #tpu.memory_space<vmem>>, %arg5: memref<1x64x3584xf32, #tpu.memory_space<vmem>>) attributes {dimension_semantics = [#tpu.dimension_semantics<arbitrary>, #tpu.dimension_semantics<arbitrary>], iteration_bounds = array<i64: 2, 14>, scalar_prefetch = 0 : i64, scratch_operands = 0 : i64, tpu.core_type = #tpu.core_type<tc>, window_params = [{transform_indices = @transform_0, window_bounds = array<i64: 1, 3, 50688>}, {pipeline_mode = #tpu.pipeline_mode<synchronous>, transform_indices = @transform_1, window_bounds = array<i64: 64, 27>}, {pipeline_mode = #tpu.pipeline_mode<synchronous>, transform_indices = @transform_2, window_bounds = array<i64: 64, 1>}, {transform_indices = @transform_3, window_bounds = array<i64: 1, 64, 3584>}]} {
    %iota3A = tpu.iota {dimensions = array<i32: 1>} : vector<1x3584xi32>
    %jit3A = arith.constant 224 : i32
    %eq3A = arith.constant 0 : i32
    %eq3A_0 = arith.cmpi eq, %jit3A, %eq3A : i32
    %jit3A_1 = arith.constant 1 : i32
    %select_n3A = arith.select %eq3A_0, %jit3A_1, %jit3A : i32
    %rem3A = vector.broadcast %select_n3A : i32 to vector<1x3584xi32>
    %rem3A_2 = arith.remsi %iota3A, %rem3A : vector<1x3584xi32>
    %ne3A = arith.constant 0 : i32
    %ne3A_3 = vector.broadcast %ne3A : i32 to vector<1x3584xi32>
    %ne3A_4 = arith.cmpi ne, %rem3A_2, %ne3A_3 : vector<1x3584xi32>
    %lt3A = arith.constant 0 : i32
    %lt3A_5 = vector.broadcast %lt3A : i32 to vector<1x3584xi32>
    %lt3A_6 = arith.cmpi slt, %rem3A_2, %lt3A_5 : vector<1x3584xi32>
    %lt3A_7 = arith.constant 0 : i32
    %lt3A_8 = arith.cmpi slt, %select_n3A, %lt3A_7 : i32
    %ne3A_9 = vector.broadcast %lt3A_8 : i1 to vector<1x3584xi1>
    %ne3A_10 = vector.broadcast %ne3A_9 : vector<1x3584xi1> to vector<1x3584xi1>
    %ne3A_11 = arith.xori %lt3A_6, %ne3A_10 : vector<1x3584xi1>
    %and3A = arith.andi %ne3A_11, %ne3A_4 : vector<1x3584xi1>
    %add3A = vector.broadcast %select_n3A : i32 to vector<1x3584xi32>
    %add3A_12 = arith.addi %rem3A_2, %add3A : vector<1x3584xi32>
    %select_n3A_13 = arith.select %and3A, %add3A_12, %rem3A_2 : vector<1x3584xi1>, vector<1x3584xi32>
    %ne3A_14 = arith.constant 0 : i32
    %ne3A_15 = vector.broadcast %ne3A_14 : i32 to vector<1x3584xi32>
    %ne3A_16 = arith.cmpi ne, %select_n3A_13, %ne3A_15 : vector<1x3584xi32>
    %convert_element_type3A = arith.extui %ne3A_16 : vector<1x3584xi1> to vector<1x3584xi32>
    %convert_element_type3A_17 = arith.sitofp %convert_element_type3A : vector<1x3584xi32> to vector<1x3584xf32>
    %ne3A_18 = arith.constant 223 : i32
    %ne3A_19 = vector.broadcast %ne3A_18 : i32 to vector<1x3584xi32>
    %ne3A_20 = arith.cmpi ne, %select_n3A_13, %ne3A_19 : vector<1x3584xi32>
    %convert_element_type3A_21 = arith.extui %ne3A_20 : vector<1x3584xi1> to vector<1x3584xi32>
    %convert_element_type3A_22 = arith.sitofp %convert_element_type3A_21 : vector<1x3584xi32> to vector<1x3584xf32>
    %mul3A = arith.constant 3584 : i32
    %mul3A_23 = arith.muli %arg1, %mul3A : i32
    %multiple_of3A = tpu.assume_multiple %mul3A_23, 128 : i32
    %get3A = arith.constant 0 : index
    %get3A_24 = arith.constant 0 : index
    %get3A_25 = arith.index_cast %multiple_of3A : i32 to index
    %get3A_26 = vector.load %arg2[%get3A, %get3A_24, %get3A_25] : memref<1x3x50688xf32, #tpu.memory_space<vmem>>, vector<1x3x4096xf32>
    %get3A_27 = vector.shape_cast %get3A_26 : vector<1x3x4096xf32> to vector<3x4096xf32>
    %slice3A = vector.extract_strided_slice %get3A_27 {offsets = [0, 31], sizes = [3, 3584], strides = [1, 1]} : vector<3x4096xf32> to vector<3x3584xf32>
    %mul3A_28 = vector.broadcast %convert_element_type3A_17 : vector<1x3584xf32> to vector<3x3584xf32>
    %mul3A_29 = arith.mulf %slice3A, %mul3A_28 : vector<3x3584xf32>
    %slice3A_30 = vector.extract_strided_slice %get3A_27 {offsets = [0, 32], sizes = [3, 3584], strides = [1, 1]} : vector<3x4096xf32> to vector<3x3584xf32>
    %slice3A_31 = vector.extract_strided_slice %get3A_27 {offsets = [0, 33], sizes = [3, 3584], strides = [1, 1]} : vector<3x4096xf32> to vector<3x3584xf32>
    %mul3A_32 = vector.broadcast %convert_element_type3A_22 : vector<1x3584xf32> to vector<3x3584xf32>
    %mul3A_33 = arith.mulf %slice3A_31, %mul3A_32 : vector<3x3584xf32>
    %slice3A_34 = vector.extract_strided_slice %get3A_27 {offsets = [0, 255], sizes = [3, 3584], strides = [1, 1]} : vector<3x4096xf32> to vector<3x3584xf32>
    %mul3A_35 = vector.broadcast %convert_element_type3A_17 : vector<1x3584xf32> to vector<3x3584xf32>
    %mul3A_36 = arith.mulf %slice3A_34, %mul3A_35 : vector<3x3584xf32>
    %slice3A_37 = vector.extract_strided_slice %get3A_27 {offsets = [0, 256], sizes = [3, 3584], strides = [1, 1]} : vector<3x4096xf32> to vector<3x3584xf32>
    %slice3A_38 = vector.extract_strided_slice %get3A_27 {offsets = [0, 257], sizes = [3, 3584], strides = [1, 1]} : vector<3x4096xf32> to vector<3x3584xf32>
    %mul3A_39 = vector.broadcast %convert_element_type3A_22 : vector<1x3584xf32> to vector<3x3584xf32>
    %mul3A_40 = arith.mulf %slice3A_38, %mul3A_39 : vector<3x3584xf32>
    %slice3A_41 = vector.extract_strided_slice %get3A_27 {offsets = [0, 479], sizes = [3, 3584], strides = [1, 1]} : vector<3x4096xf32> to vector<3x3584xf32>
    %mul3A_42 = vector.broadcast %convert_element_type3A_17 : vector<1x3584xf32> to vector<3x3584xf32>
    %mul3A_43 = arith.mulf %slice3A_41, %mul3A_42 : vector<3x3584xf32>
    %slice3A_44 = vector.extract_strided_slice %get3A_27 {offsets = [0, 480], sizes = [3, 3584], strides = [1, 1]} : vector<3x4096xf32> to vector<3x3584xf32>
    %slice3A_45 = vector.extract_strided_slice %get3A_27 {offsets = [0, 481], sizes = [3, 3584], strides = [1, 1]} : vector<3x4096xf32> to vector<3x3584xf32>
    %mul3A_46 = vector.broadcast %convert_element_type3A_22 : vector<1x3584xf32> to vector<3x3584xf32>
    %mul3A_47 = arith.mulf %slice3A_45, %mul3A_46 : vector<3x3584xf32>
    %concatenate3A = tpu.concatenate %mul3A_29, %slice3A_30, %mul3A_33, %mul3A_36, %slice3A_37, %mul3A_40, %mul3A_43, %slice3A_44, %mul3A_47 in 0 : vector<3x3584xf32>, vector<3x3584xf32>, vector<3x3584xf32>, vector<3x3584xf32>, vector<3x3584xf32>, vector<3x3584xf32>, vector<3x3584xf32>, vector<3x3584xf32>, vector<3x3584xf32> -> vector<27x3584xf32>
    %get3A_48 = arith.constant 0 : index
    %get3A_49 = arith.constant 0 : index
    %get3A_50 = vector.load %arg3[%get3A_48, %get3A_49] : memref<64x27xf32, #tpu.memory_space<vmem>>, vector<64x27xf32>
    %dot_general3A = arith.constant dense<0.000000e+00> : vector<64x3584xf32>
    %dot_general3A_51 = tpu.matmul %get3A_50, %concatenate3A, %dot_general3A {dimension_numbers = #tpu.dot_dimension_numbers<[1], [0], [0], [1], [0, 0, 1, 1], [], []>, transpose_lhs_hint = false} : vector<64x27xf32>, vector<27x3584xf32>, vector<64x3584xf32> -> vector<64x3584xf32>
    %get3A_52 = arith.constant 0 : index
    %get3A_53 = arith.constant 0 : index
    %get3A_54 = vector.load %arg4[%get3A_52, %get3A_53] : memref<64x1xf32, #tpu.memory_space<vmem>>, vector<64x1xf32>
    %add3A_55 = vector.broadcast %get3A_54 : vector<64x1xf32> to vector<64x3584xf32>
    %add3A_56 = arith.addf %dot_general3A_51, %add3A_55 : vector<64x3584xf32>
    %swap3A = arith.constant 0 : index
    %swap3A_57 = arith.constant 0 : index
    %swap3A_58 = arith.constant 0 : index
    %swap3A_59 = vector.load %arg5[%swap3A, %swap3A_57, %swap3A_58] : memref<1x64x3584xf32, #tpu.memory_space<vmem>>, vector<1x64x3584xf32>
    %swap3A_60 = vector.shape_cast %swap3A_59 : vector<1x64x3584xf32> to vector<64x3584xf32>
    %swap3A_61 = vector.shape_cast %add3A_56 : vector<64x3584xf32> to vector<1x64x3584xf32>
    tpu.vector_store %arg5[%swap3A, %swap3A_57, %swap3A_58], %swap3A_61 {strides = array<i32>} : memref<1x64x3584xf32, #tpu.memory_space<vmem>>, vector<1x64x3584xf32>,
    return
  }
  func.func @transform_0(%arg0: i32, %arg1: i32) -> (i32, i32, i32) {
    %c0_i32 = arith.constant 0 : i32
    %c0_i32_0 = arith.constant 0 : i32
    %c0_i32_1 = arith.constant 0 : i32
    return %arg0, %c0_i32, %c0_i32_0 : i32, i32, i32
  }
  func.func @transform_1(%arg0: i32, %arg1: i32) -> (i32, i32) {
    %c0_i32 = arith.constant 0 : i32
    %c0_i32_0 = arith.constant 0 : i32
    %c0_i32_1 = arith.constant 0 : i32
    return %c0_i32, %c0_i32_0 : i32, i32
  }
  func.func @transform_2(%arg0: i32, %arg1: i32) -> (i32, i32) {
    %c0_i32 = arith.constant 0 : i32
    %c0_i32_0 = arith.constant 0 : i32
    %c0_i32_1 = arith.constant 0 : i32
    return %c0_i32, %c0_i32_0 : i32, i32
  }
  func.func @transform_3(%arg0: i32, %arg1: i32) -> (i32, i32, i32) {
    %c0_i32 = arith.constant 0 : i32
    %c0_i32_0 = arith.constant 0 : i32
    return %arg0, %c0_i32, %arg1 : i32, i32, i32
  }
}

module attributes {stable_mosaic.version = 14 : i64} {
  func.func @_vq_body(%arg0: i32, %arg1: memref<3584x64xf32, #tpu.memory_space<vmem>>, %arg2: memref<64x512xf32, #tpu.memory_space<vmem>>, %arg3: memref<1x512xf32, #tpu.memory_space<vmem>>, %arg4: memref<64x512xf32, #tpu.memory_space<vmem>>, %arg5: memref<1x3584x1xi32, #tpu.memory_space<vmem>>, %arg6: memref<64x512xf32, #tpu.memory_space<vmem>>, %arg7: memref<1x512xf32, #tpu.memory_space<vmem>>, %arg8: memref<64x512xf32, #tpu.memory_space<vmem>>) attributes {dimension_semantics = [#tpu.dimension_semantics<arbitrary>], iteration_bounds = array<i64: 28>, scalar_prefetch = 0 : i64, scratch_operands = 2 : i64, tpu.core_type = #tpu.core_type<tc>, window_params = [{transform_indices = @transform_0, window_bounds = array<i64: 3584, 64>}, {pipeline_mode = #tpu.pipeline_mode<synchronous>, transform_indices = @transform_1, window_bounds = array<i64: 64, 512>}, {pipeline_mode = #tpu.pipeline_mode<synchronous>, transform_indices = @transform_2, window_bounds = array<i64: 1, 512>}, {pipeline_mode = #tpu.pipeline_mode<synchronous>, transform_indices = @transform_3, window_bounds = array<i64: 64, 512>}, {transform_indices = @transform_4, window_bounds = array<i64: 1, 3584, 1>}, {pipeline_mode = #tpu.pipeline_mode<synchronous>, transform_indices = @transform_5, window_bounds = array<i64: 64, 512>}]} {
    %eq3A = arith.constant 0 : i32
    %eq3A_0 = arith.cmpi eq, %arg0, %eq3A : i32
    %convert_element_type3A = arith.extui %eq3A_0 : i1 to i32
    %cond3A = arith.constant 0 : i32
    %cond3A_1 = arith.cmpi ne, %convert_element_type3A, %cond3A : i32
    scf.if %cond3A_1 {
      %broadcast_in_dim3A_54 = arith.constant 0.000000e+00 : f32
      %broadcast_in_dim3A_55 = vector.broadcast %broadcast_in_dim3A_54 : f32 to vector<1x512xf32>
      %swap3A_56 = arith.constant 0 : index
      %swap3A_57 = arith.constant 0 : index
      %swap3A_58 = vector.load %arg7[%swap3A_56, %swap3A_57] : memref<1x512xf32, #tpu.memory_space<vmem>>, vector<1x512xf32>
      tpu.vector_store %arg7[%swap3A_56, %swap3A_57], %broadcast_in_dim3A_55 {strides = array<i32>} : memref<1x512xf32, #tpu.memory_space<vmem>>, vector<1x512xf32>,
      %broadcast_in_dim3A_59 = arith.constant 0.000000e+00 : f32
      %broadcast_in_dim3A_60 = vector.broadcast %broadcast_in_dim3A_59 : f32 to vector<64x512xf32>
      %swap3A_61 = arith.constant 0 : index
      %swap3A_62 = arith.constant 0 : index
      %swap3A_63 = vector.load %arg8[%swap3A_61, %swap3A_62] : memref<64x512xf32, #tpu.memory_space<vmem>>, vector<64x512xf32>
      tpu.vector_store %arg8[%swap3A_61, %swap3A_62], %broadcast_in_dim3A_60 {strides = array<i32>} : memref<64x512xf32, #tpu.memory_space<vmem>>, vector<64x512xf32>,
    } else {
    }
    %get3A = arith.constant 0 : index
    %get3A_2 = arith.constant 0 : index
    %get3A_3 = vector.load %arg1[%get3A, %get3A_2] : memref<3584x64xf32, #tpu.memory_space<vmem>>, vector<3584x64xf32>
    %get3A_4 = arith.constant 0 : index
    %get3A_5 = arith.constant 0 : index
    %get3A_6 = vector.load %arg2[%get3A_4, %get3A_5] : memref<64x512xf32, #tpu.memory_space<vmem>>, vector<64x512xf32>
    %mul3A = arith.constant -2.000000e+00 : f32
    %mul3A_7 = vector.broadcast %mul3A : f32 to vector<3584x64xf32>
    %mul3A_8 = arith.mulf %get3A_3, %mul3A_7 : vector<3584x64xf32>
    %dot_general3A = arith.constant dense<0.000000e+00> : vector<3584x512xf32>
    %dot_general3A_9 = tpu.matmul %mul3A_8, %get3A_6, %dot_general3A {dimension_numbers = #tpu.dot_dimension_numbers<[1], [0], [0], [1], [0, 0, 1, 1], [], []>, transpose_lhs_hint = false} : vector<3584x64xf32>, vector<64x512xf32>, vector<3584x512xf32> -> vector<3584x512xf32>
    %mul3A_10 = arith.mulf %get3A_6, %get3A_6 : vector<64x512xf32>
    %reduce_sum3A = arith.constant dense<0.000000e+00> : vector<512xf32>
    %reduce_sum3A_11 = vector.multi_reduction <add>, %mul3A_10, %reduce_sum3A [0] : vector<64x512xf32> to vector<512xf32>
    %broadcast_in_dim3A = vector.shape_cast %reduce_sum3A_11 : vector<512xf32> to vector<1x512xf32>
    %add3A = vector.broadcast %broadcast_in_dim3A : vector<1x512xf32> to vector<3584x512xf32>
    %add3A_12 = arith.addf %add3A, %dot_general3A_9 : vector<3584x512xf32>
    %reduce_min3A = arith.constant dense<0x7F800000> : vector<3584xf32>
    %reduce_min3A_13 = vector.multi_reduction <minimumf>, %add3A_12, %reduce_min3A [1] : vector<3584x512xf32> to vector<3584xf32>
    %broadcast_in_dim3A_14 = vector.shape_cast %reduce_min3A_13 : vector<3584xf32> to vector<3584x1xf32>
    %iota3A = tpu.iota {dimensions = array<i32: 1>} : vector<3584x512xi32>
    %eq3A_15 = vector.broadcast %broadcast_in_dim3A_14 : vector<3584x1xf32> to vector<3584x512xf32>
    %eq3A_16 = arith.cmpf oeq, %add3A_12, %eq3A_15 : vector<3584x512xf32>
    %jit3A = arith.constant 512 : i32
    %broadcast_in_dim3A_17 = vector.broadcast %jit3A : i32 to vector<3584x512xi32>
    %select_n3A = arith.select %eq3A_16, %iota3A, %broadcast_in_dim3A_17 : vector<3584x512xi1>, vector<3584x512xi32>
    %reduce_min3A_18 = arith.constant dense<2147483647> : vector<3584xi32>
    %reduce_min3A_19 = vector.multi_reduction <minsi>, %select_n3A, %reduce_min3A_18 [1] : vector<3584x512xi32> to vector<3584xi32>
    %broadcast_in_dim3A_20 = vector.shape_cast %reduce_min3A_19 : vector<3584xi32> to vector<3584x1xi32>
    %swap3A = arith.constant 0 : index
    %swap3A_21 = arith.constant 0 : index
    %swap3A_22 = arith.constant 0 : index
    %swap3A_23 = vector.load %arg5[%swap3A, %swap3A_21, %swap3A_22] : memref<1x3584x1xi32, #tpu.memory_space<vmem>>, vector<1x3584x1xi32>
    %swap3A_24 = vector.shape_cast %swap3A_23 : vector<1x3584x1xi32> to vector<3584x1xi32>
    %swap3A_25 = vector.shape_cast %broadcast_in_dim3A_20 : vector<3584x1xi32> to vector<1x3584x1xi32>
    tpu.vector_store %arg5[%swap3A, %swap3A_21, %swap3A_22], %swap3A_25 {strides = array<i32>} : memref<1x3584x1xi32, #tpu.memory_space<vmem>>, vector<1x3584x1xi32>,
    %eq3A_26 = vector.broadcast %broadcast_in_dim3A_20 : vector<3584x1xi32> to vector<3584x512xi32>
    %eq3A_27 = arith.cmpi eq, %iota3A, %eq3A_26 : vector<3584x512xi32>
    %convert_element_type3A_28 = arith.extui %eq3A_27 : vector<3584x512xi1> to vector<3584x512xi32>
    %convert_element_type3A_29 = arith.sitofp %convert_element_type3A_28 : vector<3584x512xi32> to vector<3584x512xf32>
    %get3A_30 = arith.constant 0 : index
    %get3A_31 = arith.constant 0 : index
    %get3A_32 = vector.load %arg7[%get3A_30, %get3A_31] : memref<1x512xf32, #tpu.memory_space<vmem>>, vector<1x512xf32>
    %reduce_sum3A_33 = arith.constant dense<0.000000e+00> : vector<512xf32>
    %reduce_sum3A_34 = vector.multi_reduction <add>, %convert_element_type3A_29, %reduce_sum3A_33 [0] : vector<3584x512xf32> to vector<512xf32>
    %broadcast_in_dim3A_35 = vector.shape_cast %reduce_sum3A_34 : vector<512xf32> to vector<1x512xf32>
    %add3A_36 = arith.addf %get3A_32, %broadcast_in_dim3A_35 : vector<1x512xf32>
    %swap3A_37 = arith.constant 0 : index
    %swap3A_38 = arith.constant 0 : index
    %swap3A_39 = vector.load %arg7[%swap3A_37, %swap3A_38] : memref<1x512xf32, #tpu.memory_space<vmem>>, vector<1x512xf32>
    tpu.vector_store %arg7[%swap3A_37, %swap3A_38], %add3A_36 {strides = array<i32>} : memref<1x512xf32, #tpu.memory_space<vmem>>, vector<1x512xf32>,
    %get3A_40 = arith.constant 0 : index
    %get3A_41 = arith.constant 0 : index
    %get3A_42 = vector.load %arg8[%get3A_40, %get3A_41] : memref<64x512xf32, #tpu.memory_space<vmem>>, vector<64x512xf32>
    %dot_general3A_43 = arith.constant dense<0.000000e+00> : vector<64x512xf32>
    %dot_general3A_44 = tpu.matmul %get3A_3, %convert_element_type3A_29, %dot_general3A_43 {dimension_numbers = #tpu.dot_dimension_numbers<[0], [0], [1], [1], [0, 1, 1, 1], [], []>, transpose_lhs_hint = false} : vector<3584x64xf32>, vector<3584x512xf32>, vector<64x512xf32> -> vector<64x512xf32>
    %add3A_45 = arith.addf %get3A_42, %dot_general3A_44 : vector<64x512xf32>
    %swap3A_46 = arith.constant 0 : index
    %swap3A_47 = arith.constant 0 : index
    %swap3A_48 = vector.load %arg8[%swap3A_46, %swap3A_47] : memref<64x512xf32, #tpu.memory_space<vmem>>, vector<64x512xf32>
    tpu.vector_store %arg8[%swap3A_46, %swap3A_47], %add3A_45 {strides = array<i32>} : memref<64x512xf32, #tpu.memory_space<vmem>>, vector<64x512xf32>,
    %eq3A_49 = arith.constant 27 : i32
    %eq3A_50 = arith.cmpi eq, %arg0, %eq3A_49 : i32
    %convert_element_type3A_51 = arith.extui %eq3A_50 : i1 to i32
    %cond3A_52 = arith.constant 0 : i32
    %cond3A_53 = arith.cmpi ne, %convert_element_type3A_51, %cond3A_52 : i32
    scf.if %cond3A_53 {
      %get3A_54 = arith.constant 0 : index
      %get3A_55 = arith.constant 0 : index
      %get3A_56 = vector.load %arg3[%get3A_54, %get3A_55] : memref<1x512xf32, #tpu.memory_space<vmem>>, vector<1x512xf32>
      %mul3A_57 = arith.constant 9.900000e-01 : f32
      %mul3A_58 = vector.broadcast %mul3A_57 : f32 to vector<1x512xf32>
      %mul3A_59 = arith.mulf %get3A_56, %mul3A_58 : vector<1x512xf32>
      %get3A_60 = arith.constant 0 : index
      %get3A_61 = arith.constant 0 : index
      %get3A_62 = vector.load %arg7[%get3A_60, %get3A_61] : memref<1x512xf32, #tpu.memory_space<vmem>>, vector<1x512xf32>
      %mul3A_63 = arith.constant 0.00999999977 : f32
      %mul3A_64 = vector.broadcast %mul3A_63 : f32 to vector<1x512xf32>
      %mul3A_65 = arith.mulf %mul3A_64, %get3A_62 : vector<1x512xf32>
      %add3A_66 = arith.addf %mul3A_59, %mul3A_65 : vector<1x512xf32>
      %get3A_67 = arith.constant 0 : index
      %get3A_68 = arith.constant 0 : index
      %get3A_69 = vector.load %arg4[%get3A_67, %get3A_68] : memref<64x512xf32, #tpu.memory_space<vmem>>, vector<64x512xf32>
      %mul3A_70 = arith.constant 9.900000e-01 : f32
      %mul3A_71 = vector.broadcast %mul3A_70 : f32 to vector<64x512xf32>
      %mul3A_72 = arith.mulf %get3A_69, %mul3A_71 : vector<64x512xf32>
      %get3A_73 = arith.constant 0 : index
      %get3A_74 = arith.constant 0 : index
      %get3A_75 = vector.load %arg8[%get3A_73, %get3A_74] : memref<64x512xf32, #tpu.memory_space<vmem>>, vector<64x512xf32>
      %mul3A_76 = arith.constant 0.00999999977 : f32
      %mul3A_77 = vector.broadcast %mul3A_76 : f32 to vector<64x512xf32>
      %mul3A_78 = arith.mulf %mul3A_77, %get3A_75 : vector<64x512xf32>
      %add3A_79 = arith.addf %mul3A_72, %mul3A_78 : vector<64x512xf32>
      %reduce_sum3A_80 = vector.shape_cast %add3A_66 : vector<1x512xf32> to vector<1x1x512xf32>
      %reduce_sum3A_81 = arith.constant dense<0.000000e+00> : vector<1xf32>
      %reduce_sum3A_82 = vector.multi_reduction <add>, %reduce_sum3A_80, %reduce_sum3A_81 [1, 2] : vector<1x1x512xf32> to vector<1xf32>
      %reduce_sum3A_83 = vector.shape_cast %reduce_sum3A_82 : vector<1xf32> to vector<1x1x1xf32>
      %reduce_sum3A_84 = vector.extract %reduce_sum3A_83[0, 0, 0] : f32 from vector<1x1x1xf32>
      %add3A_85 = arith.constant 9.99999974E-6 : f32
      %add3A_86 = vector.broadcast %add3A_85 : f32 to vector<1x512xf32>
      %add3A_87 = arith.addf %add3A_66, %add3A_86 : vector<1x512xf32>
      %add3A_88 = arith.constant 5.120000e-03 : f32
      %add3A_89 = arith.addf %reduce_sum3A_84, %add3A_88 : f32
      %div3A = vector.broadcast %add3A_89 : f32 to vector<1x512xf32>
      %div3A_90 = arith.divf %add3A_87, %div3A : vector<1x512xf32>
      %mul3A_91 = vector.broadcast %reduce_sum3A_84 : f32 to vector<1x512xf32>
      %mul3A_92 = arith.mulf %div3A_90, %mul3A_91 : vector<1x512xf32>
      %div3A_93 = vector.broadcast %mul3A_92 : vector<1x512xf32> to vector<64x512xf32>
      %div3A_94 = arith.divf %add3A_79, %div3A_93 : vector<64x512xf32>
      %swap3A_95 = arith.constant 0 : index
      %swap3A_96 = arith.constant 0 : index
      %swap3A_97 = vector.load %arg6[%swap3A_95, %swap3A_96] : memref<64x512xf32, #tpu.memory_space<vmem>>, vector<64x512xf32>
      tpu.vector_store %arg6[%swap3A_95, %swap3A_96], %div3A_94 {strides = array<i32>} : memref<64x512xf32, #tpu.memory_space<vmem>>, vector<64x512xf32>,
    } else {
    }
    return
  }
  func.func @transform_0(%arg0: i32) -> (i32, i32) {
    %c0_i32 = arith.constant 0 : i32
    %c0_i32_0 = arith.constant 0 : i32
    return %arg0, %c0_i32 : i32, i32
  }
  func.func @transform_1(%arg0: i32) -> (i32, i32) {
    %c0_i32 = arith.constant 0 : i32
    %c0_i32_0 = arith.constant 0 : i32
    %c0_i32_1 = arith.constant 0 : i32
    return %c0_i32, %c0_i32_0 : i32, i32
  }
  func.func @transform_2(%arg0: i32) -> (i32, i32) {
    %c0_i32 = arith.constant 0 : i32
    %c0_i32_0 = arith.constant 0 : i32
    %c0_i32_1 = arith.constant 0 : i32
    return %c0_i32, %c0_i32_0 : i32, i32
  }
  func.func @transform_3(%arg0: i32) -> (i32, i32) {
    %c0_i32 = arith.constant 0 : i32
    %c0_i32_0 = arith.constant 0 : i32
    %c0_i32_1 = arith.constant 0 : i32
    return %c0_i32, %c0_i32_0 : i32, i32
  }
  func.func @transform_4(%arg0: i32) -> (i32, i32, i32) {
    %c0_i32 = arith.constant 0 : i32
    %c0_i32_0 = arith.constant 0 : i32
    %c0_i32_1 = arith.constant 0 : i32
    return %arg0, %c0_i32, %c0_i32_0 : i32, i32, i32
  }
  func.func @transform_5(%arg0: i32) -> (i32, i32) {
    %c0_i32 = arith.constant 0 : i32
    %c0_i32_0 = arith.constant 0 : i32
    %c0_i32_1 = arith.constant 0 : i32
    return %c0_i32, %c0_i32_0 : i32, i32
  }
}

module attributes {stable_mosaic.version = 14 : i64} {
  func.func @_dec_body(%arg0: i32, %arg1: i32, %arg2: memref<1x64x50688xf32, #tpu.memory_space<vmem>>, %arg3: memref<1x64x3584xf32, #tpu.memory_space<vmem>>, %arg4: memref<1x8x3584xf32, #tpu.memory_space<vmem>>, %arg5: memref<72x64xf32, #tpu.memory_space<vmem>>, %arg6: memref<8x1xf32, #tpu.memory_space<vmem>>, %arg7: memref<1x8x3584xf32, #tpu.memory_space<vmem>>, %arg8: memref<1x128xf32, #tpu.memory_space<vmem>>, %arg9: memref<2xf32, #tpu.memory_space<smem>>) attributes {dimension_semantics = [#tpu.dimension_semantics<arbitrary>, #tpu.dimension_semantics<arbitrary>], iteration_bounds = array<i64: 2, 14>, scalar_prefetch = 0 : i64, scratch_operands = 1 : i64, tpu.core_type = #tpu.core_type<tc>, window_params = [{transform_indices = @transform_0, window_bounds = array<i64: 1, 64, 50688>}, {transform_indices = @transform_1, window_bounds = array<i64: 1, 64, 3584>}, {transform_indices = @transform_2, window_bounds = array<i64: 1, 8, 3584>}, {pipeline_mode = #tpu.pipeline_mode<synchronous>, transform_indices = @transform_3, window_bounds = array<i64: 72, 64>}, {pipeline_mode = #tpu.pipeline_mode<synchronous>, transform_indices = @transform_4, window_bounds = array<i64: 8, 1>}, {transform_indices = @transform_5, window_bounds = array<i64: 1, 8, 3584>}, {pipeline_mode = #tpu.pipeline_mode<synchronous>, transform_indices = @transform_6, window_bounds = array<i64: 1, 128>}]} {
    %mul3A = arith.constant 14 : i32
    %mul3A_0 = arith.muli %arg0, %mul3A : i32
    %add3A = arith.addi %mul3A_0, %arg1 : i32
    %eq3A = arith.constant 0 : i32
    %eq3A_1 = arith.cmpi eq, %add3A, %eq3A : i32
    %convert_element_type3A = arith.extui %eq3A_1 : i1 to i32
    %cond3A = arith.constant 0 : i32
    %cond3A_2 = arith.cmpi ne, %convert_element_type3A, %cond3A : i32
    scf.if %cond3A_2 {
      %swap3A_116 = arith.constant 0.000000e+00 : f32
      %swap3A_117 = arith.constant 0 : index
      %swap3A_118 = memref.load %arg9[%swap3A_117] : memref<2xf32, #tpu.memory_space<smem>>
      memref.store %swap3A_116, %arg9[%swap3A_117] : memref<2xf32, #tpu.memory_space<smem>>
      %swap3A_119 = arith.constant 0.000000e+00 : f32
      %swap3A_120 = arith.constant 1 : index
      %swap3A_121 = memref.load %arg9[%swap3A_120] : memref<2xf32, #tpu.memory_space<smem>>
      memref.store %swap3A_119, %arg9[%swap3A_120] : memref<2xf32, #tpu.memory_space<smem>>
    } else {
    }
    %mul3A_3 = arith.constant 3584 : i32
    %mul3A_4 = arith.muli %arg1, %mul3A_3 : i32
    %multiple_of3A = tpu.assume_multiple %mul3A_4, 128 : i32
    %get3A = arith.constant 0 : index
    %get3A_5 = arith.constant 0 : index
    %get3A_6 = arith.index_cast %multiple_of3A : i32 to index
    %get3A_7 = vector.load %arg2[%get3A, %get3A_5, %get3A_6] : memref<1x64x50688xf32, #tpu.memory_space<vmem>>, vector<1x64x4096xf32>
    %get3A_8 = vector.shape_cast %get3A_7 : vector<1x64x4096xf32> to vector<64x4096xf32>
    %slice3A = vector.extract_strided_slice %get3A_8 {offsets = [0, 256], sizes = [64, 3584], strides = [1, 1]} : vector<64x4096xf32> to vector<64x3584xf32>
    %get3A_9 = arith.constant 0 : index
    %get3A_10 = memref.load %arg9[%get3A_9] : memref<2xf32, #tpu.memory_space<smem>>
    %get3A_11 = arith.constant 0 : index
    %get3A_12 = arith.constant 0 : index
    %get3A_13 = arith.constant 0 : index
    %get3A_14 = vector.load %arg3[%get3A_11, %get3A_12, %get3A_13] : memref<1x64x3584xf32, #tpu.memory_space<vmem>>, vector<1x64x3584xf32>
    %get3A_15 = vector.shape_cast %get3A_14 : vector<1x64x3584xf32> to vector<64x3584xf32>
    %sub3A = arith.subf %slice3A, %get3A_15 : vector<64x3584xf32>
    %integer_pow3A = arith.mulf %sub3A, %sub3A : vector<64x3584xf32>
    %reduce_sum3A = vector.shape_cast %integer_pow3A : vector<64x3584xf32> to vector<1x64x3584xf32>
    %reduce_sum3A_16 = arith.constant dense<0.000000e+00> : vector<1xf32>
    %reduce_sum3A_17 = vector.multi_reduction <add>, %reduce_sum3A, %reduce_sum3A_16 [1, 2] : vector<1x64x3584xf32> to vector<1xf32>
    %reduce_sum3A_18 = vector.shape_cast %reduce_sum3A_17 : vector<1xf32> to vector<1x1x1xf32>
    %reduce_sum3A_19 = vector.extract %reduce_sum3A_18[0, 0, 0] : f32 from vector<1x1x1xf32>
    %add3A_20 = arith.addf %get3A_10, %reduce_sum3A_19 : f32
    %swap3A = arith.constant 0 : index
    %swap3A_21 = memref.load %arg9[%swap3A] : memref<2xf32, #tpu.memory_space<smem>>
    memref.store %add3A_20, %arg9[%swap3A] : memref<2xf32, #tpu.memory_space<smem>>
    %get3A_22 = arith.constant 0 : index
    %get3A_23 = arith.constant 0 : index
    %get3A_24 = vector.load %arg5[%get3A_22, %get3A_23] : memref<72x64xf32, #tpu.memory_space<vmem>>, vector<72x64xf32>
    %dot_general3A = arith.constant dense<0.000000e+00> : vector<72x4096xf32>
    %dot_general3A_25 = tpu.matmul %get3A_24, %get3A_8, %dot_general3A {dimension_numbers = #tpu.dot_dimension_numbers<[1], [0], [0], [1], [0, 0, 1, 1], [], []>, transpose_lhs_hint = false} : vector<72x64xf32>, vector<64x4096xf32>, vector<72x4096xf32> -> vector<72x4096xf32>
    %iota3A = tpu.iota {dimensions = array<i32: 1>} : vector<1x3584xi32>
    %jit3A = arith.constant 224 : i32
    %eq3A_26 = arith.constant 0 : i32
    %eq3A_27 = arith.cmpi eq, %jit3A, %eq3A_26 : i32
    %jit3A_28 = arith.constant 1 : i32
    %select_n3A = arith.select %eq3A_27, %jit3A_28, %jit3A : i32
    %rem3A = vector.broadcast %select_n3A : i32 to vector<1x3584xi32>
    %rem3A_29 = arith.remsi %iota3A, %rem3A : vector<1x3584xi32>
    %ne3A = arith.constant 0 : i32
    %ne3A_30 = vector.broadcast %ne3A : i32 to vector<1x3584xi32>
    %ne3A_31 = arith.cmpi ne, %rem3A_29, %ne3A_30 : vector<1x3584xi32>
    %lt3A = arith.constant 0 : i32
    %lt3A_32 = vector.broadcast %lt3A : i32 to vector<1x3584xi32>
    %lt3A_33 = arith.cmpi slt, %rem3A_29, %lt3A_32 : vector<1x3584xi32>
    %lt3A_34 = arith.constant 0 : i32
    %lt3A_35 = arith.cmpi slt, %select_n3A, %lt3A_34 : i32
    %ne3A_36 = vector.broadcast %lt3A_35 : i1 to vector<1x3584xi1>
    %ne3A_37 = vector.broadcast %ne3A_36 : vector<1x3584xi1> to vector<1x3584xi1>
    %ne3A_38 = arith.xori %lt3A_33, %ne3A_37 : vector<1x3584xi1>
    %and3A = arith.andi %ne3A_38, %ne3A_31 : vector<1x3584xi1>
    %add3A_39 = vector.broadcast %select_n3A : i32 to vector<1x3584xi32>
    %add3A_40 = arith.addi %rem3A_29, %add3A_39 : vector<1x3584xi32>
    %select_n3A_41 = arith.select %and3A, %add3A_40, %rem3A_29 : vector<1x3584xi1>, vector<1x3584xi32>
    %ne3A_42 = arith.constant 0 : i32
    %ne3A_43 = vector.broadcast %ne3A_42 : i32 to vector<1x3584xi32>
    %ne3A_44 = arith.cmpi ne, %select_n3A_41, %ne3A_43 : vector<1x3584xi32>
    %convert_element_type3A_45 = arith.extui %ne3A_44 : vector<1x3584xi1> to vector<1x3584xi32>
    %convert_element_type3A_46 = arith.sitofp %convert_element_type3A_45 : vector<1x3584xi32> to vector<1x3584xf32>
    %ne3A_47 = arith.constant 223 : i32
    %ne3A_48 = vector.broadcast %ne3A_47 : i32 to vector<1x3584xi32>
    %ne3A_49 = arith.cmpi ne, %select_n3A_41, %ne3A_48 : vector<1x3584xi32>
    %convert_element_type3A_50 = arith.extui %ne3A_49 : vector<1x3584xi1> to vector<1x3584xi32>
    %convert_element_type3A_51 = arith.sitofp %convert_element_type3A_50 : vector<1x3584xi32> to vector<1x3584xf32>
    %get3A_52 = arith.constant 0 : index
    %get3A_53 = arith.constant 0 : index
    %get3A_54 = vector.load %arg6[%get3A_52, %get3A_53] : memref<8x1xf32, #tpu.memory_space<vmem>>, vector<8x1xf32>
    %broadcast_in_dim3A = arith.constant 1.000000e+00 : f32
    %broadcast_in_dim3A_55 = vector.broadcast %broadcast_in_dim3A : f32 to vector<8x3584xf32>
    %mul3A_56 = vector.broadcast %get3A_54 : vector<8x1xf32> to vector<8x3584xf32>
    %mul3A_57 = arith.mulf %mul3A_56, %broadcast_in_dim3A_55 : vector<8x3584xf32>
    %slice3A_58 = vector.extract_strided_slice %dot_general3A_25 {offsets = [0, 31], sizes = [8, 3584], strides = [1, 1]} : vector<72x4096xf32> to vector<8x3584xf32>
    %mul3A_59 = vector.broadcast %convert_element_type3A_46 : vector<1x3584xf32> to vector<8x3584xf32>
    %mul3A_60 = arith.mulf %slice3A_58, %mul3A_59 : vector<8x3584xf32>
    %add3A_61 = arith.addf %mul3A_57, %mul3A_60 : vector<8x3584xf32>
    %slice3A_62 = vector.extract_strided_slice %dot_general3A_25 {offsets = [8, 32], sizes = [8, 3584], strides = [1, 1]} : vector<72x4096xf32> to vector<8x3584xf32>
    %add3A_63 = arith.addf %add3A_61, %slice3A_62 : vector<8x3584xf32>
    %slice3A_64 = vector.extract_strided_slice %dot_general3A_25 {offsets = [16, 33], sizes = [8, 3584], strides = [1, 1]} : vector<72x4096xf32> to vector<8x3584xf32>
    %mul3A_65 = vector.broadcast %convert_element_type3A_51 : vector<1x3584xf32> to vector<8x3584xf32>
    %mul3A_66 = arith.mulf %slice3A_64, %mul3A_65 : vector<8x3584xf32>
    %add3A_67 = arith.addf %add3A_63, %mul3A_66 : vector<8x3584xf32>
    %slice3A_68 = vector.extract_strided_slice %dot_general3A_25 {offsets = [24, 255], sizes = [8, 3584], strides = [1, 1]} : vector<72x4096xf32> to vector<8x3584xf32>
    %mul3A_69 = vector.broadcast %convert_element_type3A_46 : vector<1x3584xf32> to vector<8x3584xf32>
    %mul3A_70 = arith.mulf %slice3A_68, %mul3A_69 : vector<8x3584xf32>
    %add3A_71 = arith.addf %add3A_67, %mul3A_70 : vector<8x3584xf32>
    %slice3A_72 = vector.extract_strided_slice %dot_general3A_25 {offsets = [32, 256], sizes = [8, 3584], strides = [1, 1]} : vector<72x4096xf32> to vector<8x3584xf32>
    %add3A_73 = arith.addf %add3A_71, %slice3A_72 : vector<8x3584xf32>
    %slice3A_74 = vector.extract_strided_slice %dot_general3A_25 {offsets = [40, 257], sizes = [8, 3584], strides = [1, 1]} : vector<72x4096xf32> to vector<8x3584xf32>
    %mul3A_75 = vector.broadcast %convert_element_type3A_51 : vector<1x3584xf32> to vector<8x3584xf32>
    %mul3A_76 = arith.mulf %slice3A_74, %mul3A_75 : vector<8x3584xf32>
    %add3A_77 = arith.addf %add3A_73, %mul3A_76 : vector<8x3584xf32>
    %slice3A_78 = vector.extract_strided_slice %dot_general3A_25 {offsets = [48, 479], sizes = [8, 3584], strides = [1, 1]} : vector<72x4096xf32> to vector<8x3584xf32>
    %mul3A_79 = vector.broadcast %convert_element_type3A_46 : vector<1x3584xf32> to vector<8x3584xf32>
    %mul3A_80 = arith.mulf %slice3A_78, %mul3A_79 : vector<8x3584xf32>
    %add3A_81 = arith.addf %add3A_77, %mul3A_80 : vector<8x3584xf32>
    %slice3A_82 = vector.extract_strided_slice %dot_general3A_25 {offsets = [56, 480], sizes = [8, 3584], strides = [1, 1]} : vector<72x4096xf32> to vector<8x3584xf32>
    %add3A_83 = arith.addf %add3A_81, %slice3A_82 : vector<8x3584xf32>
    %slice3A_84 = vector.extract_strided_slice %dot_general3A_25 {offsets = [64, 481], sizes = [8, 3584], strides = [1, 1]} : vector<72x4096xf32> to vector<8x3584xf32>
    %mul3A_85 = vector.broadcast %convert_element_type3A_51 : vector<1x3584xf32> to vector<8x3584xf32>
    %mul3A_86 = arith.mulf %slice3A_84, %mul3A_85 : vector<8x3584xf32>
    %add3A_87 = arith.addf %add3A_83, %mul3A_86 : vector<8x3584xf32>
    %swap3A_88 = arith.constant 0 : index
    %swap3A_89 = arith.constant 0 : index
    %swap3A_90 = arith.constant 0 : index
    %swap3A_91 = vector.load %arg7[%swap3A_88, %swap3A_89, %swap3A_90] : memref<1x8x3584xf32, #tpu.memory_space<vmem>>, vector<1x8x3584xf32>
    %swap3A_92 = vector.shape_cast %swap3A_91 : vector<1x8x3584xf32> to vector<8x3584xf32>
    %swap3A_93 = vector.shape_cast %add3A_87 : vector<8x3584xf32> to vector<1x8x3584xf32>
    tpu.vector_store %arg7[%swap3A_88, %swap3A_89, %swap3A_90], %swap3A_93 {strides = array<i32>} : memref<1x8x3584xf32, #tpu.memory_space<vmem>>, vector<1x8x3584xf32>,
    %get3A_94 = arith.constant 1 : index
    %get3A_95 = memref.load %arg9[%get3A_94] : memref<2xf32, #tpu.memory_space<smem>>
    %get3A_96 = arith.constant 0 : index
    %get3A_97 = arith.constant 0 : index
    %get3A_98 = arith.constant 0 : index
    %get3A_99 = vector.load %arg4[%get3A_96, %get3A_97, %get3A_98] : memref<1x8x3584xf32, #tpu.memory_space<vmem>>, vector<1x8x3584xf32>
    %get3A_100 = vector.shape_cast %get3A_99 : vector<1x8x3584xf32> to vector<8x3584xf32>
    %sub3A_101 = arith.subf %add3A_87, %get3A_100 : vector<8x3584xf32>
    %integer_pow3A_102 = arith.mulf %sub3A_101, %sub3A_101 : vector<8x3584xf32>
    %reduce_sum3A_103 = vector.shape_cast %integer_pow3A_102 : vector<8x3584xf32> to vector<1x8x3584xf32>
    %reduce_sum3A_104 = arith.constant dense<0.000000e+00> : vector<1xf32>
    %reduce_sum3A_105 = vector.multi_reduction <add>, %reduce_sum3A_103, %reduce_sum3A_104 [1, 2] : vector<1x8x3584xf32> to vector<1xf32>
    %reduce_sum3A_106 = vector.shape_cast %reduce_sum3A_105 : vector<1xf32> to vector<1x1x1xf32>
    %reduce_sum3A_107 = vector.extract %reduce_sum3A_106[0, 0, 0] : f32 from vector<1x1x1xf32>
    %add3A_108 = arith.addf %get3A_95, %reduce_sum3A_107 : f32
    %swap3A_109 = arith.constant 1 : index
    %swap3A_110 = memref.load %arg9[%swap3A_109] : memref<2xf32, #tpu.memory_space<smem>>
    memref.store %add3A_108, %arg9[%swap3A_109] : memref<2xf32, #tpu.memory_space<smem>>
    %eq3A_111 = arith.constant 27 : i32
    %eq3A_112 = arith.cmpi eq, %add3A, %eq3A_111 : i32
    %convert_element_type3A_113 = arith.extui %eq3A_112 : i1 to i32
    %cond3A_114 = arith.constant 0 : i32
    %cond3A_115 = arith.cmpi ne, %convert_element_type3A_113, %cond3A_114 : i32
    scf.if %cond3A_115 {
      %get3A_116 = arith.constant 1 : index
      %get3A_117 = memref.load %arg9[%get3A_116] : memref<2xf32, #tpu.memory_space<smem>>
      %div3A = arith.constant 3.010560e+05 : f32
      %div3A_118 = arith.divf %get3A_117, %div3A : f32
      %get3A_119 = arith.constant 0 : index
      %get3A_120 = memref.load %arg9[%get3A_119] : memref<2xf32, #tpu.memory_space<smem>>
      %mul3A_121 = arith.constant 2.500000e-01 : f32
      %mul3A_122 = arith.mulf %mul3A_121, %get3A_120 : f32
      %div3A_123 = arith.constant 0x4AC40000 : f32
      %div3A_124 = arith.divf %mul3A_122, %div3A_123 : f32
      %add3A_125 = arith.addf %div3A_118, %div3A_124 : f32
      %broadcast_in_dim3A_126 = vector.broadcast %add3A_125 : f32 to vector<1x128xf32>
      %swap3A_127 = arith.constant 0 : index
      %swap3A_128 = arith.constant 0 : index
      %swap3A_129 = vector.load %arg8[%swap3A_127, %swap3A_128] : memref<1x128xf32, #tpu.memory_space<vmem>>, vector<1x128xf32>
      tpu.vector_store %arg8[%swap3A_127, %swap3A_128], %broadcast_in_dim3A_126 {strides = array<i32>} : memref<1x128xf32, #tpu.memory_space<vmem>>, vector<1x128xf32>,
    } else {
    }
    return
  }
  func.func @transform_0(%arg0: i32, %arg1: i32) -> (i32, i32, i32) {
    %c0_i32 = arith.constant 0 : i32
    %c0_i32_0 = arith.constant 0 : i32
    %c0_i32_1 = arith.constant 0 : i32
    return %arg0, %c0_i32, %c0_i32_0 : i32, i32, i32
  }
  func.func @transform_1(%arg0: i32, %arg1: i32) -> (i32, i32, i32) {
    %c0_i32 = arith.constant 0 : i32
    %c0_i32_0 = arith.constant 0 : i32
    return %arg0, %c0_i32, %arg1 : i32, i32, i32
  }
  func.func @transform_2(%arg0: i32, %arg1: i32) -> (i32, i32, i32) {
    %c0_i32 = arith.constant 0 : i32
    %c0_i32_0 = arith.constant 0 : i32
    return %arg0, %c0_i32, %arg1 : i32, i32, i32
  }
  func.func @transform_3(%arg0: i32, %arg1: i32) -> (i32, i32) {
    %c0_i32 = arith.constant 0 : i32
    %c0_i32_0 = arith.constant 0 : i32
    %c0_i32_1 = arith.constant 0 : i32
    return %c0_i32, %c0_i32_0 : i32, i32
  }
  func.func @transform_4(%arg0: i32, %arg1: i32) -> (i32, i32) {
    %c0_i32 = arith.constant 0 : i32
    %c0_i32_0 = arith.constant 0 : i32
    %c0_i32_1 = arith.constant 0 : i32
    return %c0_i32, %c0_i32_0 : i32, i32
  }
  func.func @transform_5(%arg0: i32, %arg1: i32) -> (i32, i32, i32) {
    %c0_i32 = arith.constant 0 : i32
    %c0_i32_0 = arith.constant 0 : i32
    return %arg0, %c0_i32, %arg1 : i32, i32, i32
  }
  func.func @transform_6(%arg0: i32, %arg1: i32) -> (i32, i32) {
    %c0_i32 = arith.constant 0 : i32
    %c0_i32_0 = arith.constant 0 : i32
    %c0_i32_1 = arith.constant 0 : i32
    return %c0_i32, %c0_i32_0 : i32, i32
  }
}

</mosaic_0001>

<sc_bundles>
// kernel: kernel.6.cloned.1.call-start
scs
__scs_entry_jumppad:
0x0: {  	(pc) =	sbr.rel $0x88, $3  }
0x1: {  	(tag) =	ssettag $0x0;
	lr =	simm.s32 $0x1  }
0x2: {  	[smem:$0x3F99] =	sst lr;
	_ =	strace $0xD0000000  }
0x3: {  	_ = 	snop  }
0x4: {  	_ = 	snop  }
0x5: {  	_ = 	snop  }
0x6: {  	_ = 	snop  }
0x7: {  	_ = 	snop  }
__scs_overlays_trampoline_lowered:
0x8: {  	[smem:$0x3FA8] =	sst s0  }
0x9: {  	[smem:$0x3FA9] =	sst s1  }
0xa: {  	[smem:$0x3FAA] =	sst s2  }
0xb: {  	[smem:$0x3FAB] =	sst s3  }
0xc: {  	[smem:$0x3FAC] =	sst s4  }
0xd: {  	[smem:$0x3FAD] =	sst s5  }
0xe: {  	[smem:$0x3FAE] =	sst s6  }
0xf: {  	[smem:$0x3FAF] =	sst s7  }
0x10: {  	[smem:$0x3FB0] =	sst s8  }
0x11: {  	[smem:$0x3FB1] =	sst s9;
	s0 =	simm.s32 @!p0 $0x0  }
0x12: {  	s1 =	sld [smem:$0x3F97];
	s0 =	simm.s32 @p0 $0x1  }
0x13: {  	[smem:$0x3FB2] =	sst s0;
	s0 =	simm.s32 @!p1 $0x0  }
0x14: {  	s2 =	sld [smem:$0x3F96];
	s0 =	simm.s32 @p1 $0x1  }
0x15: {  	[smem:$0x3FB3] =	sst s0;
	s0 =	simm.s32 @!p2 $0x0  }
0x16: {  	s3 =	sld [smem:$0x3FDB];
	s0 =	simm.s32 @p2 $0x1  }
0x17: {  	s4 =	simm.s32 $0x1BF5;
	[smem:$0x3FB5] =	sst s0  }
0x18: {  	s0 =	sld [smem:$0x3F98];
	_ =	swait.ge [sflag:s4], $0x0  }
0x19: {  	s7 =	sld [smem:$0x3F99]  }
0x1a: {  	s8 =	sadd.s32 $0xFFFFE003, lr  }
0x1b: {  	s9 =	sadd.s32 $0xFFFFFEF7, lr;
	s5 =	simm.s32 $0xFFFFFFFF;
	p2 =	slt.u32 s8, $0xFFFFF086  }
0x1c: {  	p1 =	slt.u32 s9, $0xF7A;
	s5 =	simm.s32 @!p2 $0x0  }
0x1d: {  	s5 =	simm.s32 @p1 $0x1;
	p0 =	seq.s32 s7, s2  }
0x1e: {  	s7 =	smul.u32 @!p0 $0xF7A, s2;
	p2 =	seq.s32 @!p0 s5, $0x0  }
0x1f: {  	s9 =	smul.u32 $0xF7A, s1;
	s8 =	simm.s32 @!p0 $0x1BF5;
	p2 =	por !p2, p0  }
0x20: {  	[sflag:s8] =	ssyncset.s32 @!p0 $0xFFFFF086;
	s6 =	sadd.s32 @!p0 s3, s7;
	s7 =	simm.s32 @!p0 $0x108  }
0x21: {  	s3 =	sadd.s32 s3, s9;
	s6 =	sadd.s32 @!p0 $0x88, s6;
	s7 =	simm.s32 @p2 $0x1082  }
0x22: {  	[simem:s7], [sflag:s8] =	dma.local @!p0 [hbm:s6], $0xF7A  }
0x23: {  	s9 =	sor.u32 $0xD0000000, s2;
	s6 =	simm.s32 $0x108;
	_ =	swait.ge @!p0 [sflag:s8], $0x0  }
0x24: {  	s3 =	sadd.s32 $0x88, s3;
	s6 =	simm.s32 @!p1 $0x1082;
	[sflag:s4] =	ssyncset.s32 $0xFFFFF086  }
0x25: {  	[simem:s6], [sflag:s4] =	dma.local [hbm:s3], $0xF7A  }
0x26: {  	[smem:$0x3F99] =	sst s1;
	(tag) =	ssettag s2;
	_ =	strace s9  }
0x27: {  	s1 =	sld [smem:$0x3FA9]  }
0x28: {  	s2 =	sld [smem:$0x3FAA]  }
0x29: {  	s4 =	sld [smem:$0x3FAC]  }
0x2a: {  	p0 =	seq.s32 s5, $0x0;
	s5 =	sld [smem:$0x3FAD]  }
0x2b: {  	s6 =	sld [smem:$0x3FAE]  }
0x2c: {  	s7 =	sld [smem:$0x3FAF]  }
0x2d: {  	s3 =	simm.s32 $0x108;
	s8 =	sld [smem:$0x3FB0]  }
0x2e: {  	s3 =	simm.s32 @!p0 $0x1082;
	s9 =	sld [smem:$0x3FB1]  }
0x2f: {  	lr =	sadd.s32 s0, s3;
	s0 =	sld [smem:$0x3FA8]  }
0x30: {  	s3 =	sld [smem:$0x3FAB]  }
0x31: {  	[smem:$0x3FB4] =	sst s10  }
0x32: {  	s10 =	sld [smem:$0x3FB2];
	_ =	sdelay $0x3  }
0x33: {  	p0 =	seq.s32 s10, $0x1;
	s10 =	sld [smem:$0x3FB4];
	_ =	sdelay $0x3  }
0x34: {  	[smem:$0x3FB4] =	sst s10  }
0x35: {  	s10 =	sld [smem:$0x3FB3];
	_ =	sdelay $0x3  }
0x36: {  	p1 =	seq.s32 s10, $0x1;
	s10 =	sld [smem:$0x3FB4];
	_ =	sdelay $0x3  }
0x37: {  	[smem:$0x3FB4] =	sst s10  }
0x38: {  	s10 =	sld [smem:$0x3FB5]  }
0x39: {  	_ = 	snop;
	(pc) =	sbr.ind lr, $3  }
0x3a: {  	_ = 	snop  }
0x3b: {  	_ = 	snop  }
0x3c: {  	p2 =	seq.s32 s10, $0x1;
	s10 =	sld [smem:$0x3FB4]  }
0x3d: {  	_ =	shalt  }
0x3e: {  	_ =	shalt  }
0x3f: {  	_ =	shalt  }
0x40: {  	_ =	shalt  }
0x41: {  	_ =	shalt  }
0x42: {  	_ =	shalt  }
0x43: {  	_ =	shalt  }
0x44: {  	_ =	shalt  }
0x45: {  	_ =	shalt  }
0x46: {  	_ =	shalt  }
0x47: {  	_ =	shalt  }
0x48: {  	_ =	shalt  }
0x49: {  	_ =	shalt  }
0x4a: {  	_ =	shalt  }
0x4b: {  	_ =	shalt  }
0x4c: {  	_ =	shalt  }
0x4d: {  	_ =	shalt  }
0x4e: {  	_ =	shalt  }
0x4f: {  	_ =	shalt  }
0x50: {  	_ =	shalt  }
0x51: {  	_ =	shalt  }
0x52: {  	_ =	shalt  }
0x53: {  	_ =	shalt  }
0x54: {  	_ =	shalt  }
0x55: {  	_ =	shalt  }
0x56: {  	_ =	shalt  }
0x57: {  	_ =	shalt  }
0x58: {  	_ =	shalt  }
0x59: {  	_ =	shalt  }
0x5a: {  	_ =	shalt  }
0x5b: {  	_ =	shalt  }
0x5c: {  	_ =	shalt  }
0x5d: {  	_ =	shalt  }
0x5e: {  	_ =	shalt  }
0x5f: {  	_ =	shalt  }
0x60: {  	_ =	shalt  }
0x61: {  	_ =	shalt  }
0x62: {  	_ =	shalt  }
0x63: {  	_ =	shalt  }
0x64: {  	_ =	shalt  }
0x65: {  	_ =	shalt  }
0x66: {  	_ =	shalt  }
0x67: {  	_ =	shalt  }
0x68: {  	_ =	shalt  }
0x69: {  	_ =	shalt  }
0x6a: {  	_ =	shalt  }
0x6b: {  	_ =	shalt  }
0x6c: {  	_ =	shalt  }
0x6d: {  	_ =	shalt  }
0x6e: {  	_ =	shalt  }
0x6f: {  	_ =	shalt  }
0x70: {  	_ =	shalt  }
0x71: {  	_ =	shalt  }
0x72: {  	_ =	shalt  }
0x73: {  	_ =	shalt  }
0x74: {  	_ =	shalt  }
0x75: {  	_ =	shalt  }
0x76: {  	_ =	shalt  }
0x77: {  	_ =	shalt  }
0x78: {  	_ =	shalt  }
0x79: {  	_ =	shalt  }
0x7a: {  	_ =	shalt  }
0x7b: {  	_ =	shalt  }
0x7c: {  	_ =	shalt  }
0x7d: {  	_ =	shalt  }
0x7e: {  	_ =	shalt  }
0x7f: {  	_ =	shalt  }
0x80: {  	_ =	shalt  }
0x81: {  	_ =	shalt  }
0x82: {  	_ =	shalt  }
0x83: {  	_ =	shalt  }
0x84: {  	_ =	shalt  }
0x85: {  	_ =	shalt  }
0x86: {  	_ =	shalt  }
0x87: {  	_ =	shalt  }
.Lfunc_end0:
.L_simem_size_0:
called_computation_lowered:
.L_overlay_start_0:
0x88: {  	s2 =	sld [smem:$0x3FD9]  }
0x89: {  	s3 =	sld [smem:$0x3FFE];
	_ =	sdelay $0x1  }
0x8a: {  	s1 =	srdreg.scid  }
0x8b: {  	s0 =	sand.u32 $0x1, s1  }
0x8c: {  	s14 =	sshll.u32 s0, $0xA;
	s2 =	sadd.s32 s3, s2  }
0x8d: {  	s2 =	sadd.s32 s2, s14  }
0x8e: {  	[smem:$0x3FC0] =	sst s2  }
0x8f: {  	_ = 	snop  }
0x90: {  	s2 =	sld [smem:$0x3FD0];
	_ =	sdelay $0x2  }
0x91: {  	s15 =	simm.s32 $0xA;
	s4 =	simm.s32 $0x10  }
0x92: {  	[smem:s4], [sflag:s15] =	dma.local [hbm:s2], $0x1  }
0x93: {  	_ =	swait.eq [sflag:s15], $0x1  }
0x94: {  	[sflag:s15] =	ssyncset.done $0x0  }
0x95: {  	[sflag:s15] =	ssyncadd.s32 $0xFFFFFFFF  }
0x96: {  	s16 =	sld [smem:$0x10];
	(tm) =	ssettm $0x1  }
0x97: {  	s17 =	sld [smem:$0x3FFB];
	_ =	sdelay $0x3  }
0x98: {  	_ =	strace s17  }
0x99: {  	s3 =	sld [smem:$0x3FFC];
	_ =	sdelay $0x3  }
0x9a: {  	_ =	strace s3  }
0x9b: {  	s3 =	sld [smem:$0x3FFD];
	_ =	sdelay $0x3  }
0x9c: {  	_ =	strace s3  }
0x9d: {  	_ =	strace $0x8FFFFFFF  }
0x9e: {  	s18 =	sld [smem:$0x3FDB];
	_ =	sdelay $0x1  }
0x9f: {  	s19 =	simm.s32 $_scs_section_size  }
0xa0: {  	s5 =	simm.s32 $_size__tile_overlayer_lowered;
	s6 =	simm.s32 $_tile_overlayer_lowered  }
0xa1: {  	s22 =	simm.s32 $0x1BFF;
	s21 =	sshll.u32 s6, $0x1;
	s3 =	sadd.s32 s19, s18  }
0xa2: {  	s7 =	simm.s32 $0x0;
	s20 =	sshll.u32 s5, $0x1;
	s5 =	sadd.s32 s21, s3  }
0xa3: {  	[timem:s7], [sflag:s22] =	dma.local [hbm:s5], s20  }
0xa4: {  	_ =	swait.ge [sflag:s22], s20  }
0xa5: {  	s4 =	ssub.s32 $0x0, s20;
	[sflag:s22] =	ssyncset.done $0x0  }
0xa6: {  	[sflag:s22] =	ssyncadd.s32 s4;
	_ =	sdelay $0x1  }
0xa7: {  	s23 =	simm.s32 $0x1B8B  }
0xa8: {  	_ =	swait.ge [sflag:s23], $0x1  }
0xa9: {  	[sflag:s23] =	ssyncset.done $0x0  }
0xaa: {  	s25 =	simm.s32 $0x1B8E;
	s24 =	sld [smem:$0x3FFE];
	[sflag:s23] =	ssyncadd.s32 $0xFFFFFFFF  }
0xab: {  	s26 =	simm.s32 $execute0_lowered;
	[smem:$0x3FD2] =	sst s25  }
0xac: {  	s5 =	sshll.u32 s26, $0x1;
	_ =	strace $0x80000046;
	[dreg:$0x1] =	wrdreg $0xFFFFFFFF  }
0xad: {  	s28 =	simm.s32 $_size_execute0_lowered;
	s3 =	sadd.s32 s3, s5;
	[dreg:$0x0] =	wrdreg $0x0  }
0xae: {  	s5 =	sshll.u32 s28, $0x1;
	[dreg:$0x2] =	wrdreg s3  }
0xaf: {  	[dreg:$0x3] =	wrdreg s5  }
0xb0: {  	[dreg:$0x4] =	wrdreg $0xC0  }
0xb1: {  	_ =	task [dreg:s7], $0x5FFFF  }
0xb2: {  	[dreg:$0x1] =	wrdreg $0xFFFFFFFF  }
0xb3: {  	[dreg:$0x0] =	wrdreg $0x60  }
0xb4: {  	[dreg:$0x2] =	wrdreg s24  }
0xb5: {  	[dreg:$0x3] =	wrdreg s16  }
0xb6: {  	[dreg:$0x4] =	wrdreg $0x9  }
0xb7: {  	_ =	task.clear_ibuf [dreg:s7], $0x5FFFF;
	_ =	strace $0x90000046  }
0xb8: {  	s29 =	simm.s32 $0x9;
	_ =	strace $0x80000048  }
0xb9: {  	_ =	swait.ge [sflag:s29], $0x1  }
0xba: {  	[sflag:s29] =	ssyncadd.s32 $0xFFFFFFFF  }
0xbb: {  	_ =	strace $0x90000048  }
0xbc: {  	_ =	sfence  }
0xbd: {  	s30 =	sld [smem:$0x0];
	_ =	sdelay $0x2  }
0xbe: {  	s31 =	sshll.u32 s1, $0xD;
	s1 =	sshrl.u32 s1, $0x2  }
0xbf: {  	s3 =	sand.u32 $0x4000, s31;
	s1 =	sadd.s32 s1, s30  }
0xc0: {  	s0 =	sor.u32 s3, s0;
	s1 =	sshll.u32 s1, $0x11  }
0xc1: {  	s0 =	sor.u32 s1, s0  }
0xc2: {  	s0 =	sadd.s32 $0x8F2B, s0  }
0xc3: {  	[sflag:s0] =	ssyncadd.remote.s32 $0x1  }
0xc4: {  	_ =	sfence.sel $0xFFFF  }
0xc5: {  	[dreg:$0x0] =	wrdreg $0xFFFFFFFF;
	(pc) =	sbr.abs _section_cstart, $3  }
0xc6: {  	[dreg:$0x1] =	wrdreg $0xFFFFFFFF  }
0xc7: {  	_ =	task.clear_ibuf [dreg:s7], $0x2FFFF;
	_ =	strace $0x9FFFFFFF  }
0xc8: {  	(tm) =	ssettm $0x7FFFFFFF  }
0xc9: {  	_ =	shalt  }
tec
execute0_lowered:
.L_overlay_start_1:
0x0: {  	(tag) =	ssettag $0x1  }
0x1: {  	v0 =	vlaneseq.u32  }
0x2: {  	v1 =	vand.u32 $0x1, v0  }
0x3: {  	v2 =	vmul.u32 $0x40, v1  }
0x4: {  	v1 =	vmul.u32 $0x40, v0  }
0x5: {  	[tilespmem:$0x1FC80] =	vst v2;
	v0 =	vor.u32 $0xFFFFF380, v2  }
0x6: {  	[tilespmem:$0x1FC90] =	vst v0;
	v0 =	vor.u32 $0x6, v1  }
0x7: {  	[tilespmem:$0x1FCA0] =	vst v0;
	v0 =	vor.u32 $0xD, v1  }
0x8: {  	[tilespmem:$0x1FCB0] =	vst v0;
	v0 =	vor.u32 $0xE, v1  }
0x9: {  	[tilespmem:$0x1FCC0] =	vst v0;
	v0 =	vor.u32 $0xF, v1  }
0xa: {  	[tilespmem:$0x1FCD0] =	vst v0;
	v0 =	vor.u32 $0x10, v1  }
0xb: {  	[tilespmem:$0x1FCE0] =	vst v0;
	v0 =	vor.u32 $0x11, v1  }
0xc: {  	[tilespmem:$0x1FCF0] =	vst v0;
	v0 =	vor.u32 $0x12, v1  }
0xd: {  	[tilespmem:$0x1FD00] =	vst v0;
	v0 =	vor.u32 $0x13, v1  }
0xe: {  	[tilespmem:$0x1FD10] =	vst v0;
	v0 =	vor.u32 $0x14, v1  }
0xf: {  	[tilespmem:$0x1FD20] =	vst v0;
	v0 =	vor.u32 $0x15, v1  }
0x10: {  	[tilespmem:$0x1FD30] =	vst v0;
	v0 =	vor.u32 $0x16, v1  }
0x11: {  	[tilespmem:$0x1FD40] =	vst v0;
	v0 =	vor.u32 $0x17, v1  }
0x12: {  	[tilespmem:$0x1FD50] =	vst v0;
	v0 =	vor.u32 $0x18, v1  }
0x13: {  	[tilespmem:$0x1FD60] =	vst v0;
	v0 =	vor.u32 $0x19, v1  }
0x14: {  	[tilespmem:$0x1FD70] =	vst v0;
	v0 =	vor.u32 $0x1A, v1  }
0x15: {  	[tilespmem:$0x1FD80] =	vst v0;
	v0 =	vor.u32 $0x1B, v1  }
0x16: {  	[tilespmem:$0x1FD90] =	vst v0;
	v0 =	vor.u32 $0x1C, v1  }
0x17: {  	[tilespmem:$0x1FDA0] =	vst v0;
	v0 =	vor.u32 $0x1D, v1  }
0x18: {  	[tilespmem:$0x1FDB0] =	vst v0;
	v0 =	vor.u32 $0x1E, v1  }
0x19: {  	[tilespmem:$0x1FDC0] =	vst v0;
	v0 =	vor.u32 $0x1F, v1  }
0x1a: {  	[tilespmem:$0x1FDD0] =	vst v0;
	v0 =	vor.u32 $0x20, v1  }
0x1b: {  	[tilespmem:$0x1FDE0] =	vst v0;
	v0 =	vor.u32 $0x21, v1  }
0x1c: {  	[tilespmem:$0x1FDF0] =	vst v0;
	v0 =	vor.u32 $0x22, v1  }
0x1d: {  	s4 =	rddreg [dreg:$0x0];
	[tilespmem:$0x1FE00] =	vst v0;
	v0 =	vor.u32 $0x23, v1  }
0x1e: {  	s5 =	rddreg [dreg:$0x1];
	s2 =	simm.s32 $0x0;
	[tilespmem:$0x1FE10] =	vst v0;
	v0 =	vor.u32 $0x24, v1  }
0x1f: {  	s1 =	srdreg.scid;
	[smem:$0x7FF] =	sst s2;
	[tilespmem:$0x1FE20] =	vst v0;
	v0 =	vor.u32 $0x25, v1  }
0x20: {  	s6 =	sand.u32 $0x1, s1;
	s1 =	rddreg [dreg:$0x2];
	v18 =	vor.u32 $0x1, v1;
	_ =	strace $0x80000047;
	[tilespmem:$0x1FE30] =	vst v0  }
0x21: {  	v16 =	vor.u32 $0x2, v1;
	[tilespmem:$0x1FFB0] =	vst v18  }
0x22: {  	v13 =	vor.u32 $0x3, v1;
	[tilespmem:$0x1FFC0] =	vst v16  }
0x23: {  	v14 =	vor.u32 $0x4, v1;
	[tilespmem:$0x1FFD0] =	vst v13  }
0x24: {  	v15 =	vor.u32 $0x5, v1;
	[tilespmem:$0x1FFE0] =	vst v14  }
0x25: {  	v0 =	vor.u32 $0x26, v1;
	[tilespmem:$0x1FFF0] =	vst v15  }
0x26: {  	[tilespmem:$0x1FE40] =	vst v0;
	v0 =	vor.u32 $0x27, v1  }
0x27: {  	[tilespmem:$0x1FE50] =	vst v0;
	v0 =	vor.u32 $0x28, v1  }
0x28: {  	[tilespmem:$0x1FE60] =	vst v0;
	v0 =	vor.u32 $0x29, v1  }
0x29: {  	[tilespmem:$0x1FE70] =	vst v0;
	v0 =	vor.u32 $0x2A, v1  }
0x2a: {  	[tilespmem:$0x1FE80] =	vst v0;
	v0 =	vor.u32 $0x2B, v1  }
0x2b: {  	[tilespmem:$0x1FE90] =	vst v0;
	v0 =	vor.u32 $0x2C, v1  }
0x2c: {  	[tilespmem:$0x1FEA0] =	vst v0;
	v0 =	vor.u32 $0x2D, v1  }
0x2d: {  	[tilespmem:$0x1FEB0] =	vst v0;
	v0 =	vor.u32 $0x2E, v1  }
0x2e: {  	[tilespmem:$0x1FEC0] =	vst v0;
	v0 =	vor.u32 $0x2F, v1  }
0x2f: {  	[tilespmem:$0x1FED0] =	vst v0;
	v0 =	vor.u32 $0x30, v1  }
0x30: {  	[tilespmem:$0x1FEE0] =	vst v0;
	v0 =	vor.u32 $0x31, v1  }
0x31: {  	[tilespmem:$0x1FEF0] =	vst v0;
	v0 =	vor.u32 $0x32, v1  }
0x32: {  	[tilespmem:$0x1FF00] =	vst v0;
	v0 =	vor.u32 $0x33, v1  }
0x33: {  	[tilespmem:$0x1FF10] =	vst v0;
	v0 =	vor.u32 $0x34, v1  }
0x34: {  	s0 =	stileid.u32;
	s10 =	simm.s32 $0x80;
	s11 =	simm.s32 $0x400;
	[tilespmem:$0x1FF20] =	vst v0;
	v0 =	vor.u32 $0x35, v1  }
0x35: {  	s12 =	simm.s32 $0x8200;
	s3 =	sshll.u32 s0, $0x1;
	s8 =	sshrl.u32 s0, $0x2;
	[tilespmem:$0x1FF30] =	vst v0;
	v0 =	vor.u32 $0x36, v1  }
0x36: {  	s13 =	simm.s32 $0x8E80;
	s3 =	sor.u32 s6, s3;
	s8 =	smul.u32 $0x6400, s8;
	[tilespmem:$0x1FF40] =	vst v0;
	v0 =	vor.u32 $0x37, v1  }
0x37: {  	s14 =	simm.s32 $0x0;
	s7 =	smul.u32 $0x31800, s3;
	s9 =	sshll.u32 s3, $0x7;
	[tilespmem:$0x1FF50] =	vst v0;
	v0 =	vor.u32 $0x38, v1  }
0x38: {  	s6 =	ssub.s32 $0x2, s6;
	s3 =	sadd.s32 $0xC4E00, s4;
	s9 =	sand.u32 $0x380, s9;
	[tilespmem:$0x1FF60] =	vst v0;
	v0 =	vor.u32 $0x39, v1  }
0x39: {  	s30 =	sshrl.u32 s6, $0x1;
	s7 =	sshrl.u32 s7, $0x3;
	s8 =	sor.u32 s8, s9;
	[tilespmem:$0x1FF70] =	vst v0;
	v0 =	vor.u32 $0x3A, v1  }
0x3a: {  	v7 =	vor.u32 $0x7, v1;
	s31 =	ssub.s32 s6, s30;
	s7 =	sadd.s32 s7, s4;
	s8 =	sshrl.u32 s8, $0x3;
	[tilespmem:$0x1FF80] =	vst v0;
	v0 =	vor.u32 $0x3B, v1  }
0x3b: {  	v8 =	vor.u32 $0x8, v1;
	v9 =	vor.u32 $0x9, v1;
	s9 =	simm.s32 $0x1;
	s4 =	sadd.s32 s5, s8;
	s5 =	sadd.s32 $0xC6000, s7;
	[tilespmem:$0x1FF90] =	vst v0;
	v0 =	vor.u32 $0x3C, v1  }
0x3c: {  	v10 =	vor.u32 $0xA, v1;
	v11 =	vor.u32 $0xB, v1;
	v12 =	vor.u32 $0xC, v1;
	s6 =	sadd.s32 $0xC8100, s7;
	s7 =	sadd.s32 $0xCA200, s7;
	s8 =	smax.u32 s31, $0x1;
	[tilespmem:$0x1FFA0] =	vst v0  }
.LBB2_1:
0x3d: {  	[tilespmem:s2], [sflag:$0x1] =	stream.linear.gather [hbm4b:s3+s2], $0x8200, $0x38;
	[tilespmem:$0x19680] =	vst v63  }
0x3e: {  	_ =	swait.ge [sflag:s9], $0x8200  }
0x3f: {  	[sflag:s9] =	ssyncset.done $0x0  }
0x40: {  	[sflag:s9] =	ssyncadd.s32 $0xFFFF7E00  }
0x41: {  	[tilespmem:s12], [sflag:$0x1] =	stream.strided.gather [hbm4b:s4+s10], $0xC80, s11, s10, $0x38;
	[tilespmem:$0x19680] =	vst v63  }
0x42: {  	_ =	swait.ge [sflag:s9], $0xC80  }
0x43: {  	v17 =	vld [tilespmem:$0x1FCA0]  }
0x44: {  	v35 =	vld [tilespmem:$0x1FCC0]  }
0x45: {  	v36 =	vld [tilespmem:$0x1FCE0]  }
0x46: {  	v37 =	vld [tilespmem:$0x1FD00]  }
0x47: {  	v38 =	vld [tilespmem:$0x1FD20]  }
0x48: {  	v39 =	vld [tilespmem:$0x1FD40]  }
0x49: {  	v40 =	vld [tilespmem:$0x1FD60]  }
0x4a: {  	v41 =	vld [tilespmem:$0x1FD80]  }
0x4b: {  	v42 =	vld [tilespmem:$0x1FDA0]  }
0x4c: {  	v43 =	vld [tilespmem:$0x1FDC0]  }
0x4d: {  	v44 =	vld [tilespmem:$0x1FDE0]  }
0x4e: {  	v45 =	vld [tilespmem:$0x1FDF0]  }
0x4f: {  	v46 =	vld [tilespmem:$0x1FE00]  }
0x50: {  	v47 =	vld [tilespmem:$0x1FE10]  }
0x51: {  	v48 =	vld [tilespmem:$0x1FE20]  }
0x52: {  	v49 =	vld [tilespmem:$0x1FE30]  }
0x53: {  	v50 =	vld [tilespmem:$0x1FE40]  }
0x54: {  	v51 =	vld [tilespmem:$0x1FE50]  }
0x55: {  	v52 =	vld [tilespmem:$0x1FE60]  }
0x56: {  	v53 =	vld [tilespmem:$0x1FE70]  }
0x57: {  	v54 =	vld [tilespmem:$0x1FE80]  }
0x58: {  	v55 =	vld [tilespmem:$0x1FE90]  }
0x59: {  	v56 =	vld [tilespmem:$0x1FEA0]  }
0x5a: {  	v57 =	vld [tilespmem:$0x1FEB0]  }
0x5b: {  	v58 =	vld [tilespmem:$0x1FEC0]  }
0x5c: {  	v59 =	vld [tilespmem:$0x1FED0]  }
0x5d: {  	v60 =	vld [tilespmem:$0x1FEE0]  }
0x5e: {  	v61 =	vld [tilespmem:$0x1FEF0]  }
0x5f: {  	v62 =	vld [tilespmem:$0x1FF00]  }
0x60: {  	v25 =	vld [tilespmem:$0x1FF10]  }
0x61: {  	v26 =	vld [tilespmem:$0x1FF20]  }
0x62: {  	v27 =	vld [tilespmem:$0x1FF30]  }
0x63: {  	v28 =	vld [tilespmem:$0x1FF40]  }
0x64: {  	v29 =	vld [tilespmem:$0x1FF50]  }
0x65: {  	v30 =	vld [tilespmem:$0x1FF60]  }
0x66: {  	v31 =	vld [tilespmem:$0x1FF70]  }
0x67: {  	v32 =	vld [tilespmem:$0x1FF80]  }
0x68: {  	s15 =	simm.s32 $0xFFFFFFFC;
	[sflag:s9] =	ssyncset.done $0x0;
	v33 =	vld [tilespmem:$0x1FF90]  }
0x69: {  	s16 =	simm.s32 $0xC00;
	s17 =	simm.s32 $0x8220;
	v34 =	vld [tilespmem:$0x1FFA0];
	[sflag:s9] =	ssyncadd.s32 $0xFFFFF380  }
.LBB2_2:
0x6a: {  	v0 =	vld [tilespmem:s17+$0xFFFFFFE0];
	_ =	sdelay $0x4  }
0x6b: {  	v3 =	vld [tilespmem:$0x1FC90];
	v63 =	vshll.u32 v0, $0x6;
	_ =	sdelay $0x2  }
0x6c: {  	s18 =	sadd.s32 $0xFFFFF400, s16  }
0x6d: {  	v0 =	vor.u32 s18, v1  }
0x6e: {  	v0 =	vand.u32 v3, v0;
	v2 =	vld.idx.msk [tilespmem:v63+s2+$0x0], $0xffff  }
0x6f: {  	v3 =	vor.u32 $0x1, v63;
	_ =	sdelay $0x3  }
0x70: {  	[tilespmem:v0+s13+$0x0] =	vst.idx.msk $0xffff, v2  }
0x71: {  	v2 =	vor.u32 s18, v18;
	v0 =	vld.idx.msk [tilespmem:v3+s2+$0x0], $0xffff  }
0x72: {  	v3 =	vor.u32 $0x2, v63;
	_ =	sdelay $0x3  }
0x73: {  	[tilespmem:v2+s13+$0x0] =	vst.idx.msk $0xffff, v0  }
0x74: {  	v2 =	vor.u32 s18, v16;
	v0 =	vld.idx.msk [tilespmem:v3+s2+$0x0], $0xffff  }
0x75: {  	v3 =	vor.u32 $0x3, v63;
	_ =	sdelay $0x3  }
0x76: {  	[tilespmem:v2+s13+$0x0] =	vst.idx.msk $0xffff, v0  }
0x77: {  	v2 =	vor.u32 s18, v13;
	v0 =	vld.idx.msk [tilespmem:v3+s2+$0x0], $0xffff  }
0x78: {  	v3 =	vor.u32 $0x4, v63;
	_ =	sdelay $0x3  }
0x79: {  	[tilespmem:v2+s13+$0x0] =	vst.idx.msk $0xffff, v0  }
0x7a: {  	v2 =	vor.u32 s18, v14;
	v0 =	vld.idx.msk [tilespmem:v3+s2+$0x0], $0xffff  }
0x7b: {  	v3 =	vor.u32 $0x5, v63;
	_ =	sdelay $0x3  }
0x7c: {  	[tilespmem:v2+s13+$0x0] =	vst.idx.msk $0xffff, v0  }
0x7d: {  	v2 =	vor.u32 s18, v15;
	v0 =	vld.idx.msk [tilespmem:v3+s2+$0x0], $0xffff  }
0x7e: {  	v3 =	vor.u32 $0x6, v63;
	_ =	sdelay $0x3  }
0x7f: {  	[tilespmem:v2+s13+$0x0] =	vst.idx.msk $0xffff, v0  }
0x80: {  	v2 =	vor.u32 s18, v17;
	v0 =	vld.idx.msk [tilespmem:v3+s2+$0x0], $0xffff  }
0x81: {  	v3 =	vor.u32 $0x7, v63;
	_ =	sdelay $0x3  }
0x82: {  	[tilespmem:v2+s13+$0x0] =	vst.idx.msk $0xffff, v0  }
0x83: {  	v2 =	vor.u32 s18, v7;
	v0 =	vld.idx.msk [tilespmem:v3+s2+$0x0], $0xffff;
	_ =	sdelay $0x4  }
0x84: {  	[tilespmem:v2+s13+$0x0] =	vst.idx.msk $0xffff, v0;
	v0 =	vld [tilespmem:s17+$0xFFFFFFF0]  }
0x85: {  	v2 =	vld [tilespmem:s17+$0x0]  }
0x86: {  	v3 =	vld [tilespmem:s17+$0x10]  }
0x87: {  	v22 =	vld [tilespmem:$0x1FC80];
	_ =	sdelay $0x1  }
0x88: {  	v5 =	vshll.u32 v0, $0x6  }
0x89: {  	v4 =	vshll.u32 v2, $0x6  }
0x8a: {  	v3 =	vshll.u32 v3, $0x6  }
0x8b: {  	s19 =	sadd.s32 $0xFFFFF800, s16;
	v21 =	vor.u32 $0xFFFFFB80, v22  }
0x8c: {  	s20 =	sadd.s32 $0xFFFFFC00, s16;
	v19 =	vmov v7;
	v0 =	vor.u32 s19, v1;
	v2 =	vor.u32 $0xFFFFF780, v22  }
0x8d: {  	v20 =	vmovc v8;
	v24 =	vor.u32 $0xFFFFFF80, v22;
	v7 =	vor.u32 s20, v1;
	[tilespmem:$0x1FC50] =	vst v2;
	v0 =	vand.u32 v2, v0;
	v2 =	vld.idx.msk [tilespmem:v5+s2+$0x0], $0xffff  }
0x8e: {  	[tilespmem:$0x1FC60] =	vst v21;
	v7 =	vand.u32 v21, v7;
	v21 =	vmovc v9;
	v9 =	vor.u32 s16, v1;
	v6 =	vor.u32 $0x1, v5;
	v8 =	vld.idx.msk [tilespmem:v4+s2+$0x0], $0xffff  }
0x8f: {  	v23 =	vmovc v11;
	v9 =	vand.u32 v24, v9;
	v22 =	vmov v10;
	v11 =	vld.idx.msk [tilespmem:v3+s2+$0x0], $0xffff;
	v10 =	vor.u32 $0x1, v4  }
0x90: {  	[tilespmem:$0x1FC70] =	vst v24;
	v24 =	vmov v12;
	v12 =	vor.u32 $0x1, v3;
	_ =	sdelay $0x1  }
0x91: {  	[tilespmem:v0+s13+$0x0] =	vst.idx.msk $0xffff, v2  }
0x92: {  	v2 =	vor.u32 s19, v18;
	[tilespmem:v7+s13+$0x0] =	vst.idx.msk $0xffff, v8;
	v0 =	vld.idx.msk [tilespmem:v6+s2+$0x0], $0xffff  }
0x93: {  	[tilespmem:v9+s13+$0x0] =	vst.idx.msk $0xffff, v11;
	v8 =	vor.u32 s20, v18;
	v6 =	vor.u32 $0x2, v5;
	v7 =	vld.idx.msk [tilespmem:v10+s2+$0x0], $0xffff  }
0x94: {  	v9 =	vor.u32 $0x2, v4;
	v11 =	vor.u32 s16, v18;
	v10 =	vld.idx.msk [tilespmem:v12+s2+$0x0], $0xffff  }
0x95: {  	v12 =	vor.u32 $0x2, v3;
	_ =	sdelay $0x1  }
0x96: {  	[tilespmem:v2+s13+$0x0] =	vst.idx.msk $0xffff, v0  }
0x97: {  	v2 =	vor.u32 s19, v16;
	v0 =	vld.idx.msk [tilespmem:v6+s2+$0x0], $0xffff;
	[tilespmem:v8+s13+$0x0] =	vst.idx.msk $0xffff, v7  }
0x98: {  	v6 =	vor.u32 $0x3, v5;
	v8 =	vor.u32 s20, v16;
	[tilespmem:v11+s13+$0x0] =	vst.idx.msk $0xffff, v10;
	v7 =	vld.idx.msk [tilespmem:v9+s2+$0x0], $0xffff  }
0x99: {  	v11 =	vor.u32 s16, v16;
	v9 =	vor.u32 $0x3, v4;
	v10 =	vld.idx.msk [tilespmem:v12+s2+$0x0], $0xffff  }
0x9a: {  	v12 =	vor.u32 $0x3, v3;
	_ =	sdelay $0x1  }
0x9b: {  	[tilespmem:v2+s13+$0x0] =	vst.idx.msk $0xffff, v0  }
0x9c: {  	v2 =	vor.u32 s19, v13;
	v0 =	vld.idx.msk [tilespmem:v6+s2+$0x0], $0xffff;
	[tilespmem:v8+s13+$0x0] =	vst.idx.msk $0xffff, v7  }
0x9d: {  	v6 =	vor.u32 $0x4, v5;
	v8 =	vor.u32 s20, v13;
	[tilespmem:v11+s13+$0x0] =	vst.idx.msk $0xffff, v10;
	v7 =	vld.idx.msk [tilespmem:v9+s2+$0x0], $0xffff  }
0x9e: {  	v11 =	vor.u32 s16, v13;
	v9 =	vor.u32 $0x4, v4;
	v10 =	vld.idx.msk [tilespmem:v12+s2+$0x0], $0xffff  }
0x9f: {  	v12 =	vor.u32 $0x4, v3;
	_ =	sdelay $0x1  }
0xa0: {  	[tilespmem:v2+s13+$0x0] =	vst.idx.msk $0xffff, v0  }
0xa1: {  	v2 =	vor.u32 s19, v14;
	v0 =	vld.idx.msk [tilespmem:v6+s2+$0x0], $0xffff;
	[tilespmem:v8+s13+$0x0] =	vst.idx.msk $0xffff, v7  }
0xa2: {  	v6 =	vor.u32 $0x5, v5;
	v8 =	vor.u32 s20, v14;
	[tilespmem:v11+s13+$0x0] =	vst.idx.msk $0xffff, v10;
	v7 =	vld.idx.msk [tilespmem:v9+s2+$0x0], $0xffff  }
0xa3: {  	v11 =	vor.u32 s16, v14;
	v9 =	vor.u32 $0x5, v4;
	v10 =	vld.idx.msk [tilespmem:v12+s2+$0x0], $0xffff  }
0xa4: {  	v12 =	vor.u32 $0x5, v3;
	_ =	sdelay $0x1  }
0xa5: {  	[tilespmem:v2+s13+$0x0] =	vst.idx.msk $0xffff, v0  }
0xa6: {  	v2 =	vor.u32 s19, v15;
	v0 =	vld.idx.msk [tilespmem:v6+s2+$0x0], $0xffff;
	[tilespmem:v8+s13+$0x0] =	vst.idx.msk $0xffff, v7  }
0xa7: {  	v6 =	vor.u32 $0x6, v5;
	v8 =	vor.u32 s20, v15;
	[tilespmem:v11+s13+$0x0] =	vst.idx.msk $0xffff, v10;
	v7 =	vld.idx.msk [tilespmem:v9+s2+$0x0], $0xffff  }
0xa8: {  	v11 =	vor.u32 s16, v15;
	v9 =	vor.u32 $0x6, v4;
	v10 =	vld.idx.msk [tilespmem:v12+s2+$0x0], $0xffff  }
0xa9: {  	v12 =	vor.u32 $0x6, v3;
	_ =	sdelay $0x1  }
0xaa: {  	[tilespmem:v2+s13+$0x0] =	vst.idx.msk $0xffff, v0  }
0xab: {  	v2 =	vor.u32 s19, v17;
	v0 =	vld.idx.msk [tilespmem:v6+s2+$0x0], $0xffff;
	[tilespmem:v8+s13+$0x0] =	vst.idx.msk $0xffff, v7  }
0xac: {  	v6 =	vor.u32 $0x7, v5;
	v8 =	vor.u32 s20, v17;
	[tilespmem:v11+s13+$0x0] =	vst.idx.msk $0xffff, v10;
	v7 =	vld.idx.msk [tilespmem:v9+s2+$0x0], $0xffff  }
0xad: {  	v11 =	vor.u32 s16, v17;
	v9 =	vor.u32 $0x7, v4;
	v10 =	vld.idx.msk [tilespmem:v12+s2+$0x0], $0xffff  }
0xae: {  	v12 =	vor.u32 $0x7, v3;
	_ =	sdelay $0x1  }
0xaf: {  	[tilespmem:v2+s13+$0x0] =	vst.idx.msk $0xffff, v0  }
0xb0: {  	v0 =	vor.u32 $0x8, v63;
	v2 =	vld.idx.msk [tilespmem:v6+s2+$0x0], $0xffff;
	v6 =	vor.u32 s19, v19;
	[tilespmem:v8+s13+$0x0] =	vst.idx.msk $0xffff, v7  }
0xb1: {  	v7 =	vor.u32 $0x8, v5;
	[tilespmem:v11+s13+$0x0] =	vst.idx.msk $0xffff, v10;
	v8 =	vld.idx.msk [tilespmem:v9+s2+$0x0], $0xffff;
	v9 =	vor.u32 s20, v19  }
0xb2: {  	v10 =	vor.u32 $0x8, v4;
	v11 =	vld.idx.msk [tilespmem:v12+s2+$0x0], $0xffff;
	v12 =	vor.u32 s16, v19  }
0xb3: {  	v13 =	vor.u32 $0x8, v3;
	_ =	sdelay $0x1  }
0xb4: {  	v14 =	vor.u32 s18, v20;
	v0 =	vld.idx.msk [tilespmem:v0+s2+$0x0], $0xffff;
	[tilespmem:v6+s13+$0x0] =	vst.idx.msk $0xffff, v2  }
0xb5: {  	v2 =	vor.u32 $0x9, v63;
	v6 =	vld.idx.msk [tilespmem:v7+s2+$0x0], $0xffff;
	v7 =	vor.u32 s19, v20;
	[tilespmem:v9+s13+$0x0] =	vst.idx.msk $0xffff, v8  }
0xb6: {  	v8 =	vor.u32 $0x9, v5;
	[tilespmem:v12+s13+$0x0] =	vst.idx.msk $0xffff, v11;
	v9 =	vld.idx.msk [tilespmem:v10+s2+$0x0], $0xffff;
	v10 =	vor.u32 s20, v20  }
0xb7: {  	v11 =	vor.u32 $0x9, v4;
	v12 =	vld.idx.msk [tilespmem:v13+s2+$0x0], $0xffff;
	v13 =	vor.u32 s16, v20  }
0xb8: {  	v15 =	vor.u32 $0x9, v3  }
0xb9: {  	[tilespmem:v14+s13+$0x0] =	vst.idx.msk $0xffff, v0  }
0xba: {  	v0 =	vld.idx.msk [tilespmem:v2+s2+$0x0], $0xffff;
	v2 =	vor.u32 s18, v21;
	[tilespmem:v7+s13+$0x0] =	vst.idx.msk $0xffff, v6  }
0xbb: {  	v6 =	vor.u32 $0xA, v63;
	v7 =	vld.idx.msk [tilespmem:v8+s2+$0x0], $0xffff;
	v8 =	vor.u32 s19, v21;
	[tilespmem:v10+s13+$0x0] =	vst.idx.msk $0xffff, v9  }
0xbc: {  	v9 =	vor.u32 $0xA, v5;
	[tilespmem:v13+s13+$0x0] =	vst.idx.msk $0xffff, v12;
	v10 =	vld.idx.msk [tilespmem:v11+s2+$0x0], $0xffff;
	v11 =	vor.u32 s20, v21  }
0xbd: {  	v14 =	vor.u32 s16, v21;
	v12 =	vor.u32 $0xA, v4;
	v13 =	vld.idx.msk [tilespmem:v15+s2+$0x0], $0xffff  }
0xbe: {  	v15 =	vor.u32 $0xA, v3  }
0xbf: {  	[tilespmem:v2+s13+$0x0] =	vst.idx.msk $0xffff, v0  }
0xc0: {  	v2 =	vor.u32 s18, v22;
	v0 =	vld.idx.msk [tilespmem:v6+s2+$0x0], $0xffff;
	[tilespmem:v8+s13+$0x0] =	vst.idx.msk $0xffff, v7  }
0xc1: {  	v6 =	vor.u32 $0xB, v63;
	v8 =	vor.u32 s19, v22;
	v7 =	vld.idx.msk [tilespmem:v9+s2+$0x0], $0xffff;
	[tilespmem:v11+s13+$0x0] =	vst.idx.msk $0xffff, v10  }
0xc2: {  	v9 =	vor.u32 $0xB, v5;
	v11 =	vor.u32 s20, v22;
	[tilespmem:v14+s13+$0x0] =	vst.idx.msk $0xffff, v13;
	v10 =	vld.idx.msk [tilespmem:v12+s2+$0x0], $0xffff  }
0xc3: {  	v14 =	vor.u32 s16, v22;
	v12 =	vor.u32 $0xB, v4;
	v13 =	vld.idx.msk [tilespmem:v15+s2+$0x0], $0xffff  }
0xc4: {  	v15 =	vor.u32 $0xB, v3  }
0xc5: {  	[tilespmem:v2+s13+$0x0] =	vst.idx.msk $0xffff, v0  }
0xc6: {  	v2 =	vor.u32 s18, v23;
	v0 =	vld.idx.msk [tilespmem:v6+s2+$0x0], $0xffff;
	[tilespmem:v8+s13+$0x0] =	vst.idx.msk $0xffff, v7  }
0xc7: {  	v6 =	vor.u32 $0xC, v63;
	v8 =	vor.u32 s19, v23;
	v7 =	vld.idx.msk [tilespmem:v9+s2+$0x0], $0xffff;
	[tilespmem:v11+s13+$0x0] =	vst.idx.msk $0xffff, v10  }
0xc8: {  	v9 =	vor.u32 $0xC, v5;
	v11 =	vor.u32 s20, v23;
	[tilespmem:v14+s13+$0x0] =	vst.idx.msk $0xffff, v13;
	v10 =	vld.idx.msk [tilespmem:v12+s2+$0x0], $0xffff  }
0xc9: {  	v14 =	vor.u32 s16, v23;
	v12 =	vor.u32 $0xC, v4;
	v13 =	vld.idx.msk [tilespmem:v15+s2+$0x0], $0xffff  }
0xca: {  	v15 =	vor.u32 $0xC, v3  }
0xcb: {  	v16 =	vld [tilespmem:$0x1FCB0];
	[tilespmem:v2+s13+$0x0] =	vst.idx.msk $0xffff, v0  }
0xcc: {  	v2 =	vor.u32 s18, v24;
	v0 =	vld.idx.msk [tilespmem:v6+s2+$0x0], $0xffff;
	[tilespmem:v8+s13+$0x0] =	vst.idx.msk $0xffff, v7  }
0xcd: {  	v6 =	vor.u32 $0xD, v63;
	v8 =	vor.u32 s19, v24;
	v7 =	vld.idx.msk [tilespmem:v9+s2+$0x0], $0xffff;
	[tilespmem:v11+s13+$0x0] =	vst.idx.msk $0xffff, v10  }
0xce: {  	v9 =	vor.u32 $0xD, v5;
	v11 =	vor.u32 s20, v24;
	[tilespmem:v14+s13+$0x0] =	vst.idx.msk $0xffff, v13;
	v10 =	vld.idx.msk [tilespmem:v12+s2+$0x0], $0xffff  }
0xcf: {  	v14 =	vor.u32 s16, v24;
	v12 =	vor.u32 $0xD, v4;
	v13 =	vld.idx.msk [tilespmem:v15+s2+$0x0], $0xffff  }
0xd0: {  	v15 =	vor.u32 $0xD, v3  }
0xd1: {  	[tilespmem:v2+s13+$0x0] =	vst.idx.msk $0xffff, v0  }
0xd2: {  	v2 =	vor.u32 s18, v16;
	v0 =	vld.idx.msk [tilespmem:v6+s2+$0x0], $0xffff;
	[tilespmem:v8+s13+$0x0] =	vst.idx.msk $0xffff, v7  }
0xd3: {  	v6 =	vor.u32 $0xE, v63;
	v8 =	vor.u32 s19, v16;
	v7 =	vld.idx.msk [tilespmem:v9+s2+$0x0], $0xffff;
	[tilespmem:v11+s13+$0x0] =	vst.idx.msk $0xffff, v10  }
0xd4: {  	v9 =	vor.u32 $0xE, v5;
	v11 =	vor.u32 s20, v16;
	[tilespmem:v14+s13+$0x0] =	vst.idx.msk $0xffff, v13;
	v10 =	vld.idx.msk [tilespmem:v12+s2+$0x0], $0xffff  }
0xd5: {  	v14 =	vor.u32 s16, v16;
	v12 =	vor.u32 $0xE, v4;
	v13 =	vld.idx.msk [tilespmem:v15+s2+$0x0], $0xffff  }
0xd6: {  	v15 =	vor.u32 $0xE, v3  }
0xd7: {  	v16 =	vld [tilespmem:$0x1FCD0];
	[tilespmem:v2+s13+$0x0] =	vst.idx.msk $0xffff, v0  }
0xd8: {  	v2 =	vor.u32 s18, v35;
	v0 =	vld.idx.msk [tilespmem:v6+s2+$0x0], $0xffff;
	[tilespmem:v8+s13+$0x0] =	vst.idx.msk $0xffff, v7  }
0xd9: {  	v6 =	vor.u32 $0xF, v63;
	v8 =	vor.u32 s19, v35;
	v7 =	vld.idx.msk [tilespmem:v9+s2+$0x0], $0xffff;
	[tilespmem:v11+s13+$0x0] =	vst.idx.msk $0xffff, v10  }
0xda: {  	v9 =	vor.u32 $0xF, v5;
	v11 =	vor.u32 s20, v35;
	[tilespmem:v14+s13+$0x0] =	vst.idx.msk $0xffff, v13;
	v10 =	vld.idx.msk [tilespmem:v12+s2+$0x0], $0xffff  }
0xdb: {  	v14 =	vor.u32 s16, v35;
	v12 =	vor.u32 $0xF, v4;
	v13 =	vld.idx.msk [tilespmem:v15+s2+$0x0], $0xffff  }
0xdc: {  	v15 =	vor.u32 $0xF, v3  }
0xdd: {  	[tilespmem:v2+s13+$0x0] =	vst.idx.msk $0xffff, v0  }
0xde: {  	v2 =	vor.u32 s18, v16;
	v0 =	vld.idx.msk [tilespmem:v6+s2+$0x0], $0xffff;
	[tilespmem:v8+s13+$0x0] =	vst.idx.msk $0xffff, v7  }
0xdf: {  	v6 =	vor.u32 $0x10, v63;
	v8 =	vor.u32 s19, v16;
	v7 =	vld.idx.msk [tilespmem:v9+s2+$0x0], $0xffff;
	[tilespmem:v11+s13+$0x0] =	vst.idx.msk $0xffff, v10  }
0xe0: {  	v9 =	vor.u32 $0x10, v5;
	v11 =	vor.u32 s20, v16;
	[tilespmem:v14+s13+$0x0] =	vst.idx.msk $0xffff, v13;
	v10 =	vld.idx.msk [tilespmem:v12+s2+$0x0], $0xffff  }
0xe1: {  	v14 =	vor.u32 s16, v16;
	v12 =	vor.u32 $0x10, v4;
	v13 =	vld.idx.msk [tilespmem:v15+s2+$0x0], $0xffff  }
0xe2: {  	v15 =	vor.u32 $0x10, v3  }
0xe3: {  	v16 =	vld [tilespmem:$0x1FCF0];
	[tilespmem:v2+s13+$0x0] =	vst.idx.msk $0xffff, v0  }
0xe4: {  	v2 =	vor.u32 s18, v36;
	v0 =	vld.idx.msk [tilespmem:v6+s2+$0x0], $0xffff;
	[tilespmem:v8+s13+$0x0] =	vst.idx.msk $0xffff, v7  }
0xe5: {  	v6 =	vor.u32 $0x11, v63;
	v8 =	vor.u32 s19, v36;
	v7 =	vld.idx.msk [tilespmem:v9+s2+$0x0], $0xffff;
	[tilespmem:v11+s13+$0x0] =	vst.idx.msk $0xffff, v10  }
0xe6: {  	v9 =	vor.u32 $0x11, v5;
	v11 =	vor.u32 s20, v36;
	[tilespmem:v14+s13+$0x0] =	vst.idx.msk $0xffff, v13;
	v10 =	vld.idx.msk [tilespmem:v12+s2+$0x0], $0xffff  }
0xe7: {  	v14 =	vor.u32 s16, v36;
	v12 =	vor.u32 $0x11, v4;
	v13 =	vld.idx.msk [tilespmem:v15+s2+$0x0], $0xffff  }
0xe8: {  	v15 =	vor.u32 $0x11, v3  }
0xe9: {  	[tilespmem:v2+s13+$0x0] =	vst.idx.msk $0xffff, v0  }
0xea: {  	v2 =	vor.u32 s18, v16;
	v0 =	vld.idx.msk [tilespmem:v6+s2+$0x0], $0xffff;
	[tilespmem:v8+s13+$0x0] =	vst.idx.msk $0xffff, v7  }
0xeb: {  	v6 =	vor.u32 $0x12, v63;
	v8 =	vor.u32 s19, v16;
	v7 =	vld.idx.msk [tilespmem:v9+s2+$0x0], $0xffff;
	[tilespmem:v11+s13+$0x0] =	vst.idx.msk $0xffff, v10  }
0xec: {  	v9 =	vor.u32 $0x12, v5;
	v11 =	vor.u32 s20, v16;
	[tilespmem:v14+s13+$0x0] =	vst.idx.msk $0xffff, v13;
	v10 =	vld.idx.msk [tilespmem:v12+s2+$0x0], $0xffff  }
0xed: {  	v14 =	vor.u32 s16, v16;
	v12 =	vor.u32 $0x12, v4;
	v13 =	vld.idx.msk [tilespmem:v15+s2+$0x0], $0xffff  }
0xee: {  	v15 =	vor.u32 $0x12, v3  }
0xef: {  	v16 =	vld [tilespmem:$0x1FD10];
	[tilespmem:v2+s13+$0x0] =	vst.idx.msk $0xffff, v0  }
0xf0: {  	v2 =	vor.u32 s18, v37;
	v0 =	vld.idx.msk [tilespmem:v6+s2+$0x0], $0xffff;
	[tilespmem:v8+s13+$0x0] =	vst.idx.msk $0xffff, v7  }
0xf1: {  	v6 =	vor.u32 $0x13, v63;
	v8 =	vor.u32 s19, v37;
	v7 =	vld.idx.msk [tilespmem:v9+s2+$0x0], $0xffff;
	[tilespmem:v11+s13+$0x0] =	vst.idx.msk $0xffff, v10  }
0xf2: {  	v9 =	vor.u32 $0x13, v5;
	v11 =	vor.u32 s20, v37;
	[tilespmem:v14+s13+$0x0] =	vst.idx.msk $0xffff, v13;
	v10 =	vld.idx.msk [tilespmem:v12+s2+$0x0], $0xffff  }
0xf3: {  	v14 =	vor.u32 s16, v37;
	v12 =	vor.u32 $0x13, v4;
	v13 =	vld.idx.msk [tilespmem:v15+s2+$0x0], $0xffff  }
0xf4: {  	v15 =	vor.u32 $0x13, v3  }
0xf5: {  	[tilespmem:v2+s13+$0x0] =	vst.idx.msk $0xffff, v0  }
0xf6: {  	v2 =	vor.u32 s18, v16;
	v0 =	vld.idx.msk [tilespmem:v6+s2+$0x0], $0xffff;
	[tilespmem:v8+s13+$0x0] =	vst.idx.msk $0xffff, v7  }
0xf7: {  	v6 =	vor.u32 $0x14, v63;
	v8 =	vor.u32 s19, v16;
	v7 =	vld.idx.msk [tilespmem:v9+s2+$0x0], $0xffff;
	[tilespmem:v11+s13+$0x0] =	vst.idx.msk $0xffff, v10  }
0xf8: {  	v9 =	vor.u32 $0x14, v5;
	v11 =	vor.u32 s20, v16;
	[tilespmem:v14+s13+$0x0] =	vst.idx.msk $0xffff, v13;
	v10 =	vld.idx.msk [tilespmem:v12+s2+$0x0], $0xffff  }
0xf9: {  	v14 =	vor.u32 s16, v16;
	v12 =	vor.u32 $0x14, v4;
	v13 =	vld.idx.msk [tilespmem:v15+s2+$0x0], $0xffff  }
0xfa: {  	v15 =	vor.u32 $0x14, v3  }
0xfb: {  	v16 =	vld [tilespmem:$0x1FD30];
	[tilespmem:v2+s13+$0x0] =	vst.idx.msk $0xffff, v0  }
0xfc: {  	v2 =	vor.u32 s18, v38;
	v0 =	vld.idx.msk [tilespmem:v6+s2+$0x0], $0xffff;
	[tilespmem:v8+s13+$0x0] =	vst.idx.msk $0xffff, v7  }
0xfd: {  	v6 =	vor.u32 $0x15, v63;
	v8 =	vor.u32 s19, v38;
	v7 =	vld.idx.msk [tilespmem:v9+s2+$0x0], $0xffff;
	[tilespmem:v11+s13+$0x0] =	vst.idx.msk $0xffff, v10  }
0xfe: {  	v9 =	vor.u32 $0x15, v5;
	v11 =	vor.u32 s20, v38;
	[tilespmem:v14+s13+$0x0] =	vst.idx.msk $0xffff, v13;
	v10 =	vld.idx.msk [tilespmem:v12+s2+$0x0], $0xffff  }
0xff: {  	v14 =	vor.u32 s16, v38;
	v12 =	vor.u32 $0x15, v4;
	v13 =	vld.idx.msk [tilespmem:v15+s2+$0x0], $0xffff  }
0x100: {  	v15 =	vor.u32 $0x15, v3  }
0x101: {  	[tilespmem:v2+s13+$0x0] =	vst.idx.msk $0xffff, v0  }
0x102: {  	v2 =	vor.u32 s18, v16;
	v0 =	vld.idx.msk [tilespmem:v6+s2+$0x0], $0xffff;
	[tilespmem:v8+s13+$0x0] =	vst.idx.msk $0xffff, v7  }
0x103: {  	v6 =	vor.u32 $0x16, v63;
	v8 =	vor.u32 s19, v16;
	v7 =	vld.idx.msk [tilespmem:v9+s2+$0x0], $0xffff;
	[tilespmem:v11+s13+$0x0] =	vst.idx.msk $0xffff, v10  }
0x104: {  	v9 =	vor.u32 $0x16, v5;
	v11 =	vor.u32 s20, v16;
	[tilespmem:v14+s13+$0x0] =	vst.idx.msk $0xffff, v13;
	v10 =	vld.idx.msk [tilespmem:v12+s2+$0x0], $0xffff  }
0x105: {  	v14 =	vor.u32 s16, v16;
	v12 =	vor.u32 $0x16, v4;
	v13 =	vld.idx.msk [tilespmem:v15+s2+$0x0], $0xffff  }
0x106: {  	v15 =	vor.u32 $0x16, v3  }
0x107: {  	v16 =	vld [tilespmem:$0x1FD50];
	[tilespmem:v2+s13+$0x0] =	vst.idx.msk $0xffff, v0  }
0x108: {  	v2 =	vor.u32 s18, v39;
	v0 =	vld.idx.msk [tilespmem:v6+s2+$0x0], $0xffff;
	[tilespmem:v8+s13+$0x0] =	vst.idx.msk $0xffff, v7  }
0x109: {  	v6 =	vor.u32 $0x17, v63;
	v8 =	vor.u32 s19, v39;
	v7 =	vld.idx.msk [tilespmem:v9+s2+$0x0], $0xffff;
	[tilespmem:v11+s13+$0x0] =	vst.idx.msk $0xffff, v10  }
0x10a: {  	v9 =	vor.u32 $0x17, v5;
	v11 =	vor.u32 s20, v39;
	[tilespmem:v14+s13+$0x0] =	vst.idx.msk $0xffff, v13;
	v10 =	vld.idx.msk [tilespmem:v12+s2+$0x0], $0xffff  }
0x10b: {  	v14 =	vor.u32 s16, v39;
	v12 =	vor.u32 $0x17, v4;
	v13 =	vld.idx.msk [tilespmem:v15+s2+$0x0], $0xffff  }
0x10c: {  	v15 =	vor.u32 $0x17, v3  }
0x10d: {  	[tilespmem:v2+s13+$0x0] =	vst.idx.msk $0xffff, v0  }
0x10e: {  	v2 =	vor.u32 s18, v16;
	v0 =	vld.idx.msk [tilespmem:v6+s2+$0x0], $0xffff;
	[tilespmem:v8+s13+$0x0] =	vst.idx.msk $0xffff, v7  }
0x10f: {  	v6 =	vor.u32 $0x18, v63;
	v8 =	vor.u32 s19, v16;
	v7 =	vld.idx.msk [tilespmem:v9+s2+$0x0], $0xffff;
	[tilespmem:v11+s13+$0x0] =	vst.idx.msk $0xffff, v10  }
0x110: {  	v9 =	vor.u32 $0x18, v5;
	v11 =	vor.u32 s20, v16;
	[tilespmem:v14+s13+$0x0] =	vst.idx.msk $0xffff, v13;
	v10 =	vld.idx.msk [tilespmem:v12+s2+$0x0], $0xffff  }
0x111: {  	v14 =	vor.u32 s16, v16;
	v12 =	vor.u32 $0x18, v4;
	v13 =	vld.idx.msk [tilespmem:v15+s2+$0x0], $0xffff  }
0x112: {  	v15 =	vor.u32 $0x18, v3  }
0x113: {  	v16 =	vld [tilespmem:$0x1FD70];
	[tilespmem:v2+s13+$0x0] =	vst.idx.msk $0xffff, v0  }
0x114: {  	v2 =	vor.u32 s18, v40;
	v0 =	vld.idx.msk [tilespmem:v6+s2+$0x0], $0xffff;
	[tilespmem:v8+s13+$0x0] =	vst.idx.msk $0xffff, v7  }
0x115: {  	v6 =	vor.u32 $0x19, v63;
	v8 =	vor.u32 s19, v40;
	v7 =	vld.idx.msk [tilespmem:v9+s2+$0x0], $0xffff;
	[tilespmem:v11+s13+$0x0] =	vst.idx.msk $0xffff, v10  }
0x116: {  	v9 =	vor.u32 $0x19, v5;
	v11 =	vor.u32 s20, v40;
	[tilespmem:v14+s13+$0x0] =	vst.idx.msk $0xffff, v13;
	v10 =	vld.idx.msk [tilespmem:v12+s2+$0x0], $0xffff  }
0x117: {  	v14 =	vor.u32 s16, v40;
	v12 =	vor.u32 $0x19, v4;
	v13 =	vld.idx.msk [tilespmem:v15+s2+$0x0], $0xffff  }
0x118: {  	v15 =	vor.u32 $0x19, v3  }
0x119: {  	[tilespmem:v2+s13+$0x0] =	vst.idx.msk $0xffff, v0  }
0x11a: {  	v2 =	vor.u32 s18, v16;
	v0 =	vld.idx.msk [tilespmem:v6+s2+$0x0], $0xffff;
	[tilespmem:v8+s13+$0x0] =	vst.idx.msk $0xffff, v7  }
0x11b: {  	v6 =	vor.u32 $0x1A, v63;
	v8 =	vor.u32 s19, v16;
	v7 =	vld.idx.msk [tilespmem:v9+s2+$0x0], $0xffff;
	[tilespmem:v11+s13+$0x0] =	vst.idx.msk $0xffff, v10  }
0x11c: {  	v9 =	vor.u32 $0x1A, v5;
	v11 =	vor.u32 s20, v16;
	[tilespmem:v14+s13+$0x0] =	vst.idx.msk $0xffff, v13;
	v10 =	vld.idx.msk [tilespmem:v12+s2+$0x0], $0xffff  }
0x11d: {  	v14 =	vor.u32 s16, v16;
	v12 =	vor.u32 $0x1A, v4;
	v13 =	vld.idx.msk [tilespmem:v15+s2+$0x0], $0xffff  }
0x11e: {  	v15 =	vor.u32 $0x1A, v3  }
0x11f: {  	v16 =	vld [tilespmem:$0x1FD90];
	[tilespmem:v2+s13+$0x0] =	vst.idx.msk $0xffff, v0  }
0x120: {  	v2 =	vor.u32 s18, v41;
	v0 =	vld.idx.msk [tilespmem:v6+s2+$0x0], $0xffff;
	[tilespmem:v8+s13+$0x0] =	vst.idx.msk $0xffff, v7  }
0x121: {  	v6 =	vor.u32 $0x1B, v63;
	v8 =	vor.u32 s19, v41;
	v7 =	vld.idx.msk [tilespmem:v9+s2+$0x0], $0xffff;
	[tilespmem:v11+s13+$0x0] =	vst.idx.msk $0xffff, v10  }
0x122: {  	v9 =	vor.u32 $0x1B, v5;
	v11 =	vor.u32 s20, v41;
	[tilespmem:v14+s13+$0x0] =	vst.idx.msk $0xffff, v13;
	v10 =	vld.idx.msk [tilespmem:v12+s2+$0x0], $0xffff  }
0x123: {  	v14 =	vor.u32 s16, v41;
	v12 =	vor.u32 $0x1B, v4;
	v13 =	vld.idx.msk [tilespmem:v15+s2+$0x0], $0xffff  }
0x124: {  	v15 =	vor.u32 $0x1B, v3  }
0x125: {  	[tilespmem:v2+s13+$0x0] =	vst.idx.msk $0xffff, v0  }
0x126: {  	v2 =	vor.u32 s18, v16;
	v0 =	vld.idx.msk [tilespmem:v6+s2+$0x0], $0xffff;
	[tilespmem:v8+s13+$0x0] =	vst.idx.msk $0xffff, v7  }
0x127: {  	v6 =	vor.u32 $0x1C, v63;
	v8 =	vor.u32 s19, v16;
	v7 =	vld.idx.msk [tilespmem:v9+s2+$0x0], $0xffff;
	[tilespmem:v11+s13+$0x0] =	vst.idx.msk $0xffff, v10  }
0x128: {  	v9 =	vor.u32 $0x1C, v5;
	v11 =	vor.u32 s20, v16;
	[tilespmem:v14+s13+$0x0] =	vst.idx.msk $0xffff, v13;
	v10 =	vld.idx.msk [tilespmem:v12+s2+$0x0], $0xffff  }
0x129: {  	v14 =	vor.u32 s16, v16;
	v12 =	vor.u32 $0x1C, v4;
	v13 =	vld.idx.msk [tilespmem:v15+s2+$0x0], $0xffff  }
0x12a: {  	v15 =	vor.u32 $0x1C, v3  }
0x12b: {  	v16 =	vld [tilespmem:$0x1FDB0];
	[tilespmem:v2+s13+$0x0] =	vst.idx.msk $0xffff, v0  }
0x12c: {  	v2 =	vor.u32 s18, v42;
	v0 =	vld.idx.msk [tilespmem:v6+s2+$0x0], $0xffff;
	[tilespmem:v8+s13+$0x0] =	vst.idx.msk $0xffff, v7  }
0x12d: {  	v6 =	vor.u32 $0x1D, v63;
	v8 =	vor.u32 s19, v42;
	v7 =	vld.idx.msk [tilespmem:v9+s2+$0x0], $0xffff;
	[tilespmem:v11+s13+$0x0] =	vst.idx.msk $0xffff, v10  }
0x12e: {  	v9 =	vor.u32 $0x1D, v5;
	v11 =	vor.u32 s20, v42;
	[tilespmem:v14+s13+$0x0] =	vst.idx.msk $0xffff, v13;
	v10 =	vld.idx.msk [tilespmem:v12+s2+$0x0], $0xffff  }
0x12f: {  	v14 =	vor.u32 s16, v42;
	v12 =	vor.u32 $0x1D, v4;
	v13 =	vld.idx.msk [tilespmem:v15+s2+$0x0], $0xffff  }
0x130: {  	v15 =	vor.u32 $0x1D, v3  }
0x131: {  	[tilespmem:v2+s13+$0x0] =	vst.idx.msk $0xffff, v0  }
0x132: {  	v2 =	vor.u32 s18, v16;
	v0 =	vld.idx.msk [tilespmem:v6+s2+$0x0], $0xffff;
	[tilespmem:v8+s13+$0x0] =	vst.idx.msk $0xffff, v7  }
0x133: {  	v6 =	vor.u32 $0x1E, v63;
	v8 =	vor.u32 s19, v16;
	v7 =	vld.idx.msk [tilespmem:v9+s2+$0x0], $0xffff;
	[tilespmem:v11+s13+$0x0] =	vst.idx.msk $0xffff, v10  }
0x134: {  	v9 =	vor.u32 $0x1E, v5;
	v11 =	vor.u32 s20, v16;
	[tilespmem:v14+s13+$0x0] =	vst.idx.msk $0xffff, v13;
	v10 =	vld.idx.msk [tilespmem:v12+s2+$0x0], $0xffff  }
0x135: {  	v14 =	vor.u32 s16, v16;
	v12 =	vor.u32 $0x1E, v4;
	v13 =	vld.idx.msk [tilespmem:v15+s2+$0x0], $0xffff  }
0x136: {  	v15 =	vor.u32 $0x1E, v3  }
0x137: {  	v16 =	vld [tilespmem:$0x1FDD0];
	[tilespmem:v2+s13+$0x0] =	vst.idx.msk $0xffff, v0  }
0x138: {  	v2 =	vor.u32 s18, v43;
	v0 =	vld.idx.msk [tilespmem:v6+s2+$0x0], $0xffff;
	[tilespmem:v8+s13+$0x0] =	vst.idx.msk $0xffff, v7  }
0x139: {  	v6 =	vor.u32 $0x1F, v63;
	v8 =	vor.u32 s19, v43;
	v7 =	vld.idx.msk [tilespmem:v9+s2+$0x0], $0xffff;
	[tilespmem:v11+s13+$0x0] =	vst.idx.msk $0xffff, v10  }
0x13a: {  	v9 =	vor.u32 $0x1F, v5;
	v11 =	vor.u32 s20, v43;
	[tilespmem:v14+s13+$0x0] =	vst.idx.msk $0xffff, v13;
	v10 =	vld.idx.msk [tilespmem:v12+s2+$0x0], $0xffff  }
0x13b: {  	v14 =	vor.u32 s16, v43;
	v12 =	vor.u32 $0x1F, v4;
	v13 =	vld.idx.msk [tilespmem:v15+s2+$0x0], $0xffff  }
0x13c: {  	v15 =	vor.u32 $0x1F, v3  }
0x13d: {  	[tilespmem:v2+s13+$0x0] =	vst.idx.msk $0xffff, v0  }
0x13e: {  	v2 =	vor.u32 s18, v16;
	v0 =	vld.idx.msk [tilespmem:v6+s2+$0x0], $0xffff;
	[tilespmem:v8+s13+$0x0] =	vst.idx.msk $0xffff, v7  }
0x13f: {  	v6 =	vor.u32 $0x20, v63;
	v8 =	vor.u32 s19, v16;
	v7 =	vld.idx.msk [tilespmem:v9+s2+$0x0], $0xffff;
	[tilespmem:v11+s13+$0x0] =	vst.idx.msk $0xffff, v10  }
0x140: {  	v9 =	vor.u32 $0x20, v5;
	v11 =	vor.u32 s20, v16;
	[tilespmem:v14+s13+$0x0] =	vst.idx.msk $0xffff, v13;
	v10 =	vld.idx.msk [tilespmem:v12+s2+$0x0], $0xffff  }
0x141: {  	v14 =	vor.u32 s16, v16;
	v12 =	vor.u32 $0x20, v4;
	v13 =	vld.idx.msk [tilespmem:v15+s2+$0x0], $0xffff  }
0x142: {  	v15 =	vor.u32 $0x20, v3  }
0x143: {  	[tilespmem:v2+s13+$0x0] =	vst.idx.msk $0xffff, v0  }
0x144: {  	v2 =	vor.u32 s18, v44;
	v0 =	vld.idx.msk [tilespmem:v6+s2+$0x0], $0xffff;
	[tilespmem:v8+s13+$0x0] =	vst.idx.msk $0xffff, v7  }
0x145: {  	v6 =	vor.u32 $0x21, v63;
	v8 =	vor.u32 s19, v44;
	v7 =	vld.idx.msk [tilespmem:v9+s2+$0x0], $0xffff;
	[tilespmem:v11+s13+$0x0] =	vst.idx.msk $0xffff, v10  }
0x146: {  	v9 =	vor.u32 $0x21, v5;
	v11 =	vor.u32 s20, v44;
	[tilespmem:v14+s13+$0x0] =	vst.idx.msk $0xffff, v13;
	v10 =	vld.idx.msk [tilespmem:v12+s2+$0x0], $0xffff  }
0x147: {  	v14 =	vor.u32 s16, v44;
	v12 =	vor.u32 $0x21, v4;
	v13 =	vld.idx.msk [tilespmem:v15+s2+$0x0], $0xffff  }
0x148: {  	v15 =	vor.u32 $0x21, v3  }
0x149: {  	[tilespmem:v2+s13+$0x0] =	vst.idx.msk $0xffff, v0  }
0x14a: {  	v2 =	vor.u32 s18, v45;
	v0 =	vld.idx.msk [tilespmem:v6+s2+$0x0], $0xffff;
	[tilespmem:v8+s13+$0x0] =	vst.idx.msk $0xffff, v7  }
0x14b: {  	v6 =	vor.u32 $0x22, v63;
	v8 =	vor.u32 s19, v45;
	v7 =	vld.idx.msk [tilespmem:v9+s2+$0x0], $0xffff;
	[tilespmem:v11+s13+$0x0] =	vst.idx.msk $0xffff, v10  }
0x14c: {  	v9 =	vor.u32 $0x22, v5;
	v11 =	vor.u32 s20, v45;
	[tilespmem:v14+s13+$0x0] =	vst.idx.msk $0xffff, v13;
	v10 =	vld.idx.msk [tilespmem:v12+s2+$0x0], $0xffff  }
0x14d: {  	v14 =	vor.u32 s16, v45;
	v12 =	vor.u32 $0x22, v4;
	v13 =	vld.idx.msk [tilespmem:v15+s2+$0x0], $0xffff  }
0x14e: {  	v15 =	vor.u32 $0x22, v3  }
0x14f: {  	[tilespmem:v2+s13+$0x0] =	vst.idx.msk $0xffff, v0  }
0x150: {  	v2 =	vor.u32 s18, v46;
	v0 =	vld.idx.msk [tilespmem:v6+s2+$0x0], $0xffff;
	[tilespmem:v8+s13+$0x0] =	vst.idx.msk $0xffff, v7  }
0x151: {  	v6 =	vor.u32 $0x23, v63;
	v8 =	vor.u32 s19, v46;
	v7 =	vld.idx.msk [tilespmem:v9+s2+$0x0], $0xffff;
	[tilespmem:v11+s13+$0x0] =	vst.idx.msk $0xffff, v10  }
0x152: {  	v9 =	vor.u32 $0x23, v5;
	v11 =	vor.u32 s20, v46;
	[tilespmem:v14+s13+$0x0] =	vst.idx.msk $0xffff, v13;
	v10 =	vld.idx.msk [tilespmem:v12+s2+$0x0], $0xffff  }
0x153: {  	v14 =	vor.u32 s16, v46;
	v12 =	vor.u32 $0x23, v4;
	v13 =	vld.idx.msk [tilespmem:v15+s2+$0x0], $0xffff  }
0x154: {  	v15 =	vor.u32 $0x23, v3  }
0x155: {  	[tilespmem:v2+s13+$0x0] =	vst.idx.msk $0xffff, v0  }
0x156: {  	v2 =	vor.u32 s18, v47;
	v0 =	vld.idx.msk [tilespmem:v6+s2+$0x0], $0xffff;
	[tilespmem:v8+s13+$0x0] =	vst.idx.msk $0xffff, v7  }
0x157: {  	v6 =	vor.u32 $0x24, v63;
	v8 =	vor.u32 s19, v47;
	v7 =	vld.idx.msk [tilespmem:v9+s2+$0x0], $0xffff;
	[tilespmem:v11+s13+$0x0] =	vst.idx.msk $0xffff, v10  }
0x158: {  	v9 =	vor.u32 $0x24, v5;
	v11 =	vor.u32 s20, v47;
	[tilespmem:v14+s13+$0x0] =	vst.idx.msk $0xffff, v13;
	v10 =	vld.idx.msk [tilespmem:v12+s2+$0x0], $0xffff  }
0x159: {  	v14 =	vor.u32 s16, v47;
	v12 =	vor.u32 $0x24, v4;
	v13 =	vld.idx.msk [tilespmem:v15+s2+$0x0], $0xffff  }
0x15a: {  	v15 =	vor.u32 $0x24, v3  }
0x15b: {  	[tilespmem:v2+s13+$0x0] =	vst.idx.msk $0xffff, v0  }
0x15c: {  	v2 =	vor.u32 s18, v48;
	v0 =	vld.idx.msk [tilespmem:v6+s2+$0x0], $0xffff;
	[tilespmem:v8+s13+$0x0] =	vst.idx.msk $0xffff, v7  }
0x15d: {  	v6 =	vor.u32 $0x25, v63;
	v8 =	vor.u32 s19, v48;
	v7 =	vld.idx.msk [tilespmem:v9+s2+$0x0], $0xffff;
	[tilespmem:v11+s13+$0x0] =	vst.idx.msk $0xffff, v10  }
0x15e: {  	v9 =	vor.u32 $0x25, v5;
	v11 =	vor.u32 s20, v48;
	[tilespmem:v14+s13+$0x0] =	vst.idx.msk $0xffff, v13;
	v10 =	vld.idx.msk [tilespmem:v12+s2+$0x0], $0xffff  }
0x15f: {  	v14 =	vor.u32 s16, v48;
	v12 =	vor.u32 $0x25, v4;
	v13 =	vld.idx.msk [tilespmem:v15+s2+$0x0], $0xffff  }
0x160: {  	v15 =	vor.u32 $0x25, v3  }
0x161: {  	[tilespmem:v2+s13+$0x0] =	vst.idx.msk $0xffff, v0  }
0x162: {  	v2 =	vor.u32 s18, v49;
	v0 =	vld.idx.msk [tilespmem:v6+s2+$0x0], $0xffff;
	[tilespmem:v8+s13+$0x0] =	vst.idx.msk $0xffff, v7  }
0x163: {  	v6 =	vor.u32 $0x26, v63;
	v8 =	vor.u32 s19, v49;
	v7 =	vld.idx.msk [tilespmem:v9+s2+$0x0], $0xffff;
	[tilespmem:v11+s13+$0x0] =	vst.idx.msk $0xffff, v10  }
0x164: {  	v9 =	vor.u32 $0x26, v5;
	v11 =	vor.u32 s20, v49;
	[tilespmem:v14+s13+$0x0] =	vst.idx.msk $0xffff, v13;
	v10 =	vld.idx.msk [tilespmem:v12+s2+$0x0], $0xffff  }
0x165: {  	v14 =	vor.u32 s16, v49;
	v12 =	vor.u32 $0x26, v4;
	v13 =	vld.idx.msk [tilespmem:v15+s2+$0x0], $0xffff  }
0x166: {  	v15 =	vor.u32 $0x26, v3  }
0x167: {  	[tilespmem:v2+s13+$0x0] =	vst.idx.msk $0xffff, v0  }
0x168: {  	v2 =	vor.u32 s18, v50;
	v0 =	vld.idx.msk [tilespmem:v6+s2+$0x0], $0xffff;
	[tilespmem:v8+s13+$0x0] =	vst.idx.msk $0xffff, v7  }
0x169: {  	v6 =	vor.u32 $0x27, v63;
	v8 =	vor.u32 s19, v50;
	v7 =	vld.idx.msk [tilespmem:v9+s2+$0x0], $0xffff;
	[tilespmem:v11+s13+$0x0] =	vst.idx.msk $0xffff, v10  }
0x16a: {  	v9 =	vor.u32 $0x27, v5;
	v11 =	vor.u32 s20, v50;
	[tilespmem:v14+s13+$0x0] =	vst.idx.msk $0xffff, v13;
	v10 =	vld.idx.msk [tilespmem:v12+s2+$0x0], $0xffff  }
0x16b: {  	v14 =	vor.u32 s16, v50;
	v12 =	vor.u32 $0x27, v4;
	v13 =	vld.idx.msk [tilespmem:v15+s2+$0x0], $0xffff  }
0x16c: {  	v15 =	vor.u32 $0x27, v3  }
0x16d: {  	[tilespmem:v2+s13+$0x0] =	vst.idx.msk $0xffff, v0  }
0x16e: {  	v2 =	vor.u32 s18, v51;
	v0 =	vld.idx.msk [tilespmem:v6+s2+$0x0], $0xffff;
	[tilespmem:v8+s13+$0x0] =	vst.idx.msk $0xffff, v7  }
0x16f: {  	v6 =	vor.u32 $0x28, v63;
	v8 =	vor.u32 s19, v51;
	v7 =	vld.idx.msk [tilespmem:v9+s2+$0x0], $0xffff;
	[tilespmem:v11+s13+$0x0] =	vst.idx.msk $0xffff, v10  }
0x170: {  	v9 =	vor.u32 $0x28, v5;
	v11 =	vor.u32 s20, v51;
	[tilespmem:v14+s13+$0x0] =	vst.idx.msk $0xffff, v13;
	v10 =	vld.idx.msk [tilespmem:v12+s2+$0x0], $0xffff  }
0x171: {  	v14 =	vor.u32 s16, v51;
	v12 =	vor.u32 $0x28, v4;
	v13 =	vld.idx.msk [tilespmem:v15+s2+$0x0], $0xffff  }
0x172: {  	v15 =	vor.u32 $0x28, v3  }
0x173: {  	[tilespmem:v2+s13+$0x0] =	vst.idx.msk $0xffff, v0  }
0x174: {  	v2 =	vor.u32 s18, v52;
	v0 =	vld.idx.msk [tilespmem:v6+s2+$0x0], $0xffff;
	[tilespmem:v8+s13+$0x0] =	vst.idx.msk $0xffff, v7  }
0x175: {  	v6 =	vor.u32 $0x29, v63;
	v8 =	vor.u32 s19, v52;
	v7 =	vld.idx.msk [tilespmem:v9+s2+$0x0], $0xffff;
	[tilespmem:v11+s13+$0x0] =	vst.idx.msk $0xffff, v10  }
0x176: {  	v9 =	vor.u32 $0x29, v5;
	v11 =	vor.u32 s20, v52;
	[tilespmem:v14+s13+$0x0] =	vst.idx.msk $0xffff, v13;
	v10 =	vld.idx.msk [tilespmem:v12+s2+$0x0], $0xffff  }
0x177: {  	v14 =	vor.u32 s16, v52;
	v12 =	vor.u32 $0x29, v4;
	v13 =	vld.idx.msk [tilespmem:v15+s2+$0x0], $0xffff  }
0x178: {  	v15 =	vor.u32 $0x29, v3  }
0x179: {  	[tilespmem:v2+s13+$0x0] =	vst.idx.msk $0xffff, v0  }
0x17a: {  	v2 =	vor.u32 s18, v53;
	v0 =	vld.idx.msk [tilespmem:v6+s2+$0x0], $0xffff;
	[tilespmem:v8+s13+$0x0] =	vst.idx.msk $0xffff, v7  }
0x17b: {  	v6 =	vor.u32 $0x2A, v63;
	v8 =	vor.u32 s19, v53;
	v7 =	vld.idx.msk [tilespmem:v9+s2+$0x0], $0xffff;
	[tilespmem:v11+s13+$0x0] =	vst.idx.msk $0xffff, v10  }
0x17c: {  	v9 =	vor.u32 $0x2A, v5;
	v11 =	vor.u32 s20, v53;
	[tilespmem:v14+s13+$0x0] =	vst.idx.msk $0xffff, v13;
	v10 =	vld.idx.msk [tilespmem:v12+s2+$0x0], $0xffff  }
0x17d: {  	v14 =	vor.u32 s16, v53;
	v12 =	vor.u32 $0x2A, v4;
	v13 =	vld.idx.msk [tilespmem:v15+s2+$0x0], $0xffff  }
0x17e: {  	v15 =	vor.u32 $0x2A, v3  }
0x17f: {  	[tilespmem:v2+s13+$0x0] =	vst.idx.msk $0xffff, v0  }
0x180: {  	v2 =	vor.u32 s18, v54;
	v0 =	vld.idx.msk [tilespmem:v6+s2+$0x0], $0xffff;
	[tilespmem:v8+s13+$0x0] =	vst.idx.msk $0xffff, v7  }
0x181: {  	v6 =	vor.u32 $0x2B, v63;
	v8 =	vor.u32 s19, v54;
	v7 =	vld.idx.msk [tilespmem:v9+s2+$0x0], $0xffff;
	[tilespmem:v11+s13+$0x0] =	vst.idx.msk $0xffff, v10  }
0x182: {  	v9 =	vor.u32 $0x2B, v5;
	v11 =	vor.u32 s20, v54;
	[tilespmem:v14+s13+$0x0] =	vst.idx.msk $0xffff, v13;
	v10 =	vld.idx.msk [tilespmem:v12+s2+$0x0], $0xffff  }
0x183: {  	v14 =	vor.u32 s16, v54;
	v12 =	vor.u32 $0x2B, v4;
	v13 =	vld.idx.msk [tilespmem:v15+s2+$0x0], $0xffff  }
0x184: {  	v15 =	vor.u32 $0x2B, v3  }
0x185: {  	[tilespmem:v2+s13+$0x0] =	vst.idx.msk $0xffff, v0  }
0x186: {  	v2 =	vor.u32 s18, v55;
	v0 =	vld.idx.msk [tilespmem:v6+s2+$0x0], $0xffff;
	[tilespmem:v8+s13+$0x0] =	vst.idx.msk $0xffff, v7  }
0x187: {  	v6 =	vor.u32 $0x2C, v63;
	v8 =	vor.u32 s19, v55;
	v7 =	vld.idx.msk [tilespmem:v9+s2+$0x0], $0xffff;
	[tilespmem:v11+s13+$0x0] =	vst.idx.msk $0xffff, v10  }
0x188: {  	v9 =	vor.u32 $0x2C, v5;
	v11 =	vor.u32 s20, v55;
	[tilespmem:v14+s13+$0x0] =	vst.idx.msk $0xffff, v13;
	v10 =	vld.idx.msk [tilespmem:v12+s2+$0x0], $0xffff  }
0x189: {  	v14 =	vor.u32 s16, v55;
	v12 =	vor.u32 $0x2C, v4;
	v13 =	vld.idx.msk [tilespmem:v15+s2+$0x0], $0xffff  }
0x18a: {  	v15 =	vor.u32 $0x2C, v3  }
0x18b: {  	[tilespmem:v2+s13+$0x0] =	vst.idx.msk $0xffff, v0  }
0x18c: {  	v2 =	vor.u32 s18, v56;
	v0 =	vld.idx.msk [tilespmem:v6+s2+$0x0], $0xffff;
	[tilespmem:v8+s13+$0x0] =	vst.idx.msk $0xffff, v7  }
0x18d: {  	v6 =	vor.u32 $0x2D, v63;
	v8 =	vor.u32 s19, v56;
	v7 =	vld.idx.msk [tilespmem:v9+s2+$0x0], $0xffff;
	[tilespmem:v11+s13+$0x0] =	vst.idx.msk $0xffff, v10  }
0x18e: {  	v9 =	vor.u32 $0x2D, v5;
	v11 =	vor.u32 s20, v56;
	[tilespmem:v14+s13+$0x0] =	vst.idx.msk $0xffff, v13;
	v10 =	vld.idx.msk [tilespmem:v12+s2+$0x0], $0xffff  }
0x18f: {  	v14 =	vor.u32 s16, v56;
	v12 =	vor.u32 $0x2D, v4;
	v13 =	vld.idx.msk [tilespmem:v15+s2+$0x0], $0xffff  }
0x190: {  	v15 =	vor.u32 $0x2D, v3  }
0x191: {  	[tilespmem:v2+s13+$0x0] =	vst.idx.msk $0xffff, v0  }
0x192: {  	v2 =	vor.u32 s18, v57;
	v0 =	vld.idx.msk [tilespmem:v6+s2+$0x0], $0xffff;
	[tilespmem:v8+s13+$0x0] =	vst.idx.msk $0xffff, v7  }
0x193: {  	v6 =	vor.u32 $0x2E, v63;
	v8 =	vor.u32 s19, v57;
	v7 =	vld.idx.msk [tilespmem:v9+s2+$0x0], $0xffff;
	[tilespmem:v11+s13+$0x0] =	vst.idx.msk $0xffff, v10  }
0x194: {  	v9 =	vor.u32 $0x2E, v5;
	v11 =	vor.u32 s20, v57;
	[tilespmem:v14+s13+$0x0] =	vst.idx.msk $0xffff, v13;
	v10 =	vld.idx.msk [tilespmem:v12+s2+$0x0], $0xffff  }
0x195: {  	v14 =	vor.u32 s16, v57;
	v12 =	vor.u32 $0x2E, v4;
	v13 =	vld.idx.msk [tilespmem:v15+s2+$0x0], $0xffff  }
0x196: {  	v15 =	vor.u32 $0x2E, v3  }
0x197: {  	[tilespmem:v2+s13+$0x0] =	vst.idx.msk $0xffff, v0  }
0x198: {  	v2 =	vor.u32 s18, v58;
	v0 =	vld.idx.msk [tilespmem:v6+s2+$0x0], $0xffff;
	[tilespmem:v8+s13+$0x0] =	vst.idx.msk $0xffff, v7  }
0x199: {  	v6 =	vor.u32 $0x2F, v63;
	v8 =	vor.u32 s19, v58;
	v7 =	vld.idx.msk [tilespmem:v9+s2+$0x0], $0xffff;
	[tilespmem:v11+s13+$0x0] =	vst.idx.msk $0xffff, v10  }
0x19a: {  	v9 =	vor.u32 $0x2F, v5;
	v11 =	vor.u32 s20, v58;
	[tilespmem:v14+s13+$0x0] =	vst.idx.msk $0xffff, v13;
	v10 =	vld.idx.msk [tilespmem:v12+s2+$0x0], $0xffff  }
0x19b: {  	v14 =	vor.u32 s16, v58;
	v12 =	vor.u32 $0x2F, v4;
	v13 =	vld.idx.msk [tilespmem:v15+s2+$0x0], $0xffff  }
0x19c: {  	v15 =	vor.u32 $0x2F, v3  }
0x19d: {  	[tilespmem:v2+s13+$0x0] =	vst.idx.msk $0xffff, v0  }
0x19e: {  	v2 =	vor.u32 s18, v59;
	v0 =	vld.idx.msk [tilespmem:v6+s2+$0x0], $0xffff;
	[tilespmem:v8+s13+$0x0] =	vst.idx.msk $0xffff, v7  }
0x19f: {  	v6 =	vor.u32 $0x30, v63;
	v8 =	vor.u32 s19, v59;
	v7 =	vld.idx.msk [tilespmem:v9+s2+$0x0], $0xffff;
	[tilespmem:v11+s13+$0x0] =	vst.idx.msk $0xffff, v10  }
0x1a0: {  	v9 =	vor.u32 $0x30, v5;
	v11 =	vor.u32 s20, v59;
	[tilespmem:v14+s13+$0x0] =	vst.idx.msk $0xffff, v13;
	v10 =	vld.idx.msk [tilespmem:v12+s2+$0x0], $0xffff  }
0x1a1: {  	v14 =	vor.u32 s16, v59;
	v12 =	vor.u32 $0x30, v4;
	v13 =	vld.idx.msk [tilespmem:v15+s2+$0x0], $0xffff  }
0x1a2: {  	v15 =	vor.u32 $0x30, v3  }
0x1a3: {  	[tilespmem:v2+s13+$0x0] =	vst.idx.msk $0xffff, v0  }
0x1a4: {  	v2 =	vor.u32 s18, v60;
	v0 =	vld.idx.msk [tilespmem:v6+s2+$0x0], $0xffff;
	[tilespmem:v8+s13+$0x0] =	vst.idx.msk $0xffff, v7  }
0x1a5: {  	v6 =	vor.u32 $0x31, v63;
	v8 =	vor.u32 s19, v60;
	v7 =	vld.idx.msk [tilespmem:v9+s2+$0x0], $0xffff;
	[tilespmem:v11+s13+$0x0] =	vst.idx.msk $0xffff, v10  }
0x1a6: {  	v9 =	vor.u32 $0x31, v5;
	v11 =	vor.u32 s20, v60;
	[tilespmem:v14+s13+$0x0] =	vst.idx.msk $0xffff, v13;
	v10 =	vld.idx.msk [tilespmem:v12+s2+$0x0], $0xffff  }
0x1a7: {  	v14 =	vor.u32 s16, v60;
	v12 =	vor.u32 $0x31, v4;
	v13 =	vld.idx.msk [tilespmem:v15+s2+$0x0], $0xffff  }
0x1a8: {  	v15 =	vor.u32 $0x31, v3  }
0x1a9: {  	[tilespmem:v2+s13+$0x0] =	vst.idx.msk $0xffff, v0  }
0x1aa: {  	v2 =	vor.u32 s18, v61;
	v0 =	vld.idx.msk [tilespmem:v6+s2+$0x0], $0xffff;
	[tilespmem:v8+s13+$0x0] =	vst.idx.msk $0xffff, v7  }
0x1ab: {  	v6 =	vor.u32 $0x32, v63;
	v8 =	vor.u32 s19, v61;
	v7 =	vld.idx.msk [tilespmem:v9+s2+$0x0], $0xffff;
	[tilespmem:v11+s13+$0x0] =	vst.idx.msk $0xffff, v10  }
0x1ac: {  	v9 =	vor.u32 $0x32, v5;
	v11 =	vor.u32 s20, v61;
	[tilespmem:v14+s13+$0x0] =	vst.idx.msk $0xffff, v13;
	v10 =	vld.idx.msk [tilespmem:v12+s2+$0x0], $0xffff  }
0x1ad: {  	v14 =	vor.u32 s16, v61;
	v12 =	vor.u32 $0x32, v4;
	v13 =	vld.idx.msk [tilespmem:v15+s2+$0x0], $0xffff  }
0x1ae: {  	v15 =	vor.u32 $0x32, v3  }
0x1af: {  	[tilespmem:v2+s13+$0x0] =	vst.idx.msk $0xffff, v0  }
0x1b0: {  	v2 =	vor.u32 s18, v62;
	v0 =	vld.idx.msk [tilespmem:v6+s2+$0x0], $0xffff;
	[tilespmem:v8+s13+$0x0] =	vst.idx.msk $0xffff, v7  }
0x1b1: {  	v6 =	vor.u32 $0x33, v63;
	v8 =	vor.u32 s19, v62;
	v7 =	vld.idx.msk [tilespmem:v9+s2+$0x0], $0xffff;
	[tilespmem:v11+s13+$0x0] =	vst.idx.msk $0xffff, v10  }
0x1b2: {  	v9 =	vor.u32 $0x33, v5;
	v11 =	vor.u32 s20, v62;
	[tilespmem:v14+s13+$0x0] =	vst.idx.msk $0xffff, v13;
	v10 =	vld.idx.msk [tilespmem:v12+s2+$0x0], $0xffff  }
0x1b3: {  	v14 =	vor.u32 s16, v62;
	v12 =	vor.u32 $0x33, v4;
	v13 =	vld.idx.msk [tilespmem:v15+s2+$0x0], $0xffff  }
0x1b4: {  	v15 =	vor.u32 $0x33, v3  }
0x1b5: {  	[tilespmem:v2+s13+$0x0] =	vst.idx.msk $0xffff, v0  }
0x1b6: {  	v2 =	vor.u32 s18, v25;
	v0 =	vld.idx.msk [tilespmem:v6+s2+$0x0], $0xffff;
	[tilespmem:v8+s13+$0x0] =	vst.idx.msk $0xffff, v7  }
0x1b7: {  	v6 =	vor.u32 $0x34, v63;
	v8 =	vor.u32 s19, v25;
	v7 =	vld.idx.msk [tilespmem:v9+s2+$0x0], $0xffff;
	[tilespmem:v11+s13+$0x0] =	vst.idx.msk $0xffff, v10  }
0x1b8: {  	v9 =	vor.u32 $0x34, v5;
	v11 =	vor.u32 s20, v25;
	[tilespmem:v14+s13+$0x0] =	vst.idx.msk $0xffff, v13;
	v10 =	vld.idx.msk [tilespmem:v12+s2+$0x0], $0xffff  }
0x1b9: {  	v14 =	vor.u32 s16, v25;
	v12 =	vor.u32 $0x34, v4;
	v13 =	vld.idx.msk [tilespmem:v15+s2+$0x0], $0xffff  }
0x1ba: {  	v15 =	vor.u32 $0x34, v3  }
0x1bb: {  	[tilespmem:v2+s13+$0x0] =	vst.idx.msk $0xffff, v0  }
0x1bc: {  	v2 =	vor.u32 s18, v26;
	v0 =	vld.idx.msk [tilespmem:v6+s2+$0x0], $0xffff;
	[tilespmem:v8+s13+$0x0] =	vst.idx.msk $0xffff, v7  }
0x1bd: {  	v6 =	vor.u32 $0x35, v63;
	v8 =	vor.u32 s19, v26;
	v7 =	vld.idx.msk [tilespmem:v9+s2+$0x0], $0xffff;
	[tilespmem:v11+s13+$0x0] =	vst.idx.msk $0xffff, v10  }
0x1be: {  	v9 =	vor.u32 $0x35, v5;
	v11 =	vor.u32 s20, v26;
	[tilespmem:v14+s13+$0x0] =	vst.idx.msk $0xffff, v13;
	v10 =	vld.idx.msk [tilespmem:v12+s2+$0x0], $0xffff  }
0x1bf: {  	v14 =	vor.u32 s16, v26;
	v12 =	vor.u32 $0x35, v4;
	v13 =	vld.idx.msk [tilespmem:v15+s2+$0x0], $0xffff  }
0x1c0: {  	v15 =	vor.u32 $0x35, v3  }
0x1c1: {  	[tilespmem:v2+s13+$0x0] =	vst.idx.msk $0xffff, v0  }
0x1c2: {  	v2 =	vor.u32 s18, v27;
	v0 =	vld.idx.msk [tilespmem:v6+s2+$0x0], $0xffff;
	[tilespmem:v8+s13+$0x0] =	vst.idx.msk $0xffff, v7  }
0x1c3: {  	v6 =	vor.u32 $0x36, v63;
	v8 =	vor.u32 s19, v27;
	v7 =	vld.idx.msk [tilespmem:v9+s2+$0x0], $0xffff;
	[tilespmem:v11+s13+$0x0] =	vst.idx.msk $0xffff, v10  }
0x1c4: {  	v9 =	vor.u32 $0x36, v5;
	v11 =	vor.u32 s20, v27;
	[tilespmem:v14+s13+$0x0] =	vst.idx.msk $0xffff, v13;
	v10 =	vld.idx.msk [tilespmem:v12+s2+$0x0], $0xffff  }
0x1c5: {  	v14 =	vor.u32 s16, v27;
	v12 =	vor.u32 $0x36, v4;
	v13 =	vld.idx.msk [tilespmem:v15+s2+$0x0], $0xffff  }
0x1c6: {  	v15 =	vor.u32 $0x36, v3  }
0x1c7: {  	[tilespmem:v2+s13+$0x0] =	vst.idx.msk $0xffff, v0  }
0x1c8: {  	v2 =	vor.u32 s18, v28;
	v0 =	vld.idx.msk [tilespmem:v6+s2+$0x0], $0xffff;
	[tilespmem:v8+s13+$0x0] =	vst.idx.msk $0xffff, v7  }
0x1c9: {  	v6 =	vor.u32 $0x37, v63;
	v8 =	vor.u32 s19, v28;
	v7 =	vld.idx.msk [tilespmem:v9+s2+$0x0], $0xffff;
	[tilespmem:v11+s13+$0x0] =	vst.idx.msk $0xffff, v10  }
0x1ca: {  	v9 =	vor.u32 $0x37, v5;
	v11 =	vor.u32 s20, v28;
	[tilespmem:v14+s13+$0x0] =	vst.idx.msk $0xffff, v13;
	v10 =	vld.idx.msk [tilespmem:v12+s2+$0x0], $0xffff  }
0x1cb: {  	v14 =	vor.u32 s16, v28;
	v12 =	vor.u32 $0x37, v4;
	v13 =	vld.idx.msk [tilespmem:v15+s2+$0x0], $0xffff  }
0x1cc: {  	v15 =	vor.u32 $0x37, v3  }
0x1cd: {  	[tilespmem:v2+s13+$0x0] =	vst.idx.msk $0xffff, v0  }
0x1ce: {  	v2 =	vor.u32 s18, v29;
	v0 =	vld.idx.msk [tilespmem:v6+s2+$0x0], $0xffff;
	[tilespmem:v8+s13+$0x0] =	vst.idx.msk $0xffff, v7  }
0x1cf: {  	v6 =	vor.u32 $0x38, v63;
	v8 =	vor.u32 s19, v29;
	v7 =	vld.idx.msk [tilespmem:v9+s2+$0x0], $0xffff;
	[tilespmem:v11+s13+$0x0] =	vst.idx.msk $0xffff, v10  }
0x1d0: {  	v9 =	vor.u32 $0x38, v5;
	v11 =	vor.u32 s20, v29;
	[tilespmem:v14+s13+$0x0] =	vst.idx.msk $0xffff, v13;
	v10 =	vld.idx.msk [tilespmem:v12+s2+$0x0], $0xffff  }
0x1d1: {  	v14 =	vor.u32 s16, v29;
	v12 =	vor.u32 $0x38, v4;
	v13 =	vld.idx.msk [tilespmem:v15+s2+$0x0], $0xffff  }
0x1d2: {  	v15 =	vor.u32 $0x38, v3  }
0x1d3: {  	[tilespmem:v2+s13+$0x0] =	vst.idx.msk $0xffff, v0  }
0x1d4: {  	v2 =	vor.u32 s18, v30;
	v0 =	vld.idx.msk [tilespmem:v6+s2+$0x0], $0xffff;
	[tilespmem:v8+s13+$0x0] =	vst.idx.msk $0xffff, v7  }
0x1d5: {  	v6 =	vor.u32 $0x39, v63;
	v8 =	vor.u32 s19, v30;
	v7 =	vld.idx.msk [tilespmem:v9+s2+$0x0], $0xffff;
	[tilespmem:v11+s13+$0x0] =	vst.idx.msk $0xffff, v10  }
0x1d6: {  	v9 =	vor.u32 $0x39, v5;
	v11 =	vor.u32 s20, v30;
	[tilespmem:v14+s13+$0x0] =	vst.idx.msk $0xffff, v13;
	v10 =	vld.idx.msk [tilespmem:v12+s2+$0x0], $0xffff  }
0x1d7: {  	v14 =	vor.u32 s16, v30;
	v12 =	vor.u32 $0x39, v4;
	v13 =	vld.idx.msk [tilespmem:v15+s2+$0x0], $0xffff  }
0x1d8: {  	v15 =	vor.u32 $0x39, v3  }
0x1d9: {  	[tilespmem:v2+s13+$0x0] =	vst.idx.msk $0xffff, v0  }
0x1da: {  	v2 =	vor.u32 s18, v31;
	v0 =	vld.idx.msk [tilespmem:v6+s2+$0x0], $0xffff;
	[tilespmem:v8+s13+$0x0] =	vst.idx.msk $0xffff, v7  }
0x1db: {  	v6 =	vor.u32 $0x3A, v63;
	v8 =	vor.u32 s19, v31;
	v7 =	vld.idx.msk [tilespmem:v9+s2+$0x0], $0xffff;
	[tilespmem:v11+s13+$0x0] =	vst.idx.msk $0xffff, v10  }
0x1dc: {  	v9 =	vor.u32 $0x3A, v5;
	v11 =	vor.u32 s20, v31;
	[tilespmem:v14+s13+$0x0] =	vst.idx.msk $0xffff, v13;
	v10 =	vld.idx.msk [tilespmem:v12+s2+$0x0], $0xffff  }
0x1dd: {  	v14 =	vor.u32 s16, v31;
	v12 =	vor.u32 $0x3A, v4;
	v13 =	vld.idx.msk [tilespmem:v15+s2+$0x0], $0xffff  }
0x1de: {  	v15 =	vor.u32 $0x3A, v3  }
0x1df: {  	[tilespmem:v2+s13+$0x0] =	vst.idx.msk $0xffff, v0  }
0x1e0: {  	v2 =	vor.u32 s18, v32;
	v0 =	vld.idx.msk [tilespmem:v6+s2+$0x0], $0xffff;
	[tilespmem:v8+s13+$0x0] =	vst.idx.msk $0xffff, v7  }
0x1e1: {  	v6 =	vor.u32 $0x3B, v63;
	v8 =	vor.u32 s19, v32;
	v7 =	vld.idx.msk [tilespmem:v9+s2+$0x0], $0xffff;
	[tilespmem:v11+s13+$0x0] =	vst.idx.msk $0xffff, v10  }
0x1e2: {  	v9 =	vor.u32 $0x3B, v5;
	v11 =	vor.u32 s20, v32;
	[tilespmem:v14+s13+$0x0] =	vst.idx.msk $0xffff, v13;
	v10 =	vld.idx.msk [tilespmem:v12+s2+$0x0], $0xffff  }
0x1e3: {  	v14 =	vor.u32 s16, v32;
	v12 =	vor.u32 $0x3B, v4;
	v13 =	vld.idx.msk [tilespmem:v15+s2+$0x0], $0xffff  }
0x1e4: {  	v15 =	vor.u32 $0x3B, v3  }
0x1e5: {  	[tilespmem:v2+s13+$0x0] =	vst.idx.msk $0xffff, v0  }
0x1e6: {  	v2 =	vor.u32 s18, v33;
	v0 =	vld.idx.msk [tilespmem:v6+s2+$0x0], $0xffff;
	[tilespmem:v8+s13+$0x0] =	vst.idx.msk $0xffff, v7  }
0x1e7: {  	v6 =	vor.u32 $0x3C, v63;
	v8 =	vor.u32 s19, v33;
	v7 =	vld.idx.msk [tilespmem:v9+s2+$0x0], $0xffff;
	[tilespmem:v11+s13+$0x0] =	vst.idx.msk $0xffff, v10  }
0x1e8: {  	v9 =	vor.u32 $0x3C, v5;
	v11 =	vor.u32 s20, v33;
	[tilespmem:v14+s13+$0x0] =	vst.idx.msk $0xffff, v13;
	v10 =	vld.idx.msk [tilespmem:v12+s2+$0x0], $0xffff  }
0x1e9: {  	v14 =	vor.u32 s16, v33;
	v12 =	vor.u32 $0x3C, v4;
	v13 =	vld.idx.msk [tilespmem:v15+s2+$0x0], $0xffff  }
0x1ea: {  	v15 =	vor.u32 $0x3C, v3  }
0x1eb: {  	[tilespmem:v2+s13+$0x0] =	vst.idx.msk $0xffff, v0  }
0x1ec: {  	v2 =	vor.u32 s18, v34;
	v0 =	vld.idx.msk [tilespmem:v6+s2+$0x0], $0xffff;
	[tilespmem:v8+s13+$0x0] =	vst.idx.msk $0xffff, v7  }
0x1ed: {  	v6 =	vor.u32 $0x3D, v63;
	v8 =	vor.u32 s19, v34;
	v7 =	vld.idx.msk [tilespmem:v9+s2+$0x0], $0xffff;
	[tilespmem:v11+s13+$0x0] =	vst.idx.msk $0xffff, v10  }
0x1ee: {  	v9 =	vor.u32 $0x3D, v5;
	v11 =	vor.u32 s20, v34;
	[tilespmem:v14+s13+$0x0] =	vst.idx.msk $0xffff, v13;
	v10 =	vld.idx.msk [tilespmem:v12+s2+$0x0], $0xffff  }
0x1ef: {  	v14 =	vor.u32 s16, v34;
	v12 =	vor.u32 $0x3D, v4;
	v13 =	vld.idx.msk [tilespmem:v15+s2+$0x0], $0xffff  }
0x1f0: {  	v15 =	vor.u32 $0x3D, v3  }
0x1f1: {  	[tilespmem:v2+s13+$0x0] =	vst.idx.msk $0xffff, v0;
	v0 =	vor.u32 $0x3D, v1  }
0x1f2: {  	v2 =	vld.idx.msk [tilespmem:v6+s2+$0x0], $0xffff;
	v6 =	vor.u32 s18, v0;
	[tilespmem:v8+s13+$0x0] =	vst.idx.msk $0xffff, v7  }
0x1f3: {  	v7 =	vor.u32 $0x3E, v63;
	v8 =	vld.idx.msk [tilespmem:v9+s2+$0x0], $0xffff;
	v9 =	vor.u32 s19, v0;
	[tilespmem:v11+s13+$0x0] =	vst.idx.msk $0xffff, v10  }
0x1f4: {  	v10 =	vor.u32 $0x3E, v5;
	[tilespmem:v14+s13+$0x0] =	vst.idx.msk $0xffff, v13;
	v11 =	vld.idx.msk [tilespmem:v12+s2+$0x0], $0xffff;
	v12 =	vor.u32 s20, v0  }
0x1f5: {  	v13 =	vor.u32 $0x3E, v4;
	v14 =	vld.idx.msk [tilespmem:v15+s2+$0x0], $0xffff;
	v15 =	vor.u32 s16, v0  }
0x1f6: {  	v16 =	vor.u32 $0x3E, v3  }
0x1f7: {  	[tilespmem:v6+s13+$0x0] =	vst.idx.msk $0xffff, v2;
	v2 =	vor.u32 $0x3E, v1  }
0x1f8: {  	v6 =	vld.idx.msk [tilespmem:v7+s2+$0x0], $0xffff;
	v7 =	vor.u32 s18, v2;
	[tilespmem:v9+s13+$0x0] =	vst.idx.msk $0xffff, v8  }
0x1f9: {  	v8 =	vor.u32 $0x3F, v63;
	[tilespmem:v12+s13+$0x0] =	vst.idx.msk $0xffff, v11;
	v9 =	vld.idx.msk [tilespmem:v10+s2+$0x0], $0xffff;
	v10 =	vor.u32 s19, v2  }
0x1fa: {  	v5 =	vor.u32 $0x3F, v5;
	[tilespmem:v15+s13+$0x0] =	vst.idx.msk $0xffff, v14;
	v12 =	vor.u32 s20, v2;
	v11 =	vld.idx.msk [tilespmem:v13+s2+$0x0], $0xffff  }
0x1fb: {  	v4 =	vor.u32 $0x3F, v4;
	v14 =	vor.u32 s16, v2;
	v13 =	vld.idx.msk [tilespmem:v16+s2+$0x0], $0xffff  }
0x1fc: {  	v3 =	vor.u32 $0x3F, v3  }
0x1fd: {  	v63 =	vor.u32 $0x3F, v1;
	[tilespmem:v7+s13+$0x0] =	vst.idx.msk $0xffff, v6  }
0x1fe: {  	v6 =	vor.u32 s18, v63;
	v7 =	vld.idx.msk [tilespmem:v8+s2+$0x0], $0xffff;
	[tilespmem:v10+s13+$0x0] =	vst.idx.msk $0xffff, v9  }
0x1ff: {  	v8 =	vor.u32 s19, v63;
	[tilespmem:v12+s13+$0x0] =	vst.idx.msk $0xffff, v11;
	v5 =	vld.idx.msk [tilespmem:v5+s2+$0x0], $0xffff  }
0x200: {  	s15 =	sadd.s32 $0x4, s15;
	v9 =	vor.u32 s20, v63;
	[tilespmem:v14+s13+$0x0] =	vst.idx.msk $0xffff, v13;
	v4 =	vld.idx.msk [tilespmem:v4+s2+$0x0], $0xffff  }
0x201: {  	p0 =	slt.u32 s15, $0x3C;
	v10 =	vor.u32 s16, v63;
	v3 =	vld.idx.msk [tilespmem:v3+s2+$0x0], $0xffff  }
.Ltmp0:
0x202: {  	_ = 	snop;
	(pc) =	sbr.rel @p0 .LBB2_2-.Ltmp0, $4  }
0x203: {  	v15 =	vld [tilespmem:$0x1FFF0];
	[tilespmem:v6+s13+$0x0] =	vst.idx.msk $0xffff, v7  }
0x204: {  	v16 =	vld [tilespmem:$0x1FFC0];
	[tilespmem:v8+s13+$0x0] =	vst.idx.msk $0xffff, v5  }
0x205: {  	s17 =	sadd.s32 $0x40, s17;
	v12 =	vmov v24;
	v14 =	vld [tilespmem:$0x1FFE0];
	[tilespmem:v9+s13+$0x0] =	vst.idx.msk $0xffff, v4  }
0x206: {  	s18 =	simm.s32 $0x10000;
	s19 =	simm.s32 $0x8600;
	s16 =	sadd.s32 $0x1000, s16;
	v11 =	vmovc v23;
	v13 =	vld [tilespmem:$0x1FFD0];
	v7 =	vmovc v19;
	v8 =	vmov v20;
	v9 =	vmov v21;
	[tilespmem:v10+s13+$0x0] =	vst.idx.msk $0xffff, v3;
	v10 =	vmov v22  }
.LBB2_3:
0x207: {  	v3 =	vld [tilespmem:s19+$0x0];
	_ =	sdelay $0x4  }
0x208: {  	v6 =	vld [tilespmem:$0x1FC70];
	v3 =	vshll.u32 v3, $0x6;
	_ =	sdelay $0x3  }
0x209: {  	v4 =	vor.u32 s18, v1  }
0x20a: {  	v4 =	vand.u32 v6, v4;
	v5 =	vld.idx.msk [tilespmem:v3+s2+$0x0], $0xffff  }
0x20b: {  	v6 =	vor.u32 $0x1, v3;
	_ =	sdelay $0x3  }
0x20c: {  	[tilespmem:v4+s13+$0x0] =	vst.idx.msk $0xffff, v5  }
0x20d: {  	v5 =	vor.u32 s18, v18;
	v4 =	vld.idx.msk [tilespmem:v6+s2+$0x0], $0xffff  }
0x20e: {  	v6 =	vor.u32 $0x2, v3;
	_ =	sdelay $0x3  }
0x20f: {  	[tilespmem:v5+s13+$0x0] =	vst.idx.msk $0xffff, v4  }
0x210: {  	v5 =	vor.u32 s18, v16;
	v4 =	vld.idx.msk [tilespmem:v6+s2+$0x0], $0xffff  }
0x211: {  	v6 =	vor.u32 $0x3, v3;
	_ =	sdelay $0x3  }
0x212: {  	[tilespmem:v5+s13+$0x0] =	vst.idx.msk $0xffff, v4  }
0x213: {  	v5 =	vor.u32 s18, v13;
	v4 =	vld.idx.msk [tilespmem:v6+s2+$0x0], $0xffff  }
0x214: {  	v6 =	vor.u32 $0x4, v3;
	_ =	sdelay $0x3  }
0x215: {  	[tilespmem:v5+s13+$0x0] =	vst.idx.msk $0xffff, v4  }
0x216: {  	v5 =	vor.u32 s18, v14;
	v4 =	vld.idx.msk [tilespmem:v6+s2+$0x0], $0xffff  }
0x217: {  	v6 =	vor.u32 $0x5, v3;
	_ =	sdelay $0x3  }
0x218: {  	[tilespmem:v5+s13+$0x0] =	vst.idx.msk $0xffff, v4  }
0x219: {  	v5 =	vor.u32 s18, v15;
	v4 =	vld.idx.msk [tilespmem:v6+s2+$0x0], $0xffff  }
0x21a: {  	v6 =	vor.u32 $0x6, v3;
	_ =	sdelay $0x3  }
0x21b: {  	[tilespmem:v5+s13+$0x0] =	vst.idx.msk $0xffff, v4  }
0x21c: {  	v5 =	vor.u32 s18, v17;
	v4 =	vld.idx.msk [tilespmem:v6+s2+$0x0], $0xffff  }
0x21d: {  	v6 =	vor.u32 $0x7, v3;
	_ =	sdelay $0x3  }
0x21e: {  	[tilespmem:v5+s13+$0x0] =	vst.idx.msk $0xffff, v4  }
0x21f: {  	v5 =	vor.u32 s18, v7;
	v4 =	vld.idx.msk [tilespmem:v6+s2+$0x0], $0xffff  }
0x220: {  	v6 =	vor.u32 $0x8, v3;
	_ =	sdelay $0x3  }
0x221: {  	[tilespmem:v5+s13+$0x0] =	vst.idx.msk $0xffff, v4  }
0x222: {  	v5 =	vor.u32 s18, v8;
	v4 =	vld.idx.msk [tilespmem:v6+s2+$0x0], $0xffff  }
0x223: {  	v6 =	vor.u32 $0x9, v3;
	_ =	sdelay $0x3  }
0x224: {  	[tilespmem:v5+s13+$0x0] =	vst.idx.msk $0xffff, v4  }
0x225: {  	v5 =	vor.u32 s18, v9;
	v4 =	vld.idx.msk [tilespmem:v6+s2+$0x0], $0xffff  }
0x226: {  	v6 =	vor.u32 $0xA, v3;
	_ =	sdelay $0x3  }
0x227: {  	[tilespmem:v5+s13+$0x0] =	vst.idx.msk $0xffff, v4  }
0x228: {  	v5 =	vor.u32 s18, v10;
	v4 =	vld.idx.msk [tilespmem:v6+s2+$0x0], $0xffff  }
0x229: {  	v6 =	vor.u32 $0xB, v3;
	_ =	sdelay $0x3  }
0x22a: {  	[tilespmem:v5+s13+$0x0] =	vst.idx.msk $0xffff, v4  }
0x22b: {  	v5 =	vor.u32 s18, v11;
	v4 =	vld.idx.msk [tilespmem:v6+s2+$0x0], $0xffff  }
0x22c: {  	v6 =	vor.u32 $0xC, v3;
	_ =	sdelay $0x3  }
0x22d: {  	[tilespmem:v5+s13+$0x0] =	vst.idx.msk $0xffff, v4  }
0x22e: {  	v5 =	vor.u32 s18, v12;
	v4 =	vld.idx.msk [tilespmem:v6+s2+$0x0], $0xffff;
	_ =	sdelay $0x4  }
0x22f: {  	v6 =	vor.u32 $0xD, v3;
	[tilespmem:v5+s13+$0x0] =	vst.idx.msk $0xffff, v4;
	v5 =	vld [tilespmem:$0x1FCB0];
	_ =	sdelay $0x4  }
0x230: {  	v4 =	vld.idx.msk [tilespmem:v6+s2+$0x0], $0xffff;
	v5 =	vor.u32 s18, v5  }
0x231: {  	v6 =	vor.u32 $0xE, v3;
	_ =	sdelay $0x3  }
0x232: {  	[tilespmem:v5+s13+$0x0] =	vst.idx.msk $0xffff, v4  }
0x233: {  	v5 =	vor.u32 s18, v35;
	v4 =	vld.idx.msk [tilespmem:v6+s2+$0x0], $0xffff;
	_ =	sdelay $0x4  }
0x234: {  	v6 =	vor.u32 $0xF, v3;
	[tilespmem:v5+s13+$0x0] =	vst.idx.msk $0xffff, v4;
	v5 =	vld [tilespmem:$0x1FCD0];
	_ =	sdelay $0x4  }
0x235: {  	v4 =	vld.idx.msk [tilespmem:v6+s2+$0x0], $0xffff;
	v5 =	vor.u32 s18, v5  }
0x236: {  	v6 =	vor.u32 $0x10, v3;
	_ =	sdelay $0x3  }
0x237: {  	[tilespmem:v5+s13+$0x0] =	vst.idx.msk $0xffff, v4  }
0x238: {  	v5 =	vor.u32 s18, v36;
	v4 =	vld.idx.msk [tilespmem:v6+s2+$0x0], $0xffff;
	_ =	sdelay $0x4  }
0x239: {  	v6 =	vor.u32 $0x11, v3;
	[tilespmem:v5+s13+$0x0] =	vst.idx.msk $0xffff, v4;
	v5 =	vld [tilespmem:$0x1FCF0];
	_ =	sdelay $0x4  }
0x23a: {  	v4 =	vld.idx.msk [tilespmem:v6+s2+$0x0], $0xffff;
	v5 =	vor.u32 s18, v5  }
0x23b: {  	v6 =	vor.u32 $0x12, v3;
	_ =	sdelay $0x3  }
0x23c: {  	[tilespmem:v5+s13+$0x0] =	vst.idx.msk $0xffff, v4  }
0x23d: {  	v5 =	vor.u32 s18, v37;
	v4 =	vld.idx.msk [tilespmem:v6+s2+$0x0], $0xffff;
	_ =	sdelay $0x4  }
0x23e: {  	v6 =	vor.u32 $0x13, v3;
	[tilespmem:v5+s13+$0x0] =	vst.idx.msk $0xffff, v4;
	v5 =	vld [tilespmem:$0x1FD10];
	_ =	sdelay $0x4  }
0x23f: {  	v4 =	vld.idx.msk [tilespmem:v6+s2+$0x0], $0xffff;
	v5 =	vor.u32 s18, v5  }
0x240: {  	v6 =	vor.u32 $0x14, v3;
	_ =	sdelay $0x3  }
0x241: {  	[tilespmem:v5+s13+$0x0] =	vst.idx.msk $0xffff, v4  }
0x242: {  	v5 =	vor.u32 s18, v38;
	v4 =	vld.idx.msk [tilespmem:v6+s2+$0x0], $0xffff;
	_ =	sdelay $0x4  }
0x243: {  	v6 =	vor.u32 $0x15, v3;
	[tilespmem:v5+s13+$0x0] =	vst.idx.msk $0xffff, v4;
	v5 =	vld [tilespmem:$0x1FD30];
	_ =	sdelay $0x4  }
0x244: {  	v4 =	vld.idx.msk [tilespmem:v6+s2+$0x0], $0xffff;
	v5 =	vor.u32 s18, v5  }
0x245: {  	v6 =	vor.u32 $0x16, v3;
	_ =	sdelay $0x3  }
0x246: {  	[tilespmem:v5+s13+$0x0] =	vst.idx.msk $0xffff, v4  }
0x247: {  	v5 =	vor.u32 s18, v39;
	v4 =	vld.idx.msk [tilespmem:v6+s2+$0x0], $0xffff;
	_ =	sdelay $0x4  }
0x248: {  	v6 =	vor.u32 $0x17, v3;
	[tilespmem:v5+s13+$0x0] =	vst.idx.msk $0xffff, v4;
	v5 =	vld [tilespmem:$0x1FD50];
	_ =	sdelay $0x4  }
0x249: {  	v4 =	vld.idx.msk [tilespmem:v6+s2+$0x0], $0xffff;
	v5 =	vor.u32 s18, v5  }
0x24a: {  	v6 =	vor.u32 $0x18, v3;
	_ =	sdelay $0x3  }
0x24b: {  	[tilespmem:v5+s13+$0x0] =	vst.idx.msk $0xffff, v4  }
0x24c: {  	v5 =	vor.u32 s18, v40;
	v4 =	vld.idx.msk [tilespmem:v6+s2+$0x0], $0xffff;
	_ =	sdelay $0x4  }
0x24d: {  	v6 =	vor.u32 $0x19, v3;
	[tilespmem:v5+s13+$0x0] =	vst.idx.msk $0xffff, v4;
	v5 =	vld [tilespmem:$0x1FD70];
	_ =	sdelay $0x4  }
0x24e: {  	v4 =	vld.idx.msk [tilespmem:v6+s2+$0x0], $0xffff;
	v5 =	vor.u32 s18, v5  }
0x24f: {  	v6 =	vor.u32 $0x1A, v3;
	_ =	sdelay $0x3  }
0x250: {  	[tilespmem:v5+s13+$0x0] =	vst.idx.msk $0xffff, v4  }
0x251: {  	v5 =	vor.u32 s18, v41;
	v4 =	vld.idx.msk [tilespmem:v6+s2+$0x0], $0xffff;
	_ =	sdelay $0x4  }
0x252: {  	v6 =	vor.u32 $0x1B, v3;
	[tilespmem:v5+s13+$0x0] =	vst.idx.msk $0xffff, v4;
	v5 =	vld [tilespmem:$0x1FD90];
	_ =	sdelay $0x4  }
0x253: {  	v4 =	vld.idx.msk [tilespmem:v6+s2+$0x0], $0xffff;
	v5 =	vor.u32 s18, v5  }
0x254: {  	v6 =	vor.u32 $0x1C, v3;
	_ =	sdelay $0x3  }
0x255: {  	[tilespmem:v5+s13+$0x0] =	vst.idx.msk $0xffff, v4  }
0x256: {  	v5 =	vor.u32 s18, v42;
	v4 =	vld.idx.msk [tilespmem:v6+s2+$0x0], $0xffff;
	_ =	sdelay $0x4  }
0x257: {  	v6 =	vor.u32 $0x1D, v3;
	[tilespmem:v5+s13+$0x0] =	vst.idx.msk $0xffff, v4;
	v5 =	vld [tilespmem:$0x1FDB0];
	_ =	sdelay $0x4  }
0x258: {  	v4 =	vld.idx.msk [tilespmem:v6+s2+$0x0], $0xffff;
	v5 =	vor.u32 s18, v5  }
0x259: {  	v6 =	vor.u32 $0x1E, v3;
	_ =	sdelay $0x3  }
0x25a: {  	[tilespmem:v5+s13+$0x0] =	vst.idx.msk $0xffff, v4  }
0x25b: {  	v5 =	vor.u32 s18, v43;
	v4 =	vld.idx.msk [tilespmem:v6+s2+$0x0], $0xffff;
	_ =	sdelay $0x4  }
0x25c: {  	v6 =	vor.u32 $0x1F, v3;
	[tilespmem:v5+s13+$0x0] =	vst.idx.msk $0xffff, v4;
	v5 =	vld [tilespmem:$0x1FDD0];
	_ =	sdelay $0x4  }
0x25d: {  	v4 =	vld.idx.msk [tilespmem:v6+s2+$0x0], $0xffff;
	v5 =	vor.u32 s18, v5  }
0x25e: {  	v6 =	vor.u32 $0x20, v3;
	_ =	sdelay $0x3  }
0x25f: {  	[tilespmem:v5+s13+$0x0] =	vst.idx.msk $0xffff, v4  }
0x260: {  	v5 =	vor.u32 s18, v44;
	v4 =	vld.idx.msk [tilespmem:v6+s2+$0x0], $0xffff  }
0x261: {  	v6 =	vor.u32 $0x21, v3;
	_ =	sdelay $0x3  }
0x262: {  	[tilespmem:v5+s13+$0x0] =	vst.idx.msk $0xffff, v4  }
0x263: {  	v5 =	vor.u32 s18, v45;
	v4 =	vld.idx.msk [tilespmem:v6+s2+$0x0], $0xffff  }
0x264: {  	v6 =	vor.u32 $0x22, v3;
	_ =	sdelay $0x3  }
0x265: {  	[tilespmem:v5+s13+$0x0] =	vst.idx.msk $0xffff, v4  }
0x266: {  	v5 =	vor.u32 s18, v46;
	v4 =	vld.idx.msk [tilespmem:v6+s2+$0x0], $0xffff  }
0x267: {  	v6 =	vor.u32 $0x23, v3;
	_ =	sdelay $0x3  }
0x268: {  	[tilespmem:v5+s13+$0x0] =	vst.idx.msk $0xffff, v4  }
0x269: {  	v5 =	vor.u32 s18, v47;
	v4 =	vld.idx.msk [tilespmem:v6+s2+$0x0], $0xffff  }
0x26a: {  	v6 =	vor.u32 $0x24, v3;
	_ =	sdelay $0x3  }
0x26b: {  	[tilespmem:v5+s13+$0x0] =	vst.idx.msk $0xffff, v4  }
0x26c: {  	v5 =	vor.u32 s18, v48;
	v4 =	vld.idx.msk [tilespmem:v6+s2+$0x0], $0xffff  }
0x26d: {  	v6 =	vor.u32 $0x25, v3;
	_ =	sdelay $0x3  }
0x26e: {  	[tilespmem:v5+s13+$0x0] =	vst.idx.msk $0xffff, v4  }
0x26f: {  	v5 =	vor.u32 s18, v49;
	v4 =	vld.idx.msk [tilespmem:v6+s2+$0x0], $0xffff  }
0x270: {  	v6 =	vor.u32 $0x26, v3;
	_ =	sdelay $0x3  }
0x271: {  	[tilespmem:v5+s13+$0x0] =	vst.idx.msk $0xffff, v4  }
0x272: {  	v5 =	vor.u32 s18, v50;
	v4 =	vld.idx.msk [tilespmem:v6+s2+$0x0], $0xffff  }
0x273: {  	v6 =	vor.u32 $0x27, v3;
	_ =	sdelay $0x3  }
0x274: {  	[tilespmem:v5+s13+$0x0] =	vst.idx.msk $0xffff, v4  }
0x275: {  	v5 =	vor.u32 s18, v51;
	v4 =	vld.idx.msk [tilespmem:v6+s2+$0x0], $0xffff  }
0x276: {  	v6 =	vor.u32 $0x28, v3;
	_ =	sdelay $0x3  }
0x277: {  	[tilespmem:v5+s13+$0x0] =	vst.idx.msk $0xffff, v4  }
0x278: {  	v5 =	vor.u32 s18, v52;
	v4 =	vld.idx.msk [tilespmem:v6+s2+$0x0], $0xffff  }
0x279: {  	v6 =	vor.u32 $0x29, v3;
	_ =	sdelay $0x3  }
0x27a: {  	[tilespmem:v5+s13+$0x0] =	vst.idx.msk $0xffff, v4  }
0x27b: {  	v5 =	vor.u32 s18, v53;
	v4 =	vld.idx.msk [tilespmem:v6+s2+$0x0], $0xffff  }
0x27c: {  	v6 =	vor.u32 $0x2A, v3;
	_ =	sdelay $0x3  }
0x27d: {  	[tilespmem:v5+s13+$0x0] =	vst.idx.msk $0xffff, v4  }
0x27e: {  	v5 =	vor.u32 s18, v54;
	v4 =	vld.idx.msk [tilespmem:v6+s2+$0x0], $0xffff  }
0x27f: {  	v6 =	vor.u32 $0x2B, v3;
	_ =	sdelay $0x3  }
0x280: {  	[tilespmem:v5+s13+$0x0] =	vst.idx.msk $0xffff, v4  }
0x281: {  	v5 =	vor.u32 s18, v55;
	v4 =	vld.idx.msk [tilespmem:v6+s2+$0x0], $0xffff  }
0x282: {  	v6 =	vor.u32 $0x2C, v3;
	_ =	sdelay $0x3  }
0x283: {  	[tilespmem:v5+s13+$0x0] =	vst.idx.msk $0xffff, v4  }
0x284: {  	v5 =	vor.u32 s18, v56;
	v4 =	vld.idx.msk [tilespmem:v6+s2+$0x0], $0xffff  }
0x285: {  	v6 =	vor.u32 $0x2D, v3;
	_ =	sdelay $0x3  }
0x286: {  	[tilespmem:v5+s13+$0x0] =	vst.idx.msk $0xffff, v4  }
0x287: {  	v5 =	vor.u32 s18, v57;
	v4 =	vld.idx.msk [tilespmem:v6+s2+$0x0], $0xffff  }
0x288: {  	v6 =	vor.u32 $0x2E, v3;
	_ =	sdelay $0x3  }
0x289: {  	[tilespmem:v5+s13+$0x0] =	vst.idx.msk $0xffff, v4  }
0x28a: {  	v5 =	vor.u32 s18, v58;
	v4 =	vld.idx.msk [tilespmem:v6+s2+$0x0], $0xffff  }
0x28b: {  	v6 =	vor.u32 $0x2F, v3;
	_ =	sdelay $0x3  }
0x28c: {  	[tilespmem:v5+s13+$0x0] =	vst.idx.msk $0xffff, v4  }
0x28d: {  	v5 =	vor.u32 s18, v59;
	v4 =	vld.idx.msk [tilespmem:v6+s2+$0x0], $0xffff  }
0x28e: {  	v6 =	vor.u32 $0x30, v3;
	_ =	sdelay $0x3  }
0x28f: {  	[tilespmem:v5+s13+$0x0] =	vst.idx.msk $0xffff, v4  }
0x290: {  	v5 =	vor.u32 s18, v60;
	v4 =	vld.idx.msk [tilespmem:v6+s2+$0x0], $0xffff  }
0x291: {  	v6 =	vor.u32 $0x31, v3;
	_ =	sdelay $0x3  }
0x292: {  	[tilespmem:v5+s13+$0x0] =	vst.idx.msk $0xffff, v4  }
0x293: {  	v5 =	vor.u32 s18, v61;
	v4 =	vld.idx.msk [tilespmem:v6+s2+$0x0], $0xffff  }
0x294: {  	v6 =	vor.u32 $0x32, v3;
	_ =	sdelay $0x3  }
0x295: {  	[tilespmem:v5+s13+$0x0] =	vst.idx.msk $0xffff, v4  }
0x296: {  	v5 =	vor.u32 s18, v62;
	v4 =	vld.idx.msk [tilespmem:v6+s2+$0x0], $0xffff  }
0x297: {  	v6 =	vor.u32 $0x33, v3;
	_ =	sdelay $0x3  }
0x298: {  	[tilespmem:v5+s13+$0x0] =	vst.idx.msk $0xffff, v4  }
0x299: {  	v5 =	vor.u32 s18, v25;
	v4 =	vld.idx.msk [tilespmem:v6+s2+$0x0], $0xffff  }
0x29a: {  	v6 =	vor.u32 $0x34, v3;
	_ =	sdelay $0x3  }
0x29b: {  	[tilespmem:v5+s13+$0x0] =	vst.idx.msk $0xffff, v4  }
0x29c: {  	v5 =	vor.u32 s18, v26;
	v4 =	vld.idx.msk [tilespmem:v6+s2+$0x0], $0xffff  }
0x29d: {  	v6 =	vor.u32 $0x35, v3;
	_ =	sdelay $0x3  }
0x29e: {  	[tilespmem:v5+s13+$0x0] =	vst.idx.msk $0xffff, v4  }
0x29f: {  	v5 =	vor.u32 s18, v27;
	v4 =	vld.idx.msk [tilespmem:v6+s2+$0x0], $0xffff  }
0x2a0: {  	v6 =	vor.u32 $0x36, v3;
	_ =	sdelay $0x3  }
0x2a1: {  	[tilespmem:v5+s13+$0x0] =	vst.idx.msk $0xffff, v4  }
0x2a2: {  	v5 =	vor.u32 s18, v28;
	v4 =	vld.idx.msk [tilespmem:v6+s2+$0x0], $0xffff  }
0x2a3: {  	v6 =	vor.u32 $0x37, v3;
	_ =	sdelay $0x3  }
0x2a4: {  	[tilespmem:v5+s13+$0x0] =	vst.idx.msk $0xffff, v4  }
0x2a5: {  	v5 =	vor.u32 s18, v29;
	v4 =	vld.idx.msk [tilespmem:v6+s2+$0x0], $0xffff  }
0x2a6: {  	v6 =	vor.u32 $0x38, v3;
	_ =	sdelay $0x3  }
0x2a7: {  	[tilespmem:v5+s13+$0x0] =	vst.idx.msk $0xffff, v4  }
0x2a8: {  	v5 =	vor.u32 s18, v30;
	v4 =	vld.idx.msk [tilespmem:v6+s2+$0x0], $0xffff  }
0x2a9: {  	v6 =	vor.u32 $0x39, v3;
	_ =	sdelay $0x3  }
0x2aa: {  	[tilespmem:v5+s13+$0x0] =	vst.idx.msk $0xffff, v4  }
0x2ab: {  	v5 =	vor.u32 s18, v31;
	v4 =	vld.idx.msk [tilespmem:v6+s2+$0x0], $0xffff  }
0x2ac: {  	v6 =	vor.u32 $0x3A, v3;
	_ =	sdelay $0x3  }
0x2ad: {  	[tilespmem:v5+s13+$0x0] =	vst.idx.msk $0xffff, v4  }
0x2ae: {  	v5 =	vor.u32 s18, v32;
	v4 =	vld.idx.msk [tilespmem:v6+s2+$0x0], $0xffff  }
0x2af: {  	v6 =	vor.u32 $0x3B, v3;
	_ =	sdelay $0x3  }
0x2b0: {  	[tilespmem:v5+s13+$0x0] =	vst.idx.msk $0xffff, v4  }
0x2b1: {  	v5 =	vor.u32 s18, v33;
	v4 =	vld.idx.msk [tilespmem:v6+s2+$0x0], $0xffff  }
0x2b2: {  	v6 =	vor.u32 $0x3C, v3;
	_ =	sdelay $0x3  }
0x2b3: {  	[tilespmem:v5+s13+$0x0] =	vst.idx.msk $0xffff, v4  }
0x2b4: {  	v5 =	vor.u32 s18, v34;
	v4 =	vld.idx.msk [tilespmem:v6+s2+$0x0], $0xffff  }
0x2b5: {  	v6 =	vor.u32 $0x3D, v3;
	_ =	sdelay $0x3  }
0x2b6: {  	[tilespmem:v5+s13+$0x0] =	vst.idx.msk $0xffff, v4  }
0x2b7: {  	v5 =	vor.u32 s18, v0;
	v4 =	vld.idx.msk [tilespmem:v6+s2+$0x0], $0xffff  }
0x2b8: {  	v6 =	vor.u32 $0x3E, v3;
	_ =	sdelay $0x3  }
0x2b9: {  	[tilespmem:v5+s13+$0x0] =	vst.idx.msk $0xffff, v4  }
0x2ba: {  	v5 =	vor.u32 s18, v2;
	v4 =	vld.idx.msk [tilespmem:v6+s2+$0x0], $0xffff  }
0x2bb: {  	v3 =	vor.u32 $0x3F, v3;
	_ =	sdelay $0x3  }
0x2bc: {  	[tilespmem:v5+s13+$0x0] =	vst.idx.msk $0xffff, v4  }
0x2bd: {  	p0 =	sne.s32 s18, $0x10400;
	v4 =	vor.u32 s18, v63;
	v3 =	vld.idx.msk [tilespmem:v3+s2+$0x0], $0xffff  }
.Ltmp1:
0x2be: {  	_ = 	snop;
	(pc) =	sbr.rel @p0 .LBB2_3-.Ltmp1, $2  }
0x2bf: {  	_ =	sdelay $0x2  }
0x2c0: {  	s19 =	sadd.s32 $0x10, s19;
	s18 =	sadd.s32 $0x400, s18;
	[tilespmem:v4+s13+$0x0] =	vst.idx.msk $0xffff, v3  }
0x2c1: {  	[hbm4b:s5+s2] =	stream.linear.scatter [tilespmem:s13], [sflag:$0x1], $0x10800, $0x38;
	[tilespmem:$0x19680] =	vst v63  }
0x2c2: {  	_ =	swait.ge [sflag:s9], $0x10800  }
0x2c3: {  	s15 =	simm.s32 $0xFFFFFFFC;
	[sflag:s9] =	ssyncset.done $0x0  }
0x2c4: {  	s16 =	simm.s32 $0xC00;
	s17 =	simm.s32 $0x8650;
	[sflag:s9] =	ssyncadd.s32 $0xFFFEF800  }
.LBB2_5:
0x2c5: {  	v3 =	vld [tilespmem:s17+$0xFFFFFFD0];
	_ =	sdelay $0x4  }
0x2c6: {  	v6 =	vld [tilespmem:$0x1FC90];
	v3 =	vshll.u32 v3, $0x6;
	_ =	sdelay $0x2  }
0x2c7: {  	s18 =	sadd.s32 $0xFFFFF400, s16  }
0x2c8: {  	v4 =	vor.u32 s18, v1  }
0x2c9: {  	v4 =	vand.u32 v6, v4;
	v5 =	vld.idx.msk [tilespmem:v3+s2+$0x0], $0xffff  }
0x2ca: {  	v6 =	vor.u32 $0x1, v3;
	_ =	sdelay $0x3  }
0x2cb: {  	[tilespmem:v4+s13+$0x0] =	vst.idx.msk $0xffff, v5  }
0x2cc: {  	v5 =	vor.u32 s18, v18;
	v4 =	vld.idx.msk [tilespmem:v6+s2+$0x0], $0xffff  }
0x2cd: {  	v6 =	vor.u32 $0x2, v3;
	_ =	sdelay $0x3  }
0x2ce: {  	[tilespmem:v5+s13+$0x0] =	vst.idx.msk $0xffff, v4  }
0x2cf: {  	v5 =	vor.u32 s18, v16;
	v4 =	vld.idx.msk [tilespmem:v6+s2+$0x0], $0xffff  }
0x2d0: {  	v6 =	vor.u32 $0x3, v3;
	_ =	sdelay $0x3  }
0x2d1: {  	[tilespmem:v5+s13+$0x0] =	vst.idx.msk $0xffff, v4  }
0x2d2: {  	v5 =	vor.u32 s18, v13;
	v4 =	vld.idx.msk [tilespmem:v6+s2+$0x0], $0xffff  }
0x2d3: {  	v6 =	vor.u32 $0x4, v3;
	_ =	sdelay $0x3  }
0x2d4: {  	[tilespmem:v5+s13+$0x0] =	vst.idx.msk $0xffff, v4  }
0x2d5: {  	v5 =	vor.u32 s18, v14;
	v4 =	vld.idx.msk [tilespmem:v6+s2+$0x0], $0xffff  }
0x2d6: {  	v6 =	vor.u32 $0x5, v3;
	_ =	sdelay $0x3  }
0x2d7: {  	[tilespmem:v5+s13+$0x0] =	vst.idx.msk $0xffff, v4  }
0x2d8: {  	v5 =	vor.u32 s18, v15;
	v4 =	vld.idx.msk [tilespmem:v6+s2+$0x0], $0xffff  }
0x2d9: {  	v6 =	vor.u32 $0x6, v3;
	_ =	sdelay $0x3  }
0x2da: {  	[tilespmem:v5+s13+$0x0] =	vst.idx.msk $0xffff, v4  }
0x2db: {  	v5 =	vor.u32 s18, v17;
	v4 =	vld.idx.msk [tilespmem:v6+s2+$0x0], $0xffff  }
0x2dc: {  	v6 =	vor.u32 $0x7, v3;
	_ =	sdelay $0x3  }
0x2dd: {  	[tilespmem:v5+s13+$0x0] =	vst.idx.msk $0xffff, v4  }
0x2de: {  	v5 =	vor.u32 s18, v7;
	v4 =	vld.idx.msk [tilespmem:v6+s2+$0x0], $0xffff;
	_ =	sdelay $0x4  }
0x2df: {  	[tilespmem:v5+s13+$0x0] =	vst.idx.msk $0xffff, v4;
	v4 =	vld [tilespmem:s17+$0xFFFFFFE0]  }
0x2e0: {  	v5 =	vld [tilespmem:s17+$0xFFFFFFF0];
	_ =	sdelay $0x1  }
0x2e1: {  	v7 =	vld [tilespmem:s17+$0x0];
	_ =	sdelay $0x1  }
0x2e2: {  	v9 =	vld [tilespmem:$0x1FC50];
	v6 =	vshll.u32 v4, $0x6  }
0x2e3: {  	v12 =	vld [tilespmem:$0x1FC60];
	v5 =	vshll.u32 v5, $0x6;
	_ =	sdelay $0x1  }
0x2e4: {  	s20 =	sadd.s32 $0xFFFFF800, s16;
	v15 =	vld [tilespmem:$0x1FC70];
	v4 =	vshll.u32 v7, $0x6  }
0x2e5: {  	s19 =	sadd.s32 $0xFFFFFC00, s16;
	v7 =	vor.u32 s20, v1  }
0x2e6: {  	v7 =	vand.u32 v9, v7;
	v9 =	vor.u32 s19, v1;
	v8 =	vld.idx.msk [tilespmem:v6+s2+$0x0], $0xffff  }
0x2e7: {  	v10 =	vor.u32 $0x1, v6;
	v9 =	vand.u32 v12, v9;
	v11 =	vld.idx.msk [tilespmem:v5+s2+$0x0], $0xffff  }
0x2e8: {  	v13 =	vor.u32 $0x1, v5;
	v12 =	vor.u32 s16, v1  }
0x2e9: {  	v12 =	vand.u32 v15, v12;
	v14 =	vld.idx.msk [tilespmem:v4+s2+$0x0], $0xffff  }
0x2ea: {  	v15 =	vor.u32 $0x1, v4  }
0x2eb: {  	[tilespmem:v7+s13+$0x0] =	vst.idx.msk $0xffff, v8  }
0x2ec: {  	v8 =	vor.u32 s20, v18;
	[tilespmem:v9+s13+$0x0] =	vst.idx.msk $0xffff, v11;
	v7 =	vld.idx.msk [tilespmem:v10+s2+$0x0], $0xffff  }
0x2ed: {  	v9 =	vor.u32 $0x2, v6;
	v11 =	vor.u32 s19, v18;
	v10 =	vld.idx.msk [tilespmem:v13+s2+$0x0], $0xffff  }
0x2ee: {  	[tilespmem:v12+s13+$0x0] =	vst.idx.msk $0xffff, v14;
	v12 =	vor.u32 $0x2, v5  }
0x2ef: {  	v14 =	vor.u32 s16, v18;
	v13 =	vld.idx.msk [tilespmem:v15+s2+$0x0], $0xffff  }
0x2f0: {  	v15 =	vor.u32 $0x2, v4  }
0x2f1: {  	[tilespmem:v8+s13+$0x0] =	vst.idx.msk $0xffff, v7  }
0x2f2: {  	v8 =	vor.u32 s20, v16;
	[tilespmem:v11+s13+$0x0] =	vst.idx.msk $0xffff, v10;
	v7 =	vld.idx.msk [tilespmem:v9+s2+$0x0], $0xffff  }
0x2f3: {  	v11 =	vor.u32 s19, v16;
	v10 =	vld.idx.msk [tilespmem:v12+s2+$0x0], $0xffff  }
0x2f4: {  	[tilespmem:v14+s13+$0x0] =	vst.idx.msk $0xffff, v13  }
0x2f5: {  	v14 =	vor.u32 s16, v16;
	v13 =	vld.idx.msk [tilespmem:v15+s2+$0x0], $0xffff;
	_ =	sdelay $0x1  }
0x2f6: {  	v9 =	vor.u32 $0x3, v6;
	[tilespmem:v8+s13+$0x0] =	vst.idx.msk $0xffff, v7;
	v8 =	vld [tilespmem:$0x1FFD0]  }
0x2f7: {  	v12 =	vor.u32 $0x3, v5;
	[tilespmem:v11+s13+$0x0] =	vst.idx.msk $0xffff, v10;
	v11 =	vld [tilespmem:$0x1FFD0];
	_ =	sdelay $0x1  }
0x2f8: {  	v15 =	vor.u32 $0x3, v4;
	[tilespmem:v14+s13+$0x0] =	vst.idx.msk $0xffff, v13;
	v14 =	vld [tilespmem:$0x1FFD0];
	_ =	sdelay $0x1  }
0x2f9: {  	v7 =	vld.idx.msk [tilespmem:v9+s2+$0x0], $0xffff;
	v8 =	vor.u32 s20, v8  }
0x2fa: {  	v10 =	vld.idx.msk [tilespmem:v12+s2+$0x0], $0xffff;
	v11 =	vor.u32 s19, v11  }
0x2fb: {  	v9 =	vor.u32 $0x4, v6  }
0x2fc: {  	v12 =	vor.u32 $0x4, v5;
	v13 =	vld.idx.msk [tilespmem:v15+s2+$0x0], $0xffff;
	v14 =	vor.u32 s16, v14  }
0x2fd: {  	v15 =	vor.u32 $0x4, v4  }
0x2fe: {  	[tilespmem:v8+s13+$0x0] =	vst.idx.msk $0xffff, v7;
	v8 =	vld [tilespmem:$0x1FFE0]  }
0x2ff: {  	[tilespmem:v11+s13+$0x0] =	vst.idx.msk $0xffff, v10;
	v11 =	vld [tilespmem:$0x1FFE0]  }
0x300: {  	v7 =	vld.idx.msk [tilespmem:v9+s2+$0x0], $0xffff  }
0x301: {  	[tilespmem:v14+s13+$0x0] =	vst.idx.msk $0xffff, v13;
	v10 =	vld.idx.msk [tilespmem:v12+s2+$0x0], $0xffff  }
0x302: {  	v13 =	vld.idx.msk [tilespmem:v15+s2+$0x0], $0xffff  }
0x303: {  	v14 =	vld [tilespmem:$0x1FFE0];
	_ =	sdelay $0x2  }
0x304: {  	v8 =	vor.u32 s20, v8  }
0x305: {  	v11 =	vor.u32 s19, v11  }
0x306: {  	v14 =	vor.u32 s16, v14;
	_ =	sdelay $0x2  }
0x307: {  	v9 =	vor.u32 $0x5, v6;
	[tilespmem:v8+s13+$0x0] =	vst.idx.msk $0xffff, v7;
	v8 =	vld [tilespmem:$0x1FFF0]  }
0x308: {  	v12 =	vor.u32 $0x5, v5;
	[tilespmem:v11+s13+$0x0] =	vst.idx.msk $0xffff, v10;
	v11 =	vld [tilespmem:$0x1FFF0]  }
0x309: {  	v15 =	vor.u32 $0x5, v4;
	[tilespmem:v14+s13+$0x0] =	vst.idx.msk $0xffff, v13;
	v14 =	vld [tilespmem:$0x1FFF0];
	_ =	sdelay $0x2  }
0x30a: {  	v7 =	vld.idx.msk [tilespmem:v9+s2+$0x0], $0xffff;
	v8 =	vor.u32 s20, v8  }
0x30b: {  	v9 =	vor.u32 $0x6, v6;
	v10 =	vld.idx.msk [tilespmem:v12+s2+$0x0], $0xffff;
	v11 =	vor.u32 s19, v11  }
0x30c: {  	v12 =	vor.u32 $0x6, v5;
	v13 =	vld.idx.msk [tilespmem:v15+s2+$0x0], $0xffff;
	v14 =	vor.u32 s16, v14  }
0x30d: {  	v15 =	vor.u32 $0x6, v4;
	_ =	sdelay $0x1  }
0x30e: {  	[tilespmem:v8+s13+$0x0] =	vst.idx.msk $0xffff, v7  }
0x30f: {  	v8 =	vor.u32 s20, v17;
	[tilespmem:v11+s13+$0x0] =	vst.idx.msk $0xffff, v10;
	v7 =	vld.idx.msk [tilespmem:v9+s2+$0x0], $0xffff  }
0x310: {  	v11 =	vor.u32 s19, v17;
	v9 =	vor.u32 $0x7, v6;
	v10 =	vld.idx.msk [tilespmem:v12+s2+$0x0], $0xffff;
	[tilespmem:v14+s13+$0x0] =	vst.idx.msk $0xffff, v13  }
0x311: {  	v12 =	vor.u32 $0x7, v5;
	v14 =	vor.u32 s16, v17;
	v13 =	vld.idx.msk [tilespmem:v15+s2+$0x0], $0xffff  }
0x312: {  	v15 =	vor.u32 $0x7, v4;
	_ =	sdelay $0x1  }
0x313: {  	[tilespmem:v8+s13+$0x0] =	vst.idx.msk $0xffff, v7  }
0x314: {  	v7 =	vor.u32 $0x8, v3;
	[tilespmem:v11+s13+$0x0] =	vst.idx.msk $0xffff, v10;
	v8 =	vld.idx.msk [tilespmem:v9+s2+$0x0], $0xffff;
	v9 =	vor.u32 s20, v19  }
0x315: {  	v10 =	vor.u32 $0x8, v6;
	v11 =	vld.idx.msk [tilespmem:v12+s2+$0x0], $0xffff;
	v12 =	vor.u32 s19, v19;
	[tilespmem:v14+s13+$0x0] =	vst.idx.msk $0xffff, v13  }
0x316: {  	v13 =	vor.u32 $0x8, v5;
	v14 =	vld.idx.msk [tilespmem:v15+s2+$0x0], $0xffff;
	v15 =	vor.u32 s16, v19  }
0x317: {  	v16 =	vor.u32 $0x8, v4;
	_ =	sdelay $0x1  }
0x318: {  	v17 =	vor.u32 s18, v20;
	v7 =	vld.idx.msk [tilespmem:v7+s2+$0x0], $0xffff;
	[tilespmem:v9+s13+$0x0] =	vst.idx.msk $0xffff, v8  }
0x319: {  	v8 =	vor.u32 $0x9, v3;
	[tilespmem:v12+s13+$0x0] =	vst.idx.msk $0xffff, v11;
	v9 =	vld.idx.msk [tilespmem:v10+s2+$0x0], $0xffff;
	v10 =	vor.u32 s20, v20  }
0x31a: {  	v11 =	vor.u32 $0x9, v6;
	v12 =	vld.idx.msk [tilespmem:v13+s2+$0x0], $0xffff;
	v13 =	vor.u32 s19, v20;
	[tilespmem:v15+s13+$0x0] =	vst.idx.msk $0xffff, v14  }
0x31b: {  	v14 =	vor.u32 $0x9, v5;
	v15 =	vld.idx.msk [tilespmem:v16+s2+$0x0], $0xffff;
	v16 =	vor.u32 s16, v20  }
0x31c: {  	v18 =	vor.u32 $0x9, v4  }
0x31d: {  	[tilespmem:v17+s13+$0x0] =	vst.idx.msk $0xffff, v7  }
0x31e: {  	v7 =	vld.idx.msk [tilespmem:v8+s2+$0x0], $0xffff;
	v8 =	vor.u32 s18, v21;
	[tilespmem:v10+s13+$0x0] =	vst.idx.msk $0xffff, v9  }
0x31f: {  	v9 =	vor.u32 $0xA, v3;
	[tilespmem:v13+s13+$0x0] =	vst.idx.msk $0xffff, v12;
	v10 =	vld.idx.msk [tilespmem:v11+s2+$0x0], $0xffff;
	v11 =	vor.u32 s20, v21  }
0x320: {  	v12 =	vor.u32 $0xA, v6;
	v13 =	vld.idx.msk [tilespmem:v14+s2+$0x0], $0xffff;
	v14 =	vor.u32 s19, v21;
	[tilespmem:v16+s13+$0x0] =	vst.idx.msk $0xffff, v15  }
0x321: {  	v17 =	vor.u32 s16, v21;
	v15 =	vor.u32 $0xA, v5;
	v16 =	vld.idx.msk [tilespmem:v18+s2+$0x0], $0xffff  }
0x322: {  	v18 =	vor.u32 $0xA, v4  }
0x323: {  	[tilespmem:v8+s13+$0x0] =	vst.idx.msk $0xffff, v7  }
0x324: {  	v8 =	vor.u32 s18, v22;
	v7 =	vld.idx.msk [tilespmem:v9+s2+$0x0], $0xffff;
	[tilespmem:v11+s13+$0x0] =	vst.idx.msk $0xffff, v10  }
0x325: {  	v9 =	vor.u32 $0xB, v3;
	v11 =	vor.u32 s20, v22;
	[tilespmem:v14+s13+$0x0] =	vst.idx.msk $0xffff, v13;
	v10 =	vld.idx.msk [tilespmem:v12+s2+$0x0], $0xffff  }
0x326: {  	v14 =	vor.u32 s19, v22;
	v12 =	vor.u32 $0xB, v6;
	v13 =	vld.idx.msk [tilespmem:v15+s2+$0x0], $0xffff;
	[tilespmem:v17+s13+$0x0] =	vst.idx.msk $0xffff, v16  }
0x327: {  	v15 =	vor.u32 $0xB, v5;
	v17 =	vor.u32 s16, v22;
	v16 =	vld.idx.msk [tilespmem:v18+s2+$0x0], $0xffff  }
0x328: {  	v18 =	vor.u32 $0xB, v4  }
0x329: {  	[tilespmem:v8+s13+$0x0] =	vst.idx.msk $0xffff, v7  }
0x32a: {  	v8 =	vor.u32 s18, v23;
	v7 =	vld.idx.msk [tilespmem:v9+s2+$0x0], $0xffff;
	[tilespmem:v11+s13+$0x0] =	vst.idx.msk $0xffff, v10  }
0x32b: {  	v9 =	vor.u32 $0xC, v3;
	v11 =	vor.u32 s20, v23;
	[tilespmem:v14+s13+$0x0] =	vst.idx.msk $0xffff, v13;
	v10 =	vld.idx.msk [tilespmem:v12+s2+$0x0], $0xffff  }
0x32c: {  	v14 =	vor.u32 s19, v23;
	v12 =	vor.u32 $0xC, v6;
	v13 =	vld.idx.msk [tilespmem:v15+s2+$0x0], $0xffff;
	[tilespmem:v17+s13+$0x0] =	vst.idx.msk $0xffff, v16  }
0x32d: {  	v15 =	vor.u32 $0xC, v5;
	v17 =	vor.u32 s16, v23;
	v16 =	vld.idx.msk [tilespmem:v18+s2+$0x0], $0xffff  }
0x32e: {  	v18 =	vor.u32 $0xC, v4  }
0x32f: {  	v35 =	vld [tilespmem:$0x1FCB0];
	[tilespmem:v8+s13+$0x0] =	vst.idx.msk $0xffff, v7  }
0x330: {  	v8 =	vor.u32 s18, v24;
	v7 =	vld.idx.msk [tilespmem:v9+s2+$0x0], $0xffff;
	[tilespmem:v11+s13+$0x0] =	vst.idx.msk $0xffff, v10  }
0x331: {  	v9 =	vor.u32 $0xD, v3;
	v11 =	vor.u32 s20, v24;
	[tilespmem:v14+s13+$0x0] =	vst.idx.msk $0xffff, v13;
	v10 =	vld.idx.msk [tilespmem:v12+s2+$0x0], $0xffff  }
0x332: {  	v14 =	vor.u32 s19, v24;
	v12 =	vor.u32 $0xD, v6;
	v13 =	vld.idx.msk [tilespmem:v15+s2+$0x0], $0xffff;
	[tilespmem:v17+s13+$0x0] =	vst.idx.msk $0xffff, v16  }
0x333: {  	v17 =	vor.u32 s16, v24;
	v16 =	vld.idx.msk [tilespmem:v18+s2+$0x0], $0xffff  }
0x334: {  	v15 =	vor.u32 $0xD, v5  }
0x335: {  	v18 =	vor.u32 $0xD, v4;
	[tilespmem:v8+s13+$0x0] =	vst.idx.msk $0xffff, v7  }
0x336: {  	v7 =	vld.idx.msk [tilespmem:v9+s2+$0x0], $0xffff;
	[tilespmem:v11+s13+$0x0] =	vst.idx.msk $0xffff, v10  }
0x337: {  	v8 =	vor.u32 s18, v35;
	v9 =	vor.u32 $0xE, v3;
	[tilespmem:v14+s13+$0x0] =	vst.idx.msk $0xffff, v13;
	v10 =	vld.idx.msk [tilespmem:v12+s2+$0x0], $0xffff  }
0x338: {  	v11 =	vor.u32 s20, v35;
	v14 =	vor.u32 s19, v35;
	[tilespmem:v17+s13+$0x0] =	vst.idx.msk $0xffff, v16;
	v17 =	vor.u32 s16, v35;
	v35 =	vld [tilespmem:$0x1FCC0]  }
0x339: {  	v12 =	vor.u32 $0xE, v6;
	v13 =	vld.idx.msk [tilespmem:v15+s2+$0x0], $0xffff  }
0x33a: {  	v15 =	vor.u32 $0xE, v5;
	v16 =	vld.idx.msk [tilespmem:v18+s2+$0x0], $0xffff  }
0x33b: {  	v18 =	vor.u32 $0xE, v4  }
0x33c: {  	v36 =	vld [tilespmem:$0x1FCD0];
	[tilespmem:v8+s13+$0x0] =	vst.idx.msk $0xffff, v7  }
0x33d: {  	v7 =	vld.idx.msk [tilespmem:v9+s2+$0x0], $0xffff;
	v8 =	vor.u32 s18, v35;
	[tilespmem:v11+s13+$0x0] =	vst.idx.msk $0xffff, v10  }
0x33e: {  	v9 =	vor.u32 $0xF, v3;
	v11 =	vor.u32 s20, v35;
	[tilespmem:v14+s13+$0x0] =	vst.idx.msk $0xffff, v13;
	v10 =	vld.idx.msk [tilespmem:v12+s2+$0x0], $0xffff  }
0x33f: {  	v14 =	vor.u32 s19, v35;
	v12 =	vor.u32 $0xF, v6;
	v13 =	vld.idx.msk [tilespmem:v15+s2+$0x0], $0xffff;
	[tilespmem:v17+s13+$0x0] =	vst.idx.msk $0xffff, v16  }
0x340: {  	v17 =	vor.u32 s16, v35;
	v16 =	vld.idx.msk [tilespmem:v18+s2+$0x0], $0xffff  }
0x341: {  	v15 =	vor.u32 $0xF, v5  }
0x342: {  	v18 =	vor.u32 $0xF, v4;
	[tilespmem:v8+s13+$0x0] =	vst.idx.msk $0xffff, v7  }
0x343: {  	v7 =	vld.idx.msk [tilespmem:v9+s2+$0x0], $0xffff;
	[tilespmem:v11+s13+$0x0] =	vst.idx.msk $0xffff, v10  }
0x344: {  	v8 =	vor.u32 s18, v36;
	v9 =	vor.u32 $0x10, v3;
	[tilespmem:v14+s13+$0x0] =	vst.idx.msk $0xffff, v13;
	v10 =	vld.idx.msk [tilespmem:v12+s2+$0x0], $0xffff  }
0x345: {  	v11 =	vor.u32 s20, v36;
	v14 =	vor.u32 s19, v36;
	[tilespmem:v17+s13+$0x0] =	vst.idx.msk $0xffff, v16;
	v17 =	vor.u32 s16, v36;
	v36 =	vld [tilespmem:$0x1FCE0]  }
0x346: {  	v12 =	vor.u32 $0x10, v6;
	v13 =	vld.idx.msk [tilespmem:v15+s2+$0x0], $0xffff  }
0x347: {  	v15 =	vor.u32 $0x10, v5;
	v16 =	vld.idx.msk [tilespmem:v18+s2+$0x0], $0xffff  }
0x348: {  	v18 =	vor.u32 $0x10, v4  }
0x349: {  	v37 =	vld [tilespmem:$0x1FCF0];
	[tilespmem:v8+s13+$0x0] =	vst.idx.msk $0xffff, v7  }
0x34a: {  	v7 =	vld.idx.msk [tilespmem:v9+s2+$0x0], $0xffff;
	v8 =	vor.u32 s18, v36;
	[tilespmem:v11+s13+$0x0] =	vst.idx.msk $0xffff, v10  }
0x34b: {  	v9 =	vor.u32 $0x11, v3;
	v11 =	vor.u32 s20, v36;
	[tilespmem:v14+s13+$0x0] =	vst.idx.msk $0xffff, v13;
	v10 =	vld.idx.msk [tilespmem:v12+s2+$0x0], $0xffff  }
0x34c: {  	v14 =	vor.u32 s19, v36;
	v12 =	vor.u32 $0x11, v6;
	v13 =	vld.idx.msk [tilespmem:v15+s2+$0x0], $0xffff;
	[tilespmem:v17+s13+$0x0] =	vst.idx.msk $0xffff, v16  }
0x34d: {  	v17 =	vor.u32 s16, v36;
	v16 =	vld.idx.msk [tilespmem:v18+s2+$0x0], $0xffff  }
0x34e: {  	v15 =	vor.u32 $0x11, v5  }
0x34f: {  	v18 =	vor.u32 $0x11, v4;
	[tilespmem:v8+s13+$0x0] =	vst.idx.msk $0xffff, v7  }
0x350: {  	v7 =	vld.idx.msk [tilespmem:v9+s2+$0x0], $0xffff;
	[tilespmem:v11+s13+$0x0] =	vst.idx.msk $0xffff, v10  }
0x351: {  	v8 =	vor.u32 s18, v37;
	v9 =	vor.u32 $0x12, v3;
	[tilespmem:v14+s13+$0x0] =	vst.idx.msk $0xffff, v13;
	v10 =	vld.idx.msk [tilespmem:v12+s2+$0x0], $0xffff  }
0x352: {  	v11 =	vor.u32 s20, v37;
	v14 =	vor.u32 s19, v37;
	[tilespmem:v17+s13+$0x0] =	vst.idx.msk $0xffff, v16;
	v17 =	vor.u32 s16, v37;
	v37 =	vld [tilespmem:$0x1FD00]  }
0x353: {  	v12 =	vor.u32 $0x12, v6;
	v13 =	vld.idx.msk [tilespmem:v15+s2+$0x0], $0xffff  }
0x354: {  	v15 =	vor.u32 $0x12, v5;
	v16 =	vld.idx.msk [tilespmem:v18+s2+$0x0], $0xffff  }
0x355: {  	v18 =	vor.u32 $0x12, v4  }
0x356: {  	v38 =	vld [tilespmem:$0x1FD10];
	[tilespmem:v8+s13+$0x0] =	vst.idx.msk $0xffff, v7  }
0x357: {  	v7 =	vld.idx.msk [tilespmem:v9+s2+$0x0], $0xffff;
	v8 =	vor.u32 s18, v37;
	[tilespmem:v11+s13+$0x0] =	vst.idx.msk $0xffff, v10  }
0x358: {  	v9 =	vor.u32 $0x13, v3;
	v11 =	vor.u32 s20, v37;
	[tilespmem:v14+s13+$0x0] =	vst.idx.msk $0xffff, v13;
	v10 =	vld.idx.msk [tilespmem:v12+s2+$0x0], $0xffff  }
0x359: {  	v14 =	vor.u32 s19, v37;
	v12 =	vor.u32 $0x13, v6;
	v13 =	vld.idx.msk [tilespmem:v15+s2+$0x0], $0xffff;
	[tilespmem:v17+s13+$0x0] =	vst.idx.msk $0xffff, v16  }
0x35a: {  	v17 =	vor.u32 s16, v37;
	v16 =	vld.idx.msk [tilespmem:v18+s2+$0x0], $0xffff  }
0x35b: {  	v15 =	vor.u32 $0x13, v5  }
0x35c: {  	v18 =	vor.u32 $0x13, v4;
	[tilespmem:v8+s13+$0x0] =	vst.idx.msk $0xffff, v7  }
0x35d: {  	v7 =	vld.idx.msk [tilespmem:v9+s2+$0x0], $0xffff;
	[tilespmem:v11+s13+$0x0] =	vst.idx.msk $0xffff, v10  }
0x35e: {  	v8 =	vor.u32 s18, v38;
	v9 =	vor.u32 $0x14, v3;
	[tilespmem:v14+s13+$0x0] =	vst.idx.msk $0xffff, v13;
	v10 =	vld.idx.msk [tilespmem:v12+s2+$0x0], $0xffff  }
0x35f: {  	v11 =	vor.u32 s20, v38;
	v14 =	vor.u32 s19, v38;
	[tilespmem:v17+s13+$0x0] =	vst.idx.msk $0xffff, v16;
	v17 =	vor.u32 s16, v38;
	v38 =	vld [tilespmem:$0x1FD20]  }
0x360: {  	v12 =	vor.u32 $0x14, v6;
	v13 =	vld.idx.msk [tilespmem:v15+s2+$0x0], $0xffff  }
0x361: {  	v15 =	vor.u32 $0x14, v5;
	v16 =	vld.idx.msk [tilespmem:v18+s2+$0x0], $0xffff  }
0x362: {  	v18 =	vor.u32 $0x14, v4  }
0x363: {  	v39 =	vld [tilespmem:$0x1FD30];
	[tilespmem:v8+s13+$0x0] =	vst.idx.msk $0xffff, v7  }
0x364: {  	v7 =	vld.idx.msk [tilespmem:v9+s2+$0x0], $0xffff;
	v8 =	vor.u32 s18, v38;
	[tilespmem:v11+s13+$0x0] =	vst.idx.msk $0xffff, v10  }
0x365: {  	v9 =	vor.u32 $0x15, v3;
	v11 =	vor.u32 s20, v38;
	[tilespmem:v14+s13+$0x0] =	vst.idx.msk $0xffff, v13;
	v10 =	vld.idx.msk [tilespmem:v12+s2+$0x0], $0xffff  }
0x366: {  	v14 =	vor.u32 s19, v38;
	v12 =	vor.u32 $0x15, v6;
	v13 =	vld.idx.msk [tilespmem:v15+s2+$0x0], $0xffff;
	[tilespmem:v17+s13+$0x0] =	vst.idx.msk $0xffff, v16  }
0x367: {  	v17 =	vor.u32 s16, v38;
	v16 =	vld.idx.msk [tilespmem:v18+s2+$0x0], $0xffff  }
0x368: {  	v15 =	vor.u32 $0x15, v5  }
0x369: {  	v18 =	vor.u32 $0x15, v4;
	[tilespmem:v8+s13+$0x0] =	vst.idx.msk $0xffff, v7  }
0x36a: {  	v7 =	vld.idx.msk [tilespmem:v9+s2+$0x0], $0xffff;
	[tilespmem:v11+s13+$0x0] =	vst.idx.msk $0xffff, v10  }
0x36b: {  	v8 =	vor.u32 s18, v39;
	v9 =	vor.u32 $0x16, v3;
	[tilespmem:v14+s13+$0x0] =	vst.idx.msk $0xffff, v13;
	v10 =	vld.idx.msk [tilespmem:v12+s2+$0x0], $0xffff  }
0x36c: {  	v11 =	vor.u32 s20, v39;
	v14 =	vor.u32 s19, v39;
	[tilespmem:v17+s13+$0x0] =	vst.idx.msk $0xffff, v16;
	v17 =	vor.u32 s16, v39;
	v39 =	vld [tilespmem:$0x1FD40]  }
0x36d: {  	v12 =	vor.u32 $0x16, v6;
	v13 =	vld.idx.msk [tilespmem:v15+s2+$0x0], $0xffff  }
0x36e: {  	v15 =	vor.u32 $0x16, v5;
	v16 =	vld.idx.msk [tilespmem:v18+s2+$0x0], $0xffff  }
0x36f: {  	v18 =	vor.u32 $0x16, v4  }
0x370: {  	v40 =	vld [tilespmem:$0x1FD50];
	[tilespmem:v8+s13+$0x0] =	vst.idx.msk $0xffff, v7  }
0x371: {  	v7 =	vld.idx.msk [tilespmem:v9+s2+$0x0], $0xffff;
	v8 =	vor.u32 s18, v39;
	[tilespmem:v11+s13+$0x0] =	vst.idx.msk $0xffff, v10  }
0x372: {  	v9 =	vor.u32 $0x17, v3;
	v11 =	vor.u32 s20, v39;
	[tilespmem:v14+s13+$0x0] =	vst.idx.msk $0xffff, v13;
	v10 =	vld.idx.msk [tilespmem:v12+s2+$0x0], $0xffff  }
0x373: {  	v14 =	vor.u32 s19, v39;
	v12 =	vor.u32 $0x17, v6;
	v13 =	vld.idx.msk [tilespmem:v15+s2+$0x0], $0xffff;
	[tilespmem:v17+s13+$0x0] =	vst.idx.msk $0xffff, v16  }
0x374: {  	v17 =	vor.u32 s16, v39;
	v16 =	vld.idx.msk [tilespmem:v18+s2+$0x0], $0xffff  }
0x375: {  	v15 =	vor.u32 $0x17, v5  }
0x376: {  	v18 =	vor.u32 $0x17, v4;
	[tilespmem:v8+s13+$0x0] =	vst.idx.msk $0xffff, v7  }
0x377: {  	v7 =	vld.idx.msk [tilespmem:v9+s2+$0x0], $0xffff;
	[tilespmem:v11+s13+$0x0] =	vst.idx.msk $0xffff, v10  }
0x378: {  	v8 =	vor.u32 s18, v40;
	v9 =	vor.u32 $0x18, v3;
	[tilespmem:v14+s13+$0x0] =	vst.idx.msk $0xffff, v13;
	v10 =	vld.idx.msk [tilespmem:v12+s2+$0x0], $0xffff  }
0x379: {  	v11 =	vor.u32 s20, v40;
	v14 =	vor.u32 s19, v40;
	[tilespmem:v17+s13+$0x0] =	vst.idx.msk $0xffff, v16;
	v17 =	vor.u32 s16, v40;
	v40 =	vld [tilespmem:$0x1FD60]  }
0x37a: {  	v12 =	vor.u32 $0x18, v6;
	v13 =	vld.idx.msk [tilespmem:v15+s2+$0x0], $0xffff  }
0x37b: {  	v15 =	vor.u32 $0x18, v5;
	v16 =	vld.idx.msk [tilespmem:v18+s2+$0x0], $0xffff  }
0x37c: {  	v18 =	vor.u32 $0x18, v4  }
0x37d: {  	v41 =	vld [tilespmem:$0x1FD70];
	[tilespmem:v8+s13+$0x0] =	vst.idx.msk $0xffff, v7  }
0x37e: {  	v7 =	vld.idx.msk [tilespmem:v9+s2+$0x0], $0xffff;
	v8 =	vor.u32 s18, v40;
	[tilespmem:v11+s13+$0x0] =	vst.idx.msk $0xffff, v10  }
0x37f: {  	v9 =	vor.u32 $0x19, v3;
	v11 =	vor.u32 s20, v40;
	[tilespmem:v14+s13+$0x0] =	vst.idx.msk $0xffff, v13;
	v10 =	vld.idx.msk [tilespmem:v12+s2+$0x0], $0xffff  }
0x380: {  	v14 =	vor.u32 s19, v40;
	v12 =	vor.u32 $0x19, v6;
	v13 =	vld.idx.msk [tilespmem:v15+s2+$0x0], $0xffff;
	[tilespmem:v17+s13+$0x0] =	vst.idx.msk $0xffff, v16  }
0x381: {  	v17 =	vor.u32 s16, v40;
	v16 =	vld.idx.msk [tilespmem:v18+s2+$0x0], $0xffff  }
0x382: {  	v15 =	vor.u32 $0x19, v5  }
0x383: {  	v18 =	vor.u32 $0x19, v4;
	[tilespmem:v8+s13+$0x0] =	vst.idx.msk $0xffff, v7  }
0x384: {  	v7 =	vld.idx.msk [tilespmem:v9+s2+$0x0], $0xffff;
	[tilespmem:v11+s13+$0x0] =	vst.idx.msk $0xffff, v10  }
0x385: {  	v8 =	vor.u32 s18, v41;
	v9 =	vor.u32 $0x1A, v3;
	[tilespmem:v14+s13+$0x0] =	vst.idx.msk $0xffff, v13;
	v10 =	vld.idx.msk [tilespmem:v12+s2+$0x0], $0xffff  }
0x386: {  	v11 =	vor.u32 s20, v41;
	v14 =	vor.u32 s19, v41;
	[tilespmem:v17+s13+$0x0] =	vst.idx.msk $0xffff, v16;
	v17 =	vor.u32 s16, v41;
	v41 =	vld [tilespmem:$0x1FD80]  }
0x387: {  	v12 =	vor.u32 $0x1A, v6;
	v13 =	vld.idx.msk [tilespmem:v15+s2+$0x0], $0xffff  }
0x388: {  	v15 =	vor.u32 $0x1A, v5;
	v16 =	vld.idx.msk [tilespmem:v18+s2+$0x0], $0xffff  }
0x389: {  	v18 =	vor.u32 $0x1A, v4  }
0x38a: {  	v42 =	vld [tilespmem:$0x1FD90];
	[tilespmem:v8+s13+$0x0] =	vst.idx.msk $0xffff, v7  }
0x38b: {  	v7 =	vld.idx.msk [tilespmem:v9+s2+$0x0], $0xffff;
	v8 =	vor.u32 s18, v41;
	[tilespmem:v11+s13+$0x0] =	vst.idx.msk $0xffff, v10  }
0x38c: {  	v9 =	vor.u32 $0x1B, v3;
	v11 =	vor.u32 s20, v41;
	[tilespmem:v14+s13+$0x0] =	vst.idx.msk $0xffff, v13;
	v10 =	vld.idx.msk [tilespmem:v12+s2+$0x0], $0xffff  }
0x38d: {  	v14 =	vor.u32 s19, v41;
	v12 =	vor.u32 $0x1B, v6;
	v13 =	vld.idx.msk [tilespmem:v15+s2+$0x0], $0xffff;
	[tilespmem:v17+s13+$0x0] =	vst.idx.msk $0xffff, v16  }
0x38e: {  	v17 =	vor.u32 s16, v41;
	v16 =	vld.idx.msk [tilespmem:v18+s2+$0x0], $0xffff  }
0x38f: {  	v15 =	vor.u32 $0x1B, v5  }
0x390: {  	v18 =	vor.u32 $0x1B, v4;
	[tilespmem:v8+s13+$0x0] =	vst.idx.msk $0xffff, v7  }
0x391: {  	v7 =	vld.idx.msk [tilespmem:v9+s2+$0x0], $0xffff;
	[tilespmem:v11+s13+$0x0] =	vst.idx.msk $0xffff, v10  }
0x392: {  	v8 =	vor.u32 s18, v42;
	v9 =	vor.u32 $0x1C, v3;
	[tilespmem:v14+s13+$0x0] =	vst.idx.msk $0xffff, v13;
	v10 =	vld.idx.msk [tilespmem:v12+s2+$0x0], $0xffff  }
0x393: {  	v11 =	vor.u32 s20, v42;
	v14 =	vor.u32 s19, v42;
	[tilespmem:v17+s13+$0x0] =	vst.idx.msk $0xffff, v16;
	v17 =	vor.u32 s16, v42;
	v42 =	vld [tilespmem:$0x1FDA0]  }
0x394: {  	v12 =	vor.u32 $0x1C, v6;
	v13 =	vld.idx.msk [tilespmem:v15+s2+$0x0], $0xffff  }
0x395: {  	v15 =	vor.u32 $0x1C, v5;
	v16 =	vld.idx.msk [tilespmem:v18+s2+$0x0], $0xffff  }
0x396: {  	v18 =	vor.u32 $0x1C, v4  }
0x397: {  	v43 =	vld [tilespmem:$0x1FDB0];
	[tilespmem:v8+s13+$0x0] =	vst.idx.msk $0xffff, v7  }
0x398: {  	v7 =	vld.idx.msk [tilespmem:v9+s2+$0x0], $0xffff;
	v8 =	vor.u32 s18, v42;
	[tilespmem:v11+s13+$0x0] =	vst.idx.msk $0xffff, v10  }
0x399: {  	v9 =	vor.u32 $0x1D, v3;
	v11 =	vor.u32 s20, v42;
	[tilespmem:v14+s13+$0x0] =	vst.idx.msk $0xffff, v13;
	v10 =	vld.idx.msk [tilespmem:v12+s2+$0x0], $0xffff  }
0x39a: {  	v14 =	vor.u32 s19, v42;
	v12 =	vor.u32 $0x1D, v6;
	v13 =	vld.idx.msk [tilespmem:v15+s2+$0x0], $0xffff;
	[tilespmem:v17+s13+$0x0] =	vst.idx.msk $0xffff, v16  }
0x39b: {  	v17 =	vor.u32 s16, v42;
	v16 =	vld.idx.msk [tilespmem:v18+s2+$0x0], $0xffff  }
0x39c: {  	v15 =	vor.u32 $0x1D, v5  }
0x39d: {  	v18 =	vor.u32 $0x1D, v4;
	[tilespmem:v8+s13+$0x0] =	vst.idx.msk $0xffff, v7  }
0x39e: {  	v7 =	vld.idx.msk [tilespmem:v9+s2+$0x0], $0xffff;
	[tilespmem:v11+s13+$0x0] =	vst.idx.msk $0xffff, v10  }
0x39f: {  	v8 =	vor.u32 s18, v43;
	v9 =	vor.u32 $0x1E, v3;
	[tilespmem:v14+s13+$0x0] =	vst.idx.msk $0xffff, v13;
	v10 =	vld.idx.msk [tilespmem:v12+s2+$0x0], $0xffff  }
0x3a0: {  	v11 =	vor.u32 s20, v43;
	v14 =	vor.u32 s19, v43;
	[tilespmem:v17+s13+$0x0] =	vst.idx.msk $0xffff, v16;
	v17 =	vor.u32 s16, v43;
	v43 =	vld [tilespmem:$0x1FDC0]  }
0x3a1: {  	v12 =	vor.u32 $0x1E, v6;
	v13 =	vld.idx.msk [tilespmem:v15+s2+$0x0], $0xffff  }
0x3a2: {  	v15 =	vor.u32 $0x1E, v5;
	v16 =	vld.idx.msk [tilespmem:v18+s2+$0x0], $0xffff  }
0x3a3: {  	v18 =	vor.u32 $0x1E, v4  }
0x3a4: {  	v44 =	vld [tilespmem:$0x1FDD0];
	[tilespmem:v8+s13+$0x0] =	vst.idx.msk $0xffff, v7  }
0x3a5: {  	v7 =	vld.idx.msk [tilespmem:v9+s2+$0x0], $0xffff;
	v8 =	vor.u32 s18, v43;
	[tilespmem:v11+s13+$0x0] =	vst.idx.msk $0xffff, v10  }
0x3a6: {  	v9 =	vor.u32 $0x1F, v3;
	v11 =	vor.u32 s20, v43;
	[tilespmem:v14+s13+$0x0] =	vst.idx.msk $0xffff, v13;
	v10 =	vld.idx.msk [tilespmem:v12+s2+$0x0], $0xffff  }
0x3a7: {  	v14 =	vor.u32 s19, v43;
	v12 =	vor.u32 $0x1F, v6;
	v13 =	vld.idx.msk [tilespmem:v15+s2+$0x0], $0xffff;
	[tilespmem:v17+s13+$0x0] =	vst.idx.msk $0xffff, v16  }
0x3a8: {  	v17 =	vor.u32 s16, v43;
	v16 =	vld.idx.msk [tilespmem:v18+s2+$0x0], $0xffff  }
0x3a9: {  	v15 =	vor.u32 $0x1F, v5  }
0x3aa: {  	v18 =	vor.u32 $0x1F, v4;
	[tilespmem:v8+s13+$0x0] =	vst.idx.msk $0xffff, v7  }
0x3ab: {  	v7 =	vld.idx.msk [tilespmem:v9+s2+$0x0], $0xffff;
	[tilespmem:v11+s13+$0x0] =	vst.idx.msk $0xffff, v10  }
0x3ac: {  	v8 =	vor.u32 s18, v44;
	v9 =	vor.u32 $0x20, v3;
	[tilespmem:v14+s13+$0x0] =	vst.idx.msk $0xffff, v13;
	v10 =	vld.idx.msk [tilespmem:v12+s2+$0x0], $0xffff  }
0x3ad: {  	v11 =	vor.u32 s20, v44;
	v14 =	vor.u32 s19, v44;
	[tilespmem:v17+s13+$0x0] =	vst.idx.msk $0xffff, v16;
	v17 =	vor.u32 s16, v44;
	v44 =	vld [tilespmem:$0x1FDE0]  }
0x3ae: {  	v12 =	vor.u32 $0x20, v6;
	v13 =	vld.idx.msk [tilespmem:v15+s2+$0x0], $0xffff  }
0x3af: {  	v15 =	vor.u32 $0x20, v5;
	v16 =	vld.idx.msk [tilespmem:v18+s2+$0x0], $0xffff  }
0x3b0: {  	v18 =	vor.u32 $0x20, v4  }
0x3b1: {  	[tilespmem:v8+s13+$0x0] =	vst.idx.msk $0xffff, v7  }
0x3b2: {  	v7 =	vld.idx.msk [tilespmem:v9+s2+$0x0], $0xffff;
	v8 =	vor.u32 s18, v44;
	[tilespmem:v11+s13+$0x0] =	vst.idx.msk $0xffff, v10  }
0x3b3: {  	v9 =	vor.u32 $0x21, v3;
	v11 =	vor.u32 s20, v44;
	[tilespmem:v14+s13+$0x0] =	vst.idx.msk $0xffff, v13;
	v10 =	vld.idx.msk [tilespmem:v12+s2+$0x0], $0xffff  }
0x3b4: {  	v14 =	vor.u32 s19, v44;
	v12 =	vor.u32 $0x21, v6;
	v13 =	vld.idx.msk [tilespmem:v15+s2+$0x0], $0xffff;
	[tilespmem:v17+s13+$0x0] =	vst.idx.msk $0xffff, v16  }
0x3b5: {  	v15 =	vor.u32 $0x21, v5;
	v17 =	vor.u32 s16, v44;
	v16 =	vld.idx.msk [tilespmem:v18+s2+$0x0], $0xffff  }
0x3b6: {  	v18 =	vor.u32 $0x21, v4  }
0x3b7: {  	[tilespmem:v8+s13+$0x0] =	vst.idx.msk $0xffff, v7  }
0x3b8: {  	v8 =	vor.u32 s18, v45;
	v7 =	vld.idx.msk [tilespmem:v9+s2+$0x0], $0xffff;
	[tilespmem:v11+s13+$0x0] =	vst.idx.msk $0xffff, v10  }
0x3b9: {  	v9 =	vor.u32 $0x22, v3;
	v11 =	vor.u32 s20, v45;
	[tilespmem:v14+s13+$0x0] =	vst.idx.msk $0xffff, v13;
	v10 =	vld.idx.msk [tilespmem:v12+s2+$0x0], $0xffff  }
0x3ba: {  	v14 =	vor.u32 s19, v45;
	v12 =	vor.u32 $0x22, v6;
	v13 =	vld.idx.msk [tilespmem:v15+s2+$0x0], $0xffff;
	[tilespmem:v17+s13+$0x0] =	vst.idx.msk $0xffff, v16  }
0x3bb: {  	v15 =	vor.u32 $0x22, v5;
	v17 =	vor.u32 s16, v45;
	v16 =	vld.idx.msk [tilespmem:v18+s2+$0x0], $0xffff  }
0x3bc: {  	v18 =	vor.u32 $0x22, v4  }
0x3bd: {  	[tilespmem:v8+s13+$0x0] =	vst.idx.msk $0xffff, v7  }
0x3be: {  	v8 =	vor.u32 s18, v46;
	v7 =	vld.idx.msk [tilespmem:v9+s2+$0x0], $0xffff;
	[tilespmem:v11+s13+$0x0] =	vst.idx.msk $0xffff, v10  }
0x3bf: {  	v9 =	vor.u32 $0x23, v3;
	v11 =	vor.u32 s20, v46;
	[tilespmem:v14+s13+$0x0] =	vst.idx.msk $0xffff, v13;
	v10 =	vld.idx.msk [tilespmem:v12+s2+$0x0], $0xffff  }
0x3c0: {  	v14 =	vor.u32 s19, v46;
	v12 =	vor.u32 $0x23, v6;
	v13 =	vld.idx.msk [tilespmem:v15+s2+$0x0], $0xffff;
	[tilespmem:v17+s13+$0x0] =	vst.idx.msk $0xffff, v16  }
0x3c1: {  	v15 =	vor.u32 $0x23, v5;
	v17 =	vor.u32 s16, v46;
	v16 =	vld.idx.msk [tilespmem:v18+s2+$0x0], $0xffff  }
0x3c2: {  	v18 =	vor.u32 $0x23, v4  }
0x3c3: {  	[tilespmem:v8+s13+$0x0] =	vst.idx.msk $0xffff, v7  }
0x3c4: {  	v8 =	vor.u32 s18, v47;
	v7 =	vld.idx.msk [tilespmem:v9+s2+$0x0], $0xffff;
	[tilespmem:v11+s13+$0x0] =	vst.idx.msk $0xffff, v10  }
0x3c5: {  	v9 =	vor.u32 $0x24, v3;
	v11 =	vor.u32 s20, v47;
	[tilespmem:v14+s13+$0x0] =	vst.idx.msk $0xffff, v13;
	v10 =	vld.idx.msk [tilespmem:v12+s2+$0x0], $0xffff  }
0x3c6: {  	v14 =	vor.u32 s19, v47;
	v12 =	vor.u32 $0x24, v6;
	v13 =	vld.idx.msk [tilespmem:v15+s2+$0x0], $0xffff;
	[tilespmem:v17+s13+$0x0] =	vst.idx.msk $0xffff, v16  }
0x3c7: {  	v15 =	vor.u32 $0x24, v5;
	v17 =	vor.u32 s16, v47;
	v16 =	vld.idx.msk [tilespmem:v18+s2+$0x0], $0xffff  }
0x3c8: {  	v18 =	vor.u32 $0x24, v4  }
0x3c9: {  	[tilespmem:v8+s13+$0x0] =	vst.idx.msk $0xffff, v7  }
0x3ca: {  	v8 =	vor.u32 s18, v48;
	v7 =	vld.idx.msk [tilespmem:v9+s2+$0x0], $0xffff;
	[tilespmem:v11+s13+$0x0] =	vst.idx.msk $0xffff, v10  }
0x3cb: {  	v9 =	vor.u32 $0x25, v3;
	v11 =	vor.u32 s20, v48;
	[tilespmem:v14+s13+$0x0] =	vst.idx.msk $0xffff, v13;
	v10 =	vld.idx.msk [tilespmem:v12+s2+$0x0], $0xffff  }
0x3cc: {  	v14 =	vor.u32 s19, v48;
	v12 =	vor.u32 $0x25, v6;
	v13 =	vld.idx.msk [tilespmem:v15+s2+$0x0], $0xffff;
	[tilespmem:v17+s13+$0x0] =	vst.idx.msk $0xffff, v16  }
0x3cd: {  	v15 =	vor.u32 $0x25, v5;
	v17 =	vor.u32 s16, v48;
	v16 =	vld.idx.msk [tilespmem:v18+s2+$0x0], $0xffff  }
0x3ce: {  	v18 =	vor.u32 $0x25, v4  }
0x3cf: {  	[tilespmem:v8+s13+$0x0] =	vst.idx.msk $0xffff, v7  }
0x3d0: {  	v8 =	vor.u32 s18, v49;
	v7 =	vld.idx.msk [tilespmem:v9+s2+$0x0], $0xffff;
	[tilespmem:v11+s13+$0x0] =	vst.idx.msk $0xffff, v10  }
0x3d1: {  	v9 =	vor.u32 $0x26, v3;
	v11 =	vor.u32 s20, v49;
	[tilespmem:v14+s13+$0x0] =	vst.idx.msk $0xffff, v13;
	v10 =	vld.idx.msk [tilespmem:v12+s2+$0x0], $0xffff  }
0x3d2: {  	v14 =	vor.u32 s19, v49;
	v12 =	vor.u32 $0x26, v6;
	v13 =	vld.idx.msk [tilespmem:v15+s2+$0x0], $0xffff;
	[tilespmem:v17+s13+$0x0] =	vst.idx.msk $0xffff, v16  }
0x3d3: {  	v15 =	vor.u32 $0x26, v5;
	v17 =	vor.u32 s16, v49;
	v16 =	vld.idx.msk [tilespmem:v18+s2+$0x0], $0xffff  }
0x3d4: {  	v18 =	vor.u32 $0x26, v4  }
0x3d5: {  	[tilespmem:v8+s13+$0x0] =	vst.idx.msk $0xffff, v7  }
0x3d6: {  	v8 =	vor.u32 s18, v50;
	v7 =	vld.idx.msk [tilespmem:v9+s2+$0x0], $0xffff;
	[tilespmem:v11+s13+$0x0] =	vst.idx.msk $0xffff, v10  }
0x3d7: {  	v9 =	vor.u32 $0x27, v3;
	v11 =	vor.u32 s20, v50;
	[tilespmem:v14+s13+$0x0] =	vst.idx.msk $0xffff, v13;
	v10 =	vld.idx.msk [tilespmem:v12+s2+$0x0], $0xffff  }
0x3d8: {  	v14 =	vor.u32 s19, v50;
	v12 =	vor.u32 $0x27, v6;
	v13 =	vld.idx.msk [tilespmem:v15+s2+$0x0], $0xffff;
	[tilespmem:v17+s13+$0x0] =	vst.idx.msk $0xffff, v16  }
0x3d9: {  	v15 =	vor.u32 $0x27, v5;
	v17 =	vor.u32 s16, v50;
	v16 =	vld.idx.msk [tilespmem:v18+s2+$0x0], $0xffff  }
0x3da: {  	v18 =	vor.u32 $0x27, v4  }
0x3db: {  	[tilespmem:v8+s13+$0x0] =	vst.idx.msk $0xffff, v7  }
0x3dc: {  	v8 =	vor.u32 s18, v51;
	v7 =	vld.idx.msk [tilespmem:v9+s2+$0x0], $0xffff;
	[tilespmem:v11+s13+$0x0] =	vst.idx.msk $0xffff, v10  }
0x3dd: {  	v9 =	vor.u32 $0x28, v3;
	v11 =	vor.u32 s20, v51;
	[tilespmem:v14+s13+$0x0] =	vst.idx.msk $0xffff, v13;
	v10 =	vld.idx.msk [tilespmem:v12+s2+$0x0], $0xffff  }
0x3de: {  	v14 =	vor.u32 s19, v51;
	v12 =	vor.u32 $0x28, v6;
	v13 =	vld.idx.msk [tilespmem:v15+s2+$0x0], $0xffff;
	[tilespmem:v17+s13+$0x0] =	vst.idx.msk $0xffff, v16  }
0x3df: {  	v15 =	vor.u32 $0x28, v5;
	v17 =	vor.u32 s16, v51;
	v16 =	vld.idx.msk [tilespmem:v18+s2+$0x0], $0xffff  }
0x3e0: {  	v18 =	vor.u32 $0x28, v4  }
0x3e1: {  	[tilespmem:v8+s13+$0x0] =	vst.idx.msk $0xffff, v7  }
0x3e2: {  	v8 =	vor.u32 s18, v52;
	v7 =	vld.idx.msk [tilespmem:v9+s2+$0x0], $0xffff;
	[tilespmem:v11+s13+$0x0] =	vst.idx.msk $0xffff, v10  }
0x3e3: {  	v9 =	vor.u32 $0x29, v3;
	v11 =	vor.u32 s20, v52;
	[tilespmem:v14+s13+$0x0] =	vst.idx.msk $0xffff, v13;
	v10 =	vld.idx.msk [tilespmem:v12+s2+$0x0], $0xffff  }
0x3e4: {  	v14 =	vor.u32 s19, v52;
	v12 =	vor.u32 $0x29, v6;
	v13 =	vld.idx.msk [tilespmem:v15+s2+$0x0], $0xffff;
	[tilespmem:v17+s13+$0x0] =	vst.idx.msk $0xffff, v16  }
0x3e5: {  	v15 =	vor.u32 $0x29, v5;
	v17 =	vor.u32 s16, v52;
	v16 =	vld.idx.msk [tilespmem:v18+s2+$0x0], $0xffff  }
0x3e6: {  	v18 =	vor.u32 $0x29, v4  }
0x3e7: {  	[tilespmem:v8+s13+$0x0] =	vst.idx.msk $0xffff, v7  }
0x3e8: {  	v8 =	vor.u32 s18, v53;
	v7 =	vld.idx.msk [tilespmem:v9+s2+$0x0], $0xffff;
	[tilespmem:v11+s13+$0x0] =	vst.idx.msk $0xffff, v10  }
0x3e9: {  	v9 =	vor.u32 $0x2A, v3;
	v11 =	vor.u32 s20, v53;
	[tilespmem:v14+s13+$0x0] =	vst.idx.msk $0xffff, v13;
	v10 =	vld.idx.msk [tilespmem:v12+s2+$0x0], $0xffff  }
0x3ea: {  	v14 =	vor.u32 s19, v53;
	v12 =	vor.u32 $0x2A, v6;
	v13 =	vld.idx.msk [tilespmem:v15+s2+$0x0], $0xffff;
	[tilespmem:v17+s13+$0x0] =	vst.idx.msk $0xffff, v16  }
0x3eb: {  	v15 =	vor.u32 $0x2A, v5;
	v17 =	vor.u32 s16, v53;
	v16 =	vld.idx.msk [tilespmem:v18+s2+$0x0], $0xffff  }
0x3ec: {  	v18 =	vor.u32 $0x2A, v4  }
0x3ed: {  	[tilespmem:v8+s13+$0x0] =	vst.idx.msk $0xffff, v7  }
0x3ee: {  	v8 =	vor.u32 s18, v54;
	v7 =	vld.idx.msk [tilespmem:v9+s2+$0x0], $0xffff;
	[tilespmem:v11+s13+$0x0] =	vst.idx.msk $0xffff, v10  }
0x3ef: {  	v9 =	vor.u32 $0x2B, v3;
	v11 =	vor.u32 s20, v54;
	[tilespmem:v14+s13+$0x0] =	vst.idx.msk $0xffff, v13;
	v10 =	vld.idx.msk [tilespmem:v12+s2+$0x0], $0xffff  }
0x3f0: {  	v14 =	vor.u32 s19, v54;
	v12 =	vor.u32 $0x2B, v6;
	v13 =	vld.idx.msk [tilespmem:v15+s2+$0x0], $0xffff;
	[tilespmem:v17+s13+$0x0] =	vst.idx.msk $0xffff, v16  }
0x3f1: {  	v15 =	vor.u32 $0x2B, v5;
	v17 =	vor.u32 s16, v54;
	v16 =	vld.idx.msk [tilespmem:v18+s2+$0x0], $0xffff  }
0x3f2: {  	v18 =	vor.u32 $0x2B, v4  }
0x3f3: {  	[tilespmem:v8+s13+$0x0] =	vst.idx.msk $0xffff, v7  }
0x3f4: {  	v8 =	vor.u32 s18, v55;
	v7 =	vld.idx.msk [tilespmem:v9+s2+$0x0], $0xffff;
	[tilespmem:v11+s13+$0x0] =	vst.idx.msk $0xffff, v10  }
0x3f5: {  	v9 =	vor.u32 $0x2C, v3;
	v11 =	vor.u32 s20, v55;
	[tilespmem:v14+s13+$0x0] =	vst.idx.msk $0xffff, v13;
	v10 =	vld.idx.msk [tilespmem:v12+s2+$0x0], $0xffff  }
0x3f6: {  	v14 =	vor.u32 s19, v55;
	v12 =	vor.u32 $0x2C, v6;
	v13 =	vld.idx.msk [tilespmem:v15+s2+$0x0], $0xffff;
	[tilespmem:v17+s13+$0x0] =	vst.idx.msk $0xffff, v16  }
0x3f7: {  	v15 =	vor.u32 $0x2C, v5;
	v17 =	vor.u32 s16, v55;
	v16 =	vld.idx.msk [tilespmem:v18+s2+$0x0], $0xffff  }
0x3f8: {  	v18 =	vor.u32 $0x2C, v4  }
0x3f9: {  	[tilespmem:v8+s13+$0x0] =	vst.idx.msk $0xffff, v7  }
0x3fa: {  	v8 =	vor.u32 s18, v56;
	v7 =	vld.idx.msk [tilespmem:v9+s2+$0x0], $0xffff;
	[tilespmem:v11+s13+$0x0] =	vst.idx.msk $0xffff, v10  }
0x3fb: {  	v9 =	vor.u32 $0x2D, v3;
	v11 =	vor.u32 s20, v56;
	[tilespmem:v14+s13+$0x0] =	vst.idx.msk $0xffff, v13;
	v10 =	vld.idx.msk [tilespmem:v12+s2+$0x0], $0xffff  }
0x3fc: {  	v14 =	vor.u32 s19, v56;
	v12 =	vor.u32 $0x2D, v6;
	v13 =	vld.idx.msk [tilespmem:v15+s2+$0x0], $0xffff;
	[tilespmem:v17+s13+$0x0] =	vst.idx.msk $0xffff, v16  }
0x3fd: {  	v15 =	vor.u32 $0x2D, v5;
	v17 =	vor.u32 s16, v56;
	v16 =	vld.idx.msk [tilespmem:v18+s2+$0x0], $0xffff  }
0x3fe: {  	v18 =	vor.u32 $0x2D, v4  }
0x3ff: {  	[tilespmem:v8+s13+$0x0] =	vst.idx.msk $0xffff, v7  }
0x400: {  	v8 =	vor.u32 s18, v57;
	v7 =	vld.idx.msk [tilespmem:v9+s2+$0x0], $0xffff;
	[tilespmem:v11+s13+$0x0] =	vst.idx.msk $0xffff, v10  }
0x401: {  	v9 =	vor.u32 $0x2E, v3;
	v11 =	vor.u32 s20, v57;
	[tilespmem:v14+s13+$0x0] =	vst.idx.msk $0xffff, v13;
	v10 =	vld.idx.msk [tilespmem:v12+s2+$0x0], $0xffff  }
0x402: {  	v14 =	vor.u32 s19, v57;
	v12 =	vor.u32 $0x2E, v6;
	v13 =	vld.idx.msk [tilespmem:v15+s2+$0x0], $0xffff;
	[tilespmem:v17+s13+$0x0] =	vst.idx.msk $0xffff, v16  }
0x403: {  	v15 =	vor.u32 $0x2E, v5;
	v17 =	vor.u32 s16, v57;
	v16 =	vld.idx.msk [tilespmem:v18+s2+$0x0], $0xffff  }
0x404: {  	v18 =	vor.u32 $0x2E, v4  }
0x405: {  	[tilespmem:v8+s13+$0x0] =	vst.idx.msk $0xffff, v7  }
0x406: {  	v8 =	vor.u32 s18, v58;
	v7 =	vld.idx.msk [tilespmem:v9+s2+$0x0], $0xffff;
	[tilespmem:v11+s13+$0x0] =	vst.idx.msk $0xffff, v10  }
0x407: {  	v9 =	vor.u32 $0x2F, v3;
	v11 =	vor.u32 s20, v58;
	[tilespmem:v14+s13+$0x0] =	vst.idx.msk $0xffff, v13;
	v10 =	vld.idx.msk [tilespmem:v12+s2+$0x0], $0xffff  }
0x408: {  	v14 =	vor.u32 s19, v58;
	v12 =	vor.u32 $0x2F, v6;
	v13 =	vld.idx.msk [tilespmem:v15+s2+$0x0], $0xffff;
	[tilespmem:v17+s13+$0x0] =	vst.idx.msk $0xffff, v16  }
0x409: {  	v15 =	vor.u32 $0x2F, v5;
	v17 =	vor.u32 s16, v58;
	v16 =	vld.idx.msk [tilespmem:v18+s2+$0x0], $0xffff  }
0x40a: {  	v18 =	vor.u32 $0x2F, v4  }
0x40b: {  	[tilespmem:v8+s13+$0x0] =	vst.idx.msk $0xffff, v7  }
0x40c: {  	v8 =	vor.u32 s18, v59;
	v7 =	vld.idx.msk [tilespmem:v9+s2+$0x0], $0xffff;
	[tilespmem:v11+s13+$0x0] =	vst.idx.msk $0xffff, v10  }
0x40d: {  	v9 =	vor.u32 $0x30, v3;
	v11 =	vor.u32 s20, v59;
	[tilespmem:v14+s13+$0x0] =	vst.idx.msk $0xffff, v13;
	v10 =	vld.idx.msk [tilespmem:v12+s2+$0x0], $0xffff  }
0x40e: {  	v14 =	vor.u32 s19, v59;
	v12 =	vor.u32 $0x30, v6;
	v13 =	vld.idx.msk [tilespmem:v15+s2+$0x0], $0xffff;
	[tilespmem:v17+s13+$0x0] =	vst.idx.msk $0xffff, v16  }
0x40f: {  	v15 =	vor.u32 $0x30, v5;
	v17 =	vor.u32 s16, v59;
	v16 =	vld.idx.msk [tilespmem:v18+s2+$0x0], $0xffff  }
0x410: {  	v18 =	vor.u32 $0x30, v4  }
0x411: {  	[tilespmem:v8+s13+$0x0] =	vst.idx.msk $0xffff, v7  }
0x412: {  	v8 =	vor.u32 s18, v60;
	v7 =	vld.idx.msk [tilespmem:v9+s2+$0x0], $0xffff;
	[tilespmem:v11+s13+$0x0] =	vst.idx.msk $0xffff, v10  }
0x413: {  	v9 =	vor.u32 $0x31, v3;
	v11 =	vor.u32 s20, v60;
	[tilespmem:v14+s13+$0x0] =	vst.idx.msk $0xffff, v13;
	v10 =	vld.idx.msk [tilespmem:v12+s2+$0x0], $0xffff  }
0x414: {  	v14 =	vor.u32 s19, v60;
	v12 =	vor.u32 $0x31, v6;
	v13 =	vld.idx.msk [tilespmem:v15+s2+$0x0], $0xffff;
	[tilespmem:v17+s13+$0x0] =	vst.idx.msk $0xffff, v16  }
0x415: {  	v15 =	vor.u32 $0x31, v5;
	v17 =	vor.u32 s16, v60;
	v16 =	vld.idx.msk [tilespmem:v18+s2+$0x0], $0xffff  }
0x416: {  	v18 =	vor.u32 $0x31, v4  }
0x417: {  	[tilespmem:v8+s13+$0x0] =	vst.idx.msk $0xffff, v7  }
0x418: {  	v8 =	vor.u32 s18, v61;
	v7 =	vld.idx.msk [tilespmem:v9+s2+$0x0], $0xffff;
	[tilespmem:v11+s13+$0x0] =	vst.idx.msk $0xffff, v10  }
0x419: {  	v9 =	vor.u32 $0x32, v3;
	v11 =	vor.u32 s20, v61;
	[tilespmem:v14+s13+$0x0] =	vst.idx.msk $0xffff, v13;
	v10 =	vld.idx.msk [tilespmem:v12+s2+$0x0], $0xffff  }
0x41a: {  	v14 =	vor.u32 s19, v61;
	v12 =	vor.u32 $0x32, v6;
	v13 =	vld.idx.msk [tilespmem:v15+s2+$0x0], $0xffff;
	[tilespmem:v17+s13+$0x0] =	vst.idx.msk $0xffff, v16  }
0x41b: {  	v15 =	vor.u32 $0x32, v5;
	v17 =	vor.u32 s16, v61;
	v16 =	vld.idx.msk [tilespmem:v18+s2+$0x0], $0xffff  }
0x41c: {  	v18 =	vor.u32 $0x32, v4  }
0x41d: {  	[tilespmem:v8+s13+$0x0] =	vst.idx.msk $0xffff, v7  }
0x41e: {  	v8 =	vor.u32 s18, v62;
	v7 =	vld.idx.msk [tilespmem:v9+s2+$0x0], $0xffff;
	[tilespmem:v11+s13+$0x0] =	vst.idx.msk $0xffff, v10  }
0x41f: {  	v9 =	vor.u32 $0x33, v3;
	v11 =	vor.u32 s20, v62;
	[tilespmem:v14+s13+$0x0] =	vst.idx.msk $0xffff, v13;
	v10 =	vld.idx.msk [tilespmem:v12+s2+$0x0], $0xffff  }
0x420: {  	v14 =	vor.u32 s19, v62;
	v12 =	vor.u32 $0x33, v6;
	v13 =	vld.idx.msk [tilespmem:v15+s2+$0x0], $0xffff;
	[tilespmem:v17+s13+$0x0] =	vst.idx.msk $0xffff, v16  }
0x421: {  	v15 =	vor.u32 $0x33, v5;
	v17 =	vor.u32 s16, v62;
	v16 =	vld.idx.msk [tilespmem:v18+s2+$0x0], $0xffff  }
0x422: {  	v18 =	vor.u32 $0x33, v4  }
0x423: {  	[tilespmem:v8+s13+$0x0] =	vst.idx.msk $0xffff, v7  }
0x424: {  	v8 =	vor.u32 s18, v25;
	v7 =	vld.idx.msk [tilespmem:v9+s2+$0x0], $0xffff;
	[tilespmem:v11+s13+$0x0] =	vst.idx.msk $0xffff, v10  }
0x425: {  	v9 =	vor.u32 $0x34, v3;
	v11 =	vor.u32 s20, v25;
	[tilespmem:v14+s13+$0x0] =	vst.idx.msk $0xffff, v13;
	v10 =	vld.idx.msk [tilespmem:v12+s2+$0x0], $0xffff  }
0x426: {  	v14 =	vor.u32 s19, v25;
	v12 =	vor.u32 $0x34, v6;
	v13 =	vld.idx.msk [tilespmem:v15+s2+$0x0], $0xffff;
	[tilespmem:v17+s13+$0x0] =	vst.idx.msk $0xffff, v16  }
0x427: {  	v15 =	vor.u32 $0x34, v5;
	v17 =	vor.u32 s16, v25;
	v16 =	vld.idx.msk [tilespmem:v18+s2+$0x0], $0xffff  }
0x428: {  	v18 =	vor.u32 $0x34, v4  }
0x429: {  	[tilespmem:v8+s13+$0x0] =	vst.idx.msk $0xffff, v7  }
0x42a: {  	v8 =	vor.u32 s18, v26;
	v7 =	vld.idx.msk [tilespmem:v9+s2+$0x0], $0xffff;
	[tilespmem:v11+s13+$0x0] =	vst.idx.msk $0xffff, v10  }
0x42b: {  	v9 =	vor.u32 $0x35, v3;
	v11 =	vor.u32 s20, v26;
	[tilespmem:v14+s13+$0x0] =	vst.idx.msk $0xffff, v13;
	v10 =	vld.idx.msk [tilespmem:v12+s2+$0x0], $0xffff  }
0x42c: {  	v14 =	vor.u32 s19, v26;
	v12 =	vor.u32 $0x35, v6;
	v13 =	vld.idx.msk [tilespmem:v15+s2+$0x0], $0xffff;
	[tilespmem:v17+s13+$0x0] =	vst.idx.msk $0xffff, v16  }
0x42d: {  	v15 =	vor.u32 $0x35, v5;
	v17 =	vor.u32 s16, v26;
	v16 =	vld.idx.msk [tilespmem:v18+s2+$0x0], $0xffff  }
0x42e: {  	v18 =	vor.u32 $0x35, v4  }
0x42f: {  	[tilespmem:v8+s13+$0x0] =	vst.idx.msk $0xffff, v7  }
0x430: {  	v8 =	vor.u32 s18, v27;
	v7 =	vld.idx.msk [tilespmem:v9+s2+$0x0], $0xffff;
	[tilespmem:v11+s13+$0x0] =	vst.idx.msk $0xffff, v10  }
0x431: {  	v9 =	vor.u32 $0x36, v3;
	v11 =	vor.u32 s20, v27;
	[tilespmem:v14+s13+$0x0] =	vst.idx.msk $0xffff, v13;
	v10 =	vld.idx.msk [tilespmem:v12+s2+$0x0], $0xffff  }
0x432: {  	v14 =	vor.u32 s19, v27;
	v12 =	vor.u32 $0x36, v6;
	v13 =	vld.idx.msk [tilespmem:v15+s2+$0x0], $0xffff;
	[tilespmem:v17+s13+$0x0] =	vst.idx.msk $0xffff, v16  }
0x433: {  	v15 =	vor.u32 $0x36, v5;
	v17 =	vor.u32 s16, v27;
	v16 =	vld.idx.msk [tilespmem:v18+s2+$0x0], $0xffff  }
0x434: {  	v18 =	vor.u32 $0x36, v4  }
0x435: {  	[tilespmem:v8+s13+$0x0] =	vst.idx.msk $0xffff, v7  }
0x436: {  	v8 =	vor.u32 s18, v28;
	v7 =	vld.idx.msk [tilespmem:v9+s2+$0x0], $0xffff;
	[tilespmem:v11+s13+$0x0] =	vst.idx.msk $0xffff, v10  }
0x437: {  	v9 =	vor.u32 $0x37, v3;
	v11 =	vor.u32 s20, v28;
	[tilespmem:v14+s13+$0x0] =	vst.idx.msk $0xffff, v13;
	v10 =	vld.idx.msk [tilespmem:v12+s2+$0x0], $0xffff  }
0x438: {  	v14 =	vor.u32 s19, v28;
	v12 =	vor.u32 $0x37, v6;
	v13 =	vld.idx.msk [tilespmem:v15+s2+$0x0], $0xffff;
	[tilespmem:v17+s13+$0x0] =	vst.idx.msk $0xffff, v16  }
0x439: {  	v15 =	vor.u32 $0x37, v5;
	v17 =	vor.u32 s16, v28;
	v16 =	vld.idx.msk [tilespmem:v18+s2+$0x0], $0xffff  }
0x43a: {  	v18 =	vor.u32 $0x37, v4  }
0x43b: {  	[tilespmem:v8+s13+$0x0] =	vst.idx.msk $0xffff, v7  }
0x43c: {  	v8 =	vor.u32 s18, v29;
	v7 =	vld.idx.msk [tilespmem:v9+s2+$0x0], $0xffff;
	[tilespmem:v11+s13+$0x0] =	vst.idx.msk $0xffff, v10  }
0x43d: {  	v9 =	vor.u32 $0x38, v3;
	v11 =	vor.u32 s20, v29;
	[tilespmem:v14+s13+$0x0] =	vst.idx.msk $0xffff, v13;
	v10 =	vld.idx.msk [tilespmem:v12+s2+$0x0], $0xffff  }
0x43e: {  	v14 =	vor.u32 s19, v29;
	v12 =	vor.u32 $0x38, v6;
	v13 =	vld.idx.msk [tilespmem:v15+s2+$0x0], $0xffff;
	[tilespmem:v17+s13+$0x0] =	vst.idx.msk $0xffff, v16  }
0x43f: {  	v15 =	vor.u32 $0x38, v5;
	v17 =	vor.u32 s16, v29;
	v16 =	vld.idx.msk [tilespmem:v18+s2+$0x0], $0xffff  }
0x440: {  	v18 =	vor.u32 $0x38, v4  }
0x441: {  	[tilespmem:v8+s13+$0x0] =	vst.idx.msk $0xffff, v7  }
0x442: {  	v8 =	vor.u32 s18, v30;
	v7 =	vld.idx.msk [tilespmem:v9+s2+$0x0], $0xffff;
	[tilespmem:v11+s13+$0x0] =	vst.idx.msk $0xffff, v10  }
0x443: {  	v9 =	vor.u32 $0x39, v3;
	v11 =	vor.u32 s20, v30;
	[tilespmem:v14+s13+$0x0] =	vst.idx.msk $0xffff, v13;
	v10 =	vld.idx.msk [tilespmem:v12+s2+$0x0], $0xffff  }
0x444: {  	v14 =	vor.u32 s19, v30;
	v12 =	vor.u32 $0x39, v6;
	v13 =	vld.idx.msk [tilespmem:v15+s2+$0x0], $0xffff;
	[tilespmem:v17+s13+$0x0] =	vst.idx.msk $0xffff, v16  }
0x445: {  	v15 =	vor.u32 $0x39, v5;
	v17 =	vor.u32 s16, v30;
	v16 =	vld.idx.msk [tilespmem:v18+s2+$0x0], $0xffff  }
0x446: {  	v18 =	vor.u32 $0x39, v4  }
0x447: {  	[tilespmem:v8+s13+$0x0] =	vst.idx.msk $0xffff, v7  }
0x448: {  	v8 =	vor.u32 s18, v31;
	v7 =	vld.idx.msk [tilespmem:v9+s2+$0x0], $0xffff;
	[tilespmem:v11+s13+$0x0] =	vst.idx.msk $0xffff, v10  }
0x449: {  	v9 =	vor.u32 $0x3A, v3;
	v11 =	vor.u32 s20, v31;
	[tilespmem:v14+s13+$0x0] =	vst.idx.msk $0xffff, v13;
	v10 =	vld.idx.msk [tilespmem:v12+s2+$0x0], $0xffff  }
0x44a: {  	v14 =	vor.u32 s19, v31;
	v12 =	vor.u32 $0x3A, v6;
	v13 =	vld.idx.msk [tilespmem:v15+s2+$0x0], $0xffff;
	[tilespmem:v17+s13+$0x0] =	vst.idx.msk $0xffff, v16  }
0x44b: {  	v15 =	vor.u32 $0x3A, v5;
	v17 =	vor.u32 s16, v31;
	v16 =	vld.idx.msk [tilespmem:v18+s2+$0x0], $0xffff  }
0x44c: {  	v18 =	vor.u32 $0x3A, v4  }
0x44d: {  	[tilespmem:v8+s13+$0x0] =	vst.idx.msk $0xffff, v7  }
0x44e: {  	v8 =	vor.u32 s18, v32;
	v7 =	vld.idx.msk [tilespmem:v9+s2+$0x0], $0xffff;
	[tilespmem:v11+s13+$0x0] =	vst.idx.msk $0xffff, v10  }
0x44f: {  	v9 =	vor.u32 $0x3B, v3;
	v11 =	vor.u32 s20, v32;
	[tilespmem:v14+s13+$0x0] =	vst.idx.msk $0xffff, v13;
	v10 =	vld.idx.msk [tilespmem:v12+s2+$0x0], $0xffff  }
0x450: {  	v14 =	vor.u32 s19, v32;
	v12 =	vor.u32 $0x3B, v6;
	v13 =	vld.idx.msk [tilespmem:v15+s2+$0x0], $0xffff;
	[tilespmem:v17+s13+$0x0] =	vst.idx.msk $0xffff, v16  }
0x451: {  	v15 =	vor.u32 $0x3B, v5;
	v17 =	vor.u32 s16, v32;
	v16 =	vld.idx.msk [tilespmem:v18+s2+$0x0], $0xffff  }
0x452: {  	v18 =	vor.u32 $0x3B, v4  }
0x453: {  	[tilespmem:v8+s13+$0x0] =	vst.idx.msk $0xffff, v7  }
0x454: {  	v8 =	vor.u32 s18, v33;
	v7 =	vld.idx.msk [tilespmem:v9+s2+$0x0], $0xffff;
	[tilespmem:v11+s13+$0x0] =	vst.idx.msk $0xffff, v10  }
0x455: {  	v9 =	vor.u32 $0x3C, v3;
	v11 =	vor.u32 s20, v33;
	[tilespmem:v14+s13+$0x0] =	vst.idx.msk $0xffff, v13;
	v10 =	vld.idx.msk [tilespmem:v12+s2+$0x0], $0xffff  }
0x456: {  	v14 =	vor.u32 s19, v33;
	v12 =	vor.u32 $0x3C, v6;
	v13 =	vld.idx.msk [tilespmem:v15+s2+$0x0], $0xffff;
	[tilespmem:v17+s13+$0x0] =	vst.idx.msk $0xffff, v16  }
0x457: {  	v15 =	vor.u32 $0x3C, v5;
	v17 =	vor.u32 s16, v33;
	v16 =	vld.idx.msk [tilespmem:v18+s2+$0x0], $0xffff  }
0x458: {  	v18 =	vor.u32 $0x3C, v4  }
0x459: {  	[tilespmem:v8+s13+$0x0] =	vst.idx.msk $0xffff, v7  }
0x45a: {  	v8 =	vor.u32 s18, v34;
	v7 =	vld.idx.msk [tilespmem:v9+s2+$0x0], $0xffff;
	[tilespmem:v11+s13+$0x0] =	vst.idx.msk $0xffff, v10  }
0x45b: {  	v9 =	vor.u32 $0x3D, v3;
	v11 =	vor.u32 s20, v34;
	[tilespmem:v14+s13+$0x0] =	vst.idx.msk $0xffff, v13;
	v10 =	vld.idx.msk [tilespmem:v12+s2+$0x0], $0xffff  }
0x45c: {  	v14 =	vor.u32 s19, v34;
	v12 =	vor.u32 $0x3D, v6;
	v13 =	vld.idx.msk [tilespmem:v15+s2+$0x0], $0xffff;
	[tilespmem:v17+s13+$0x0] =	vst.idx.msk $0xffff, v16  }
0x45d: {  	v15 =	vor.u32 $0x3D, v5;
	v17 =	vor.u32 s16, v34;
	v16 =	vld.idx.msk [tilespmem:v18+s2+$0x0], $0xffff  }
0x45e: {  	v18 =	vor.u32 $0x3D, v4  }
0x45f: {  	[tilespmem:v8+s13+$0x0] =	vst.idx.msk $0xffff, v7  }
0x460: {  	v8 =	vor.u32 s18, v0;
	v7 =	vld.idx.msk [tilespmem:v9+s2+$0x0], $0xffff;
	[tilespmem:v11+s13+$0x0] =	vst.idx.msk $0xffff, v10  }
0x461: {  	v9 =	vor.u32 $0x3E, v3;
	v11 =	vor.u32 s20, v0;
	[tilespmem:v14+s13+$0x0] =	vst.idx.msk $0xffff, v13;
	v10 =	vld.idx.msk [tilespmem:v12+s2+$0x0], $0xffff  }
0x462: {  	v14 =	vor.u32 s19, v0;
	v12 =	vor.u32 $0x3E, v6;
	v13 =	vld.idx.msk [tilespmem:v15+s2+$0x0], $0xffff;
	[tilespmem:v17+s13+$0x0] =	vst.idx.msk $0xffff, v16  }
0x463: {  	v15 =	vor.u32 $0x3E, v5;
	v17 =	vor.u32 s16, v0;
	v16 =	vld.idx.msk [tilespmem:v18+s2+$0x0], $0xffff  }
0x464: {  	v18 =	vor.u32 $0x3E, v4  }
0x465: {  	[tilespmem:v8+s13+$0x0] =	vst.idx.msk $0xffff, v7  }
0x466: {  	v8 =	vor.u32 s18, v2;
	[tilespmem:v11+s13+$0x0] =	vst.idx.msk $0xffff, v10;
	v7 =	vld.idx.msk [tilespmem:v9+s2+$0x0], $0xffff  }
0x467: {  	v3 =	vor.u32 $0x3F, v3;
	[tilespmem:v14+s13+$0x0] =	vst.idx.msk $0xffff, v13;
	v10 =	vor.u32 s20, v2;
	v9 =	vld.idx.msk [tilespmem:v12+s2+$0x0], $0xffff  }
0x468: {  	v6 =	vor.u32 $0x3F, v6;
	v11 =	vld.idx.msk [tilespmem:v15+s2+$0x0], $0xffff;
	[tilespmem:v17+s13+$0x0] =	vst.idx.msk $0xffff, v16;
	v12 =	vor.u32 s19, v2  }
0x469: {  	v5 =	vor.u32 $0x3F, v5;
	v14 =	vor.u32 s16, v2;
	v13 =	vld.idx.msk [tilespmem:v18+s2+$0x0], $0xffff  }
0x46a: {  	v4 =	vor.u32 $0x3F, v4  }
0x46b: {  	v15 =	vld [tilespmem:$0x1FFF0];
	[tilespmem:v8+s13+$0x0] =	vst.idx.msk $0xffff, v7  }
0x46c: {  	v7 =	vor.u32 s18, v63;
	[tilespmem:v10+s13+$0x0] =	vst.idx.msk $0xffff, v9;
	v3 =	vld.idx.msk [tilespmem:v3+s2+$0x0], $0xffff  }
0x46d: {  	v8 =	vor.u32 s20, v63;
	[tilespmem:v12+s13+$0x0] =	vst.idx.msk $0xffff, v11;
	v6 =	vld.idx.msk [tilespmem:v6+s2+$0x0], $0xffff  }
0x46e: {  	s15 =	sadd.s32 $0x4, s15;
	v9 =	vor.u32 s19, v63;
	v5 =	vld.idx.msk [tilespmem:v5+s2+$0x0], $0xffff;
	[tilespmem:v14+s13+$0x0] =	vst.idx.msk $0xffff, v13  }
0x46f: {  	p0 =	slt.u32 s15, $0x3C;
	v10 =	vor.u32 s16, v63;
	v4 =	vld.idx.msk [tilespmem:v4+s2+$0x0], $0xffff  }
.Ltmp2:
0x470: {  	v17 =	vld [tilespmem:$0x1FCA0];
	(pc) =	sbr.rel @p0 .LBB2_5-.Ltmp2, $4  }
0x471: {  	v16 =	vld [tilespmem:$0x1FFC0];
	[tilespmem:v7+s13+$0x0] =	vst.idx.msk $0xffff, v3  }
0x472: {  	v18 =	vld [tilespmem:$0x1FFB0];
	[tilespmem:v8+s13+$0x0] =	vst.idx.msk $0xffff, v6  }
0x473: {  	s17 =	sadd.s32 $0x40, s17;
	v12 =	vmov v24;
	v14 =	vld [tilespmem:$0x1FFE0];
	[tilespmem:v9+s13+$0x0] =	vst.idx.msk $0xffff, v5  }
0x474: {  	s18 =	simm.s32 $0x10000;
	v11 =	vmovc v23;
	s16 =	sadd.s32 $0x1000, s16;
	s19 =	simm.s32 $0x8A20;
	v13 =	vld [tilespmem:$0x1FFD0];
	v7 =	vmovc v19;
	v8 =	vmov v20;
	v9 =	vmov v21;
	[tilespmem:v10+s13+$0x0] =	vst.idx.msk $0xffff, v4;
	v10 =	vmov v22  }
.LBB2_6:
0x475: {  	v3 =	vld [tilespmem:s19+$0x0];
	_ =	sdelay $0x4  }
0x476: {  	v6 =	vld [tilespmem:$0x1FC70];
	v3 =	vshll.u32 v3, $0x6;
	_ =	sdelay $0x3  }
0x477: {  	v4 =	vor.u32 s18, v1  }
0x478: {  	v4 =	vand.u32 v6, v4;
	v5 =	vld.idx.msk [tilespmem:v3+s2+$0x0], $0xffff  }
0x479: {  	v6 =	vor.u32 $0x1, v3;
	_ =	sdelay $0x3  }
0x47a: {  	[tilespmem:v4+s13+$0x0] =	vst.idx.msk $0xffff, v5  }
0x47b: {  	v5 =	vor.u32 s18, v18;
	v4 =	vld.idx.msk [tilespmem:v6+s2+$0x0], $0xffff  }
0x47c: {  	v6 =	vor.u32 $0x2, v3;
	_ =	sdelay $0x3  }
0x47d: {  	[tilespmem:v5+s13+$0x0] =	vst.idx.msk $0xffff, v4  }
0x47e: {  	v5 =	vor.u32 s18, v16;
	v4 =	vld.idx.msk [tilespmem:v6+s2+$0x0], $0xffff  }
0x47f: {  	v6 =	vor.u32 $0x3, v3;
	_ =	sdelay $0x3  }
0x480: {  	[tilespmem:v5+s13+$0x0] =	vst.idx.msk $0xffff, v4  }
0x481: {  	v5 =	vor.u32 s18, v13;
	v4 =	vld.idx.msk [tilespmem:v6+s2+$0x0], $0xffff  }
0x482: {  	v6 =	vor.u32 $0x4, v3;
	_ =	sdelay $0x3  }
0x483: {  	[tilespmem:v5+s13+$0x0] =	vst.idx.msk $0xffff, v4  }
0x484: {  	v5 =	vor.u32 s18, v14;
	v4 =	vld.idx.msk [tilespmem:v6+s2+$0x0], $0xffff  }
0x485: {  	v6 =	vor.u32 $0x5, v3;
	_ =	sdelay $0x3  }
0x486: {  	[tilespmem:v5+s13+$0x0] =	vst.idx.msk $0xffff, v4  }
0x487: {  	v5 =	vor.u32 s18, v15;
	v4 =	vld.idx.msk [tilespmem:v6+s2+$0x0], $0xffff  }
0x488: {  	v6 =	vor.u32 $0x6, v3;
	_ =	sdelay $0x3  }
0x489: {  	[tilespmem:v5+s13+$0x0] =	vst.idx.msk $0xffff, v4  }
0x48a: {  	v5 =	vor.u32 s18, v17;
	v4 =	vld.idx.msk [tilespmem:v6+s2+$0x0], $0xffff  }
0x48b: {  	v6 =	vor.u32 $0x7, v3;
	_ =	sdelay $0x3  }
0x48c: {  	[tilespmem:v5+s13+$0x0] =	vst.idx.msk $0xffff, v4  }
0x48d: {  	v5 =	vor.u32 s18, v7;
	v4 =	vld.idx.msk [tilespmem:v6+s2+$0x0], $0xffff  }
0x48e: {  	v6 =	vor.u32 $0x8, v3;
	_ =	sdelay $0x3  }
0x48f: {  	[tilespmem:v5+s13+$0x0] =	vst.idx.msk $0xffff, v4  }
0x490: {  	v5 =	vor.u32 s18, v8;
	v4 =	vld.idx.msk [tilespmem:v6+s2+$0x0], $0xffff  }
0x491: {  	v6 =	vor.u32 $0x9, v3;
	_ =	sdelay $0x3  }
0x492: {  	[tilespmem:v5+s13+$0x0] =	vst.idx.msk $0xffff, v4  }
0x493: {  	v5 =	vor.u32 s18, v9;
	v4 =	vld.idx.msk [tilespmem:v6+s2+$0x0], $0xffff  }
0x494: {  	v6 =	vor.u32 $0xA, v3;
	_ =	sdelay $0x3  }
0x495: {  	[tilespmem:v5+s13+$0x0] =	vst.idx.msk $0xffff, v4  }
0x496: {  	v5 =	vor.u32 s18, v10;
	v4 =	vld.idx.msk [tilespmem:v6+s2+$0x0], $0xffff  }
0x497: {  	v6 =	vor.u32 $0xB, v3;
	_ =	sdelay $0x3  }
0x498: {  	[tilespmem:v5+s13+$0x0] =	vst.idx.msk $0xffff, v4  }
0x499: {  	v5 =	vor.u32 s18, v11;
	v4 =	vld.idx.msk [tilespmem:v6+s2+$0x0], $0xffff  }
0x49a: {  	v6 =	vor.u32 $0xC, v3;
	_ =	sdelay $0x3  }
0x49b: {  	[tilespmem:v5+s13+$0x0] =	vst.idx.msk $0xffff, v4  }
0x49c: {  	v5 =	vor.u32 s18, v12;
	v4 =	vld.idx.msk [tilespmem:v6+s2+$0x0], $0xffff;
	_ =	sdelay $0x4  }
0x49d: {  	v6 =	vor.u32 $0xD, v3;
	[tilespmem:v5+s13+$0x0] =	vst.idx.msk $0xffff, v4;
	v5 =	vld [tilespmem:$0x1FCB0];
	_ =	sdelay $0x4  }
0x49e: {  	v4 =	vld.idx.msk [tilespmem:v6+s2+$0x0], $0xffff;
	v5 =	vor.u32 s18, v5  }
0x49f: {  	v6 =	vor.u32 $0xE, v3;
	_ =	sdelay $0x3  }
0x4a0: {  	[tilespmem:v5+s13+$0x0] =	vst.idx.msk $0xffff, v4  }
0x4a1: {  	v5 =	vor.u32 s18, v35;
	v4 =	vld.idx.msk [tilespmem:v6+s2+$0x0], $0xffff;
	_ =	sdelay $0x4  }
0x4a2: {  	v6 =	vor.u32 $0xF, v3;
	[tilespmem:v5+s13+$0x0] =	vst.idx.msk $0xffff, v4;
	v5 =	vld [tilespmem:$0x1FCD0];
	_ =	sdelay $0x4  }
0x4a3: {  	v4 =	vld.idx.msk [tilespmem:v6+s2+$0x0], $0xffff;
	v5 =	vor.u32 s18, v5  }
0x4a4: {  	v6 =	vor.u32 $0x10, v3;
	_ =	sdelay $0x3  }
0x4a5: {  	[tilespmem:v5+s13+$0x0] =	vst.idx.msk $0xffff, v4  }
0x4a6: {  	v5 =	vor.u32 s18, v36;
	v4 =	vld.idx.msk [tilespmem:v6+s2+$0x0], $0xffff;
	_ =	sdelay $0x4  }
0x4a7: {  	v6 =	vor.u32 $0x11, v3;
	[tilespmem:v5+s13+$0x0] =	vst.idx.msk $0xffff, v4;
	v5 =	vld [tilespmem:$0x1FCF0];
	_ =	sdelay $0x4  }
0x4a8: {  	v4 =	vld.idx.msk [tilespmem:v6+s2+$0x0], $0xffff;
	v5 =	vor.u32 s18, v5  }
0x4a9: {  	v6 =	vor.u32 $0x12, v3;
	_ =	sdelay $0x3  }
0x4aa: {  	[tilespmem:v5+s13+$0x0] =	vst.idx.msk $0xffff, v4  }
0x4ab: {  	v5 =	vor.u32 s18, v37;
	v4 =	vld.idx.msk [tilespmem:v6+s2+$0x0], $0xffff;
	_ =	sdelay $0x4  }
0x4ac: {  	v6 =	vor.u32 $0x13, v3;
	[tilespmem:v5+s13+$0x0] =	vst.idx.msk $0xffff, v4;
	v5 =	vld [tilespmem:$0x1FD10];
	_ =	sdelay $0x4  }
0x4ad: {  	v4 =	vld.idx.msk [tilespmem:v6+s2+$0x0], $0xffff;
	v5 =	vor.u32 s18, v5  }
0x4ae: {  	v6 =	vor.u32 $0x14, v3;
	_ =	sdelay $0x3  }
0x4af: {  	[tilespmem:v5+s13+$0x0] =	vst.idx.msk $0xffff, v4  }
0x4b0: {  	v5 =	vor.u32 s18, v38;
	v4 =	vld.idx.msk [tilespmem:v6+s2+$0x0], $0xffff;
	_ =	sdelay $0x4  }
0x4b1: {  	v6 =	vor.u32 $0x15, v3;
	[tilespmem:v5+s13+$0x0] =	vst.idx.msk $0xffff, v4;
	v5 =	vld [tilespmem:$0x1FD30];
	_ =	sdelay $0x4  }
0x4b2: {  	v4 =	vld.idx.msk [tilespmem:v6+s2+$0x0], $0xffff;
	v5 =	vor.u32 s18, v5  }
0x4b3: {  	v6 =	vor.u32 $0x16, v3;
	_ =	sdelay $0x3  }
0x4b4: {  	[tilespmem:v5+s13+$0x0] =	vst.idx.msk $0xffff, v4  }
0x4b5: {  	v5 =	vor.u32 s18, v39;
	v4 =	vld.idx.msk [tilespmem:v6+s2+$0x0], $0xffff;
	_ =	sdelay $0x4  }
0x4b6: {  	v6 =	vor.u32 $0x17, v3;
	[tilespmem:v5+s13+$0x0] =	vst.idx.msk $0xffff, v4;
	v5 =	vld [tilespmem:$0x1FD50];
	_ =	sdelay $0x4  }
0x4b7: {  	v4 =	vld.idx.msk [tilespmem:v6+s2+$0x0], $0xffff;
	v5 =	vor.u32 s18, v5  }
0x4b8: {  	v6 =	vor.u32 $0x18, v3;
	_ =	sdelay $0x3  }
0x4b9: {  	[tilespmem:v5+s13+$0x0] =	vst.idx.msk $0xffff, v4  }
0x4ba: {  	v5 =	vor.u32 s18, v40;
	v4 =	vld.idx.msk [tilespmem:v6+s2+$0x0], $0xffff;
	_ =	sdelay $0x4  }
0x4bb: {  	v6 =	vor.u32 $0x19, v3;
	[tilespmem:v5+s13+$0x0] =	vst.idx.msk $0xffff, v4;
	v5 =	vld [tilespmem:$0x1FD70];
	_ =	sdelay $0x4  }
0x4bc: {  	v4 =	vld.idx.msk [tilespmem:v6+s2+$0x0], $0xffff;
	v5 =	vor.u32 s18, v5  }
0x4bd: {  	v6 =	vor.u32 $0x1A, v3;
	_ =	sdelay $0x3  }
0x4be: {  	[tilespmem:v5+s13+$0x0] =	vst.idx.msk $0xffff, v4  }
0x4bf: {  	v5 =	vor.u32 s18, v41;
	v4 =	vld.idx.msk [tilespmem:v6+s2+$0x0], $0xffff;
	_ =	sdelay $0x4  }
0x4c0: {  	v6 =	vor.u32 $0x1B, v3;
	[tilespmem:v5+s13+$0x0] =	vst.idx.msk $0xffff, v4;
	v5 =	vld [tilespmem:$0x1FD90];
	_ =	sdelay $0x4  }
0x4c1: {  	v4 =	vld.idx.msk [tilespmem:v6+s2+$0x0], $0xffff;
	v5 =	vor.u32 s18, v5  }
0x4c2: {  	v6 =	vor.u32 $0x1C, v3;
	_ =	sdelay $0x3  }
0x4c3: {  	[tilespmem:v5+s13+$0x0] =	vst.idx.msk $0xffff, v4  }
0x4c4: {  	v5 =	vor.u32 s18, v42;
	v4 =	vld.idx.msk [tilespmem:v6+s2+$0x0], $0xffff;
	_ =	sdelay $0x4  }
0x4c5: {  	v6 =	vor.u32 $0x1D, v3;
	[tilespmem:v5+s13+$0x0] =	vst.idx.msk $0xffff, v4;
	v5 =	vld [tilespmem:$0x1FDB0];
	_ =	sdelay $0x4  }
0x4c6: {  	v4 =	vld.idx.msk [tilespmem:v6+s2+$0x0], $0xffff;
	v5 =	vor.u32 s18, v5  }
0x4c7: {  	v6 =	vor.u32 $0x1E, v3;
	_ =	sdelay $0x3  }
0x4c8: {  	[tilespmem:v5+s13+$0x0] =	vst.idx.msk $0xffff, v4  }
0x4c9: {  	v5 =	vor.u32 s18, v43;
	v4 =	vld.idx.msk [tilespmem:v6+s2+$0x0], $0xffff;
	_ =	sdelay $0x4  }
0x4ca: {  	v6 =	vor.u32 $0x1F, v3;
	[tilespmem:v5+s13+$0x0] =	vst.idx.msk $0xffff, v4;
	v5 =	vld [tilespmem:$0x1FDD0];
	_ =	sdelay $0x4  }
0x4cb: {  	v4 =	vld.idx.msk [tilespmem:v6+s2+$0x0], $0xffff;
	v5 =	vor.u32 s18, v5  }
0x4cc: {  	v6 =	vor.u32 $0x20, v3;
	_ =	sdelay $0x3  }
0x4cd: {  	[tilespmem:v5+s13+$0x0] =	vst.idx.msk $0xffff, v4  }
0x4ce: {  	v5 =	vor.u32 s18, v44;
	v4 =	vld.idx.msk [tilespmem:v6+s2+$0x0], $0xffff  }
0x4cf: {  	v6 =	vor.u32 $0x21, v3;
	_ =	sdelay $0x3  }
0x4d0: {  	[tilespmem:v5+s13+$0x0] =	vst.idx.msk $0xffff, v4  }
0x4d1: {  	v5 =	vor.u32 s18, v45;
	v4 =	vld.idx.msk [tilespmem:v6+s2+$0x0], $0xffff  }
0x4d2: {  	v6 =	vor.u32 $0x22, v3;
	_ =	sdelay $0x3  }
0x4d3: {  	[tilespmem:v5+s13+$0x0] =	vst.idx.msk $0xffff, v4  }
0x4d4: {  	v5 =	vor.u32 s18, v46;
	v4 =	vld.idx.msk [tilespmem:v6+s2+$0x0], $0xffff  }
0x4d5: {  	v6 =	vor.u32 $0x23, v3;
	_ =	sdelay $0x3  }
0x4d6: {  	[tilespmem:v5+s13+$0x0] =	vst.idx.msk $0xffff, v4  }
0x4d7: {  	v5 =	vor.u32 s18, v47;
	v4 =	vld.idx.msk [tilespmem:v6+s2+$0x0], $0xffff  }
0x4d8: {  	v6 =	vor.u32 $0x24, v3;
	_ =	sdelay $0x3  }
0x4d9: {  	[tilespmem:v5+s13+$0x0] =	vst.idx.msk $0xffff, v4  }
0x4da: {  	v5 =	vor.u32 s18, v48;
	v4 =	vld.idx.msk [tilespmem:v6+s2+$0x0], $0xffff  }
0x4db: {  	v6 =	vor.u32 $0x25, v3;
	_ =	sdelay $0x3  }
0x4dc: {  	[tilespmem:v5+s13+$0x0] =	vst.idx.msk $0xffff, v4  }
0x4dd: {  	v5 =	vor.u32 s18, v49;
	v4 =	vld.idx.msk [tilespmem:v6+s2+$0x0], $0xffff  }
0x4de: {  	v6 =	vor.u32 $0x26, v3;
	_ =	sdelay $0x3  }
0x4df: {  	[tilespmem:v5+s13+$0x0] =	vst.idx.msk $0xffff, v4  }
0x4e0: {  	v5 =	vor.u32 s18, v50;
	v4 =	vld.idx.msk [tilespmem:v6+s2+$0x0], $0xffff  }
0x4e1: {  	v6 =	vor.u32 $0x27, v3;
	_ =	sdelay $0x3  }
0x4e2: {  	[tilespmem:v5+s13+$0x0] =	vst.idx.msk $0xffff, v4  }
0x4e3: {  	v5 =	vor.u32 s18, v51;
	v4 =	vld.idx.msk [tilespmem:v6+s2+$0x0], $0xffff  }
0x4e4: {  	v6 =	vor.u32 $0x28, v3;
	_ =	sdelay $0x3  }
0x4e5: {  	[tilespmem:v5+s13+$0x0] =	vst.idx.msk $0xffff, v4  }
0x4e6: {  	v5 =	vor.u32 s18, v52;
	v4 =	vld.idx.msk [tilespmem:v6+s2+$0x0], $0xffff  }
0x4e7: {  	v6 =	vor.u32 $0x29, v3;
	_ =	sdelay $0x3  }
0x4e8: {  	[tilespmem:v5+s13+$0x0] =	vst.idx.msk $0xffff, v4  }
0x4e9: {  	v5 =	vor.u32 s18, v53;
	v4 =	vld.idx.msk [tilespmem:v6+s2+$0x0], $0xffff  }
0x4ea: {  	v6 =	vor.u32 $0x2A, v3;
	_ =	sdelay $0x3  }
0x4eb: {  	[tilespmem:v5+s13+$0x0] =	vst.idx.msk $0xffff, v4  }
0x4ec: {  	v5 =	vor.u32 s18, v54;
	v4 =	vld.idx.msk [tilespmem:v6+s2+$0x0], $0xffff  }
0x4ed: {  	v6 =	vor.u32 $0x2B, v3;
	_ =	sdelay $0x3  }
0x4ee: {  	[tilespmem:v5+s13+$0x0] =	vst.idx.msk $0xffff, v4  }
0x4ef: {  	v5 =	vor.u32 s18, v55;
	v4 =	vld.idx.msk [tilespmem:v6+s2+$0x0], $0xffff  }
0x4f0: {  	v6 =	vor.u32 $0x2C, v3;
	_ =	sdelay $0x3  }
0x4f1: {  	[tilespmem:v5+s13+$0x0] =	vst.idx.msk $0xffff, v4  }
0x4f2: {  	v5 =	vor.u32 s18, v56;
	v4 =	vld.idx.msk [tilespmem:v6+s2+$0x0], $0xffff  }
0x4f3: {  	v6 =	vor.u32 $0x2D, v3;
	_ =	sdelay $0x3  }
0x4f4: {  	[tilespmem:v5+s13+$0x0] =	vst.idx.msk $0xffff, v4  }
0x4f5: {  	v5 =	vor.u32 s18, v57;
	v4 =	vld.idx.msk [tilespmem:v6+s2+$0x0], $0xffff  }
0x4f6: {  	v6 =	vor.u32 $0x2E, v3;
	_ =	sdelay $0x3  }
0x4f7: {  	[tilespmem:v5+s13+$0x0] =	vst.idx.msk $0xffff, v4  }
0x4f8: {  	v5 =	vor.u32 s18, v58;
	v4 =	vld.idx.msk [tilespmem:v6+s2+$0x0], $0xffff  }
0x4f9: {  	v6 =	vor.u32 $0x2F, v3;
	_ =	sdelay $0x3  }
0x4fa: {  	[tilespmem:v5+s13+$0x0] =	vst.idx.msk $0xffff, v4  }
0x4fb: {  	v5 =	vor.u32 s18, v59;
	v4 =	vld.idx.msk [tilespmem:v6+s2+$0x0], $0xffff  }
0x4fc: {  	v6 =	vor.u32 $0x30, v3;
	_ =	sdelay $0x3  }
0x4fd: {  	[tilespmem:v5+s13+$0x0] =	vst.idx.msk $0xffff, v4  }
0x4fe: {  	v5 =	vor.u32 s18, v60;
	v4 =	vld.idx.msk [tilespmem:v6+s2+$0x0], $0xffff  }
0x4ff: {  	v6 =	vor.u32 $0x31, v3;
	_ =	sdelay $0x3  }
0x500: {  	[tilespmem:v5+s13+$0x0] =	vst.idx.msk $0xffff, v4  }
0x501: {  	v5 =	vor.u32 s18, v61;
	v4 =	vld.idx.msk [tilespmem:v6+s2+$0x0], $0xffff  }
0x502: {  	v6 =	vor.u32 $0x32, v3;
	_ =	sdelay $0x3  }
0x503: {  	[tilespmem:v5+s13+$0x0] =	vst.idx.msk $0xffff, v4  }
0x504: {  	v5 =	vor.u32 s18, v62;
	v4 =	vld.idx.msk [tilespmem:v6+s2+$0x0], $0xffff  }
0x505: {  	v6 =	vor.u32 $0x33, v3;
	_ =	sdelay $0x3  }
0x506: {  	[tilespmem:v5+s13+$0x0] =	vst.idx.msk $0xffff, v4  }
0x507: {  	v5 =	vor.u32 s18, v25;
	v4 =	vld.idx.msk [tilespmem:v6+s2+$0x0], $0xffff  }
0x508: {  	v6 =	vor.u32 $0x34, v3;
	_ =	sdelay $0x3  }
0x509: {  	[tilespmem:v5+s13+$0x0] =	vst.idx.msk $0xffff, v4  }
0x50a: {  	v5 =	vor.u32 s18, v26;
	v4 =	vld.idx.msk [tilespmem:v6+s2+$0x0], $0xffff  }
0x50b: {  	v6 =	vor.u32 $0x35, v3;
	_ =	sdelay $0x3  }
0x50c: {  	[tilespmem:v5+s13+$0x0] =	vst.idx.msk $0xffff, v4  }
0x50d: {  	v5 =	vor.u32 s18, v27;
	v4 =	vld.idx.msk [tilespmem:v6+s2+$0x0], $0xffff  }
0x50e: {  	v6 =	vor.u32 $0x36, v3;
	_ =	sdelay $0x3  }
0x50f: {  	[tilespmem:v5+s13+$0x0] =	vst.idx.msk $0xffff, v4  }
0x510: {  	v5 =	vor.u32 s18, v28;
	v4 =	vld.idx.msk [tilespmem:v6+s2+$0x0], $0xffff  }
0x511: {  	v6 =	vor.u32 $0x37, v3;
	_ =	sdelay $0x3  }
0x512: {  	[tilespmem:v5+s13+$0x0] =	vst.idx.msk $0xffff, v4  }
0x513: {  	v5 =	vor.u32 s18, v29;
	v4 =	vld.idx.msk [tilespmem:v6+s2+$0x0], $0xffff  }
0x514: {  	v6 =	vor.u32 $0x38, v3;
	_ =	sdelay $0x3  }
0x515: {  	[tilespmem:v5+s13+$0x0] =	vst.idx.msk $0xffff, v4  }
0x516: {  	v5 =	vor.u32 s18, v30;
	v4 =	vld.idx.msk [tilespmem:v6+s2+$0x0], $0xffff  }
0x517: {  	v6 =	vor.u32 $0x39, v3;
	_ =	sdelay $0x3  }
0x518: {  	[tilespmem:v5+s13+$0x0] =	vst.idx.msk $0xffff, v4  }
0x519: {  	v5 =	vor.u32 s18, v31;
	v4 =	vld.idx.msk [tilespmem:v6+s2+$0x0], $0xffff  }
0x51a: {  	v6 =	vor.u32 $0x3A, v3;
	_ =	sdelay $0x3  }
0x51b: {  	[tilespmem:v5+s13+$0x0] =	vst.idx.msk $0xffff, v4  }
0x51c: {  	v5 =	vor.u32 s18, v32;
	v4 =	vld.idx.msk [tilespmem:v6+s2+$0x0], $0xffff  }
0x51d: {  	v6 =	vor.u32 $0x3B, v3;
	_ =	sdelay $0x3  }
0x51e: {  	[tilespmem:v5+s13+$0x0] =	vst.idx.msk $0xffff, v4  }
0x51f: {  	v5 =	vor.u32 s18, v33;
	v4 =	vld.idx.msk [tilespmem:v6+s2+$0x0], $0xffff  }
0x520: {  	v6 =	vor.u32 $0x3C, v3;
	_ =	sdelay $0x3  }
0x521: {  	[tilespmem:v5+s13+$0x0] =	vst.idx.msk $0xffff, v4  }
0x522: {  	v5 =	vor.u32 s18, v34;
	v4 =	vld.idx.msk [tilespmem:v6+s2+$0x0], $0xffff  }
0x523: {  	v6 =	vor.u32 $0x3D, v3;
	_ =	sdelay $0x3  }
0x524: {  	[tilespmem:v5+s13+$0x0] =	vst.idx.msk $0xffff, v4  }
0x525: {  	v5 =	vor.u32 s18, v0;
	v4 =	vld.idx.msk [tilespmem:v6+s2+$0x0], $0xffff  }
0x526: {  	v6 =	vor.u32 $0x3E, v3;
	_ =	sdelay $0x3  }
0x527: {  	[tilespmem:v5+s13+$0x0] =	vst.idx.msk $0xffff, v4  }
0x528: {  	v5 =	vor.u32 s18, v2;
	v4 =	vld.idx.msk [tilespmem:v6+s2+$0x0], $0xffff  }
0x529: {  	v3 =	vor.u32 $0x3F, v3;
	_ =	sdelay $0x3  }
0x52a: {  	[tilespmem:v5+s13+$0x0] =	vst.idx.msk $0xffff, v4  }
0x52b: {  	p0 =	sne.s32 s18, $0x10400;
	v4 =	vor.u32 s18, v63;
	v3 =	vld.idx.msk [tilespmem:v3+s2+$0x0], $0xffff  }
.Ltmp3:
0x52c: {  	_ = 	snop;
	(pc) =	sbr.rel @p0 .LBB2_6-.Ltmp3, $2  }
0x52d: {  	_ =	sdelay $0x2  }
0x52e: {  	s19 =	sadd.s32 $0x10, s19;
	s18 =	sadd.s32 $0x400, s18;
	[tilespmem:v4+s13+$0x0] =	vst.idx.msk $0xffff, v3  }
0x52f: {  	[hbm4b:s6+s2] =	stream.linear.scatter [tilespmem:s13], [sflag:$0x1], $0x10800, $0x38;
	[tilespmem:$0x19680] =	vst v63  }
0x530: {  	_ =	swait.ge [sflag:s9], $0x10800  }
0x531: {  	s15 =	simm.s32 $0xFFFFFFFC;
	[sflag:s9] =	ssyncset.done $0x0  }
0x532: {  	s16 =	simm.s32 $0xC00;
	s17 =	simm.s32 $0x8A70;
	[sflag:s9] =	ssyncadd.s32 $0xFFFEF800  }
.LBB2_8:
0x533: {  	v3 =	vld [tilespmem:s17+$0xFFFFFFD0];
	_ =	sdelay $0x4  }
0x534: {  	v6 =	vld [tilespmem:$0x1FC90];
	v3 =	vshll.u32 v3, $0x6;
	_ =	sdelay $0x2  }
0x535: {  	s18 =	sadd.s32 $0xFFFFF400, s16  }
0x536: {  	v4 =	vor.u32 s18, v1  }
0x537: {  	v4 =	vand.u32 v6, v4;
	v5 =	vld.idx.msk [tilespmem:v3+s2+$0x0], $0xffff  }
0x538: {  	v6 =	vor.u32 $0x1, v3;
	_ =	sdelay $0x3  }
0x539: {  	[tilespmem:v4+s13+$0x0] =	vst.idx.msk $0xffff, v5  }
0x53a: {  	v5 =	vor.u32 s18, v18;
	v4 =	vld.idx.msk [tilespmem:v6+s2+$0x0], $0xffff  }
0x53b: {  	v6 =	vor.u32 $0x2, v3;
	_ =	sdelay $0x3  }
0x53c: {  	[tilespmem:v5+s13+$0x0] =	vst.idx.msk $0xffff, v4  }
0x53d: {  	v5 =	vor.u32 s18, v16;
	v4 =	vld.idx.msk [tilespmem:v6+s2+$0x0], $0xffff  }
0x53e: {  	v6 =	vor.u32 $0x3, v3;
	_ =	sdelay $0x3  }
0x53f: {  	[tilespmem:v5+s13+$0x0] =	vst.idx.msk $0xffff, v4  }
0x540: {  	v5 =	vor.u32 s18, v13;
	v4 =	vld.idx.msk [tilespmem:v6+s2+$0x0], $0xffff  }
0x541: {  	v6 =	vor.u32 $0x4, v3;
	_ =	sdelay $0x3  }
0x542: {  	[tilespmem:v5+s13+$0x0] =	vst.idx.msk $0xffff, v4  }
0x543: {  	v5 =	vor.u32 s18, v14;
	v4 =	vld.idx.msk [tilespmem:v6+s2+$0x0], $0xffff  }
0x544: {  	v6 =	vor.u32 $0x5, v3;
	_ =	sdelay $0x3  }
0x545: {  	[tilespmem:v5+s13+$0x0] =	vst.idx.msk $0xffff, v4  }
0x546: {  	v5 =	vor.u32 s18, v15;
	v4 =	vld.idx.msk [tilespmem:v6+s2+$0x0], $0xffff  }
0x547: {  	v6 =	vor.u32 $0x6, v3;
	_ =	sdelay $0x3  }
0x548: {  	[tilespmem:v5+s13+$0x0] =	vst.idx.msk $0xffff, v4  }
0x549: {  	v5 =	vor.u32 s18, v17;
	v4 =	vld.idx.msk [tilespmem:v6+s2+$0x0], $0xffff  }
0x54a: {  	v6 =	vor.u32 $0x7, v3;
	_ =	sdelay $0x3  }
0x54b: {  	[tilespmem:v5+s13+$0x0] =	vst.idx.msk $0xffff, v4  }
0x54c: {  	v5 =	vor.u32 s18, v7;
	v4 =	vld.idx.msk [tilespmem:v6+s2+$0x0], $0xffff;
	_ =	sdelay $0x4  }
0x54d: {  	[tilespmem:v5+s13+$0x0] =	vst.idx.msk $0xffff, v4;
	v4 =	vld [tilespmem:s17+$0xFFFFFFE0]  }
0x54e: {  	v5 =	vld [tilespmem:s17+$0xFFFFFFF0];
	_ =	sdelay $0x1  }
0x54f: {  	v7 =	vld [tilespmem:s17+$0x0];
	_ =	sdelay $0x1  }
0x550: {  	v9 =	vld [tilespmem:$0x1FC50];
	v6 =	vshll.u32 v4, $0x6  }
0x551: {  	v12 =	vld [tilespmem:$0x1FC60];
	v5 =	vshll.u32 v5, $0x6;
	_ =	sdelay $0x1  }
0x552: {  	s20 =	sadd.s32 $0xFFFFF800, s16;
	v15 =	vld [tilespmem:$0x1FC70];
	v4 =	vshll.u32 v7, $0x6  }
0x553: {  	s19 =	sadd.s32 $0xFFFFFC00, s16;
	v7 =	vor.u32 s20, v1  }
0x554: {  	v7 =	vand.u32 v9, v7;
	v9 =	vor.u32 s19, v1;
	v8 =	vld.idx.msk [tilespmem:v6+s2+$0x0], $0xffff  }
0x555: {  	v10 =	vor.u32 $0x1, v6;
	v9 =	vand.u32 v12, v9;
	v11 =	vld.idx.msk [tilespmem:v5+s2+$0x0], $0xffff  }
0x556: {  	v13 =	vor.u32 $0x1, v5;
	v12 =	vor.u32 s16, v1  }
0x557: {  	v12 =	vand.u32 v15, v12;
	v14 =	vld.idx.msk [tilespmem:v4+s2+$0x0], $0xffff  }
0x558: {  	v15 =	vor.u32 $0x1, v4  }
0x559: {  	[tilespmem:v7+s13+$0x0] =	vst.idx.msk $0xffff, v8  }
0x55a: {  	v8 =	vor.u32 s20, v18;
	[tilespmem:v9+s13+$0x0] =	vst.idx.msk $0xffff, v11;
	v7 =	vld.idx.msk [tilespmem:v10+s2+$0x0], $0xffff  }
0x55b: {  	v9 =	vor.u32 $0x2, v6;
	v11 =	vor.u32 s19, v18;
	v10 =	vld.idx.msk [tilespmem:v13+s2+$0x0], $0xffff  }
0x55c: {  	[tilespmem:v12+s13+$0x0] =	vst.idx.msk $0xffff, v14;
	v12 =	vor.u32 $0x2, v5  }
0x55d: {  	v14 =	vor.u32 s16, v18;
	v13 =	vld.idx.msk [tilespmem:v15+s2+$0x0], $0xffff  }
0x55e: {  	v15 =	vor.u32 $0x2, v4  }
0x55f: {  	[tilespmem:v8+s13+$0x0] =	vst.idx.msk $0xffff, v7  }
0x560: {  	v8 =	vor.u32 s20, v16;
	[tilespmem:v11+s13+$0x0] =	vst.idx.msk $0xffff, v10;
	v7 =	vld.idx.msk [tilespmem:v9+s2+$0x0], $0xffff  }
0x561: {  	v11 =	vor.u32 s19, v16;
	v10 =	vld.idx.msk [tilespmem:v12+s2+$0x0], $0xffff  }
0x562: {  	[tilespmem:v14+s13+$0x0] =	vst.idx.msk $0xffff, v13  }
0x563: {  	v14 =	vor.u32 s16, v16;
	v13 =	vld.idx.msk [tilespmem:v15+s2+$0x0], $0xffff;
	_ =	sdelay $0x1  }
0x564: {  	v9 =	vor.u32 $0x3, v6;
	[tilespmem:v8+s13+$0x0] =	vst.idx.msk $0xffff, v7;
	v8 =	vld [tilespmem:$0x1FFD0]  }
0x565: {  	v12 =	vor.u32 $0x3, v5;
	[tilespmem:v11+s13+$0x0] =	vst.idx.msk $0xffff, v10;
	v11 =	vld [tilespmem:$0x1FFD0];
	_ =	sdelay $0x1  }
0x566: {  	v15 =	vor.u32 $0x3, v4;
	[tilespmem:v14+s13+$0x0] =	vst.idx.msk $0xffff, v13;
	v14 =	vld [tilespmem:$0x1FFD0];
	_ =	sdelay $0x1  }
0x567: {  	v7 =	vld.idx.msk [tilespmem:v9+s2+$0x0], $0xffff;
	v8 =	vor.u32 s20, v8  }
0x568: {  	v10 =	vld.idx.msk [tilespmem:v12+s2+$0x0], $0xffff;
	v11 =	vor.u32 s19, v11  }
0x569: {  	v9 =	vor.u32 $0x4, v6  }
0x56a: {  	v12 =	vor.u32 $0x4, v5;
	v13 =	vld.idx.msk [tilespmem:v15+s2+$0x0], $0xffff;
	v14 =	vor.u32 s16, v14  }
0x56b: {  	v15 =	vor.u32 $0x4, v4  }
0x56c: {  	[tilespmem:v8+s13+$0x0] =	vst.idx.msk $0xffff, v7;
	v8 =	vld [tilespmem:$0x1FFE0]  }
0x56d: {  	[tilespmem:v11+s13+$0x0] =	vst.idx.msk $0xffff, v10;
	v11 =	vld [tilespmem:$0x1FFE0]  }
0x56e: {  	v7 =	vld.idx.msk [tilespmem:v9+s2+$0x0], $0xffff  }
0x56f: {  	[tilespmem:v14+s13+$0x0] =	vst.idx.msk $0xffff, v13;
	v10 =	vld.idx.msk [tilespmem:v12+s2+$0x0], $0xffff  }
0x570: {  	v13 =	vld.idx.msk [tilespmem:v15+s2+$0x0], $0xffff  }
0x571: {  	v14 =	vld [tilespmem:$0x1FFE0];
	_ =	sdelay $0x2  }
0x572: {  	v8 =	vor.u32 s20, v8  }
0x573: {  	v11 =	vor.u32 s19, v11  }
0x574: {  	v14 =	vor.u32 s16, v14;
	_ =	sdelay $0x2  }
0x575: {  	v9 =	vor.u32 $0x5, v6;
	[tilespmem:v8+s13+$0x0] =	vst.idx.msk $0xffff, v7;
	v8 =	vld [tilespmem:$0x1FFF0]  }
0x576: {  	v12 =	vor.u32 $0x5, v5;
	[tilespmem:v11+s13+$0x0] =	vst.idx.msk $0xffff, v10;
	v11 =	vld [tilespmem:$0x1FFF0]  }
0x577: {  	v15 =	vor.u32 $0x5, v4;
	[tilespmem:v14+s13+$0x0] =	vst.idx.msk $0xffff, v13;
	v14 =	vld [tilespmem:$0x1FFF0];
	_ =	sdelay $0x2  }
0x578: {  	v7 =	vld.idx.msk [tilespmem:v9+s2+$0x0], $0xffff;
	v8 =	vor.u32 s20, v8  }
0x579: {  	v9 =	vor.u32 $0x6, v6;
	v10 =	vld.idx.msk [tilespmem:v12+s2+$0x0], $0xffff;
	v11 =	vor.u32 s19, v11  }
0x57a: {  	v12 =	vor.u32 $0x6, v5;
	v13 =	vld.idx.msk [tilespmem:v15+s2+$0x0], $0xffff;
	v14 =	vor.u32 s16, v14  }
0x57b: {  	v15 =	vor.u32 $0x6, v4;
	_ =	sdelay $0x1  }
0x57c: {  	[tilespmem:v8+s13+$0x0] =	vst.idx.msk $0xffff, v7  }
0x57d: {  	v8 =	vor.u32 s20, v17;
	[tilespmem:v11+s13+$0x0] =	vst.idx.msk $0xffff, v10;
	v7 =	vld.idx.msk [tilespmem:v9+s2+$0x0], $0xffff  }
0x57e: {  	v11 =	vor.u32 s19, v17;
	v9 =	vor.u32 $0x7, v6;
	v10 =	vld.idx.msk [tilespmem:v12+s2+$0x0], $0xffff;
	[tilespmem:v14+s13+$0x0] =	vst.idx.msk $0xffff, v13  }
0x57f: {  	v12 =	vor.u32 $0x7, v5;
	v14 =	vor.u32 s16, v17;
	v13 =	vld.idx.msk [tilespmem:v15+s2+$0x0], $0xffff  }
0x580: {  	v15 =	vor.u32 $0x7, v4;
	_ =	sdelay $0x1  }
0x581: {  	[tilespmem:v8+s13+$0x0] =	vst.idx.msk $0xffff, v7  }
0x582: {  	v7 =	vor.u32 $0x8, v3;
	[tilespmem:v11+s13+$0x0] =	vst.idx.msk $0xffff, v10;
	v8 =	vld.idx.msk [tilespmem:v9+s2+$0x0], $0xffff;
	v9 =	vor.u32 s20, v19  }
0x583: {  	v10 =	vor.u32 $0x8, v6;
	v11 =	vld.idx.msk [tilespmem:v12+s2+$0x0], $0xffff;
	v12 =	vor.u32 s19, v19;
	[tilespmem:v14+s13+$0x0] =	vst.idx.msk $0xffff, v13  }
0x584: {  	v13 =	vor.u32 $0x8, v5;
	v14 =	vld.idx.msk [tilespmem:v15+s2+$0x0], $0xffff;
	v15 =	vor.u32 s16, v19  }
0x585: {  	v16 =	vor.u32 $0x8, v4;
	_ =	sdelay $0x1  }
0x586: {  	v17 =	vor.u32 s18, v20;
	v7 =	vld.idx.msk [tilespmem:v7+s2+$0x0], $0xffff;
	[tilespmem:v9+s13+$0x0] =	vst.idx.msk $0xffff, v8  }
0x587: {  	v8 =	vor.u32 $0x9, v3;
	[tilespmem:v12+s13+$0x0] =	vst.idx.msk $0xffff, v11;
	v9 =	vld.idx.msk [tilespmem:v10+s2+$0x0], $0xffff;
	v10 =	vor.u32 s20, v20  }
0x588: {  	v11 =	vor.u32 $0x9, v6;
	v12 =	vld.idx.msk [tilespmem:v13+s2+$0x0], $0xffff;
	v13 =	vor.u32 s19, v20;
	[tilespmem:v15+s13+$0x0] =	vst.idx.msk $0xffff, v14  }
0x589: {  	v14 =	vor.u32 $0x9, v5;
	v15 =	vld.idx.msk [tilespmem:v16+s2+$0x0], $0xffff;
	v16 =	vor.u32 s16, v20  }
0x58a: {  	v18 =	vor.u32 $0x9, v4  }
0x58b: {  	[tilespmem:v17+s13+$0x0] =	vst.idx.msk $0xffff, v7  }
0x58c: {  	v7 =	vld.idx.msk [tilespmem:v8+s2+$0x0], $0xffff;
	v8 =	vor.u32 s18, v21;
	[tilespmem:v10+s13+$0x0] =	vst.idx.msk $0xffff, v9  }
0x58d: {  	v9 =	vor.u32 $0xA, v3;
	[tilespmem:v13+s13+$0x0] =	vst.idx.msk $0xffff, v12;
	v10 =	vld.idx.msk [tilespmem:v11+s2+$0x0], $0xffff;
	v11 =	vor.u32 s20, v21  }
0x58e: {  	v12 =	vor.u32 $0xA, v6;
	v13 =	vld.idx.msk [tilespmem:v14+s2+$0x0], $0xffff;
	v14 =	vor.u32 s19, v21;
	[tilespmem:v16+s13+$0x0] =	vst.idx.msk $0xffff, v15  }
0x58f: {  	v17 =	vor.u32 s16, v21;
	v15 =	vor.u32 $0xA, v5;
	v16 =	vld.idx.msk [tilespmem:v18+s2+$0x0], $0xffff  }
0x590: {  	v18 =	vor.u32 $0xA, v4  }
0x591: {  	[tilespmem:v8+s13+$0x0] =	vst.idx.msk $0xffff, v7  }
0x592: {  	v8 =	vor.u32 s18, v22;
	v7 =	vld.idx.msk [tilespmem:v9+s2+$0x0], $0xffff;
	[tilespmem:v11+s13+$0x0] =	vst.idx.msk $0xffff, v10  }
0x593: {  	v9 =	vor.u32 $0xB, v3;
	v11 =	vor.u32 s20, v22;
	[tilespmem:v14+s13+$0x0] =	vst.idx.msk $0xffff, v13;
	v10 =	vld.idx.msk [tilespmem:v12+s2+$0x0], $0xffff  }
0x594: {  	v14 =	vor.u32 s19, v22;
	v12 =	vor.u32 $0xB, v6;
	v13 =	vld.idx.msk [tilespmem:v15+s2+$0x0], $0xffff;
	[tilespmem:v17+s13+$0x0] =	vst.idx.msk $0xffff, v16  }
0x595: {  	v15 =	vor.u32 $0xB, v5;
	v17 =	vor.u32 s16, v22;
	v16 =	vld.idx.msk [tilespmem:v18+s2+$0x0], $0xffff  }
0x596: {  	v18 =	vor.u32 $0xB, v4  }
0x597: {  	[tilespmem:v8+s13+$0x0] =	vst.idx.msk $0xffff, v7  }
0x598: {  	v8 =	vor.u32 s18, v23;
	v7 =	vld.idx.msk [tilespmem:v9+s2+$0x0], $0xffff;
	[tilespmem:v11+s13+$0x0] =	vst.idx.msk $0xffff, v10  }
0x599: {  	v9 =	vor.u32 $0xC, v3;
	v11 =	vor.u32 s20, v23;
	[tilespmem:v14+s13+$0x0] =	vst.idx.msk $0xffff, v13;
	v10 =	vld.idx.msk [tilespmem:v12+s2+$0x0], $0xffff  }
0x59a: {  	v14 =	vor.u32 s19, v23;
	v12 =	vor.u32 $0xC, v6;
	v13 =	vld.idx.msk [tilespmem:v15+s2+$0x0], $0xffff;
	[tilespmem:v17+s13+$0x0] =	vst.idx.msk $0xffff, v16  }
0x59b: {  	v15 =	vor.u32 $0xC, v5;
	v17 =	vor.u32 s16, v23;
	v16 =	vld.idx.msk [tilespmem:v18+s2+$0x0], $0xffff  }
0x59c: {  	v18 =	vor.u32 $0xC, v4  }
0x59d: {  	v35 =	vld [tilespmem:$0x1FCB0];
	[tilespmem:v8+s13+$0x0] =	vst.idx.msk $0xffff, v7  }
0x59e: {  	v8 =	vor.u32 s18, v24;
	v7 =	vld.idx.msk [tilespmem:v9+s2+$0x0], $0xffff;
	[tilespmem:v11+s13+$0x0] =	vst.idx.msk $0xffff, v10  }
0x59f: {  	v9 =	vor.u32 $0xD, v3;
	v11 =	vor.u32 s20, v24;
	[tilespmem:v14+s13+$0x0] =	vst.idx.msk $0xffff, v13;
	v10 =	vld.idx.msk [tilespmem:v12+s2+$0x0], $0xffff  }
0x5a0: {  	v14 =	vor.u32 s19, v24;
	v12 =	vor.u32 $0xD, v6;
	v13 =	vld.idx.msk [tilespmem:v15+s2+$0x0], $0xffff;
	[tilespmem:v17+s13+$0x0] =	vst.idx.msk $0xffff, v16  }
0x5a1: {  	v17 =	vor.u32 s16, v24;
	v16 =	vld.idx.msk [tilespmem:v18+s2+$0x0], $0xffff  }
0x5a2: {  	v15 =	vor.u32 $0xD, v5  }
0x5a3: {  	v18 =	vor.u32 $0xD, v4;
	[tilespmem:v8+s13+$0x0] =	vst.idx.msk $0xffff, v7  }
0x5a4: {  	v7 =	vld.idx.msk [tilespmem:v9+s2+$0x0], $0xffff;
	[tilespmem:v11+s13+$0x0] =	vst.idx.msk $0xffff, v10  }
0x5a5: {  	v8 =	vor.u32 s18, v35;
	v9 =	vor.u32 $0xE, v3;
	[tilespmem:v14+s13+$0x0] =	vst.idx.msk $0xffff, v13;
	v10 =	vld.idx.msk [tilespmem:v12+s2+$0x0], $0xffff  }
0x5a6: {  	v11 =	vor.u32 s20, v35;
	v14 =	vor.u32 s19, v35;
	[tilespmem:v17+s13+$0x0] =	vst.idx.msk $0xffff, v16;
	v17 =	vor.u32 s16, v35;
	v35 =	vld [tilespmem:$0x1FCC0]  }
0x5a7: {  	v12 =	vor.u32 $0xE, v6;
	v13 =	vld.idx.msk [tilespmem:v15+s2+$0x0], $0xffff  }
0x5a8: {  	v15 =	vor.u32 $0xE, v5;
	v16 =	vld.idx.msk [tilespmem:v18+s2+$0x0], $0xffff  }
0x5a9: {  	v18 =	vor.u32 $0xE, v4  }
0x5aa: {  	v36 =	vld [tilespmem:$0x1FCD0];
	[tilespmem:v8+s13+$0x0] =	vst.idx.msk $0xffff, v7  }
0x5ab: {  	v7 =	vld.idx.msk [tilespmem:v9+s2+$0x0], $0xffff;
	v8 =	vor.u32 s18, v35;
	[tilespmem:v11+s13+$0x0] =	vst.idx.msk $0xffff, v10  }
0x5ac: {  	v9 =	vor.u32 $0xF, v3;
	v11 =	vor.u32 s20, v35;
	[tilespmem:v14+s13+$0x0] =	vst.idx.msk $0xffff, v13;
	v10 =	vld.idx.msk [tilespmem:v12+s2+$0x0], $0xffff  }
0x5ad: {  	v14 =	vor.u32 s19, v35;
	v12 =	vor.u32 $0xF, v6;
	v13 =	vld.idx.msk [tilespmem:v15+s2+$0x0], $0xffff;
	[tilespmem:v17+s13+$0x0] =	vst.idx.msk $0xffff, v16  }
0x5ae: {  	v17 =	vor.u32 s16, v35;
	v16 =	vld.idx.msk [tilespmem:v18+s2+$0x0], $0xffff  }
0x5af: {  	v15 =	vor.u32 $0xF, v5  }
0x5b0: {  	v18 =	vor.u32 $0xF, v4;
	[tilespmem:v8+s13+$0x0] =	vst.idx.msk $0xffff, v7  }
0x5b1: {  	v7 =	vld.idx.msk [tilespmem:v9+s2+$0x0], $0xffff;
	[tilespmem:v11+s13+$0x0] =	vst.idx.msk $0xffff, v10  }
0x5b2: {  	v8 =	vor.u32 s18, v36;
	v9 =	vor.u32 $0x10, v3;
	[tilespmem:v14+s13+$0x0] =	vst.idx.msk $0xffff, v13;
	v10 =	vld.idx.msk [tilespmem:v12+s2+$0x0], $0xffff  }
0x5b3: {  	v11 =	vor.u32 s20, v36;
	v14 =	vor.u32 s19, v36;
	[tilespmem:v17+s13+$0x0] =	vst.idx.msk $0xffff, v16;
	v17 =	vor.u32 s16, v36;
	v36 =	vld [tilespmem:$0x1FCE0]  }
0x5b4: {  	v12 =	vor.u32 $0x10, v6;
	v13 =	vld.idx.msk [tilespmem:v15+s2+$0x0], $0xffff  }
0x5b5: {  	v15 =	vor.u32 $0x10, v5;
	v16 =	vld.idx.msk [tilespmem:v18+s2+$0x0], $0xffff  }
0x5b6: {  	v18 =	vor.u32 $0x10, v4  }
0x5b7: {  	v37 =	vld [tilespmem:$0x1FCF0];
	[tilespmem:v8+s13+$0x0] =	vst.idx.msk $0xffff, v7  }
0x5b8: {  	v7 =	vld.idx.msk [tilespmem:v9+s2+$0x0], $0xffff;
	v8 =	vor.u32 s18, v36;
	[tilespmem:v11+s13+$0x0] =	vst.idx.msk $0xffff, v10  }
0x5b9: {  	v9 =	vor.u32 $0x11, v3;
	v11 =	vor.u32 s20, v36;
	[tilespmem:v14+s13+$0x0] =	vst.idx.msk $0xffff, v13;
	v10 =	vld.idx.msk [tilespmem:v12+s2+$0x0], $0xffff  }
0x5ba: {  	v14 =	vor.u32 s19, v36;
	v12 =	vor.u32 $0x11, v6;
	v13 =	vld.idx.msk [tilespmem:v15+s2+$0x0], $0xffff;
	[tilespmem:v17+s13+$0x0] =	vst.idx.msk $0xffff, v16  }
0x5bb: {  	v17 =	vor.u32 s16, v36;
	v16 =	vld.idx.msk [tilespmem:v18+s2+$0x0], $0xffff  }
0x5bc: {  	v15 =	vor.u32 $0x11, v5  }
0x5bd: {  	v18 =	vor.u32 $0x11, v4;
	[tilespmem:v8+s13+$0x0] =	vst.idx.msk $0xffff, v7  }
0x5be: {  	v7 =	vld.idx.msk [tilespmem:v9+s2+$0x0], $0xffff;
	[tilespmem:v11+s13+$0x0] =	vst.idx.msk $0xffff, v10  }
0x5bf: {  	v8 =	vor.u32 s18, v37;
	v9 =	vor.u32 $0x12, v3;
	[tilespmem:v14+s13+$0x0] =	vst.idx.msk $0xffff, v13;
	v10 =	vld.idx.msk [tilespmem:v12+s2+$0x0], $0xffff  }
0x5c0: {  	v11 =	vor.u32 s20, v37;
	v14 =	vor.u32 s19, v37;
	[tilespmem:v17+s13+$0x0] =	vst.idx.msk $0xffff, v16;
	v17 =	vor.u32 s16, v37;
	v37 =	vld [tilespmem:$0x1FD00]  }
0x5c1: {  	v12 =	vor.u32 $0x12, v6;
	v13 =	vld.idx.msk [tilespmem:v15+s2+$0x0], $0xffff  }
0x5c2: {  	v15 =	vor.u32 $0x12, v5;
	v16 =	vld.idx.msk [tilespmem:v18+s2+$0x0], $0xffff  }
0x5c3: {  	v18 =	vor.u32 $0x12, v4  }
0x5c4: {  	v38 =	vld [tilespmem:$0x1FD10];
	[tilespmem:v8+s13+$0x0] =	vst.idx.msk $0xffff, v7  }
0x5c5: {  	v7 =	vld.idx.msk [tilespmem:v9+s2+$0x0], $0xffff;
	v8 =	vor.u32 s18, v37;
	[tilespmem:v11+s13+$0x0] =	vst.idx.msk $0xffff, v10  }
0x5c6: {  	v9 =	vor.u32 $0x13, v3;
	v11 =	vor.u32 s20, v37;
	[tilespmem:v14+s13+$0x0] =	vst.idx.msk $0xffff, v13;
	v10 =	vld.idx.msk [tilespmem:v12+s2+$0x0], $0xffff  }
0x5c7: {  	v14 =	vor.u32 s19, v37;
	v12 =	vor.u32 $0x13, v6;
	v13 =	vld.idx.msk [tilespmem:v15+s2+$0x0], $0xffff;
	[tilespmem:v17+s13+$0x0] =	vst.idx.msk $0xffff, v16  }
0x5c8: {  	v17 =	vor.u32 s16, v37;
	v16 =	vld.idx.msk [tilespmem:v18+s2+$0x0], $0xffff  }
0x5c9: {  	v15 =	vor.u32 $0x13, v5  }
0x5ca: {  	v18 =	vor.u32 $0x13, v4;
	[tilespmem:v8+s13+$0x0] =	vst.idx.msk $0xffff, v7  }
0x5cb: {  	v7 =	vld.idx.msk [tilespmem:v9+s2+$0x0], $0xffff;
	[tilespmem:v11+s13+$0x0] =	vst.idx.msk $0xffff, v10  }
0x5cc: {  	v8 =	vor.u32 s18, v38;
	v9 =	vor.u32 $0x14, v3;
	[tilespmem:v14+s13+$0x0] =	vst.idx.msk $0xffff, v13;
	v10 =	vld.idx.msk [tilespmem:v12+s2+$0x0], $0xffff  }
0x5cd: {  	v11 =	vor.u32 s20, v38;
	v14 =	vor.u32 s19, v38;
	[tilespmem:v17+s13+$0x0] =	vst.idx.msk $0xffff, v16;
	v17 =	vor.u32 s16, v38;
	v38 =	vld [tilespmem:$0x1FD20]  }
0x5ce: {  	v12 =	vor.u32 $0x14, v6;
	v13 =	vld.idx.msk [tilespmem:v15+s2+$0x0], $0xffff  }
0x5cf: {  	v15 =	vor.u32 $0x14, v5;
	v16 =	vld.idx.msk [tilespmem:v18+s2+$0x0], $0xffff  }
0x5d0: {  	v18 =	vor.u32 $0x14, v4  }
0x5d1: {  	v39 =	vld [tilespmem:$0x1FD30];
	[tilespmem:v8+s13+$0x0] =	vst.idx.msk $0xffff, v7  }
0x5d2: {  	v7 =	vld.idx.msk [tilespmem:v9+s2+$0x0], $0xffff;
	v8 =	vor.u32 s18, v38;
	[tilespmem:v11+s13+$0x0] =	vst.idx.msk $0xffff, v10  }
0x5d3: {  	v9 =	vor.u32 $0x15, v3;
	v11 =	vor.u32 s20, v38;
	[tilespmem:v14+s13+$0x0] =	vst.idx.msk $0xffff, v13;
	v10 =	vld.idx.msk [tilespmem:v12+s2+$0x0], $0xffff  }
0x5d4: {  	v14 =	vor.u32 s19, v38;
	v12 =	vor.u32 $0x15, v6;
	v13 =	vld.idx.msk [tilespmem:v15+s2+$0x0], $0xffff;
	[tilespmem:v17+s13+$0x0] =	vst.idx.msk $0xffff, v16  }
0x5d5: {  	v17 =	vor.u32 s16, v38;
	v16 =	vld.idx.msk [tilespmem:v18+s2+$0x0], $0xffff  }
0x5d6: {  	v15 =	vor.u32 $0x15, v5  }
0x5d7: {  	v18 =	vor.u32 $0x15, v4;
	[tilespmem:v8+s13+$0x0] =	vst.idx.msk $0xffff, v7  }
0x5d8: {  	v7 =	vld.idx.msk [tilespmem:v9+s2+$0x0], $0xffff;
	[tilespmem:v11+s13+$0x0] =	vst.idx.msk $0xffff, v10  }
0x5d9: {  	v8 =	vor.u32 s18, v39;
	v9 =	vor.u32 $0x16, v3;
	[tilespmem:v14+s13+$0x0] =	vst.idx.msk $0xffff, v13;
	v10 =	vld.idx.msk [tilespmem:v12+s2+$0x0], $0xffff  }
0x5da: {  	v11 =	vor.u32 s20, v39;
	v14 =	vor.u32 s19, v39;
	[tilespmem:v17+s13+$0x0] =	vst.idx.msk $0xffff, v16;
	v17 =	vor.u32 s16, v39;
	v39 =	vld [tilespmem:$0x1FD40]  }
0x5db: {  	v12 =	vor.u32 $0x16, v6;
	v13 =	vld.idx.msk [tilespmem:v15+s2+$0x0], $0xffff  }
0x5dc: {  	v15 =	vor.u32 $0x16, v5;
	v16 =	vld.idx.msk [tilespmem:v18+s2+$0x0], $0xffff  }
0x5dd: {  	v18 =	vor.u32 $0x16, v4  }
0x5de: {  	v40 =	vld [tilespmem:$0x1FD50];
	[tilespmem:v8+s13+$0x0] =	vst.idx.msk $0xffff, v7  }
0x5df: {  	v7 =	vld.idx.msk [tilespmem:v9+s2+$0x0], $0xffff;
	v8 =	vor.u32 s18, v39;
	[tilespmem:v11+s13+$0x0] =	vst.idx.msk $0xffff, v10  }
0x5e0: {  	v9 =	vor.u32 $0x17, v3;
	v11 =	vor.u32 s20, v39;
	[tilespmem:v14+s13+$0x0] =	vst.idx.msk $0xffff, v13;
	v10 =	vld.idx.msk [tilespmem:v12+s2+$0x0], $0xffff  }
0x5e1: {  	v14 =	vor.u32 s19, v39;
	v12 =	vor.u32 $0x17, v6;
	v13 =	vld.idx.msk [tilespmem:v15+s2+$0x0], $0xffff;
	[tilespmem:v17+s13+$0x0] =	vst.idx.msk $0xffff, v16  }
0x5e2: {  	v17 =	vor.u32 s16, v39;
	v16 =	vld.idx.msk [tilespmem:v18+s2+$0x0], $0xffff  }
0x5e3: {  	v15 =	vor.u32 $0x17, v5  }
0x5e4: {  	v18 =	vor.u32 $0x17, v4;
	[tilespmem:v8+s13+$0x0] =	vst.idx.msk $0xffff, v7  }
0x5e5: {  	v7 =	vld.idx.msk [tilespmem:v9+s2+$0x0], $0xffff;
	[tilespmem:v11+s13+$0x0] =	vst.idx.msk $0xffff, v10  }
0x5e6: {  	v8 =	vor.u32 s18, v40;
	v9 =	vor.u32 $0x18, v3;
	[tilespmem:v14+s13+$0x0] =	vst.idx.msk $0xffff, v13;
	v10 =	vld.idx.msk [tilespmem:v12+s2+$0x0], $0xffff  }
0x5e7: {  	v11 =	vor.u32 s20, v40;
	v14 =	vor.u32 s19, v40;
	[tilespmem:v17+s13+$0x0] =	vst.idx.msk $0xffff, v16;
	v17 =	vor.u32 s16, v40;
	v40 =	vld [tilespmem:$0x1FD60]  }
0x5e8: {  	v12 =	vor.u32 $0x18, v6;
	v13 =	vld.idx.msk [tilespmem:v15+s2+$0x0], $0xffff  }
0x5e9: {  	v15 =	vor.u32 $0x18, v5;
	v16 =	vld.idx.msk [tilespmem:v18+s2+$0x0], $0xffff  }
0x5ea: {  	v18 =	vor.u32 $0x18, v4  }
0x5eb: {  	v41 =	vld [tilespmem:$0x1FD70];
	[tilespmem:v8+s13+$0x0] =	vst.idx.msk $0xffff, v7  }
0x5ec: {  	v7 =	vld.idx.msk [tilespmem:v9+s2+$0x0], $0xffff;
	v8 =	vor.u32 s18, v40;
	[tilespmem:v11+s13+$0x0] =	vst.idx.msk $0xffff, v10  }
0x5ed: {  	v9 =	vor.u32 $0x19, v3;
	v11 =	vor.u32 s20, v40;
	[tilespmem:v14+s13+$0x0] =	vst.idx.msk $0xffff, v13;
	v10 =	vld.idx.msk [tilespmem:v12+s2+$0x0], $0xffff  }
0x5ee: {  	v14 =	vor.u32 s19, v40;
	v12 =	vor.u32 $0x19, v6;
	v13 =	vld.idx.msk [tilespmem:v15+s2+$0x0], $0xffff;
	[tilespmem:v17+s13+$0x0] =	vst.idx.msk $0xffff, v16  }
0x5ef: {  	v17 =	vor.u32 s16, v40;
	v16 =	vld.idx.msk [tilespmem:v18+s2+$0x0], $0xffff  }
0x5f0: {  	v15 =	vor.u32 $0x19, v5  }
0x5f1: {  	v18 =	vor.u32 $0x19, v4;
	[tilespmem:v8+s13+$0x0] =	vst.idx.msk $0xffff, v7  }
0x5f2: {  	v7 =	vld.idx.msk [tilespmem:v9+s2+$0x0], $0xffff;
	[tilespmem:v11+s13+$0x0] =	vst.idx.msk $0xffff, v10  }
0x5f3: {  	v8 =	vor.u32 s18, v41;
	v9 =	vor.u32 $0x1A, v3;
	[tilespmem:v14+s13+$0x0] =	vst.idx.msk $0xffff, v13;
	v10 =	vld.idx.msk [tilespmem:v12+s2+$0x0], $0xffff  }
0x5f4: {  	v11 =	vor.u32 s20, v41;
	v14 =	vor.u32 s19, v41;
	[tilespmem:v17+s13+$0x0] =	vst.idx.msk $0xffff, v16;
	v17 =	vor.u32 s16, v41;
	v41 =	vld [tilespmem:$0x1FD80]  }
0x5f5: {  	v12 =	vor.u32 $0x1A, v6;
	v13 =	vld.idx.msk [tilespmem:v15+s2+$0x0], $0xffff  }
0x5f6: {  	v15 =	vor.u32 $0x1A, v5;
	v16 =	vld.idx.msk [tilespmem:v18+s2+$0x0], $0xffff  }
0x5f7: {  	v18 =	vor.u32 $0x1A, v4  }
0x5f8: {  	v42 =	vld [tilespmem:$0x1FD90];
	[tilespmem:v8+s13+$0x0] =	vst.idx.msk $0xffff, v7  }
0x5f9: {  	v7 =	vld.idx.msk [tilespmem:v9+s2+$0x0], $0xffff;
	v8 =	vor.u32 s18, v41;
	[tilespmem:v11+s13+$0x0] =	vst.idx.msk $0xffff, v10  }
0x5fa: {  	v9 =	vor.u32 $0x1B, v3;
	v11 =	vor.u32 s20, v41;
	[tilespmem:v14+s13+$0x0] =	vst.idx.msk $0xffff, v13;
	v10 =	vld.idx.msk [tilespmem:v12+s2+$0x0], $0xffff  }
0x5fb: {  	v14 =	vor.u32 s19, v41;
	v12 =	vor.u32 $0x1B, v6;
	v13 =	vld.idx.msk [tilespmem:v15+s2+$0x0], $0xffff;
	[tilespmem:v17+s13+$0x0] =	vst.idx.msk $0xffff, v16  }
0x5fc: {  	v17 =	vor.u32 s16, v41;
	v16 =	vld.idx.msk [tilespmem:v18+s2+$0x0], $0xffff  }
0x5fd: {  	v15 =	vor.u32 $0x1B, v5  }
0x5fe: {  	v18 =	vor.u32 $0x1B, v4;
	[tilespmem:v8+s13+$0x0] =	vst.idx.msk $0xffff, v7  }
0x5ff: {  	v7 =	vld.idx.msk [tilespmem:v9+s2+$0x0], $0xffff;
	[tilespmem:v11+s13+$0x0] =	vst.idx.msk $0xffff, v10  }
0x600: {  	v8 =	vor.u32 s18, v42;
	v9 =	vor.u32 $0x1C, v3;
	[tilespmem:v14+s13+$0x0] =	vst.idx.msk $0xffff, v13;
	v10 =	vld.idx.msk [tilespmem:v12+s2+$0x0], $0xffff  }
0x601: {  	v11 =	vor.u32 s20, v42;
	v14 =	vor.u32 s19, v42;
	[tilespmem:v17+s13+$0x0] =	vst.idx.msk $0xffff, v16;
	v17 =	vor.u32 s16, v42;
	v42 =	vld [tilespmem:$0x1FDA0]  }
0x602: {  	v12 =	vor.u32 $0x1C, v6;
	v13 =	vld.idx.msk [tilespmem:v15+s2+$0x0], $0xffff  }
0x603: {  	v15 =	vor.u32 $0x1C, v5;
	v16 =	vld.idx.msk [tilespmem:v18+s2+$0x0], $0xffff  }
0x604: {  	v18 =	vor.u32 $0x1C, v4  }
0x605: {  	v43 =	vld [tilespmem:$0x1FDB0];
	[tilespmem:v8+s13+$0x0] =	vst.idx.msk $0xffff, v7  }
0x606: {  	v7 =	vld.idx.msk [tilespmem:v9+s2+$0x0], $0xffff;
	v8 =	vor.u32 s18, v42;
	[tilespmem:v11+s13+$0x0] =	vst.idx.msk $0xffff, v10  }
0x607: {  	v9 =	vor.u32 $0x1D, v3;
	v11 =	vor.u32 s20, v42;
	[tilespmem:v14+s13+$0x0] =	vst.idx.msk $0xffff, v13;
	v10 =	vld.idx.msk [tilespmem:v12+s2+$0x0], $0xffff  }
0x608: {  	v14 =	vor.u32 s19, v42;
	v12 =	vor.u32 $0x1D, v6;
	v13 =	vld.idx.msk [tilespmem:v15+s2+$0x0], $0xffff;
	[tilespmem:v17+s13+$0x0] =	vst.idx.msk $0xffff, v16  }
0x609: {  	v17 =	vor.u32 s16, v42;
	v16 =	vld.idx.msk [tilespmem:v18+s2+$0x0], $0xffff  }
0x60a: {  	v15 =	vor.u32 $0x1D, v5  }
0x60b: {  	v18 =	vor.u32 $0x1D, v4;
	[tilespmem:v8+s13+$0x0] =	vst.idx.msk $0xffff, v7  }
0x60c: {  	v7 =	vld.idx.msk [tilespmem:v9+s2+$0x0], $0xffff;
	[tilespmem:v11+s13+$0x0] =	vst.idx.msk $0xffff, v10  }
0x60d: {  	v8 =	vor.u32 s18, v43;
	v9 =	vor.u32 $0x1E, v3;
	[tilespmem:v14+s13+$0x0] =	vst.idx.msk $0xffff, v13;
	v10 =	vld.idx.msk [tilespmem:v12+s2+$0x0], $0xffff  }
0x60e: {  	v11 =	vor.u32 s20, v43;
	v14 =	vor.u32 s19, v43;
	[tilespmem:v17+s13+$0x0] =	vst.idx.msk $0xffff, v16;
	v17 =	vor.u32 s16, v43;
	v43 =	vld [tilespmem:$0x1FDC0]  }
0x60f: {  	v12 =	vor.u32 $0x1E, v6;
	v13 =	vld.idx.msk [tilespmem:v15+s2+$0x0], $0xffff  }
0x610: {  	v15 =	vor.u32 $0x1E, v5;
	v16 =	vld.idx.msk [tilespmem:v18+s2+$0x0], $0xffff  }
0x611: {  	v18 =	vor.u32 $0x1E, v4  }
0x612: {  	v44 =	vld [tilespmem:$0x1FDD0];
	[tilespmem:v8+s13+$0x0] =	vst.idx.msk $0xffff, v7  }
0x613: {  	v7 =	vld.idx.msk [tilespmem:v9+s2+$0x0], $0xffff;
	v8 =	vor.u32 s18, v43;
	[tilespmem:v11+s13+$0x0] =	vst.idx.msk $0xffff, v10  }
0x614: {  	v9 =	vor.u32 $0x1F, v3;
	v11 =	vor.u32 s20, v43;
	[tilespmem:v14+s13+$0x0] =	vst.idx.msk $0xffff, v13;
	v10 =	vld.idx.msk [tilespmem:v12+s2+$0x0], $0xffff  }
0x615: {  	v14 =	vor.u32 s19, v43;
	v12 =	vor.u32 $0x1F, v6;
	v13 =	vld.idx.msk [tilespmem:v15+s2+$0x0], $0xffff;
	[tilespmem:v17+s13+$0x0] =	vst.idx.msk $0xffff, v16  }
0x616: {  	v17 =	vor.u32 s16, v43;
	v16 =	vld.idx.msk [tilespmem:v18+s2+$0x0], $0xffff  }
0x617: {  	v15 =	vor.u32 $0x1F, v5  }
0x618: {  	v18 =	vor.u32 $0x1F, v4;
	[tilespmem:v8+s13+$0x0] =	vst.idx.msk $0xffff, v7  }
0x619: {  	v7 =	vld.idx.msk [tilespmem:v9+s2+$0x0], $0xffff;
	[tilespmem:v11+s13+$0x0] =	vst.idx.msk $0xffff, v10  }
0x61a: {  	v8 =	vor.u32 s18, v44;
	v9 =	vor.u32 $0x20, v3;
	[tilespmem:v14+s13+$0x0] =	vst.idx.msk $0xffff, v13;
	v10 =	vld.idx.msk [tilespmem:v12+s2+$0x0], $0xffff  }
0x61b: {  	v11 =	vor.u32 s20, v44;
	v14 =	vor.u32 s19, v44;
	[tilespmem:v17+s13+$0x0] =	vst.idx.msk $0xffff, v16;
	v17 =	vor.u32 s16, v44;
	v44 =	vld [tilespmem:$0x1FDE0]  }
0x61c: {  	v12 =	vor.u32 $0x20, v6;
	v13 =	vld.idx.msk [tilespmem:v15+s2+$0x0], $0xffff  }
0x61d: {  	v15 =	vor.u32 $0x20, v5;
	v16 =	vld.idx.msk [tilespmem:v18+s2+$0x0], $0xffff  }
0x61e: {  	v18 =	vor.u32 $0x20, v4  }
0x61f: {  	[tilespmem:v8+s13+$0x0] =	vst.idx.msk $0xffff, v7  }
0x620: {  	v7 =	vld.idx.msk [tilespmem:v9+s2+$0x0], $0xffff;
	v8 =	vor.u32 s18, v44;
	[tilespmem:v11+s13+$0x0] =	vst.idx.msk $0xffff, v10  }
0x621: {  	v9 =	vor.u32 $0x21, v3;
	v11 =	vor.u32 s20, v44;
	[tilespmem:v14+s13+$0x0] =	vst.idx.msk $0xffff, v13;
	v10 =	vld.idx.msk [tilespmem:v12+s2+$0x0], $0xffff  }
0x622: {  	v14 =	vor.u32 s19, v44;
	v12 =	vor.u32 $0x21, v6;
	v13 =	vld.idx.msk [tilespmem:v15+s2+$0x0], $0xffff;
	[tilespmem:v17+s13+$0x0] =	vst.idx.msk $0xffff, v16  }
0x623: {  	v15 =	vor.u32 $0x21, v5;
	v17 =	vor.u32 s16, v44;
	v16 =	vld.idx.msk [tilespmem:v18+s2+$0x0], $0xffff  }
0x624: {  	v18 =	vor.u32 $0x21, v4  }
0x625: {  	[tilespmem:v8+s13+$0x0] =	vst.idx.msk $0xffff, v7  }
0x626: {  	v8 =	vor.u32 s18, v45;
	v7 =	vld.idx.msk [tilespmem:v9+s2+$0x0], $0xffff;
	[tilespmem:v11+s13+$0x0] =	vst.idx.msk $0xffff, v10  }
0x627: {  	v9 =	vor.u32 $0x22, v3;
	v11 =	vor.u32 s20, v45;
	[tilespmem:v14+s13+$0x0] =	vst.idx.msk $0xffff, v13;
	v10 =	vld.idx.msk [tilespmem:v12+s2+$0x0], $0xffff  }
0x628: {  	v14 =	vor.u32 s19, v45;
	v12 =	vor.u32 $0x22, v6;
	v13 =	vld.idx.msk [tilespmem:v15+s2+$0x0], $0xffff;
	[tilespmem:v17+s13+$0x0] =	vst.idx.msk $0xffff, v16  }
0x629: {  	v15 =	vor.u32 $0x22, v5;
	v17 =	vor.u32 s16, v45;
	v16 =	vld.idx.msk [tilespmem:v18+s2+$0x0], $0xffff  }
0x62a: {  	v18 =	vor.u32 $0x22, v4  }
0x62b: {  	[tilespmem:v8+s13+$0x0] =	vst.idx.msk $0xffff, v7  }
0x62c: {  	v8 =	vor.u32 s18, v46;
	v7 =	vld.idx.msk [tilespmem:v9+s2+$0x0], $0xffff;
	[tilespmem:v11+s13+$0x0] =	vst.idx.msk $0xffff, v10  }
0x62d: {  	v9 =	vor.u32 $0x23, v3;
	v11 =	vor.u32 s20, v46;
	[tilespmem:v14+s13+$0x0] =	vst.idx.msk $0xffff, v13;
	v10 =	vld.idx.msk [tilespmem:v12+s2+$0x0], $0xffff  }
0x62e: {  	v14 =	vor.u32 s19, v46;
	v12 =	vor.u32 $0x23, v6;
	v13 =	vld.idx.msk [tilespmem:v15+s2+$0x0], $0xffff;
	[tilespmem:v17+s13+$0x0] =	vst.idx.msk $0xffff, v16  }
0x62f: {  	v15 =	vor.u32 $0x23, v5;
	v17 =	vor.u32 s16, v46;
	v16 =	vld.idx.msk [tilespmem:v18+s2+$0x0], $0xffff  }
0x630: {  	v18 =	vor.u32 $0x23, v4  }
0x631: {  	[tilespmem:v8+s13+$0x0] =	vst.idx.msk $0xffff, v7  }
0x632: {  	v8 =	vor.u32 s18, v47;
	v7 =	vld.idx.msk [tilespmem:v9+s2+$0x0], $0xffff;
	[tilespmem:v11+s13+$0x0] =	vst.idx.msk $0xffff, v10  }
0x633: {  	v9 =	vor.u32 $0x24, v3;
	v11 =	vor.u32 s20, v47;
	[tilespmem:v14+s13+$0x0] =	vst.idx.msk $0xffff, v13;
	v10 =	vld.idx.msk [tilespmem:v12+s2+$0x0], $0xffff  }
0x634: {  	v14 =	vor.u32 s19, v47;
	v12 =	vor.u32 $0x24, v6;
	v13 =	vld.idx.msk [tilespmem:v15+s2+$0x0], $0xffff;
	[tilespmem:v17+s13+$0x0] =	vst.idx.msk $0xffff, v16  }
0x635: {  	v15 =	vor.u32 $0x24, v5;
	v17 =	vor.u32 s16, v47;
	v16 =	vld.idx.msk [tilespmem:v18+s2+$0x0], $0xffff  }
0x636: {  	v18 =	vor.u32 $0x24, v4  }
0x637: {  	[tilespmem:v8+s13+$0x0] =	vst.idx.msk $0xffff, v7  }
0x638: {  	v8 =	vor.u32 s18, v48;
	v7 =	vld.idx.msk [tilespmem:v9+s2+$0x0], $0xffff;
	[tilespmem:v11+s13+$0x0] =	vst.idx.msk $0xffff, v10  }
0x639: {  	v9 =	vor.u32 $0x25, v3;
	v11 =	vor.u32 s20, v48;
	[tilespmem:v14+s13+$0x0] =	vst.idx.msk $0xffff, v13;
	v10 =	vld.idx.msk [tilespmem:v12+s2+$0x0], $0xffff  }
0x63a: {  	v14 =	vor.u32 s19, v48;
	v12 =	vor.u32 $0x25, v6;
	v13 =	vld.idx.msk [tilespmem:v15+s2+$0x0], $0xffff;
	[tilespmem:v17+s13+$0x0] =	vst.idx.msk $0xffff, v16  }
0x63b: {  	v15 =	vor.u32 $0x25, v5;
	v17 =	vor.u32 s16, v48;
	v16 =	vld.idx.msk [tilespmem:v18+s2+$0x0], $0xffff  }
0x63c: {  	v18 =	vor.u32 $0x25, v4  }
0x63d: {  	[tilespmem:v8+s13+$0x0] =	vst.idx.msk $0xffff, v7  }
0x63e: {  	v8 =	vor.u32 s18, v49;
	v7 =	vld.idx.msk [tilespmem:v9+s2+$0x0], $0xffff;
	[tilespmem:v11+s13+$0x0] =	vst.idx.msk $0xffff, v10  }
0x63f: {  	v9 =	vor.u32 $0x26, v3;
	v11 =	vor.u32 s20, v49;
	[tilespmem:v14+s13+$0x0] =	vst.idx.msk $0xffff, v13;
	v10 =	vld.idx.msk [tilespmem:v12+s2+$0x0], $0xffff  }
0x640: {  	v14 =	vor.u32 s19, v49;
	v12 =	vor.u32 $0x26, v6;
	v13 =	vld.idx.msk [tilespmem:v15+s2+$0x0], $0xffff;
	[tilespmem:v17+s13+$0x0] =	vst.idx.msk $0xffff, v16  }
0x641: {  	v15 =	vor.u32 $0x26, v5;
	v17 =	vor.u32 s16, v49;
	v16 =	vld.idx.msk [tilespmem:v18+s2+$0x0], $0xffff  }
0x642: {  	v18 =	vor.u32 $0x26, v4  }
0x643: {  	[tilespmem:v8+s13+$0x0] =	vst.idx.msk $0xffff, v7  }
0x644: {  	v8 =	vor.u32 s18, v50;
	v7 =	vld.idx.msk [tilespmem:v9+s2+$0x0], $0xffff;
	[tilespmem:v11+s13+$0x0] =	vst.idx.msk $0xffff, v10  }
0x645: {  	v9 =	vor.u32 $0x27, v3;
	v11 =	vor.u32 s20, v50;
	[tilespmem:v14+s13+$0x0] =	vst.idx.msk $0xffff, v13;
	v10 =	vld.idx.msk [tilespmem:v12+s2+$0x0], $0xffff  }
0x646: {  	v14 =	vor.u32 s19, v50;
	v12 =	vor.u32 $0x27, v6;
	v13 =	vld.idx.msk [tilespmem:v15+s2+$0x0], $0xffff;
	[tilespmem:v17+s13+$0x0] =	vst.idx.msk $0xffff, v16  }
0x647: {  	v15 =	vor.u32 $0x27, v5;
	v17 =	vor.u32 s16, v50;
	v16 =	vld.idx.msk [tilespmem:v18+s2+$0x0], $0xffff  }
0x648: {  	v18 =	vor.u32 $0x27, v4  }
0x649: {  	[tilespmem:v8+s13+$0x0] =	vst.idx.msk $0xffff, v7  }
0x64a: {  	v8 =	vor.u32 s18, v51;
	v7 =	vld.idx.msk [tilespmem:v9+s2+$0x0], $0xffff;
	[tilespmem:v11+s13+$0x0] =	vst.idx.msk $0xffff, v10  }
0x64b: {  	v9 =	vor.u32 $0x28, v3;
	v11 =	vor.u32 s20, v51;
	[tilespmem:v14+s13+$0x0] =	vst.idx.msk $0xffff, v13;
	v10 =	vld.idx.msk [tilespmem:v12+s2+$0x0], $0xffff  }
0x64c: {  	v14 =	vor.u32 s19, v51;
	v12 =	vor.u32 $0x28, v6;
	v13 =	vld.idx.msk [tilespmem:v15+s2+$0x0], $0xffff;
	[tilespmem:v17+s13+$0x0] =	vst.idx.msk $0xffff, v16  }
0x64d: {  	v15 =	vor.u32 $0x28, v5;
	v17 =	vor.u32 s16, v51;
	v16 =	vld.idx.msk [tilespmem:v18+s2+$0x0], $0xffff  }
0x64e: {  	v18 =	vor.u32 $0x28, v4  }
0x64f: {  	[tilespmem:v8+s13+$0x0] =	vst.idx.msk $0xffff, v7  }
0x650: {  	v8 =	vor.u32 s18, v52;
	v7 =	vld.idx.msk [tilespmem:v9+s2+$0x0], $0xffff;
	[tilespmem:v11+s13+$0x0] =	vst.idx.msk $0xffff, v10  }
0x651: {  	v9 =	vor.u32 $0x29, v3;
	v11 =	vor.u32 s20, v52;
	[tilespmem:v14+s13+$0x0] =	vst.idx.msk $0xffff, v13;
	v10 =	vld.idx.msk [tilespmem:v12+s2+$0x0], $0xffff  }
0x652: {  	v14 =	vor.u32 s19, v52;
	v12 =	vor.u32 $0x29, v6;
	v13 =	vld.idx.msk [tilespmem:v15+s2+$0x0], $0xffff;
	[tilespmem:v17+s13+$0x0] =	vst.idx.msk $0xffff, v16  }
0x653: {  	v15 =	vor.u32 $0x29, v5;
	v17 =	vor.u32 s16, v52;
	v16 =	vld.idx.msk [tilespmem:v18+s2+$0x0], $0xffff  }
0x654: {  	v18 =	vor.u32 $0x29, v4  }
0x655: {  	[tilespmem:v8+s13+$0x0] =	vst.idx.msk $0xffff, v7  }
0x656: {  	v8 =	vor.u32 s18, v53;
	v7 =	vld.idx.msk [tilespmem:v9+s2+$0x0], $0xffff;
	[tilespmem:v11+s13+$0x0] =	vst.idx.msk $0xffff, v10  }
0x657: {  	v9 =	vor.u32 $0x2A, v3;
	v11 =	vor.u32 s20, v53;
	[tilespmem:v14+s13+$0x0] =	vst.idx.msk $0xffff, v13;
	v10 =	vld.idx.msk [tilespmem:v12+s2+$0x0], $0xffff  }
0x658: {  	v14 =	vor.u32 s19, v53;
	v12 =	vor.u32 $0x2A, v6;
	v13 =	vld.idx.msk [tilespmem:v15+s2+$0x0], $0xffff;
	[tilespmem:v17+s13+$0x0] =	vst.idx.msk $0xffff, v16  }
0x659: {  	v15 =	vor.u32 $0x2A, v5;
	v17 =	vor.u32 s16, v53;
	v16 =	vld.idx.msk [tilespmem:v18+s2+$0x0], $0xffff  }
0x65a: {  	v18 =	vor.u32 $0x2A, v4  }
0x65b: {  	[tilespmem:v8+s13+$0x0] =	vst.idx.msk $0xffff, v7  }
0x65c: {  	v8 =	vor.u32 s18, v54;
	v7 =	vld.idx.msk [tilespmem:v9+s2+$0x0], $0xffff;
	[tilespmem:v11+s13+$0x0] =	vst.idx.msk $0xffff, v10  }
0x65d: {  	v9 =	vor.u32 $0x2B, v3;
	v11 =	vor.u32 s20, v54;
	[tilespmem:v14+s13+$0x0] =	vst.idx.msk $0xffff, v13;
	v10 =	vld.idx.msk [tilespmem:v12+s2+$0x0], $0xffff  }
0x65e: {  	v14 =	vor.u32 s19, v54;
	v12 =	vor.u32 $0x2B, v6;
	v13 =	vld.idx.msk [tilespmem:v15+s2+$0x0], $0xffff;
	[tilespmem:v17+s13+$0x0] =	vst.idx.msk $0xffff, v16  }
0x65f: {  	v15 =	vor.u32 $0x2B, v5;
	v17 =	vor.u32 s16, v54;
	v16 =	vld.idx.msk [tilespmem:v18+s2+$0x0], $0xffff  }
0x660: {  	v18 =	vor.u32 $0x2B, v4  }
0x661: {  	[tilespmem:v8+s13+$0x0] =	vst.idx.msk $0xffff, v7  }
0x662: {  	v8 =	vor.u32 s18, v55;
	v7 =	vld.idx.msk [tilespmem:v9+s2+$0x0], $0xffff;
	[tilespmem:v11+s13+$0x0] =	vst.idx.msk $0xffff, v10  }
0x663: {  	v9 =	vor.u32 $0x2C, v3;
	v11 =	vor.u32 s20, v55;
	[tilespmem:v14+s13+$0x0] =	vst.idx.msk $0xffff, v13;
	v10 =	vld.idx.msk [tilespmem:v12+s2+$0x0], $0xffff  }
0x664: {  	v14 =	vor.u32 s19, v55;
	v12 =	vor.u32 $0x2C, v6;
	v13 =	vld.idx.msk [tilespmem:v15+s2+$0x0], $0xffff;
	[tilespmem:v17+s13+$0x0] =	vst.idx.msk $0xffff, v16  }
0x665: {  	v15 =	vor.u32 $0x2C, v5;
	v17 =	vor.u32 s16, v55;
	v16 =	vld.idx.msk [tilespmem:v18+s2+$0x0], $0xffff  }
0x666: {  	v18 =	vor.u32 $0x2C, v4  }
0x667: {  	[tilespmem:v8+s13+$0x0] =	vst.idx.msk $0xffff, v7  }
0x668: {  	v8 =	vor.u32 s18, v56;
	v7 =	vld.idx.msk [tilespmem:v9+s2+$0x0], $0xffff;
	[tilespmem:v11+s13+$0x0] =	vst.idx.msk $0xffff, v10  }
0x669: {  	v9 =	vor.u32 $0x2D, v3;
	v11 =	vor.u32 s20, v56;
	[tilespmem:v14+s13+$0x0] =	vst.idx.msk $0xffff, v13;
	v10 =	vld.idx.msk [tilespmem:v12+s2+$0x0], $0xffff  }
0x66a: {  	v14 =	vor.u32 s19, v56;
	v12 =	vor.u32 $0x2D, v6;
	v13 =	vld.idx.msk [tilespmem:v15+s2+$0x0], $0xffff;
	[tilespmem:v17+s13+$0x0] =	vst.idx.msk $0xffff, v16  }
0x66b: {  	v15 =	vor.u32 $0x2D, v5;
	v17 =	vor.u32 s16, v56;
	v16 =	vld.idx.msk [tilespmem:v18+s2+$0x0], $0xffff  }
0x66c: {  	v18 =	vor.u32 $0x2D, v4  }
0x66d: {  	[tilespmem:v8+s13+$0x0] =	vst.idx.msk $0xffff, v7  }
0x66e: {  	v8 =	vor.u32 s18, v57;
	v7 =	vld.idx.msk [tilespmem:v9+s2+$0x0], $0xffff;
	[tilespmem:v11+s13+$0x0] =	vst.idx.msk $0xffff, v10  }
0x66f: {  	v9 =	vor.u32 $0x2E, v3;
	v11 =	vor.u32 s20, v57;
	[tilespmem:v14+s13+$0x0] =	vst.idx.msk $0xffff, v13;
	v10 =	vld.idx.msk [tilespmem:v12+s2+$0x0], $0xffff  }
0x670: {  	v14 =	vor.u32 s19, v57;
	v12 =	vor.u32 $0x2E, v6;
	v13 =	vld.idx.msk [tilespmem:v15+s2+$0x0], $0xffff;
	[tilespmem:v17+s13+$0x0] =	vst.idx.msk $0xffff, v16  }
0x671: {  	v15 =	vor.u32 $0x2E, v5;
	v17 =	vor.u32 s16, v57;
	v16 =	vld.idx.msk [tilespmem:v18+s2+$0x0], $0xffff  }
0x672: {  	v18 =	vor.u32 $0x2E, v4  }
0x673: {  	[tilespmem:v8+s13+$0x0] =	vst.idx.msk $0xffff, v7  }
0x674: {  	v8 =	vor.u32 s18, v58;
	v7 =	vld.idx.msk [tilespmem:v9+s2+$0x0], $0xffff;
	[tilespmem:v11+s13+$0x0] =	vst.idx.msk $0xffff, v10  }
0x675: {  	v9 =	vor.u32 $0x2F, v3;
	v11 =	vor.u32 s20, v58;
	[tilespmem:v14+s13+$0x0] =	vst.idx.msk $0xffff, v13;
	v10 =	vld.idx.msk [tilespmem:v12+s2+$0x0], $0xffff  }
0x676: {  	v14 =	vor.u32 s19, v58;
	v12 =	vor.u32 $0x2F, v6;
	v13 =	vld.idx.msk [tilespmem:v15+s2+$0x0], $0xffff;
	[tilespmem:v17+s13+$0x0] =	vst.idx.msk $0xffff, v16  }
0x677: {  	v15 =	vor.u32 $0x2F, v5;
	v17 =	vor.u32 s16, v58;
	v16 =	vld.idx.msk [tilespmem:v18+s2+$0x0], $0xffff  }
0x678: {  	v18 =	vor.u32 $0x2F, v4  }
0x679: {  	[tilespmem:v8+s13+$0x0] =	vst.idx.msk $0xffff, v7  }
0x67a: {  	v8 =	vor.u32 s18, v59;
	v7 =	vld.idx.msk [tilespmem:v9+s2+$0x0], $0xffff;
	[tilespmem:v11+s13+$0x0] =	vst.idx.msk $0xffff, v10  }
0x67b: {  	v9 =	vor.u32 $0x30, v3;
	v11 =	vor.u32 s20, v59;
	[tilespmem:v14+s13+$0x0] =	vst.idx.msk $0xffff, v13;
	v10 =	vld.idx.msk [tilespmem:v12+s2+$0x0], $0xffff  }
0x67c: {  	v14 =	vor.u32 s19, v59;
	v12 =	vor.u32 $0x30, v6;
	v13 =	vld.idx.msk [tilespmem:v15+s2+$0x0], $0xffff;
	[tilespmem:v17+s13+$0x0] =	vst.idx.msk $0xffff, v16  }
0x67d: {  	v15 =	vor.u32 $0x30, v5;
	v17 =	vor.u32 s16, v59;
	v16 =	vld.idx.msk [tilespmem:v18+s2+$0x0], $0xffff  }
0x67e: {  	v18 =	vor.u32 $0x30, v4  }
0x67f: {  	[tilespmem:v8+s13+$0x0] =	vst.idx.msk $0xffff, v7  }
0x680: {  	v8 =	vor.u32 s18, v60;
	v7 =	vld.idx.msk [tilespmem:v9+s2+$0x0], $0xffff;
	[tilespmem:v11+s13+$0x0] =	vst.idx.msk $0xffff, v10  }
0x681: {  	v9 =	vor.u32 $0x31, v3;
	v11 =	vor.u32 s20, v60;
	[tilespmem:v14+s13+$0x0] =	vst.idx.msk $0xffff, v13;
	v10 =	vld.idx.msk [tilespmem:v12+s2+$0x0], $0xffff  }
0x682: {  	v14 =	vor.u32 s19, v60;
	v12 =	vor.u32 $0x31, v6;
	v13 =	vld.idx.msk [tilespmem:v15+s2+$0x0], $0xffff;
	[tilespmem:v17+s13+$0x0] =	vst.idx.msk $0xffff, v16  }
0x683: {  	v15 =	vor.u32 $0x31, v5;
	v17 =	vor.u32 s16, v60;
	v16 =	vld.idx.msk [tilespmem:v18+s2+$0x0], $0xffff  }
0x684: {  	v18 =	vor.u32 $0x31, v4  }
0x685: {  	[tilespmem:v8+s13+$0x0] =	vst.idx.msk $0xffff, v7  }
0x686: {  	v8 =	vor.u32 s18, v61;
	v7 =	vld.idx.msk [tilespmem:v9+s2+$0x0], $0xffff;
	[tilespmem:v11+s13+$0x0] =	vst.idx.msk $0xffff, v10  }
0x687: {  	v9 =	vor.u32 $0x32, v3;
	v11 =	vor.u32 s20, v61;
	[tilespmem:v14+s13+$0x0] =	vst.idx.msk $0xffff, v13;
	v10 =	vld.idx.msk [tilespmem:v12+s2+$0x0], $0xffff  }
0x688: {  	v14 =	vor.u32 s19, v61;
	v12 =	vor.u32 $0x32, v6;
	v13 =	vld.idx.msk [tilespmem:v15+s2+$0x0], $0xffff;
	[tilespmem:v17+s13+$0x0] =	vst.idx.msk $0xffff, v16  }
0x689: {  	v15 =	vor.u32 $0x32, v5;
	v17 =	vor.u32 s16, v61;
	v16 =	vld.idx.msk [tilespmem:v18+s2+$0x0], $0xffff  }
0x68a: {  	v18 =	vor.u32 $0x32, v4  }
0x68b: {  	[tilespmem:v8+s13+$0x0] =	vst.idx.msk $0xffff, v7  }
0x68c: {  	v8 =	vor.u32 s18, v62;
	v7 =	vld.idx.msk [tilespmem:v9+s2+$0x0], $0xffff;
	[tilespmem:v11+s13+$0x0] =	vst.idx.msk $0xffff, v10  }
0x68d: {  	v9 =	vor.u32 $0x33, v3;
	v11 =	vor.u32 s20, v62;
	[tilespmem:v14+s13+$0x0] =	vst.idx.msk $0xffff, v13;
	v10 =	vld.idx.msk [tilespmem:v12+s2+$0x0], $0xffff  }
0x68e: {  	v14 =	vor.u32 s19, v62;
	v12 =	vor.u32 $0x33, v6;
	v13 =	vld.idx.msk [tilespmem:v15+s2+$0x0], $0xffff;
	[tilespmem:v17+s13+$0x0] =	vst.idx.msk $0xffff, v16  }
0x68f: {  	v15 =	vor.u32 $0x33, v5;
	v17 =	vor.u32 s16, v62;
	v16 =	vld.idx.msk [tilespmem:v18+s2+$0x0], $0xffff  }
0x690: {  	v18 =	vor.u32 $0x33, v4  }
0x691: {  	[tilespmem:v8+s13+$0x0] =	vst.idx.msk $0xffff, v7  }
0x692: {  	v8 =	vor.u32 s18, v25;
	v7 =	vld.idx.msk [tilespmem:v9+s2+$0x0], $0xffff;
	[tilespmem:v11+s13+$0x0] =	vst.idx.msk $0xffff, v10  }
0x693: {  	v9 =	vor.u32 $0x34, v3;
	v11 =	vor.u32 s20, v25;
	[tilespmem:v14+s13+$0x0] =	vst.idx.msk $0xffff, v13;
	v10 =	vld.idx.msk [tilespmem:v12+s2+$0x0], $0xffff  }
0x694: {  	v14 =	vor.u32 s19, v25;
	v12 =	vor.u32 $0x34, v6;
	v13 =	vld.idx.msk [tilespmem:v15+s2+$0x0], $0xffff;
	[tilespmem:v17+s13+$0x0] =	vst.idx.msk $0xffff, v16  }
0x695: {  	v15 =	vor.u32 $0x34, v5;
	v17 =	vor.u32 s16, v25;
	v16 =	vld.idx.msk [tilespmem:v18+s2+$0x0], $0xffff  }
0x696: {  	v18 =	vor.u32 $0x34, v4  }
0x697: {  	[tilespmem:v8+s13+$0x0] =	vst.idx.msk $0xffff, v7  }
0x698: {  	v8 =	vor.u32 s18, v26;
	v7 =	vld.idx.msk [tilespmem:v9+s2+$0x0], $0xffff;
	[tilespmem:v11+s13+$0x0] =	vst.idx.msk $0xffff, v10  }
0x699: {  	v9 =	vor.u32 $0x35, v3;
	v11 =	vor.u32 s20, v26;
	[tilespmem:v14+s13+$0x0] =	vst.idx.msk $0xffff, v13;
	v10 =	vld.idx.msk [tilespmem:v12+s2+$0x0], $0xffff  }
0x69a: {  	v14 =	vor.u32 s19, v26;
	v12 =	vor.u32 $0x35, v6;
	v13 =	vld.idx.msk [tilespmem:v15+s2+$0x0], $0xffff;
	[tilespmem:v17+s13+$0x0] =	vst.idx.msk $0xffff, v16  }
0x69b: {  	v15 =	vor.u32 $0x35, v5;
	v17 =	vor.u32 s16, v26;
	v16 =	vld.idx.msk [tilespmem:v18+s2+$0x0], $0xffff  }
0x69c: {  	v18 =	vor.u32 $0x35, v4  }
0x69d: {  	[tilespmem:v8+s13+$0x0] =	vst.idx.msk $0xffff, v7  }
0x69e: {  	v8 =	vor.u32 s18, v27;
	v7 =	vld.idx.msk [tilespmem:v9+s2+$0x0], $0xffff;
	[tilespmem:v11+s13+$0x0] =	vst.idx.msk $0xffff, v10  }
0x69f: {  	v9 =	vor.u32 $0x36, v3;
	v11 =	vor.u32 s20, v27;
	[tilespmem:v14+s13+$0x0] =	vst.idx.msk $0xffff, v13;
	v10 =	vld.idx.msk [tilespmem:v12+s2+$0x0], $0xffff  }
0x6a0: {  	v14 =	vor.u32 s19, v27;
	v12 =	vor.u32 $0x36, v6;
	v13 =	vld.idx.msk [tilespmem:v15+s2+$0x0], $0xffff;
	[tilespmem:v17+s13+$0x0] =	vst.idx.msk $0xffff, v16  }
0x6a1: {  	v15 =	vor.u32 $0x36, v5;
	v17 =	vor.u32 s16, v27;
	v16 =	vld.idx.msk [tilespmem:v18+s2+$0x0], $0xffff  }
0x6a2: {  	v18 =	vor.u32 $0x36, v4  }
0x6a3: {  	[tilespmem:v8+s13+$0x0] =	vst.idx.msk $0xffff, v7  }
0x6a4: {  	v8 =	vor.u32 s18, v28;
	v7 =	vld.idx.msk [tilespmem:v9+s2+$0x0], $0xffff;
	[tilespmem:v11+s13+$0x0] =	vst.idx.msk $0xffff, v10  }
0x6a5: {  	v9 =	vor.u32 $0x37, v3;
	v11 =	vor.u32 s20, v28;
	[tilespmem:v14+s13+$0x0] =	vst.idx.msk $0xffff, v13;
	v10 =	vld.idx.msk [tilespmem:v12+s2+$0x0], $0xffff  }
0x6a6: {  	v14 =	vor.u32 s19, v28;
	v12 =	vor.u32 $0x37, v6;
	v13 =	vld.idx.msk [tilespmem:v15+s2+$0x0], $0xffff;
	[tilespmem:v17+s13+$0x0] =	vst.idx.msk $0xffff, v16  }
0x6a7: {  	v15 =	vor.u32 $0x37, v5;
	v17 =	vor.u32 s16, v28;
	v16 =	vld.idx.msk [tilespmem:v18+s2+$0x0], $0xffff  }
0x6a8: {  	v18 =	vor.u32 $0x37, v4  }
0x6a9: {  	[tilespmem:v8+s13+$0x0] =	vst.idx.msk $0xffff, v7  }
0x6aa: {  	v8 =	vor.u32 s18, v29;
	v7 =	vld.idx.msk [tilespmem:v9+s2+$0x0], $0xffff;
	[tilespmem:v11+s13+$0x0] =	vst.idx.msk $0xffff, v10  }
0x6ab: {  	v9 =	vor.u32 $0x38, v3;
	v11 =	vor.u32 s20, v29;
	[tilespmem:v14+s13+$0x0] =	vst.idx.msk $0xffff, v13;
	v10 =	vld.idx.msk [tilespmem:v12+s2+$0x0], $0xffff  }
0x6ac: {  	v14 =	vor.u32 s19, v29;
	v12 =	vor.u32 $0x38, v6;
	v13 =	vld.idx.msk [tilespmem:v15+s2+$0x0], $0xffff;
	[tilespmem:v17+s13+$0x0] =	vst.idx.msk $0xffff, v16  }
0x6ad: {  	v15 =	vor.u32 $0x38, v5;
	v17 =	vor.u32 s16, v29;
	v16 =	vld.idx.msk [tilespmem:v18+s2+$0x0], $0xffff  }
0x6ae: {  	v18 =	vor.u32 $0x38, v4  }
0x6af: {  	[tilespmem:v8+s13+$0x0] =	vst.idx.msk $0xffff, v7  }
0x6b0: {  	v8 =	vor.u32 s18, v30;
	v7 =	vld.idx.msk [tilespmem:v9+s2+$0x0], $0xffff;
	[tilespmem:v11+s13+$0x0] =	vst.idx.msk $0xffff, v10  }
0x6b1: {  	v9 =	vor.u32 $0x39, v3;
	v11 =	vor.u32 s20, v30;
	[tilespmem:v14+s13+$0x0] =	vst.idx.msk $0xffff, v13;
	v10 =	vld.idx.msk [tilespmem:v12+s2+$0x0], $0xffff  }
0x6b2: {  	v14 =	vor.u32 s19, v30;
	v12 =	vor.u32 $0x39, v6;
	v13 =	vld.idx.msk [tilespmem:v15+s2+$0x0], $0xffff;
	[tilespmem:v17+s13+$0x0] =	vst.idx.msk $0xffff, v16  }
0x6b3: {  	v15 =	vor.u32 $0x39, v5;
	v17 =	vor.u32 s16, v30;
	v16 =	vld.idx.msk [tilespmem:v18+s2+$0x0], $0xffff  }
0x6b4: {  	v18 =	vor.u32 $0x39, v4  }
0x6b5: {  	[tilespmem:v8+s13+$0x0] =	vst.idx.msk $0xffff, v7  }
0x6b6: {  	v8 =	vor.u32 s18, v31;
	v7 =	vld.idx.msk [tilespmem:v9+s2+$0x0], $0xffff;
	[tilespmem:v11+s13+$0x0] =	vst.idx.msk $0xffff, v10  }
0x6b7: {  	v9 =	vor.u32 $0x3A, v3;
	v11 =	vor.u32 s20, v31;
	[tilespmem:v14+s13+$0x0] =	vst.idx.msk $0xffff, v13;
	v10 =	vld.idx.msk [tilespmem:v12+s2+$0x0], $0xffff  }
0x6b8: {  	v14 =	vor.u32 s19, v31;
	v12 =	vor.u32 $0x3A, v6;
	v13 =	vld.idx.msk [tilespmem:v15+s2+$0x0], $0xffff;
	[tilespmem:v17+s13+$0x0] =	vst.idx.msk $0xffff, v16  }
0x6b9: {  	v15 =	vor.u32 $0x3A, v5;
	v17 =	vor.u32 s16, v31;
	v16 =	vld.idx.msk [tilespmem:v18+s2+$0x0], $0xffff  }
0x6ba: {  	v18 =	vor.u32 $0x3A, v4  }
0x6bb: {  	[tilespmem:v8+s13+$0x0] =	vst.idx.msk $0xffff, v7  }
0x6bc: {  	v8 =	vor.u32 s18, v32;
	v7 =	vld.idx.msk [tilespmem:v9+s2+$0x0], $0xffff;
	[tilespmem:v11+s13+$0x0] =	vst.idx.msk $0xffff, v10  }
0x6bd: {  	v9 =	vor.u32 $0x3B, v3;
	v11 =	vor.u32 s20, v32;
	[tilespmem:v14+s13+$0x0] =	vst.idx.msk $0xffff, v13;
	v10 =	vld.idx.msk [tilespmem:v12+s2+$0x0], $0xffff  }
0x6be: {  	v14 =	vor.u32 s19, v32;
	v12 =	vor.u32 $0x3B, v6;
	v13 =	vld.idx.msk [tilespmem:v15+s2+$0x0], $0xffff;
	[tilespmem:v17+s13+$0x0] =	vst.idx.msk $0xffff, v16  }
0x6bf: {  	v15 =	vor.u32 $0x3B, v5;
	v17 =	vor.u32 s16, v32;
	v16 =	vld.idx.msk [tilespmem:v18+s2+$0x0], $0xffff  }
0x6c0: {  	v18 =	vor.u32 $0x3B, v4  }
0x6c1: {  	[tilespmem:v8+s13+$0x0] =	vst.idx.msk $0xffff, v7  }
0x6c2: {  	v8 =	vor.u32 s18, v33;
	v7 =	vld.idx.msk [tilespmem:v9+s2+$0x0], $0xffff;
	[tilespmem:v11+s13+$0x0] =	vst.idx.msk $0xffff, v10  }
0x6c3: {  	v9 =	vor.u32 $0x3C, v3;
	v11 =	vor.u32 s20, v33;
	[tilespmem:v14+s13+$0x0] =	vst.idx.msk $0xffff, v13;
	v10 =	vld.idx.msk [tilespmem:v12+s2+$0x0], $0xffff  }
0x6c4: {  	v14 =	vor.u32 s19, v33;
	v12 =	vor.u32 $0x3C, v6;
	v13 =	vld.idx.msk [tilespmem:v15+s2+$0x0], $0xffff;
	[tilespmem:v17+s13+$0x0] =	vst.idx.msk $0xffff, v16  }
0x6c5: {  	v15 =	vor.u32 $0x3C, v5;
	v17 =	vor.u32 s16, v33;
	v16 =	vld.idx.msk [tilespmem:v18+s2+$0x0], $0xffff  }
0x6c6: {  	v18 =	vor.u32 $0x3C, v4  }
0x6c7: {  	[tilespmem:v8+s13+$0x0] =	vst.idx.msk $0xffff, v7  }
0x6c8: {  	v8 =	vor.u32 s18, v34;
	v7 =	vld.idx.msk [tilespmem:v9+s2+$0x0], $0xffff;
	[tilespmem:v11+s13+$0x0] =	vst.idx.msk $0xffff, v10  }
0x6c9: {  	v9 =	vor.u32 $0x3D, v3;
	v11 =	vor.u32 s20, v34;
	[tilespmem:v14+s13+$0x0] =	vst.idx.msk $0xffff, v13;
	v10 =	vld.idx.msk [tilespmem:v12+s2+$0x0], $0xffff  }
0x6ca: {  	v14 =	vor.u32 s19, v34;
	v12 =	vor.u32 $0x3D, v6;
	v13 =	vld.idx.msk [tilespmem:v15+s2+$0x0], $0xffff;
	[tilespmem:v17+s13+$0x0] =	vst.idx.msk $0xffff, v16  }
0x6cb: {  	v15 =	vor.u32 $0x3D, v5;
	v17 =	vor.u32 s16, v34;
	v16 =	vld.idx.msk [tilespmem:v18+s2+$0x0], $0xffff  }
0x6cc: {  	v18 =	vor.u32 $0x3D, v4  }
0x6cd: {  	[tilespmem:v8+s13+$0x0] =	vst.idx.msk $0xffff, v7  }
0x6ce: {  	v8 =	vor.u32 s18, v0;
	v7 =	vld.idx.msk [tilespmem:v9+s2+$0x0], $0xffff;
	[tilespmem:v11+s13+$0x0] =	vst.idx.msk $0xffff, v10  }
0x6cf: {  	v9 =	vor.u32 $0x3E, v3;
	v11 =	vor.u32 s20, v0;
	[tilespmem:v14+s13+$0x0] =	vst.idx.msk $0xffff, v13;
	v10 =	vld.idx.msk [tilespmem:v12+s2+$0x0], $0xffff  }
0x6d0: {  	v14 =	vor.u32 s19, v0;
	v12 =	vor.u32 $0x3E, v6;
	v13 =	vld.idx.msk [tilespmem:v15+s2+$0x0], $0xffff;
	[tilespmem:v17+s13+$0x0] =	vst.idx.msk $0xffff, v16  }
0x6d1: {  	v15 =	vor.u32 $0x3E, v5;
	v17 =	vor.u32 s16, v0;
	v16 =	vld.idx.msk [tilespmem:v18+s2+$0x0], $0xffff  }
0x6d2: {  	v18 =	vor.u32 $0x3E, v4  }
0x6d3: {  	[tilespmem:v8+s13+$0x0] =	vst.idx.msk $0xffff, v7  }
0x6d4: {  	v8 =	vor.u32 s18, v2;
	[tilespmem:v11+s13+$0x0] =	vst.idx.msk $0xffff, v10;
	v7 =	vld.idx.msk [tilespmem:v9+s2+$0x0], $0xffff  }
0x6d5: {  	v3 =	vor.u32 $0x3F, v3;
	[tilespmem:v14+s13+$0x0] =	vst.idx.msk $0xffff, v13;
	v10 =	vor.u32 s20, v2;
	v9 =	vld.idx.msk [tilespmem:v12+s2+$0x0], $0xffff  }
0x6d6: {  	v6 =	vor.u32 $0x3F, v6;
	v11 =	vld.idx.msk [tilespmem:v15+s2+$0x0], $0xffff;
	[tilespmem:v17+s13+$0x0] =	vst.idx.msk $0xffff, v16;
	v12 =	vor.u32 s19, v2  }
0x6d7: {  	v5 =	vor.u32 $0x3F, v5;
	v14 =	vor.u32 s16, v2;
	v13 =	vld.idx.msk [tilespmem:v18+s2+$0x0], $0xffff  }
0x6d8: {  	v4 =	vor.u32 $0x3F, v4  }
0x6d9: {  	v15 =	vld [tilespmem:$0x1FFF0];
	[tilespmem:v8+s13+$0x0] =	vst.idx.msk $0xffff, v7  }
0x6da: {  	v7 =	vor.u32 s18, v63;
	[tilespmem:v10+s13+$0x0] =	vst.idx.msk $0xffff, v9;
	v3 =	vld.idx.msk [tilespmem:v3+s2+$0x0], $0xffff  }
0x6db: {  	v8 =	vor.u32 s20, v63;
	[tilespmem:v12+s13+$0x0] =	vst.idx.msk $0xffff, v11;
	v6 =	vld.idx.msk [tilespmem:v6+s2+$0x0], $0xffff  }
0x6dc: {  	s15 =	sadd.s32 $0x4, s15;
	v9 =	vor.u32 s19, v63;
	v5 =	vld.idx.msk [tilespmem:v5+s2+$0x0], $0xffff;
	[tilespmem:v14+s13+$0x0] =	vst.idx.msk $0xffff, v13  }
0x6dd: {  	p0 =	slt.u32 s15, $0x3C;
	v10 =	vor.u32 s16, v63;
	v4 =	vld.idx.msk [tilespmem:v4+s2+$0x0], $0xffff  }
.Ltmp4:
0x6de: {  	v17 =	vld [tilespmem:$0x1FCA0];
	(pc) =	sbr.rel @p0 .LBB2_8-.Ltmp4, $4  }
0x6df: {  	v16 =	vld [tilespmem:$0x1FFC0];
	[tilespmem:v7+s13+$0x0] =	vst.idx.msk $0xffff, v3  }
0x6e0: {  	v18 =	vld [tilespmem:$0x1FFB0];
	[tilespmem:v8+s13+$0x0] =	vst.idx.msk $0xffff, v6  }
0x6e1: {  	s17 =	sadd.s32 $0x40, s17;
	v12 =	vmov v24;
	v14 =	vld [tilespmem:$0x1FFE0];
	[tilespmem:v9+s13+$0x0] =	vst.idx.msk $0xffff, v5  }
0x6e2: {  	s18 =	simm.s32 $0x10000;
	v11 =	vmovc v23;
	s16 =	sadd.s32 $0x1000, s16;
	s19 =	simm.s32 $0x8E40;
	v13 =	vld [tilespmem:$0x1FFD0];
	v7 =	vmovc v19;
	v8 =	vmov v20;
	v9 =	vmov v21;
	[tilespmem:v10+s13+$0x0] =	vst.idx.msk $0xffff, v4;
	v10 =	vmov v22  }
.LBB2_9:
0x6e3: {  	v3 =	vld [tilespmem:s19+$0x0];
	_ =	sdelay $0x4  }
0x6e4: {  	v6 =	vld [tilespmem:$0x1FC70];
	v3 =	vshll.u32 v3, $0x6;
	_ =	sdelay $0x3  }
0x6e5: {  	v4 =	vor.u32 s18, v1  }
0x6e6: {  	v4 =	vand.u32 v6, v4;
	v5 =	vld.idx.msk [tilespmem:v3+s2+$0x0], $0xffff  }
0x6e7: {  	v6 =	vor.u32 $0x1, v3;
	_ =	sdelay $0x3  }
0x6e8: {  	[tilespmem:v4+s13+$0x0] =	vst.idx.msk $0xffff, v5  }
0x6e9: {  	v5 =	vor.u32 s18, v18;
	v4 =	vld.idx.msk [tilespmem:v6+s2+$0x0], $0xffff  }
0x6ea: {  	v6 =	vor.u32 $0x2, v3;
	_ =	sdelay $0x3  }
0x6eb: {  	[tilespmem:v5+s13+$0x0] =	vst.idx.msk $0xffff, v4  }
0x6ec: {  	v5 =	vor.u32 s18, v16;
	v4 =	vld.idx.msk [tilespmem:v6+s2+$0x0], $0xffff  }
0x6ed: {  	v6 =	vor.u32 $0x3, v3;
	_ =	sdelay $0x3  }
0x6ee: {  	[tilespmem:v5+s13+$0x0] =	vst.idx.msk $0xffff, v4  }
0x6ef: {  	v5 =	vor.u32 s18, v13;
	v4 =	vld.idx.msk [tilespmem:v6+s2+$0x0], $0xffff  }
0x6f0: {  	v6 =	vor.u32 $0x4, v3;
	_ =	sdelay $0x3  }
0x6f1: {  	[tilespmem:v5+s13+$0x0] =	vst.idx.msk $0xffff, v4  }
0x6f2: {  	v5 =	vor.u32 s18, v14;
	v4 =	vld.idx.msk [tilespmem:v6+s2+$0x0], $0xffff  }
0x6f3: {  	v6 =	vor.u32 $0x5, v3;
	_ =	sdelay $0x3  }
0x6f4: {  	[tilespmem:v5+s13+$0x0] =	vst.idx.msk $0xffff, v4  }
0x6f5: {  	v5 =	vor.u32 s18, v15;
	v4 =	vld.idx.msk [tilespmem:v6+s2+$0x0], $0xffff  }
0x6f6: {  	v6 =	vor.u32 $0x6, v3;
	_ =	sdelay $0x3  }
0x6f7: {  	[tilespmem:v5+s13+$0x0] =	vst.idx.msk $0xffff, v4  }
0x6f8: {  	v5 =	vor.u32 s18, v17;
	v4 =	vld.idx.msk [tilespmem:v6+s2+$0x0], $0xffff  }
0x6f9: {  	v6 =	vor.u32 $0x7, v3;
	_ =	sdelay $0x3  }
0x6fa: {  	[tilespmem:v5+s13+$0x0] =	vst.idx.msk $0xffff, v4  }
0x6fb: {  	v5 =	vor.u32 s18, v7;
	v4 =	vld.idx.msk [tilespmem:v6+s2+$0x0], $0xffff  }
0x6fc: {  	v6 =	vor.u32 $0x8, v3;
	_ =	sdelay $0x3  }
0x6fd: {  	[tilespmem:v5+s13+$0x0] =	vst.idx.msk $0xffff, v4  }
0x6fe: {  	v5 =	vor.u32 s18, v8;
	v4 =	vld.idx.msk [tilespmem:v6+s2+$0x0], $0xffff  }
0x6ff: {  	v6 =	vor.u32 $0x9, v3;
	_ =	sdelay $0x3  }
0x700: {  	[tilespmem:v5+s13+$0x0] =	vst.idx.msk $0xffff, v4  }
0x701: {  	v5 =	vor.u32 s18, v9;
	v4 =	vld.idx.msk [tilespmem:v6+s2+$0x0], $0xffff  }
0x702: {  	v6 =	vor.u32 $0xA, v3;
	_ =	sdelay $0x3  }
0x703: {  	[tilespmem:v5+s13+$0x0] =	vst.idx.msk $0xffff, v4  }
0x704: {  	v5 =	vor.u32 s18, v10;
	v4 =	vld.idx.msk [tilespmem:v6+s2+$0x0], $0xffff  }
0x705: {  	v6 =	vor.u32 $0xB, v3;
	_ =	sdelay $0x3  }
0x706: {  	[tilespmem:v5+s13+$0x0] =	vst.idx.msk $0xffff, v4  }
0x707: {  	v5 =	vor.u32 s18, v11;
	v4 =	vld.idx.msk [tilespmem:v6+s2+$0x0], $0xffff  }
0x708: {  	v6 =	vor.u32 $0xC, v3;
	_ =	sdelay $0x3  }
0x709: {  	[tilespmem:v5+s13+$0x0] =	vst.idx.msk $0xffff, v4  }
0x70a: {  	v5 =	vor.u32 s18, v12;
	v4 =	vld.idx.msk [tilespmem:v6+s2+$0x0], $0xffff;
	_ =	sdelay $0x4  }
0x70b: {  	v6 =	vor.u32 $0xD, v3;
	[tilespmem:v5+s13+$0x0] =	vst.idx.msk $0xffff, v4;
	v5 =	vld [tilespmem:$0x1FCB0];
	_ =	sdelay $0x4  }
0x70c: {  	v4 =	vld.idx.msk [tilespmem:v6+s2+$0x0], $0xffff;
	v5 =	vor.u32 s18, v5  }
0x70d: {  	v6 =	vor.u32 $0xE, v3;
	_ =	sdelay $0x3  }
0x70e: {  	[tilespmem:v5+s13+$0x0] =	vst.idx.msk $0xffff, v4  }
0x70f: {  	v5 =	vor.u32 s18, v35;
	v4 =	vld.idx.msk [tilespmem:v6+s2+$0x0], $0xffff;
	_ =	sdelay $0x4  }
0x710: {  	v6 =	vor.u32 $0xF, v3;
	[tilespmem:v5+s13+$0x0] =	vst.idx.msk $0xffff, v4;
	v5 =	vld [tilespmem:$0x1FCD0];
	_ =	sdelay $0x4  }
0x711: {  	v4 =	vld.idx.msk [tilespmem:v6+s2+$0x0], $0xffff;
	v5 =	vor.u32 s18, v5  }
0x712: {  	v6 =	vor.u32 $0x10, v3;
	_ =	sdelay $0x3  }
0x713: {  	[tilespmem:v5+s13+$0x0] =	vst.idx.msk $0xffff, v4  }
0x714: {  	v5 =	vor.u32 s18, v36;
	v4 =	vld.idx.msk [tilespmem:v6+s2+$0x0], $0xffff;
	_ =	sdelay $0x4  }
0x715: {  	v6 =	vor.u32 $0x11, v3;
	[tilespmem:v5+s13+$0x0] =	vst.idx.msk $0xffff, v4;
	v5 =	vld [tilespmem:$0x1FCF0];
	_ =	sdelay $0x4  }
0x716: {  	v4 =	vld.idx.msk [tilespmem:v6+s2+$0x0], $0xffff;
	v5 =	vor.u32 s18, v5  }
0x717: {  	v6 =	vor.u32 $0x12, v3;
	_ =	sdelay $0x3  }
0x718: {  	[tilespmem:v5+s13+$0x0] =	vst.idx.msk $0xffff, v4  }
0x719: {  	v5 =	vor.u32 s18, v37;
	v4 =	vld.idx.msk [tilespmem:v6+s2+$0x0], $0xffff;
	_ =	sdelay $0x4  }
0x71a: {  	v6 =	vor.u32 $0x13, v3;
	[tilespmem:v5+s13+$0x0] =	vst.idx.msk $0xffff, v4;
	v5 =	vld [tilespmem:$0x1FD10];
	_ =	sdelay $0x4  }
0x71b: {  	v4 =	vld.idx.msk [tilespmem:v6+s2+$0x0], $0xffff;
	v5 =	vor.u32 s18, v5  }
0x71c: {  	v6 =	vor.u32 $0x14, v3;
	_ =	sdelay $0x3  }
0x71d: {  	[tilespmem:v5+s13+$0x0] =	vst.idx.msk $0xffff, v4  }
0x71e: {  	v5 =	vor.u32 s18, v38;
	v4 =	vld.idx.msk [tilespmem:v6+s2+$0x0], $0xffff;
	_ =	sdelay $0x4  }
0x71f: {  	v6 =	vor.u32 $0x15, v3;
	[tilespmem:v5+s13+$0x0] =	vst.idx.msk $0xffff, v4;
	v5 =	vld [tilespmem:$0x1FD30];
	_ =	sdelay $0x4  }
0x720: {  	v4 =	vld.idx.msk [tilespmem:v6+s2+$0x0], $0xffff;
	v5 =	vor.u32 s18, v5  }
0x721: {  	v6 =	vor.u32 $0x16, v3;
	_ =	sdelay $0x3  }
0x722: {  	[tilespmem:v5+s13+$0x0] =	vst.idx.msk $0xffff, v4  }
0x723: {  	v5 =	vor.u32 s18, v39;
	v4 =	vld.idx.msk [tilespmem:v6+s2+$0x0], $0xffff;
	_ =	sdelay $0x4  }
0x724: {  	v6 =	vor.u32 $0x17, v3;
	[tilespmem:v5+s13+$0x0] =	vst.idx.msk $0xffff, v4;
	v5 =	vld [tilespmem:$0x1FD50];
	_ =	sdelay $0x4  }
0x725: {  	v4 =	vld.idx.msk [tilespmem:v6+s2+$0x0], $0xffff;
	v5 =	vor.u32 s18, v5  }
0x726: {  	v6 =	vor.u32 $0x18, v3;
	_ =	sdelay $0x3  }
0x727: {  	[tilespmem:v5+s13+$0x0] =	vst.idx.msk $0xffff, v4  }
0x728: {  	v5 =	vor.u32 s18, v40;
	v4 =	vld.idx.msk [tilespmem:v6+s2+$0x0], $0xffff;
	_ =	sdelay $0x4  }
0x729: {  	v6 =	vor.u32 $0x19, v3;
	[tilespmem:v5+s13+$0x0] =	vst.idx.msk $0xffff, v4;
	v5 =	vld [tilespmem:$0x1FD70];
	_ =	sdelay $0x4  }
0x72a: {  	v4 =	vld.idx.msk [tilespmem:v6+s2+$0x0], $0xffff;
	v5 =	vor.u32 s18, v5  }
0x72b: {  	v6 =	vor.u32 $0x1A, v3;
	_ =	sdelay $0x3  }
0x72c: {  	[tilespmem:v5+s13+$0x0] =	vst.idx.msk $0xffff, v4  }
0x72d: {  	v5 =	vor.u32 s18, v41;
	v4 =	vld.idx.msk [tilespmem:v6+s2+$0x0], $0xffff;
	_ =	sdelay $0x4  }
0x72e: {  	v6 =	vor.u32 $0x1B, v3;
	[tilespmem:v5+s13+$0x0] =	vst.idx.msk $0xffff, v4;
	v5 =	vld [tilespmem:$0x1FD90];
	_ =	sdelay $0x4  }
0x72f: {  	v4 =	vld.idx.msk [tilespmem:v6+s2+$0x0], $0xffff;
	v5 =	vor.u32 s18, v5  }
0x730: {  	v6 =	vor.u32 $0x1C, v3;
	_ =	sdelay $0x3  }
0x731: {  	[tilespmem:v5+s13+$0x0] =	vst.idx.msk $0xffff, v4  }
0x732: {  	v5 =	vor.u32 s18, v42;
	v4 =	vld.idx.msk [tilespmem:v6+s2+$0x0], $0xffff;
	_ =	sdelay $0x4  }
0x733: {  	v6 =	vor.u32 $0x1D, v3;
	[tilespmem:v5+s13+$0x0] =	vst.idx.msk $0xffff, v4;
	v5 =	vld [tilespmem:$0x1FDB0];
	_ =	sdelay $0x4  }
0x734: {  	v4 =	vld.idx.msk [tilespmem:v6+s2+$0x0], $0xffff;
	v5 =	vor.u32 s18, v5  }
0x735: {  	v6 =	vor.u32 $0x1E, v3;
	_ =	sdelay $0x3  }
0x736: {  	[tilespmem:v5+s13+$0x0] =	vst.idx.msk $0xffff, v4  }
0x737: {  	v5 =	vor.u32 s18, v43;
	v4 =	vld.idx.msk [tilespmem:v6+s2+$0x0], $0xffff;
	_ =	sdelay $0x4  }
0x738: {  	v6 =	vor.u32 $0x1F, v3;
	[tilespmem:v5+s13+$0x0] =	vst.idx.msk $0xffff, v4;
	v5 =	vld [tilespmem:$0x1FDD0];
	_ =	sdelay $0x4  }
0x739: {  	v4 =	vld.idx.msk [tilespmem:v6+s2+$0x0], $0xffff;
	v5 =	vor.u32 s18, v5  }
0x73a: {  	v6 =	vor.u32 $0x20, v3;
	_ =	sdelay $0x3  }
0x73b: {  	[tilespmem:v5+s13+$0x0] =	vst.idx.msk $0xffff, v4  }
0x73c: {  	v5 =	vor.u32 s18, v44;
	v4 =	vld.idx.msk [tilespmem:v6+s2+$0x0], $0xffff  }
0x73d: {  	v6 =	vor.u32 $0x21, v3;
	_ =	sdelay $0x3  }
0x73e: {  	[tilespmem:v5+s13+$0x0] =	vst.idx.msk $0xffff, v4  }
0x73f: {  	v5 =	vor.u32 s18, v45;
	v4 =	vld.idx.msk [tilespmem:v6+s2+$0x0], $0xffff  }
0x740: {  	v6 =	vor.u32 $0x22, v3;
	_ =	sdelay $0x3  }
0x741: {  	[tilespmem:v5+s13+$0x0] =	vst.idx.msk $0xffff, v4  }
0x742: {  	v5 =	vor.u32 s18, v46;
	v4 =	vld.idx.msk [tilespmem:v6+s2+$0x0], $0xffff  }
0x743: {  	v6 =	vor.u32 $0x23, v3;
	_ =	sdelay $0x3  }
0x744: {  	[tilespmem:v5+s13+$0x0] =	vst.idx.msk $0xffff, v4  }
0x745: {  	v5 =	vor.u32 s18, v47;
	v4 =	vld.idx.msk [tilespmem:v6+s2+$0x0], $0xffff  }
0x746: {  	v6 =	vor.u32 $0x24, v3;
	_ =	sdelay $0x3  }
0x747: {  	[tilespmem:v5+s13+$0x0] =	vst.idx.msk $0xffff, v4  }
0x748: {  	v5 =	vor.u32 s18, v48;
	v4 =	vld.idx.msk [tilespmem:v6+s2+$0x0], $0xffff  }
0x749: {  	v6 =	vor.u32 $0x25, v3;
	_ =	sdelay $0x3  }
0x74a: {  	[tilespmem:v5+s13+$0x0] =	vst.idx.msk $0xffff, v4  }
0x74b: {  	v5 =	vor.u32 s18, v49;
	v4 =	vld.idx.msk [tilespmem:v6+s2+$0x0], $0xffff  }
0x74c: {  	v6 =	vor.u32 $0x26, v3;
	_ =	sdelay $0x3  }
0x74d: {  	[tilespmem:v5+s13+$0x0] =	vst.idx.msk $0xffff, v4  }
0x74e: {  	v5 =	vor.u32 s18, v50;
	v4 =	vld.idx.msk [tilespmem:v6+s2+$0x0], $0xffff  }
0x74f: {  	v6 =	vor.u32 $0x27, v3;
	_ =	sdelay $0x3  }
0x750: {  	[tilespmem:v5+s13+$0x0] =	vst.idx.msk $0xffff, v4  }
0x751: {  	v5 =	vor.u32 s18, v51;
	v4 =	vld.idx.msk [tilespmem:v6+s2+$0x0], $0xffff  }
0x752: {  	v6 =	vor.u32 $0x28, v3;
	_ =	sdelay $0x3  }
0x753: {  	[tilespmem:v5+s13+$0x0] =	vst.idx.msk $0xffff, v4  }
0x754: {  	v5 =	vor.u32 s18, v52;
	v4 =	vld.idx.msk [tilespmem:v6+s2+$0x0], $0xffff  }
0x755: {  	v6 =	vor.u32 $0x29, v3;
	_ =	sdelay $0x3  }
0x756: {  	[tilespmem:v5+s13+$0x0] =	vst.idx.msk $0xffff, v4  }
0x757: {  	v5 =	vor.u32 s18, v53;
	v4 =	vld.idx.msk [tilespmem:v6+s2+$0x0], $0xffff  }
0x758: {  	v6 =	vor.u32 $0x2A, v3;
	_ =	sdelay $0x3  }
0x759: {  	[tilespmem:v5+s13+$0x0] =	vst.idx.msk $0xffff, v4  }
0x75a: {  	v5 =	vor.u32 s18, v54;
	v4 =	vld.idx.msk [tilespmem:v6+s2+$0x0], $0xffff  }
0x75b: {  	v6 =	vor.u32 $0x2B, v3;
	_ =	sdelay $0x3  }
0x75c: {  	[tilespmem:v5+s13+$0x0] =	vst.idx.msk $0xffff, v4  }
0x75d: {  	v5 =	vor.u32 s18, v55;
	v4 =	vld.idx.msk [tilespmem:v6+s2+$0x0], $0xffff  }
0x75e: {  	v6 =	vor.u32 $0x2C, v3;
	_ =	sdelay $0x3  }
0x75f: {  	[tilespmem:v5+s13+$0x0] =	vst.idx.msk $0xffff, v4  }
0x760: {  	v5 =	vor.u32 s18, v56;
	v4 =	vld.idx.msk [tilespmem:v6+s2+$0x0], $0xffff  }
0x761: {  	v6 =	vor.u32 $0x2D, v3;
	_ =	sdelay $0x3  }
0x762: {  	[tilespmem:v5+s13+$0x0] =	vst.idx.msk $0xffff, v4  }
0x763: {  	v5 =	vor.u32 s18, v57;
	v4 =	vld.idx.msk [tilespmem:v6+s2+$0x0], $0xffff  }
0x764: {  	v6 =	vor.u32 $0x2E, v3;
	_ =	sdelay $0x3  }
0x765: {  	[tilespmem:v5+s13+$0x0] =	vst.idx.msk $0xffff, v4  }
0x766: {  	v5 =	vor.u32 s18, v58;
	v4 =	vld.idx.msk [tilespmem:v6+s2+$0x0], $0xffff  }
0x767: {  	v6 =	vor.u32 $0x2F, v3;
	_ =	sdelay $0x3  }
0x768: {  	[tilespmem:v5+s13+$0x0] =	vst.idx.msk $0xffff, v4  }
0x769: {  	v5 =	vor.u32 s18, v59;
	v4 =	vld.idx.msk [tilespmem:v6+s2+$0x0], $0xffff  }
0x76a: {  	v6 =	vor.u32 $0x30, v3;
	_ =	sdelay $0x3  }
0x76b: {  	[tilespmem:v5+s13+$0x0] =	vst.idx.msk $0xffff, v4  }
0x76c: {  	v5 =	vor.u32 s18, v60;
	v4 =	vld.idx.msk [tilespmem:v6+s2+$0x0], $0xffff  }
0x76d: {  	v6 =	vor.u32 $0x31, v3;
	_ =	sdelay $0x3  }
0x76e: {  	[tilespmem:v5+s13+$0x0] =	vst.idx.msk $0xffff, v4  }
0x76f: {  	v5 =	vor.u32 s18, v61;
	v4 =	vld.idx.msk [tilespmem:v6+s2+$0x0], $0xffff  }
0x770: {  	v6 =	vor.u32 $0x32, v3;
	_ =	sdelay $0x3  }
0x771: {  	[tilespmem:v5+s13+$0x0] =	vst.idx.msk $0xffff, v4  }
0x772: {  	v5 =	vor.u32 s18, v62;
	v4 =	vld.idx.msk [tilespmem:v6+s2+$0x0], $0xffff  }
0x773: {  	v6 =	vor.u32 $0x33, v3;
	_ =	sdelay $0x3  }
0x774: {  	[tilespmem:v5+s13+$0x0] =	vst.idx.msk $0xffff, v4  }
0x775: {  	v5 =	vor.u32 s18, v25;
	v4 =	vld.idx.msk [tilespmem:v6+s2+$0x0], $0xffff  }
0x776: {  	v6 =	vor.u32 $0x34, v3;
	_ =	sdelay $0x3  }
0x777: {  	[tilespmem:v5+s13+$0x0] =	vst.idx.msk $0xffff, v4  }
0x778: {  	v5 =	vor.u32 s18, v26;
	v4 =	vld.idx.msk [tilespmem:v6+s2+$0x0], $0xffff  }
0x779: {  	v6 =	vor.u32 $0x35, v3;
	_ =	sdelay $0x3  }
0x77a: {  	[tilespmem:v5+s13+$0x0] =	vst.idx.msk $0xffff, v4  }
0x77b: {  	v5 =	vor.u32 s18, v27;
	v4 =	vld.idx.msk [tilespmem:v6+s2+$0x0], $0xffff  }
0x77c: {  	v6 =	vor.u32 $0x36, v3;
	_ =	sdelay $0x3  }
0x77d: {  	[tilespmem:v5+s13+$0x0] =	vst.idx.msk $0xffff, v4  }
0x77e: {  	v5 =	vor.u32 s18, v28;
	v4 =	vld.idx.msk [tilespmem:v6+s2+$0x0], $0xffff  }
0x77f: {  	v6 =	vor.u32 $0x37, v3;
	_ =	sdelay $0x3  }
0x780: {  	[tilespmem:v5+s13+$0x0] =	vst.idx.msk $0xffff, v4  }
0x781: {  	v5 =	vor.u32 s18, v29;
	v4 =	vld.idx.msk [tilespmem:v6+s2+$0x0], $0xffff  }
0x782: {  	v6 =	vor.u32 $0x38, v3;
	_ =	sdelay $0x3  }
0x783: {  	[tilespmem:v5+s13+$0x0] =	vst.idx.msk $0xffff, v4  }
0x784: {  	v5 =	vor.u32 s18, v30;
	v4 =	vld.idx.msk [tilespmem:v6+s2+$0x0], $0xffff  }
0x785: {  	v6 =	vor.u32 $0x39, v3;
	_ =	sdelay $0x3  }
0x786: {  	[tilespmem:v5+s13+$0x0] =	vst.idx.msk $0xffff, v4  }
0x787: {  	v5 =	vor.u32 s18, v31;
	v4 =	vld.idx.msk [tilespmem:v6+s2+$0x0], $0xffff  }
0x788: {  	v6 =	vor.u32 $0x3A, v3;
	_ =	sdelay $0x3  }
0x789: {  	[tilespmem:v5+s13+$0x0] =	vst.idx.msk $0xffff, v4  }
0x78a: {  	v5 =	vor.u32 s18, v32;
	v4 =	vld.idx.msk [tilespmem:v6+s2+$0x0], $0xffff  }
0x78b: {  	v6 =	vor.u32 $0x3B, v3;
	_ =	sdelay $0x3  }
0x78c: {  	[tilespmem:v5+s13+$0x0] =	vst.idx.msk $0xffff, v4  }
0x78d: {  	v5 =	vor.u32 s18, v33;
	v4 =	vld.idx.msk [tilespmem:v6+s2+$0x0], $0xffff  }
0x78e: {  	v6 =	vor.u32 $0x3C, v3;
	_ =	sdelay $0x3  }
0x78f: {  	[tilespmem:v5+s13+$0x0] =	vst.idx.msk $0xffff, v4  }
0x790: {  	v5 =	vor.u32 s18, v34;
	v4 =	vld.idx.msk [tilespmem:v6+s2+$0x0], $0xffff  }
0x791: {  	v6 =	vor.u32 $0x3D, v3;
	_ =	sdelay $0x3  }
0x792: {  	[tilespmem:v5+s13+$0x0] =	vst.idx.msk $0xffff, v4  }
0x793: {  	v5 =	vor.u32 s18, v0;
	v4 =	vld.idx.msk [tilespmem:v6+s2+$0x0], $0xffff  }
0x794: {  	v6 =	vor.u32 $0x3E, v3;
	_ =	sdelay $0x3  }
0x795: {  	[tilespmem:v5+s13+$0x0] =	vst.idx.msk $0xffff, v4  }
0x796: {  	v5 =	vor.u32 s18, v2;
	v4 =	vld.idx.msk [tilespmem:v6+s2+$0x0], $0xffff  }
0x797: {  	v3 =	vor.u32 $0x3F, v3;
	_ =	sdelay $0x3  }
0x798: {  	[tilespmem:v5+s13+$0x0] =	vst.idx.msk $0xffff, v4  }
0x799: {  	p0 =	sne.s32 s18, $0x10400;
	v4 =	vor.u32 s18, v63;
	v3 =	vld.idx.msk [tilespmem:v3+s2+$0x0], $0xffff  }
.Ltmp5:
0x79a: {  	_ = 	snop;
	(pc) =	sbr.rel @p0 .LBB2_9-.Ltmp5, $2  }
0x79b: {  	_ =	sdelay $0x2  }
0x79c: {  	s19 =	sadd.s32 $0x10, s19;
	s18 =	sadd.s32 $0x400, s18;
	[tilespmem:v4+s13+$0x0] =	vst.idx.msk $0xffff, v3  }
0x79d: {  	s14 =	sadd.s32 $0x1, s14  }
0x79e: {  	p0 =	sne.s32 s14, s8  }
.Ltmp6:
0x79f: {  	_ = 	snop;
	(pc) =	sbr.rel @p0 .LBB2_1-.Ltmp6, $4  }
0x7a0: {  	[hbm4b:s7+s2] =	stream.linear.scatter [tilespmem:s13], [sflag:$0x1], $0x10800, $0x38;
	[tilespmem:$0x19680] =	vst v63  }
0x7a1: {  	_ =	swait.ge [sflag:s9], $0x10800  }
0x7a2: {  	[sflag:s9] =	ssyncset.done $0x0  }
0x7a3: {  	[sflag:s9] =	ssyncadd.s32 $0xFFFEF800  }
0x7a4: {  	_ =	sfence.sel $0x180000  }
0x7a5: {  	[bflag:$0x0] =	sbarrier.arrive $0xFFFF  }
0x7a6: {  	p0 =	sne.s32 s0, $0x0;
	_ =	strace $0x90000047  }
0x7a7: {  	s0 =	sadd.s32 @!p0 $0x100000, s1;
	[bflag:$0x2] =	sbarrier.arrive $0xFFFF  }
0x7a8: {  	[sflag:s0] =	ssyncadd.tile.s32 @!p0 $0x1;
	_ =	shalt  }
.Lfunc_end2:
_tile_overlayer_lowered:
.L_overlay_start_2:
0x7a9: {  	(tag) =	ssettag $0x2  }
0x7aa: {  	s0 =	rddreg [dreg:$0x0];
	s2 =	stileid.u32  }
0x7ab: {  	s1 =	rddreg [dreg:$0x1];
	p0 =	sne.s32 s2, $0x0  }
0x7ac: {  	s3 =	rddreg [dreg:$0x2];
	[bflag:$0x3] =	sbarrier.arrive $0xFFFF;
	s2 =	simm.s32 @!p0 $0x1C01  }
0x7ad: {  	[timem:s3], [sflag:s2] =	dma.local @!p0 [hbm:s0], s1  }
0x7ae: {  	s0 =	simm.s32 @!p0 $0x1  }
0x7af: {  	_ =	swait.ge @!p0 [sflag:s0], s1  }
0x7b0: {  	s1 =	ssub.s32 @!p0 $0x0, s1;
	[sflag:s0] =	ssyncset.done @!p0 $0x0  }
0x7b1: {  	[sflag:s0] =	ssyncadd.s32 @!p0 s1  }
0x7b2: {  	[bflag:$0x3] =	sbarrier.arrive $0xFFFF  }
0x7b3: {  	_ =	shalt  }

</sc_bundles>
